<compile_context>
chip_gen: v7x
topology: tpu7x:2x2x1
jax: 0.10.2.dev20260603
libtpu: 0.0.44.dev20260713+nightly
codegen_flags: <defaults>
</compile_context>

<pallas_src>
import dataclasses
import functools

import jax
import jax.numpy as jnp
from jax import lax
from jax.experimental import pallas as pl
from jax.experimental.pallas import tpu as pltpu
from jax.experimental.pallas import tpu_sc as plsc

NC = 2
NS = 16
NW = NC * NS
LANES = 16
CHUNK = 128

_MESH = plsc.VectorSubcoreMesh(core_axis_name="c", subcore_axis_name="s")

_GATHER_DNUMS = lax.GatherDimensionNumbers(
    offset_dims=(), collapsed_slice_dims=(0,), start_index_map=(0,))


def _bcast_lane(vec16, r):
    idx = jnp.full((LANES, 1), r, jnp.int32)
    return lax.gather(vec16, idx, _GATHER_DNUMS, (1,),
                      mode=lax.GatherScatterMode.PROMISE_IN_BOUNDS)


_CP_NO_LAYOUT = pltpu.CompilerParams()
if "needs_layout_passes" in pltpu.CompilerParams.__dataclass_fields__:
    _CP_NO_LAYOUT = dataclasses.replace(_CP_NO_LAYOUT,
                                        needs_layout_passes=False)

ECH = 2000


def _sc_degree(col, ew, n):
    e = col.shape[0]
    assert e % ECH == 0
    nchunk = e // ECH
    n_pad = n
    assert n_pad % (LANES * NS) == 0
    npw = n_pad // NS

    @functools.partial(
        pl.kernel,
        out_type=(jax.ShapeDtypeStruct((n_pad,), jnp.float32),
                  jax.ShapeDtypeStruct((n_pad,), jnp.float32)),
        mesh=_MESH,
        scratch_types=[
            pltpu.VMEM((ECH,), jnp.int32),
            pltpu.VMEM((ECH,), jnp.float32),
            pltpu.VMEM((n_pad,), jnp.float32),
            pltpu.VMEM((NS, npw), jnp.float32),
            pltpu.VMEM((npw,), jnp.float32),
            pltpu.VMEM_SHARED((NS, n_pad), jnp.float32),
            pltpu.SemaphoreType.DMA,
        ],
        compiler_params=_CP_NO_LAYOUT,
    )
    def deg_kernel(col_hbm, ew_hbm, out0_hbm, out1_hbm,
                   col_v, ew_v, hist, redbuf, res, stage, red_sem):
        c = lax.axis_index("c")
        s = lax.axis_index("s")
        w = s * NC + c

        @pl.loop(0, n_pad // LANES)
        def _(j):
            hist[pl.ds(j * LANES, LANES)] = jnp.zeros((LANES,), jnp.float32)

        @pl.loop(w, nchunk, step=NW)
        def _(ci):
            base = ci * ECH
            pltpu.sync_copy(col_hbm.at[pl.ds(base, ECH)], col_v)
            pltpu.sync_copy(ew_hbm.at[pl.ds(base, ECH)], ew_v)

            @pl.loop(0, ECH // LANES)
            def _(j):
                i16 = col_v[pl.ds(j * LANES, LANES)]
                v16 = ew_v[pl.ds(j * LANES, LANES)]
                plsc.addupdate_scatter(hist, [i16], v16)

        pltpu.sync_copy(hist, stage.at[s])
        plsc.subcore_barrier()

        @pl.loop(0, NS)
        def _(t):
            pltpu.async_copy(stage.at[t, pl.ds(s * npw, npw)], redbuf.at[t],
                             red_sem)

        @pl.loop(0, NS)
        def _(t):
            pltpu.make_async_copy(stage.at[t, pl.ds(s * npw, npw)],
                                  redbuf.at[t], red_sem).wait()

        @pl.loop(0, npw // LANES)
        def _(j):
            sl = pl.ds(j * LANES, LANES)
            acc16 = redbuf[0, sl]
            for t in range(1, NS):
                acc16 = acc16 + redbuf[t, sl]
            res[sl] = acc16

        @pl.when(c == 0)
        def _():
            pltpu.sync_copy(res, out0_hbm.at[pl.ds(s * npw, npw)])

        @pl.when(c == 1)
        def _():
            pltpu.sync_copy(res, out1_hbm.at[pl.ds(s * npw, npw)])

    return deg_kernel(col, ew)


NBM = 2
NBI = 4
ZR = 80


def _sc_aggregate(g, row, col, ew, n):
    e = row.shape[0]
    d = g.shape[1]
    assert e % (CHUNK * NW) == 0 and d % LANES == 0
    nch = e // (CHUNK * NW)
    assert nch % 2 == 0
    assert n % ZR == 0
    nz = n // ZR

    @functools.partial(
        pl.kernel,
        out_type=jax.ShapeDtypeStruct((NC, n, d), jnp.float32),
        mesh=_MESH,
        scratch_types=[
            pltpu.VMEM((NBI, CHUNK), jnp.int32),
            pltpu.VMEM((NBI, CHUNK), jnp.int32),
            pltpu.VMEM((NBI, CHUNK), jnp.float32),
            pltpu.VMEM((CHUNK, d), jnp.float32),
            pltpu.VMEM((CHUNK, d), jnp.float32),
            pltpu.VMEM((ZR, d), jnp.float32),
            pltpu.VMEM_SHARED((n, d), jnp.float32),
            pltpu.SemaphoreType.DMA((NBI,)),
            pltpu.SemaphoreType.DMA((NBM,)),
            pltpu.SemaphoreType.DMA((NBM,)),
            pltpu.SemaphoreType.DMA,
        ],
    )
    def agg_kernel(g_hbm, row_hbm, col_hbm, ew_hbm, out_hbm,
                   row_v, col_v, ew_v, msg0, msg1, zbuf, acc,
                   idx_sem, gat_sem, sct_sem, z_sem):
        msgs = (msg0, msg1)
        c = lax.axis_index("c")
        s = lax.axis_index("s")
        w = s * NC + c

        @pl.loop(0, ZR)
        def _(r):
            @pl.loop(0, d // LANES)
            def _(k):
                zbuf[r, pl.ds(k * LANES, LANES)] = jnp.zeros((LANES,),
                                                             jnp.float32)

        @pl.loop(s, nz, step=NS)
        def _(rc):
            pltpu.async_copy(zbuf, acc.at[pl.ds(rc * ZR, ZR)], z_sem)

        @pl.loop(s, nz, step=NS)
        def _(rc):
            pltpu.make_async_copy(zbuf, acc.at[pl.ds(rc * ZR, ZR)],
                                  z_sem).wait()

        plsc.subcore_barrier()

        base0 = w * nch

        def start_idx(j):
            b = lax.rem(j, NBI)
            bs = (base0 + j) * CHUNK
            pltpu.async_copy(row_hbm.at[pl.ds(bs, CHUNK)], row_v.at[b],
                             idx_sem.at[b])
            pltpu.async_copy(col_hbm.at[pl.ds(bs, CHUNK)], col_v.at[b],
                             idx_sem.at[b])
            pltpu.async_copy(ew_hbm.at[pl.ds(bs, CHUNK)], ew_v.at[b],
                             idx_sem.at[b])

        def wait_idx(j):
            b = lax.rem(j, NBI)
            pltpu.make_async_copy(row_hbm.at[pl.ds(0, CHUNK)], row_v.at[b],
                                  idx_sem.at[b]).wait()
            pltpu.make_async_copy(col_hbm.at[pl.ds(0, CHUNK)], col_v.at[b],
                                  idx_sem.at[b]).wait()
            pltpu.make_async_copy(ew_hbm.at[pl.ds(0, CHUNK)], ew_v.at[b],
                                  idx_sem.at[b]).wait()

        def start_gather(j, bm):
            bi = lax.rem(j, NBI)
            pltpu.async_copy(g_hbm.at[row_v.at[bi]], msgs[bm],
                             gat_sem.at[bm])

        def wait_gather(j, bm):
            bi = lax.rem(j, NBI)
            pltpu.make_async_copy(g_hbm.at[row_v.at[bi]], msgs[bm],
                                  gat_sem.at[bm]).wait()

        def start_scatter(j, bm):
            bi = lax.rem(j, NBI)
            pltpu.async_copy(msgs[bm], acc.at[col_v.at[bi]],
                             sct_sem.at[bm], add=True)

        def wait_scatter(j, bm):
            bi = lax.rem(j, NBI)
            pltpu.make_async_copy(msgs[bm], acc.at[col_v.at[bi]],
                                  sct_sem.at[bm]).wait()

        start_idx(0)
        start_idx(1)
        wait_idx(0)
        start_gather(0, 0)

        @pl.loop(0, nch // 2)
        def _(t):
            for b in range(2):
                j = t * 2 + b
                wait_gather(j, b)

                @pl.when(j >= 1)
                def _():
                    wait_scatter(j - 1, 1 - b)

                @pl.when(j + 2 < nch)
                def _():
                    start_idx(j + 2)

                @pl.when(j + 1 < nch)
                def _():
                    wait_idx(j + 1)
                    start_gather(j + 1, 1 - b)

                bi = lax.rem(j, NBI)
                msg = msgs[b]

                @pl.loop(0, CHUNK // LANES)
                def _(q):
                    ew16 = ew_v[bi, pl.ds(q * LANES, LANES)]
                    for r in range(LANES):
                        bvec = _bcast_lane(ew16, r)
                        eidx = q * LANES + r
                        for k in range(d // LANES):
                            sl = pl.ds(k * LANES, LANES)
                            msg[eidx, sl] = msg[eidx, sl] * bvec

                start_scatter(j, b)

        wait_scatter(nch - 1, 1)
        plsc.subcore_barrier()

        @pl.loop(s, nz, step=NS)
        def _(rc):
            pltpu.async_copy(acc.at[pl.ds(rc * ZR, ZR)],
                             out_hbm.at[c, pl.ds(rc * ZR, ZR)], z_sem)

        @pl.loop(s, nz, step=NS)
        def _(rc):
            pltpu.make_async_copy(acc.at[pl.ds(rc * ZR, ZR)],
                                  out_hbm.at[c, pl.ds(rc * ZR, ZR)],
                                  z_sem).wait()

    return agg_kernel(g, row, col, ew)


def _dis_from_partials(d0_ref, d1_ref, i, blk):
    deg = d0_ref[pl.ds(i * blk, blk)] + d1_ref[pl.ds(i * blk, blk)] + 2.0
    return jnp.where(deg > 0, lax.rsqrt(jnp.where(deg > 0, deg, 1.0)), 0.0)


def _tc_matmul(x, W):
    n, din = x.shape
    dout = W.shape[1]
    blk = 1280
    grid = -(-n // blk)

    def body(x_ref, w_ref, h_ref):
        h_ref[...] = jnp.dot(x_ref[...], w_ref[...],
                             preferred_element_type=jnp.float32)

    return pl.pallas_call(
        body,
        grid=(grid,),
        in_specs=[
            pl.BlockSpec((blk, din), lambda i: (i, 0)),
            pl.BlockSpec((din, dout), lambda i: (0, 0)),
        ],
        out_specs=pl.BlockSpec((blk, dout), lambda i: (i, 0)),
        out_shape=jax.ShapeDtypeStruct((n, dout), jnp.float32),
    )(x, W)


def _tc_transform(h, deg0, deg1):
    n, dout = h.shape
    n_pad = deg0.shape[0]
    blk = 1280
    grid = -(-n // blk)

    def body(h_ref, d0_ref, d1_ref, g_ref):
        i = pl.program_id(0)
        dis = _dis_from_partials(d0_ref, d1_ref, i, blk)
        g_ref[...] = dis[:, None] * h_ref[...]

    return pl.pallas_call(
        body,
        grid=(grid,),
        in_specs=[
            pl.BlockSpec((blk, dout), lambda i: (i, 0)),
            pl.BlockSpec((n_pad,), lambda i: (0,)),
            pl.BlockSpec((n_pad,), lambda i: (0,)),
        ],
        out_specs=pl.BlockSpec((blk, dout), lambda i: (i, 0)),
        out_shape=jax.ShapeDtypeStruct((n, dout), jnp.float32),
    )(h, deg0, deg1)


def _tc_finalize(agg_pp, deg0, deg1, g, b):
    n, dout = g.shape
    n_pad = deg0.shape[0]
    blk = 1280
    grid = -(-n // blk)

    def body(a_ref, d0_ref, d1_ref, g_ref, b_ref, o_ref):
        i = pl.program_id(0)
        dis = _dis_from_partials(d0_ref, d1_ref, i, blk)
        a = a_ref[0] + a_ref[1] + 2.0 * g_ref[...]
        o_ref[...] = jnp.maximum(dis[:, None] * a + b_ref[...], 0.0)

    return pl.pallas_call(
        body,
        grid=(grid,),
        in_specs=[
            pl.BlockSpec((NC, blk, dout), lambda i: (0, i, 0)),
            pl.BlockSpec((n_pad,), lambda i: (0,)),
            pl.BlockSpec((n_pad,), lambda i: (0,)),
            pl.BlockSpec((blk, dout), lambda i: (i, 0)),
            pl.BlockSpec((1, dout), lambda i: (0, 0)),
        ],
        out_specs=pl.BlockSpec((blk, dout), lambda i: (i, 0)),
        out_shape=jax.ShapeDtypeStruct((n, dout), jnp.float32),
    )(agg_pp, deg0, deg1, g, b.reshape(1, dout))


def kernel(x, edge_index, edge_weight, W, b):
    n = x.shape[0]
    n_pad = -(-n // 1280) * 1280
    row = edge_index[0]
    col = edge_index[1]
    e = row.shape[0]
    e_pad = -(-e // (CHUNK * NW * 2)) * (CHUNK * NW * 2)
    fill = jnp.arange(e_pad - e, dtype=row.dtype) % n
    row_p = jnp.concatenate([row, fill])
    col_p = jnp.concatenate([col, fill])
    ew_p = jnp.concatenate([edge_weight,
                            jnp.zeros((e_pad - e,), edge_weight.dtype)])
    h = _tc_matmul(x, W)
    deg0, deg1 = _sc_degree(col, edge_weight, n_pad)
    g = _tc_transform(h, deg0, deg1)
    agg_pp = _sc_aggregate(g, row_p, col_p, ew_p, n)
    return _tc_finalize(agg_pp, deg0, deg1, g, b)

# --- scband reference (transcript-rebuilt; emitter-appended) ---
"""Pipeline reference for scband-gcn-57990648431249 (READ-ONLY COPY).

The authoritative reference and input builder live on the scoring server;
editing this copy changes nothing except your own understanding.
"""

import jax, jax.numpy as jnp
import numpy as np

N = 10000
E = 320000
DIN = 128
DOUT = 128

def setup_inputs(seed: int = 0) -> dict:
    key = jax.random.key(seed)
    ks = jax.random.split(key, 5)
    x = jax.random.normal(ks[0], (N, DIN), dtype=jnp.float32)
    edge_index = jax.random.randint(ks[1], (2, E), 0, N, dtype=jnp.int32)
    edge_weight = jax.random.uniform(ks[2], (E,), dtype=jnp.float32)
    W = jax.random.normal(ks[3], (DIN, DOUT), dtype=jnp.float32) / np.sqrt(DIN)
    b = jnp.zeros((DOUT,), dtype=jnp.float32)
    return {"x": x, "edge_index": edge_index, "edge_weight": edge_weight, "W": W, "b": b}

def reference(x, edge_index, edge_weight, W, b):
    # GCNConv(improved=True, normalize=True, add_self_loops=True, aggr='add',
    #         flow='source_to_target'), followed by ReLU.
    # Dropout (F.dropout) is treated as identity (eval-mode determinism).
    n = x.shape[0]
    row = edge_index[0]
    col = edge_index[1]
    # --- gcn_norm with improved=True: self-loop fill value = 2.0 ---
    loop = jnp.arange(n, dtype=edge_index.dtype)
    row = jnp.concatenate([row, loop])
    col = jnp.concatenate([col, loop])
    ew = jnp.concatenate([edge_weight, jnp.full((n,), 2.0, dtype=x.dtype)])
    # degree computed on dst (col) for source_to_target flow
    deg = jnp.zeros((n,), dtype=x.dtype).at[col].add(ew)
    deg_inv_sqrt = jnp.where(deg > 0, jax.lax.rsqrt(jnp.where(deg > 0, deg, 1.0)), 0.0)
    norm = deg_inv_sqrt[row] * ew * deg_inv_sqrt[col]
    # --- linear transform ---
    h = x @ W
    # --- message + scatter-add aggregation to dst nodes ---
    msg = h[row] * norm[:, None]
    out = jnp.zeros((n, W.shape[1]), dtype=x.dtype).at[col].add(msg)
    out = out + b
    out = jax.nn.relu(out)
    return out

if __name__ == "__main__":
    import jax
    _d = setup_inputs()
    print(jax.jit(kernel)(*tuple(_d.values())))

</pallas_src>

<mosaic_0001>
#map = affine_map<(d0, d1) -> (0)>
module attributes {stable_mosaic.version = 14 : i64} {
  func.func @deg_kernel(%arg0: i32, %arg1: i32, %arg2: memref<320000xi32, #tpu.memory_space<hbm>>, %arg3: memref<320000xf32, #tpu.memory_space<hbm>>, %arg4: memref<10240xf32, #tpu.memory_space<hbm>>, %arg5: memref<10240xf32, #tpu.memory_space<hbm>>, %arg6: memref<2000xi32, #tpu.memory_space<vmem>>, %arg7: memref<2000xf32, #tpu.memory_space<vmem>>, %arg8: memref<10240xf32, #tpu.memory_space<vmem>>, %arg9: memref<16x640xf32, #tpu.memory_space<vmem>>, %arg10: memref<640xf32, #tpu.memory_space<vmem>>, %arg11: memref<16x10240xf32, #tpu.memory_space<vmem_shared>>, %arg12: memref<!tpu.dma_semaphore, #tpu.memory_space<semaphore_mem>>) attributes {dimension_semantics = [#tpu.dimension_semantics<core_parallel>, #tpu.dimension_semantics<subcore_parallel>], iteration_bounds = array<i64: 2, 16>, scalar_prefetch = 0 : i64, scratch_operands = 7 : i64, tpu.core_type = #tpu.core_type<sc_vector_subcore>, window_params = [{transform_indices = #map}, {transform_indices = #map}, {transform_indices = #map}, {transform_indices = #map}]} {
    %mul3A = arith.constant 2 : i32
    %mul3A_0 = arith.muli %arg1, %mul3A : i32
    %add3A = arith.addi %mul3A_0, %arg0 : i32
    %scan3A = arith.constant 0 : i32
    %scan3A_1 = arith.constant 640 : i32
    %scan3A_2 = arith.addi %scan3A, %scan3A_1 : i32
    %scan3A_3 = arith.constant 1 : i32
    scf.for %scan3A_42 = %scan3A to %scan3A_2 step %scan3A_3  : i32 {
      %mul3A_43 = arith.constant 1 : i32
      %mul3A_44 = arith.muli %scan3A_42, %mul3A_43 : i32
      %add3A_45 = arith.constant 0 : i32
      %add3A_46 = arith.addi %add3A_45, %mul3A_44 : i32
      %broadcast_in_dim3A = arith.constant 0.000000e+00 : f32
      %broadcast_in_dim3A_47 = vector.broadcast %broadcast_in_dim3A : f32 to vector<16xf32>
      %mul3A_48 = arith.constant 16 : i32
      %mul3A_49 = arith.muli %add3A_46, %mul3A_48 : i32
      %swap3A = arith.index_cast %mul3A_49 : i32 to index
      %swap3A_50 = tpu.vector_load %arg8[%swap3A] {strides = array<i32>} : memref<10240xf32, #tpu.memory_space<vmem>>, vector<16xf32>,
      tpu.vector_store %arg8[%swap3A], %broadcast_in_dim3A_47 {strides = array<i32>} : memref<10240xf32, #tpu.memory_space<vmem>>, vector<16xf32>,
    }
    %scan3A_4 = arith.constant 640 : i32
    %sub3A = arith.constant 160 : i32
    %sub3A_5 = arith.subi %sub3A, %add3A : i32
    %sub3A_6 = arith.constant 32 : i32
    %sub3A_7 = arith.constant 1 : i32
    %sub3A_8 = arith.subi %sub3A_6, %sub3A_7 : i32
    %add3A_9 = arith.addi %sub3A_5, %sub3A_8 : i32
    %div3A = arith.constant 32 : i32
    %div3A_10 = arith.divsi %add3A_9, %div3A : i32
    %while3A = arith.constant 32 : i32
    %while3A_11 = arith.constant 0 : i32
    %while3A_12 = arith.subi %div3A_10, %while3A_11 : i32
    %while3A_13 = arith.addi %while3A_11, %while3A_12 : i32
    %while3A_14 = arith.constant 1 : i32
    %while3A_15 = arith.divsi %while3A_12, %while3A_14 : i32
    %while3A_16 = arith.muli %while3A_15, %while3A_14 : i32
    %while3A_17 = arith.addi %while3A_11, %while3A_16 : i32
    %while3A_18 = arith.constant 1 : i32
    scf.for %while3A_42 = %while3A_11 to %while3A_17 step %while3A_18  : i32 {
      %mul3A_43 = arith.muli %while3A_42, %while3A : i32
      %add3A_44 = arith.addi %add3A, %mul3A_43 : i32
      %mul3A_45 = arith.constant 2000 : i32
      %mul3A_46 = arith.muli %add3A_44, %mul3A_45 : i32
      "tpu.region"() ({
        %run_scoped3A = tpu.sem_alloc : memref<!tpu.dma_semaphore, #tpu.memory_space<semaphore_mem>>
        %dma_start3A = tpu.memref_slice %arg2[%mul3A_46] : memref<320000xi32, #tpu.memory_space<hbm>> -> memref<2000xi32, #tpu.memory_space<hbm>>
        %dma_start3A_52 = tpu.memref_slice %arg2[%mul3A_46] : memref<320000xi32, #tpu.memory_space<hbm>> -> memref<2000xi32, #tpu.memory_space<hbm>>
        tpu.enqueue_dma source(%dma_start3A_52 : memref<2000xi32, #tpu.memory_space<hbm>>) target(%arg6 : memref<2000xi32, #tpu.memory_space<vmem>>) target_semaphore(%run_scoped3A : memref<!tpu.dma_semaphore, #tpu.memory_space<semaphore_mem>>)
        %dma_wait3A = tpu.memref_slice %arg2[%mul3A_46] : memref<320000xi32, #tpu.memory_space<hbm>> -> memref<2000xi32, #tpu.memory_space<hbm>>
        %dma_wait3A_53 = tpu.memref_slice %arg2[%mul3A_46] : memref<320000xi32, #tpu.memory_space<hbm>> -> memref<2000xi32, #tpu.memory_space<hbm>>
        tpu.wait_dma2 semaphore(%run_scoped3A : memref<!tpu.dma_semaphore, #tpu.memory_space<semaphore_mem>>) src(%dma_wait3A_53 : memref<2000xi32, #tpu.memory_space<hbm>>) dst(%arg6 : memref<2000xi32, #tpu.memory_space<vmem>>)
        tpu.yield
      }) : () -> ()
      "tpu.region"() ({
        %run_scoped3A = tpu.sem_alloc : memref<!tpu.dma_semaphore, #tpu.memory_space<semaphore_mem>>
        %dma_start3A = tpu.memref_slice %arg3[%mul3A_46] : memref<320000xf32, #tpu.memory_space<hbm>> -> memref<2000xf32, #tpu.memory_space<hbm>>
        %dma_start3A_52 = tpu.memref_slice %arg3[%mul3A_46] : memref<320000xf32, #tpu.memory_space<hbm>> -> memref<2000xf32, #tpu.memory_space<hbm>>
        tpu.enqueue_dma source(%dma_start3A_52 : memref<2000xf32, #tpu.memory_space<hbm>>) target(%arg7 : memref<2000xf32, #tpu.memory_space<vmem>>) target_semaphore(%run_scoped3A : memref<!tpu.dma_semaphore, #tpu.memory_space<semaphore_mem>>)
        %dma_wait3A = tpu.memref_slice %arg3[%mul3A_46] : memref<320000xf32, #tpu.memory_space<hbm>> -> memref<2000xf32, #tpu.memory_space<hbm>>
        %dma_wait3A_53 = tpu.memref_slice %arg3[%mul3A_46] : memref<320000xf32, #tpu.memory_space<hbm>> -> memref<2000xf32, #tpu.memory_space<hbm>>
        tpu.wait_dma2 semaphore(%run_scoped3A : memref<!tpu.dma_semaphore, #tpu.memory_space<semaphore_mem>>) src(%dma_wait3A_53 : memref<2000xf32, #tpu.memory_space<hbm>>) dst(%arg7 : memref<2000xf32, #tpu.memory_space<vmem>>)
        tpu.yield
      }) : () -> ()
      %scan3A_47 = arith.constant 0 : i32
      %scan3A_48 = arith.constant 125 : i32
      %scan3A_49 = arith.addi %scan3A_47, %scan3A_48 : i32
      %scan3A_50 = arith.constant 1 : i32
      scf.for %scan3A_52 = %scan3A_47 to %scan3A_49 step %scan3A_50  : i32 {
        %mul3A_53 = arith.constant 1 : i32
        %mul3A_54 = arith.muli %scan3A_52, %mul3A_53 : i32
        %add3A_55 = arith.constant 0 : i32
        %add3A_56 = arith.addi %add3A_55, %mul3A_54 : i32
        %mul3A_57 = arith.constant 16 : i32
        %mul3A_58 = arith.muli %add3A_56, %mul3A_57 : i32
        %get3A = arith.index_cast %mul3A_58 : i32 to index
        %get3A_59 = tpu.vector_load %arg6[%get3A] {strides = array<i32>} : memref<2000xi32, #tpu.memory_space<vmem>>, vector<16xi32>,
        %mul3A_60 = arith.constant 16 : i32
        %mul3A_61 = arith.muli %add3A_56, %mul3A_60 : i32
        %get3A_62 = arith.index_cast %mul3A_61 : i32 to index
        %get3A_63 = tpu.vector_load %arg7[%get3A_62] {strides = array<i32>} : memref<2000xf32, #tpu.memory_space<vmem>>, vector<16xf32>,
        tpu.vector_store_idx %arg8[%get3A_59], %get3A_63 {add = true} : memref<10240xf32, #tpu.memory_space<vmem>>[vector<16xi32>], vector<16xf32>,
      }
      %scan3A_51 = arith.constant 125 : i32
    }
    %while3A_19 = arith.constant 1 : i32
    scf.for %while3A_42 = %while3A_17 to %while3A_13 step %while3A_19  : i32 {
      %mul3A_43 = arith.muli %while3A_42, %while3A : i32
      %add3A_44 = arith.addi %add3A, %mul3A_43 : i32
      %mul3A_45 = arith.constant 2000 : i32
      %mul3A_46 = arith.muli %add3A_44, %mul3A_45 : i32
      "tpu.region"() ({
        %run_scoped3A = tpu.sem_alloc : memref<!tpu.dma_semaphore, #tpu.memory_space<semaphore_mem>>
        %dma_start3A = tpu.memref_slice %arg2[%mul3A_46] : memref<320000xi32, #tpu.memory_space<hbm>> -> memref<2000xi32, #tpu.memory_space<hbm>>
        %dma_start3A_52 = tpu.memref_slice %arg2[%mul3A_46] : memref<320000xi32, #tpu.memory_space<hbm>> -> memref<2000xi32, #tpu.memory_space<hbm>>
        tpu.enqueue_dma source(%dma_start3A_52 : memref<2000xi32, #tpu.memory_space<hbm>>) target(%arg6 : memref<2000xi32, #tpu.memory_space<vmem>>) target_semaphore(%run_scoped3A : memref<!tpu.dma_semaphore, #tpu.memory_space<semaphore_mem>>)
        %dma_wait3A = tpu.memref_slice %arg2[%mul3A_46] : memref<320000xi32, #tpu.memory_space<hbm>> -> memref<2000xi32, #tpu.memory_space<hbm>>
        %dma_wait3A_53 = tpu.memref_slice %arg2[%mul3A_46] : memref<320000xi32, #tpu.memory_space<hbm>> -> memref<2000xi32, #tpu.memory_space<hbm>>
        tpu.wait_dma2 semaphore(%run_scoped3A : memref<!tpu.dma_semaphore, #tpu.memory_space<semaphore_mem>>) src(%dma_wait3A_53 : memref<2000xi32, #tpu.memory_space<hbm>>) dst(%arg6 : memref<2000xi32, #tpu.memory_space<vmem>>)
        tpu.yield
      }) : () -> ()
      "tpu.region"() ({
        %run_scoped3A = tpu.sem_alloc : memref<!tpu.dma_semaphore, #tpu.memory_space<semaphore_mem>>
        %dma_start3A = tpu.memref_slice %arg3[%mul3A_46] : memref<320000xf32, #tpu.memory_space<hbm>> -> memref<2000xf32, #tpu.memory_space<hbm>>
        %dma_start3A_52 = tpu.memref_slice %arg3[%mul3A_46] : memref<320000xf32, #tpu.memory_space<hbm>> -> memref<2000xf32, #tpu.memory_space<hbm>>
        tpu.enqueue_dma source(%dma_start3A_52 : memref<2000xf32, #tpu.memory_space<hbm>>) target(%arg7 : memref<2000xf32, #tpu.memory_space<vmem>>) target_semaphore(%run_scoped3A : memref<!tpu.dma_semaphore, #tpu.memory_space<semaphore_mem>>)
        %dma_wait3A = tpu.memref_slice %arg3[%mul3A_46] : memref<320000xf32, #tpu.memory_space<hbm>> -> memref<2000xf32, #tpu.memory_space<hbm>>
        %dma_wait3A_53 = tpu.memref_slice %arg3[%mul3A_46] : memref<320000xf32, #tpu.memory_space<hbm>> -> memref<2000xf32, #tpu.memory_space<hbm>>
        tpu.wait_dma2 semaphore(%run_scoped3A : memref<!tpu.dma_semaphore, #tpu.memory_space<semaphore_mem>>) src(%dma_wait3A_53 : memref<2000xf32, #tpu.memory_space<hbm>>) dst(%arg7 : memref<2000xf32, #tpu.memory_space<vmem>>)
        tpu.yield
      }) : () -> ()
      %scan3A_47 = arith.constant 0 : i32
      %scan3A_48 = arith.constant 125 : i32
      %scan3A_49 = arith.addi %scan3A_47, %scan3A_48 : i32
      %scan3A_50 = arith.constant 1 : i32
      scf.for %scan3A_52 = %scan3A_47 to %scan3A_49 step %scan3A_50  : i32 {
        %mul3A_53 = arith.constant 1 : i32
        %mul3A_54 = arith.muli %scan3A_52, %mul3A_53 : i32
        %add3A_55 = arith.constant 0 : i32
        %add3A_56 = arith.addi %add3A_55, %mul3A_54 : i32
        %mul3A_57 = arith.constant 16 : i32
        %mul3A_58 = arith.muli %add3A_56, %mul3A_57 : i32
        %get3A = arith.index_cast %mul3A_58 : i32 to index
        %get3A_59 = tpu.vector_load %arg6[%get3A] {strides = array<i32>} : memref<2000xi32, #tpu.memory_space<vmem>>, vector<16xi32>,
        %mul3A_60 = arith.constant 16 : i32
        %mul3A_61 = arith.muli %add3A_56, %mul3A_60 : i32
        %get3A_62 = arith.index_cast %mul3A_61 : i32 to index
        %get3A_63 = tpu.vector_load %arg7[%get3A_62] {strides = array<i32>} : memref<2000xf32, #tpu.memory_space<vmem>>, vector<16xf32>,
        tpu.vector_store_idx %arg8[%get3A_59], %get3A_63 {add = true} : memref<10240xf32, #tpu.memory_space<vmem>>[vector<16xi32>], vector<16xf32>,
      }
      %scan3A_51 = arith.constant 125 : i32
    }
    "tpu.region"() ({
      %run_scoped3A = tpu.sem_alloc : memref<!tpu.dma_semaphore, #tpu.memory_space<semaphore_mem>>
      %dma_start3A = arith.constant 0 : i32
      %dma_start3A_42 = tpu.memref_slice %arg11[%arg1, %dma_start3A] : memref<16x10240xf32, #tpu.memory_space<vmem_shared>> -> memref<1x10240xf32, #tpu.memory_space<vmem_shared>>
      %dma_start3A_43 = tpu.memref_squeeze %dma_start3A_42 : memref<1x10240xf32, #tpu.memory_space<vmem_shared>> -> memref<10240xf32, #tpu.memory_space<vmem_shared>>
      %dma_start3A_44 = arith.constant 0 : i32
      %dma_start3A_45 = tpu.memref_slice %arg11[%arg1, %dma_start3A_44] : memref<16x10240xf32, #tpu.memory_space<vmem_shared>> -> memref<1x10240xf32, #tpu.memory_space<vmem_shared>>
      %dma_start3A_46 = tpu.memref_squeeze %dma_start3A_45 : memref<1x10240xf32, #tpu.memory_space<vmem_shared>> -> memref<10240xf32, #tpu.memory_space<vmem_shared>>
      tpu.enqueue_dma source(%arg8 : memref<10240xf32, #tpu.memory_space<vmem>>) target(%dma_start3A_46 : memref<10240xf32, #tpu.memory_space<vmem_shared>>) target_semaphore(%run_scoped3A : memref<!tpu.dma_semaphore, #tpu.memory_space<semaphore_mem>>)
      %dma_wait3A = arith.constant 0 : i32
      %dma_wait3A_47 = tpu.memref_slice %arg11[%arg1, %dma_wait3A] : memref<16x10240xf32, #tpu.memory_space<vmem_shared>> -> memref<1x10240xf32, #tpu.memory_space<vmem_shared>>
      %dma_wait3A_48 = tpu.memref_squeeze %dma_wait3A_47 : memref<1x10240xf32, #tpu.memory_space<vmem_shared>> -> memref<10240xf32, #tpu.memory_space<vmem_shared>>
      %dma_wait3A_49 = arith.constant 0 : i32
      %dma_wait3A_50 = tpu.memref_slice %arg11[%arg1, %dma_wait3A_49] : memref<16x10240xf32, #tpu.memory_space<vmem_shared>> -> memref<1x10240xf32, #tpu.memory_space<vmem_shared>>
      %dma_wait3A_51 = tpu.memref_squeeze %dma_wait3A_50 : memref<1x10240xf32, #tpu.memory_space<vmem_shared>> -> memref<10240xf32, #tpu.memory_space<vmem_shared>>
      tpu.wait_dma2 semaphore(%run_scoped3A : memref<!tpu.dma_semaphore, #tpu.memory_space<semaphore_mem>>) src(%arg8 : memref<10240xf32, #tpu.memory_space<vmem>>) dst(%dma_wait3A_51 : memref<10240xf32, #tpu.memory_space<vmem_shared>>)
      tpu.yield
    }) : () -> ()
    %barrier3A = arith.constant 0 : index
    tpu.barrier barrier_id(%barrier3A)
    %scan3A_20 = arith.constant 0 : i32
    %scan3A_21 = arith.constant 16 : i32
    %scan3A_22 = arith.addi %scan3A_20, %scan3A_21 : i32
    %scan3A_23 = arith.constant 1 : i32
    scf.for %scan3A_42 = %scan3A_20 to %scan3A_22 step %scan3A_23  : i32 {
      %mul3A_43 = arith.constant 1 : i32
      %mul3A_44 = arith.muli %scan3A_42, %mul3A_43 : i32
      %add3A_45 = arith.constant 0 : i32
      %add3A_46 = arith.addi %add3A_45, %mul3A_44 : i32
      %mul3A_47 = arith.constant 640 : i32
      %mul3A_48 = arith.muli %arg1, %mul3A_47 : i32
      %dma_start3A = arith.constant 0 : i32
      %dma_start3A_49 = tpu.memref_slice %arg9[%add3A_46, %dma_start3A] : memref<16x640xf32, #tpu.memory_space<vmem>> -> memref<1x640xf32, #tpu.memory_space<vmem>>
      %dma_start3A_50 = tpu.memref_squeeze %dma_start3A_49 : memref<1x640xf32, #tpu.memory_space<vmem>> -> memref<640xf32, #tpu.memory_space<vmem>>
      %dma_start3A_51 = tpu.memref_slice %arg11[%add3A_46, %mul3A_48] : memref<16x10240xf32, #tpu.memory_space<vmem_shared>> -> memref<1x640xf32, #tpu.memory_space<vmem_shared>>
      %dma_start3A_52 = tpu.memref_squeeze %dma_start3A_51 : memref<1x640xf32, #tpu.memory_space<vmem_shared>> -> memref<640xf32, #tpu.memory_space<vmem_shared>>
      %dma_start3A_53 = arith.constant 0 : i32
      %dma_start3A_54 = tpu.memref_slice %arg9[%add3A_46, %dma_start3A_53] : memref<16x640xf32, #tpu.memory_space<vmem>> -> memref<1x640xf32, #tpu.memory_space<vmem>>
      %dma_start3A_55 = tpu.memref_squeeze %dma_start3A_54 : memref<1x640xf32, #tpu.memory_space<vmem>> -> memref<640xf32, #tpu.memory_space<vmem>>
      %dma_start3A_56 = tpu.memref_slice %arg11[%add3A_46, %mul3A_48] : memref<16x10240xf32, #tpu.memory_space<vmem_shared>> -> memref<1x640xf32, #tpu.memory_space<vmem_shared>>
      %dma_start3A_57 = tpu.memref_squeeze %dma_start3A_56 : memref<1x640xf32, #tpu.memory_space<vmem_shared>> -> memref<640xf32, #tpu.memory_space<vmem_shared>>
      tpu.enqueue_dma source(%dma_start3A_57 : memref<640xf32, #tpu.memory_space<vmem_shared>>) target(%dma_start3A_55 : memref<640xf32, #tpu.memory_space<vmem>>) target_semaphore(%arg12 : memref<!tpu.dma_semaphore, #tpu.memory_space<semaphore_mem>>)
    }
    %scan3A_24 = arith.constant 16 : i32
    %scan3A_25 = arith.constant 0 : i32
    %scan3A_26 = arith.constant 16 : i32
    %scan3A_27 = arith.addi %scan3A_25, %scan3A_26 : i32
    %scan3A_28 = arith.constant 1 : i32
    scf.for %scan3A_42 = %scan3A_25 to %scan3A_27 step %scan3A_28  : i32 {
      %mul3A_43 = arith.constant 1 : i32
      %mul3A_44 = arith.muli %scan3A_42, %mul3A_43 : i32
      %add3A_45 = arith.constant 0 : i32
      %add3A_46 = arith.addi %add3A_45, %mul3A_44 : i32
      %mul3A_47 = arith.constant 640 : i32
      %mul3A_48 = arith.muli %arg1, %mul3A_47 : i32
      %dma_wait3A = arith.constant 0 : i32
      %dma_wait3A_49 = tpu.memref_slice %arg9[%add3A_46, %dma_wait3A] : memref<16x640xf32, #tpu.memory_space<vmem>> -> memref<1x640xf32, #tpu.memory_space<vmem>>
      %dma_wait3A_50 = tpu.memref_squeeze %dma_wait3A_49 : memref<1x640xf32, #tpu.memory_space<vmem>> -> memref<640xf32, #tpu.memory_space<vmem>>
      %dma_wait3A_51 = tpu.memref_slice %arg11[%add3A_46, %mul3A_48] : memref<16x10240xf32, #tpu.memory_space<vmem_shared>> -> memref<1x640xf32, #tpu.memory_space<vmem_shared>>
      %dma_wait3A_52 = tpu.memref_squeeze %dma_wait3A_51 : memref<1x640xf32, #tpu.memory_space<vmem_shared>> -> memref<640xf32, #tpu.memory_space<vmem_shared>>
      %dma_wait3A_53 = arith.constant 0 : i32
      %dma_wait3A_54 = tpu.memref_slice %arg9[%add3A_46, %dma_wait3A_53] : memref<16x640xf32, #tpu.memory_space<vmem>> -> memref<1x640xf32, #tpu.memory_space<vmem>>
      %dma_wait3A_55 = tpu.memref_squeeze %dma_wait3A_54 : memref<1x640xf32, #tpu.memory_space<vmem>> -> memref<640xf32, #tpu.memory_space<vmem>>
      %dma_wait3A_56 = tpu.memref_slice %arg11[%add3A_46, %mul3A_48] : memref<16x10240xf32, #tpu.memory_space<vmem_shared>> -> memref<1x640xf32, #tpu.memory_space<vmem_shared>>
      %dma_wait3A_57 = tpu.memref_squeeze %dma_wait3A_56 : memref<1x640xf32, #tpu.memory_space<vmem_shared>> -> memref<640xf32, #tpu.memory_space<vmem_shared>>
      tpu.wait_dma2 semaphore(%arg12 : memref<!tpu.dma_semaphore, #tpu.memory_space<semaphore_mem>>) src(%dma_wait3A_57 : memref<640xf32, #tpu.memory_space<vmem_shared>>) dst(%dma_wait3A_55 : memref<640xf32, #tpu.memory_space<vmem>>)
    }
    %scan3A_29 = arith.constant 16 : i32
    %scan3A_30 = arith.constant 0 : i32
    %scan3A_31 = arith.constant 40 : i32
    %scan3A_32 = arith.addi %scan3A_30, %scan3A_31 : i32
    %scan3A_33 = arith.constant 1 : i32
    scf.for %scan3A_42 = %scan3A_30 to %scan3A_32 step %scan3A_33  : i32 {
      %mul3A_43 = arith.constant 1 : i32
      %mul3A_44 = arith.muli %scan3A_42, %mul3A_43 : i32
      %add3A_45 = arith.constant 0 : i32
      %add3A_46 = arith.addi %add3A_45, %mul3A_44 : i32
      %mul3A_47 = arith.constant 16 : i32
      %mul3A_48 = arith.muli %add3A_46, %mul3A_47 : i32
      %get3A = arith.constant 0 : i32
      %get3A_49 = arith.index_cast %get3A : i32 to index
      %get3A_50 = arith.index_cast %mul3A_48 : i32 to index
      %get3A_51 = tpu.vector_load %arg9[%get3A_49, %get3A_50] {strides = array<i32>} : memref<16x640xf32, #tpu.memory_space<vmem>>, vector<16xf32>,
      %get3A_52 = arith.constant 1 : i32
      %get3A_53 = arith.index_cast %get3A_52 : i32 to index
      %get3A_54 = arith.index_cast %mul3A_48 : i32 to index
      %get3A_55 = tpu.vector_load %arg9[%get3A_53, %get3A_54] {strides = array<i32>} : memref<16x640xf32, #tpu.memory_space<vmem>>, vector<16xf32>,
      %add3A_56 = arith.addf %get3A_51, %get3A_55 : vector<16xf32>
      %get3A_57 = arith.constant 2 : i32
      %get3A_58 = arith.index_cast %get3A_57 : i32 to index
      %get3A_59 = arith.index_cast %mul3A_48 : i32 to index
      %get3A_60 = tpu.vector_load %arg9[%get3A_58, %get3A_59] {strides = array<i32>} : memref<16x640xf32, #tpu.memory_space<vmem>>, vector<16xf32>,
      %add3A_61 = arith.addf %add3A_56, %get3A_60 : vector<16xf32>
      %get3A_62 = arith.constant 3 : i32
      %get3A_63 = arith.index_cast %get3A_62 : i32 to index
      %get3A_64 = arith.index_cast %mul3A_48 : i32 to index
      %get3A_65 = tpu.vector_load %arg9[%get3A_63, %get3A_64] {strides = array<i32>} : memref<16x640xf32, #tpu.memory_space<vmem>>, vector<16xf32>,
      %add3A_66 = arith.addf %add3A_61, %get3A_65 : vector<16xf32>
      %get3A_67 = arith.constant 4 : i32
      %get3A_68 = arith.index_cast %get3A_67 : i32 to index
      %get3A_69 = arith.index_cast %mul3A_48 : i32 to index
      %get3A_70 = tpu.vector_load %arg9[%get3A_68, %get3A_69] {strides = array<i32>} : memref<16x640xf32, #tpu.memory_space<vmem>>, vector<16xf32>,
      %add3A_71 = arith.addf %add3A_66, %get3A_70 : vector<16xf32>
      %get3A_72 = arith.constant 5 : i32
      %get3A_73 = arith.index_cast %get3A_72 : i32 to index
      %get3A_74 = arith.index_cast %mul3A_48 : i32 to index
      %get3A_75 = tpu.vector_load %arg9[%get3A_73, %get3A_74] {strides = array<i32>} : memref<16x640xf32, #tpu.memory_space<vmem>>, vector<16xf32>,
      %add3A_76 = arith.addf %add3A_71, %get3A_75 : vector<16xf32>
      %get3A_77 = arith.constant 6 : i32
      %get3A_78 = arith.index_cast %get3A_77 : i32 to index
      %get3A_79 = arith.index_cast %mul3A_48 : i32 to index
      %get3A_80 = tpu.vector_load %arg9[%get3A_78, %get3A_79] {strides = array<i32>} : memref<16x640xf32, #tpu.memory_space<vmem>>, vector<16xf32>,
      %add3A_81 = arith.addf %add3A_76, %get3A_80 : vector<16xf32>
      %get3A_82 = arith.constant 7 : i32
      %get3A_83 = arith.index_cast %get3A_82 : i32 to index
      %get3A_84 = arith.index_cast %mul3A_48 : i32 to index
      %get3A_85 = tpu.vector_load %arg9[%get3A_83, %get3A_84] {strides = array<i32>} : memref<16x640xf32, #tpu.memory_space<vmem>>, vector<16xf32>,
      %add3A_86 = arith.addf %add3A_81, %get3A_85 : vector<16xf32>
      %get3A_87 = arith.constant 8 : i32
      %get3A_88 = arith.index_cast %get3A_87 : i32 to index
      %get3A_89 = arith.index_cast %mul3A_48 : i32 to index
      %get3A_90 = tpu.vector_load %arg9[%get3A_88, %get3A_89] {strides = array<i32>} : memref<16x640xf32, #tpu.memory_space<vmem>>, vector<16xf32>,
      %add3A_91 = arith.addf %add3A_86, %get3A_90 : vector<16xf32>
      %get3A_92 = arith.constant 9 : i32
      %get3A_93 = arith.index_cast %get3A_92 : i32 to index
      %get3A_94 = arith.index_cast %mul3A_48 : i32 to index
      %get3A_95 = tpu.vector_load %arg9[%get3A_93, %get3A_94] {strides = array<i32>} : memref<16x640xf32, #tpu.memory_space<vmem>>, vector<16xf32>,
      %add3A_96 = arith.addf %add3A_91, %get3A_95 : vector<16xf32>
      %get3A_97 = arith.constant 10 : i32
      %get3A_98 = arith.index_cast %get3A_97 : i32 to index
      %get3A_99 = arith.index_cast %mul3A_48 : i32 to index
      %get3A_100 = tpu.vector_load %arg9[%get3A_98, %get3A_99] {strides = array<i32>} : memref<16x640xf32, #tpu.memory_space<vmem>>, vector<16xf32>,
      %add3A_101 = arith.addf %add3A_96, %get3A_100 : vector<16xf32>
      %get3A_102 = arith.constant 11 : i32
      %get3A_103 = arith.index_cast %get3A_102 : i32 to index
      %get3A_104 = arith.index_cast %mul3A_48 : i32 to index
      %get3A_105 = tpu.vector_load %arg9[%get3A_103, %get3A_104] {strides = array<i32>} : memref<16x640xf32, #tpu.memory_space<vmem>>, vector<16xf32>,
      %add3A_106 = arith.addf %add3A_101, %get3A_105 : vector<16xf32>
      %get3A_107 = arith.constant 12 : i32
      %get3A_108 = arith.index_cast %get3A_107 : i32 to index
      %get3A_109 = arith.index_cast %mul3A_48 : i32 to index
      %get3A_110 = tpu.vector_load %arg9[%get3A_108, %get3A_109] {strides = array<i32>} : memref<16x640xf32, #tpu.memory_space<vmem>>, vector<16xf32>,
      %add3A_111 = arith.addf %add3A_106, %get3A_110 : vector<16xf32>
      %get3A_112 = arith.constant 13 : i32
      %get3A_113 = arith.index_cast %get3A_112 : i32 to index
      %get3A_114 = arith.index_cast %mul3A_48 : i32 to index
      %get3A_115 = tpu.vector_load %arg9[%get3A_113, %get3A_114] {strides = array<i32>} : memref<16x640xf32, #tpu.memory_space<vmem>>, vector<16xf32>,
      %add3A_116 = arith.addf %add3A_111, %get3A_115 : vector<16xf32>
      %get3A_117 = arith.constant 14 : i32
      %get3A_118 = arith.index_cast %get3A_117 : i32 to index
      %get3A_119 = arith.index_cast %mul3A_48 : i32 to index
      %get3A_120 = tpu.vector_load %arg9[%get3A_118, %get3A_119] {strides = array<i32>} : memref<16x640xf32, #tpu.memory_space<vmem>>, vector<16xf32>,
      %add3A_121 = arith.addf %add3A_116, %get3A_120 : vector<16xf32>
      %get3A_122 = arith.constant 15 : i32
      %get3A_123 = arith.index_cast %get3A_122 : i32 to index
      %get3A_124 = arith.index_cast %mul3A_48 : i32 to index
      %get3A_125 = tpu.vector_load %arg9[%get3A_123, %get3A_124] {strides = array<i32>} : memref<16x640xf32, #tpu.memory_space<vmem>>, vector<16xf32>,
      %add3A_126 = arith.addf %add3A_121, %get3A_125 : vector<16xf32>
      %swap3A = arith.index_cast %mul3A_48 : i32 to index
      %swap3A_127 = tpu.vector_load %arg10[%swap3A] {strides = array<i32>} : memref<640xf32, #tpu.memory_space<vmem>>, vector<16xf32>,
      tpu.vector_store %arg10[%swap3A], %add3A_126 {strides = array<i32>} : memref<640xf32, #tpu.memory_space<vmem>>, vector<16xf32>,
    }
    %scan3A_34 = arith.constant 40 : i32
    %eq3A = arith.constant 0 : i32
    %eq3A_35 = arith.cmpi eq, %arg0, %eq3A : i32
    %convert_element_type3A = arith.extui %eq3A_35 : i1 to i32
    %cond3A = arith.constant 0 : i32
    %cond3A_36 = arith.cmpi ne, %convert_element_type3A, %cond3A : i32
    scf.if %cond3A_36 {
      %mul3A_42 = arith.constant 640 : i32
      %mul3A_43 = arith.muli %arg1, %mul3A_42 : i32
      "tpu.region"() ({
        %run_scoped3A = tpu.sem_alloc : memref<!tpu.dma_semaphore, #tpu.memory_space<semaphore_mem>>
        %dma_start3A = tpu.memref_slice %arg4[%mul3A_43] : memref<10240xf32, #tpu.memory_space<hbm>> -> memref<640xf32, #tpu.memory_space<hbm>>
        %dma_start3A_44 = tpu.memref_slice %arg4[%mul3A_43] : memref<10240xf32, #tpu.memory_space<hbm>> -> memref<640xf32, #tpu.memory_space<hbm>>
        tpu.enqueue_dma source(%arg10 : memref<640xf32, #tpu.memory_space<vmem>>) target(%dma_start3A_44 : memref<640xf32, #tpu.memory_space<hbm>>) target_semaphore(%run_scoped3A : memref<!tpu.dma_semaphore, #tpu.memory_space<semaphore_mem>>)
        %dma_wait3A = tpu.memref_slice %arg4[%mul3A_43] : memref<10240xf32, #tpu.memory_space<hbm>> -> memref<640xf32, #tpu.memory_space<hbm>>
        %dma_wait3A_45 = tpu.memref_slice %arg4[%mul3A_43] : memref<10240xf32, #tpu.memory_space<hbm>> -> memref<640xf32, #tpu.memory_space<hbm>>
        tpu.wait_dma2 semaphore(%run_scoped3A : memref<!tpu.dma_semaphore, #tpu.memory_space<semaphore_mem>>) src(%arg10 : memref<640xf32, #tpu.memory_space<vmem>>) dst(%dma_wait3A_45 : memref<640xf32, #tpu.memory_space<hbm>>)
        tpu.yield
      }) : () -> ()
    } else {
    }
    %eq3A_37 = arith.constant 1 : i32
    %eq3A_38 = arith.cmpi eq, %arg0, %eq3A_37 : i32
    %convert_element_type3A_39 = arith.extui %eq3A_38 : i1 to i32
    %cond3A_40 = arith.constant 0 : i32
    %cond3A_41 = arith.cmpi ne, %convert_element_type3A_39, %cond3A_40 : i32
    scf.if %cond3A_41 {
      %mul3A_42 = arith.constant 640 : i32
      %mul3A_43 = arith.muli %arg1, %mul3A_42 : i32
      "tpu.region"() ({
        %run_scoped3A = tpu.sem_alloc : memref<!tpu.dma_semaphore, #tpu.memory_space<semaphore_mem>>
        %dma_start3A = tpu.memref_slice %arg5[%mul3A_43] : memref<10240xf32, #tpu.memory_space<hbm>> -> memref<640xf32, #tpu.memory_space<hbm>>
        %dma_start3A_44 = tpu.memref_slice %arg5[%mul3A_43] : memref<10240xf32, #tpu.memory_space<hbm>> -> memref<640xf32, #tpu.memory_space<hbm>>
        tpu.enqueue_dma source(%arg10 : memref<640xf32, #tpu.memory_space<vmem>>) target(%dma_start3A_44 : memref<640xf32, #tpu.memory_space<hbm>>) target_semaphore(%run_scoped3A : memref<!tpu.dma_semaphore, #tpu.memory_space<semaphore_mem>>)
        %dma_wait3A = tpu.memref_slice %arg5[%mul3A_43] : memref<10240xf32, #tpu.memory_space<hbm>> -> memref<640xf32, #tpu.memory_space<hbm>>
        %dma_wait3A_45 = tpu.memref_slice %arg5[%mul3A_43] : memref<10240xf32, #tpu.memory_space<hbm>> -> memref<640xf32, #tpu.memory_space<hbm>>
        tpu.wait_dma2 semaphore(%run_scoped3A : memref<!tpu.dma_semaphore, #tpu.memory_space<semaphore_mem>>) src(%arg10 : memref<640xf32, #tpu.memory_space<vmem>>) dst(%dma_wait3A_45 : memref<640xf32, #tpu.memory_space<hbm>>)
        tpu.yield
      }) : () -> ()
    } else {
    }
    return
  }
}

#map = affine_map<(d0, d1) -> (0, 0)>
#map1 = affine_map<(d0, d1) -> (0)>
#map2 = affine_map<(d0, d1) -> (0, 0, 0)>
module attributes {stable_mosaic.version = 14 : i64} {
  func.func @agg_kernel(%arg0: i32, %arg1: i32, %arg2: memref<10000x128xf32, #tpu.memory_space<hbm>>, %arg3: memref<327680xi32, #tpu.memory_space<hbm>>, %arg4: memref<327680xi32, #tpu.memory_space<hbm>>, %arg5: memref<327680xf32, #tpu.memory_space<hbm>>, %arg6: memref<2x10000x128xf32, #tpu.memory_space<hbm>>, %arg7: memref<4x128xi32, #tpu.memory_space<vmem>>, %arg8: memref<4x128xi32, #tpu.memory_space<vmem>>, %arg9: memref<4x128xf32, #tpu.memory_space<vmem>>, %arg10: memref<128x128xf32, #tpu.memory_space<vmem>>, %arg11: memref<128x128xf32, #tpu.memory_space<vmem>>, %arg12: memref<80x128xf32, #tpu.memory_space<vmem>>, %arg13: memref<10000x128xf32, #tpu.memory_space<vmem_shared>>, %arg14: memref<4x!tpu.dma_semaphore, #tpu.memory_space<semaphore_mem>>, %arg15: memref<2x!tpu.dma_semaphore, #tpu.memory_space<semaphore_mem>>, %arg16: memref<2x!tpu.dma_semaphore, #tpu.memory_space<semaphore_mem>>, %arg17: memref<!tpu.dma_semaphore, #tpu.memory_space<semaphore_mem>>) attributes {dimension_semantics = [#tpu.dimension_semantics<core_parallel>, #tpu.dimension_semantics<subcore_parallel>], iteration_bounds = array<i64: 2, 16>, scalar_prefetch = 0 : i64, scratch_operands = 11 : i64, tpu.core_type = #tpu.core_type<sc_vector_subcore>, window_params = [{transform_indices = #map}, {transform_indices = #map1}, {transform_indices = #map1}, {transform_indices = #map1}, {transform_indices = #map2}]} {
    %mul3A = arith.constant 2 : i32
    %mul3A_0 = arith.muli %arg1, %mul3A : i32
    %add3A = arith.addi %mul3A_0, %arg0 : i32
    %scan3A = arith.constant 0 : i32
    %scan3A_1 = arith.constant 80 : i32
    %scan3A_2 = arith.addi %scan3A, %scan3A_1 : i32
    %scan3A_3 = arith.constant 1 : i32
    scf.for %scan3A_216 = %scan3A to %scan3A_2 step %scan3A_3  : i32 {
      %mul3A_217 = arith.constant 1 : i32
      %mul3A_218 = arith.muli %scan3A_216, %mul3A_217 : i32
      %add3A_219 = arith.constant 0 : i32
      %add3A_220 = arith.addi %add3A_219, %mul3A_218 : i32
      %scan3A_221 = arith.constant 0 : i32
      %scan3A_222 = arith.constant 8 : i32
      %scan3A_223 = arith.addi %scan3A_221, %scan3A_222 : i32
      %scan3A_224 = arith.constant 1 : i32
      scf.for %scan3A_226 = %scan3A_221 to %scan3A_223 step %scan3A_224  : i32 {
        %mul3A_227 = arith.constant 1 : i32
        %mul3A_228 = arith.muli %scan3A_226, %mul3A_227 : i32
        %add3A_229 = arith.constant 0 : i32
        %add3A_230 = arith.addi %add3A_229, %mul3A_228 : i32
        %broadcast_in_dim3A = arith.constant 0.000000e+00 : f32
        %broadcast_in_dim3A_231 = vector.broadcast %broadcast_in_dim3A : f32 to vector<16xf32>
        %mul3A_232 = arith.constant 16 : i32
        %mul3A_233 = arith.muli %add3A_230, %mul3A_232 : i32
        %swap3A = arith.index_cast %add3A_220 : i32 to index
        %swap3A_234 = arith.index_cast %mul3A_233 : i32 to index
        %swap3A_235 = tpu.vector_load %arg12[%swap3A, %swap3A_234] {strides = array<i32>} : memref<80x128xf32, #tpu.memory_space<vmem>>, vector<1x16xf32>,
        %swap3A_236 = vector.shape_cast %swap3A_235 : vector<1x16xf32> to vector<16xf32>
        %swap3A_237 = vector.shape_cast %broadcast_in_dim3A_231 : vector<16xf32> to vector<1x16xf32>
        tpu.vector_store %arg12[%swap3A, %swap3A_234], %swap3A_237 {strides = array<i32>} : memref<80x128xf32, #tpu.memory_space<vmem>>, vector<1x16xf32>,
      }
      %scan3A_225 = arith.constant 8 : i32
    }
    %scan3A_4 = arith.constant 80 : i32
    %sub3A = arith.constant 125 : i32
    %sub3A_5 = arith.subi %sub3A, %arg1 : i32
    %sub3A_6 = arith.constant 16 : i32
    %sub3A_7 = arith.constant 1 : i32
    %sub3A_8 = arith.subi %sub3A_6, %sub3A_7 : i32
    %add3A_9 = arith.addi %sub3A_5, %sub3A_8 : i32
    %div3A = arith.constant 16 : i32
    %div3A_10 = arith.divsi %add3A_9, %div3A : i32
    %while3A = arith.constant 16 : i32
    %while3A_11 = arith.constant 0 : i32
    %while3A_12 = arith.subi %div3A_10, %while3A_11 : i32
    %while3A_13 = arith.addi %while3A_11, %while3A_12 : i32
    %while3A_14 = arith.constant 1 : i32
    %while3A_15 = arith.divsi %while3A_12, %while3A_14 : i32
    %while3A_16 = arith.muli %while3A_15, %while3A_14 : i32
    %while3A_17 = arith.addi %while3A_11, %while3A_16 : i32
    %while3A_18 = arith.constant 1 : i32
    scf.for %while3A_216 = %while3A_11 to %while3A_17 step %while3A_18  : i32 {
      %mul3A_217 = arith.muli %while3A_216, %while3A : i32
      %add3A_218 = arith.addi %arg1, %mul3A_217 : i32
      %mul3A_219 = arith.constant 80 : i32
      %mul3A_220 = arith.muli %add3A_218, %mul3A_219 : i32
      %dma_start3A_221 = arith.constant 0 : i32
      %dma_start3A_222 = tpu.memref_slice %arg13[%mul3A_220, %dma_start3A_221] : memref<10000x128xf32, #tpu.memory_space<vmem_shared>> -> memref<80x128xf32, #tpu.memory_space<vmem_shared>>
      %dma_start3A_223 = arith.constant 0 : i32
      %dma_start3A_224 = tpu.memref_slice %arg13[%mul3A_220, %dma_start3A_223] : memref<10000x128xf32, #tpu.memory_space<vmem_shared>> -> memref<80x128xf32, #tpu.memory_space<vmem_shared>>
      tpu.enqueue_dma source(%arg12 : memref<80x128xf32, #tpu.memory_space<vmem>>) target(%dma_start3A_224 : memref<80x128xf32, #tpu.memory_space<vmem_shared>>) target_semaphore(%arg17 : memref<!tpu.dma_semaphore, #tpu.memory_space<semaphore_mem>>)
    }
    %while3A_19 = arith.constant 1 : i32
    scf.for %while3A_216 = %while3A_17 to %while3A_13 step %while3A_19  : i32 {
      %mul3A_217 = arith.muli %while3A_216, %while3A : i32
      %add3A_218 = arith.addi %arg1, %mul3A_217 : i32
      %mul3A_219 = arith.constant 80 : i32
      %mul3A_220 = arith.muli %add3A_218, %mul3A_219 : i32
      %dma_start3A_221 = arith.constant 0 : i32
      %dma_start3A_222 = tpu.memref_slice %arg13[%mul3A_220, %dma_start3A_221] : memref<10000x128xf32, #tpu.memory_space<vmem_shared>> -> memref<80x128xf32, #tpu.memory_space<vmem_shared>>
      %dma_start3A_223 = arith.constant 0 : i32
      %dma_start3A_224 = tpu.memref_slice %arg13[%mul3A_220, %dma_start3A_223] : memref<10000x128xf32, #tpu.memory_space<vmem_shared>> -> memref<80x128xf32, #tpu.memory_space<vmem_shared>>
      tpu.enqueue_dma source(%arg12 : memref<80x128xf32, #tpu.memory_space<vmem>>) target(%dma_start3A_224 : memref<80x128xf32, #tpu.memory_space<vmem_shared>>) target_semaphore(%arg17 : memref<!tpu.dma_semaphore, #tpu.memory_space<semaphore_mem>>)
    }
    %sub3A_20 = arith.constant 125 : i32
    %sub3A_21 = arith.subi %sub3A_20, %arg1 : i32
    %sub3A_22 = arith.constant 16 : i32
    %sub3A_23 = arith.constant 1 : i32
    %sub3A_24 = arith.subi %sub3A_22, %sub3A_23 : i32
    %add3A_25 = arith.addi %sub3A_21, %sub3A_24 : i32
    %div3A_26 = arith.constant 16 : i32
    %div3A_27 = arith.divsi %add3A_25, %div3A_26 : i32
    %while3A_28 = arith.constant 16 : i32
    %while3A_29 = arith.constant 0 : i32
    %while3A_30 = arith.subi %div3A_27, %while3A_29 : i32
    %while3A_31 = arith.addi %while3A_29, %while3A_30 : i32
    %while3A_32 = arith.constant 1 : i32
    %while3A_33 = arith.divsi %while3A_30, %while3A_32 : i32
    %while3A_34 = arith.muli %while3A_33, %while3A_32 : i32
    %while3A_35 = arith.addi %while3A_29, %while3A_34 : i32
    %while3A_36 = arith.constant 1 : i32
    scf.for %while3A_216 = %while3A_29 to %while3A_35 step %while3A_36  : i32 {
      %mul3A_217 = arith.muli %while3A_216, %while3A_28 : i32
      %add3A_218 = arith.addi %arg1, %mul3A_217 : i32
      %mul3A_219 = arith.constant 80 : i32
      %mul3A_220 = arith.muli %add3A_218, %mul3A_219 : i32
      %dma_wait3A_221 = arith.constant 0 : i32
      %dma_wait3A_222 = tpu.memref_slice %arg13[%mul3A_220, %dma_wait3A_221] : memref<10000x128xf32, #tpu.memory_space<vmem_shared>> -> memref<80x128xf32, #tpu.memory_space<vmem_shared>>
      %dma_wait3A_223 = arith.constant 0 : i32
      %dma_wait3A_224 = tpu.memref_slice %arg13[%mul3A_220, %dma_wait3A_223] : memref<10000x128xf32, #tpu.memory_space<vmem_shared>> -> memref<80x128xf32, #tpu.memory_space<vmem_shared>>
      tpu.wait_dma2 semaphore(%arg17 : memref<!tpu.dma_semaphore, #tpu.memory_space<semaphore_mem>>) src(%arg12 : memref<80x128xf32, #tpu.memory_space<vmem>>) dst(%dma_wait3A_224 : memref<80x128xf32, #tpu.memory_space<vmem_shared>>)
    }
    %while3A_37 = arith.constant 1 : i32
    scf.for %while3A_216 = %while3A_35 to %while3A_31 step %while3A_37  : i32 {
      %mul3A_217 = arith.muli %while3A_216, %while3A_28 : i32
      %add3A_218 = arith.addi %arg1, %mul3A_217 : i32
      %mul3A_219 = arith.constant 80 : i32
      %mul3A_220 = arith.muli %add3A_218, %mul3A_219 : i32
      %dma_wait3A_221 = arith.constant 0 : i32
      %dma_wait3A_222 = tpu.memref_slice %arg13[%mul3A_220, %dma_wait3A_221] : memref<10000x128xf32, #tpu.memory_space<vmem_shared>> -> memref<80x128xf32, #tpu.memory_space<vmem_shared>>
      %dma_wait3A_223 = arith.constant 0 : i32
      %dma_wait3A_224 = tpu.memref_slice %arg13[%mul3A_220, %dma_wait3A_223] : memref<10000x128xf32, #tpu.memory_space<vmem_shared>> -> memref<80x128xf32, #tpu.memory_space<vmem_shared>>
      tpu.wait_dma2 semaphore(%arg17 : memref<!tpu.dma_semaphore, #tpu.memory_space<semaphore_mem>>) src(%arg12 : memref<80x128xf32, #tpu.memory_space<vmem>>) dst(%dma_wait3A_224 : memref<80x128xf32, #tpu.memory_space<vmem_shared>>)
    }
    %barrier3A = arith.constant 0 : index
    tpu.barrier barrier_id(%barrier3A)
    %mul3A_38 = arith.constant 80 : i32
    %mul3A_39 = arith.muli %add3A, %mul3A_38 : i32
    %rem3A = arith.constant 0 : i32
    %rem3A_40 = arith.constant 4 : i32
    %rem3A_41 = arith.remsi %rem3A, %rem3A_40 : i32
    %add3A_42 = arith.constant 0 : i32
    %add3A_43 = arith.addi %mul3A_39, %add3A_42 : i32
    %mul3A_44 = arith.constant 128 : i32
    %mul3A_45 = arith.muli %add3A_43, %mul3A_44 : i32
    %dma_start3A = arith.constant 0 : i32
    %dma_start3A_46 = tpu.memref_slice %arg7[%rem3A_41, %dma_start3A] : memref<4x128xi32, #tpu.memory_space<vmem>> -> memref<1x128xi32, #tpu.memory_space<vmem>>
    %dma_start3A_47 = tpu.memref_squeeze %dma_start3A_46 : memref<1x128xi32, #tpu.memory_space<vmem>> -> memref<128xi32, #tpu.memory_space<vmem>>
    %dma_start3A_48 = tpu.memref_slice %arg3[%mul3A_45] : memref<327680xi32, #tpu.memory_space<hbm>> -> memref<128xi32, #tpu.memory_space<hbm>>
    %dma_start3A_49 = tpu.memref_slice %arg14[%rem3A_41] : memref<4x!tpu.dma_semaphore, #tpu.memory_space<semaphore_mem>> -> memref<1x!tpu.dma_semaphore, #tpu.memory_space<semaphore_mem>>
    %dma_start3A_50 = tpu.memref_squeeze %dma_start3A_49 : memref<1x!tpu.dma_semaphore, #tpu.memory_space<semaphore_mem>> -> memref<!tpu.dma_semaphore, #tpu.memory_space<semaphore_mem>>
    %dma_start3A_51 = arith.constant 0 : i32
    %dma_start3A_52 = tpu.memref_slice %arg7[%rem3A_41, %dma_start3A_51] : memref<4x128xi32, #tpu.memory_space<vmem>> -> memref<1x128xi32, #tpu.memory_space<vmem>>
    %dma_start3A_53 = tpu.memref_squeeze %dma_start3A_52 : memref<1x128xi32, #tpu.memory_space<vmem>> -> memref<128xi32, #tpu.memory_space<vmem>>
    %dma_start3A_54 = tpu.memref_slice %arg3[%mul3A_45] : memref<327680xi32, #tpu.memory_space<hbm>> -> memref<128xi32, #tpu.memory_space<hbm>>
    tpu.enqueue_dma source(%dma_start3A_54 : memref<128xi32, #tpu.memory_space<hbm>>) target(%dma_start3A_53 : memref<128xi32, #tpu.memory_space<vmem>>) target_semaphore(%dma_start3A_50 : memref<!tpu.dma_semaphore, #tpu.memory_space<semaphore_mem>>)
    %dma_start3A_55 = arith.constant 0 : i32
    %dma_start3A_56 = tpu.memref_slice %arg8[%rem3A_41, %dma_start3A_55] : memref<4x128xi32, #tpu.memory_space<vmem>> -> memref<1x128xi32, #tpu.memory_space<vmem>>
    %dma_start3A_57 = tpu.memref_squeeze %dma_start3A_56 : memref<1x128xi32, #tpu.memory_space<vmem>> -> memref<128xi32, #tpu.memory_space<vmem>>
    %dma_start3A_58 = tpu.memref_slice %arg4[%mul3A_45] : memref<327680xi32, #tpu.memory_space<hbm>> -> memref<128xi32, #tpu.memory_space<hbm>>
    %dma_start3A_59 = tpu.memref_slice %arg14[%rem3A_41] : memref<4x!tpu.dma_semaphore, #tpu.memory_space<semaphore_mem>> -> memref<1x!tpu.dma_semaphore, #tpu.memory_space<semaphore_mem>>
    %dma_start3A_60 = tpu.memref_squeeze %dma_start3A_59 : memref<1x!tpu.dma_semaphore, #tpu.memory_space<semaphore_mem>> -> memref<!tpu.dma_semaphore, #tpu.memory_space<semaphore_mem>>
    %dma_start3A_61 = arith.constant 0 : i32
    %dma_start3A_62 = tpu.memref_slice %arg8[%rem3A_41, %dma_start3A_61] : memref<4x128xi32, #tpu.memory_space<vmem>> -> memref<1x128xi32, #tpu.memory_space<vmem>>
    %dma_start3A_63 = tpu.memref_squeeze %dma_start3A_62 : memref<1x128xi32, #tpu.memory_space<vmem>> -> memref<128xi32, #tpu.memory_space<vmem>>
    %dma_start3A_64 = tpu.memref_slice %arg4[%mul3A_45] : memref<327680xi32, #tpu.memory_space<hbm>> -> memref<128xi32, #tpu.memory_space<hbm>>
    tpu.enqueue_dma source(%dma_start3A_64 : memref<128xi32, #tpu.memory_space<hbm>>) target(%dma_start3A_63 : memref<128xi32, #tpu.memory_space<vmem>>) target_semaphore(%dma_start3A_60 : memref<!tpu.dma_semaphore, #tpu.memory_space<semaphore_mem>>)
    %dma_start3A_65 = arith.constant 0 : i32
    %dma_start3A_66 = tpu.memref_slice %arg9[%rem3A_41, %dma_start3A_65] : memref<4x128xf32, #tpu.memory_space<vmem>> -> memref<1x128xf32, #tpu.memory_space<vmem>>
    %dma_start3A_67 = tpu.memref_squeeze %dma_start3A_66 : memref<1x128xf32, #tpu.memory_space<vmem>> -> memref<128xf32, #tpu.memory_space<vmem>>
    %dma_start3A_68 = tpu.memref_slice %arg5[%mul3A_45] : memref<327680xf32, #tpu.memory_space<hbm>> -> memref<128xf32, #tpu.memory_space<hbm>>
    %dma_start3A_69 = tpu.memref_slice %arg14[%rem3A_41] : memref<4x!tpu.dma_semaphore, #tpu.memory_space<semaphore_mem>> -> memref<1x!tpu.dma_semaphore, #tpu.memory_space<semaphore_mem>>
    %dma_start3A_70 = tpu.memref_squeeze %dma_start3A_69 : memref<1x!tpu.dma_semaphore, #tpu.memory_space<semaphore_mem>> -> memref<!tpu.dma_semaphore, #tpu.memory_space<semaphore_mem>>
    %dma_start3A_71 = arith.constant 0 : i32
    %dma_start3A_72 = tpu.memref_slice %arg9[%rem3A_41, %dma_start3A_71] : memref<4x128xf32, #tpu.memory_space<vmem>> -> memref<1x128xf32, #tpu.memory_space<vmem>>
    %dma_start3A_73 = tpu.memref_squeeze %dma_start3A_72 : memref<1x128xf32, #tpu.memory_space<vmem>> -> memref<128xf32, #tpu.memory_space<vmem>>
    %dma_start3A_74 = tpu.memref_slice %arg5[%mul3A_45] : memref<327680xf32, #tpu.memory_space<hbm>> -> memref<128xf32, #tpu.memory_space<hbm>>
    tpu.enqueue_dma source(%dma_start3A_74 : memref<128xf32, #tpu.memory_space<hbm>>) target(%dma_start3A_73 : memref<128xf32, #tpu.memory_space<vmem>>) target_semaphore(%dma_start3A_70 : memref<!tpu.dma_semaphore, #tpu.memory_space<semaphore_mem>>)
    %rem3A_75 = arith.constant 1 : i32
    %rem3A_76 = arith.constant 4 : i32
    %rem3A_77 = arith.remsi %rem3A_75, %rem3A_76 : i32
    %add3A_78 = arith.constant 1 : i32
    %add3A_79 = arith.addi %mul3A_39, %add3A_78 : i32
    %mul3A_80 = arith.constant 128 : i32
    %mul3A_81 = arith.muli %add3A_79, %mul3A_80 : i32
    %dma_start3A_82 = arith.constant 0 : i32
    %dma_start3A_83 = tpu.memref_slice %arg7[%rem3A_77, %dma_start3A_82] : memref<4x128xi32, #tpu.memory_space<vmem>> -> memref<1x128xi32, #tpu.memory_space<vmem>>
    %dma_start3A_84 = tpu.memref_squeeze %dma_start3A_83 : memref<1x128xi32, #tpu.memory_space<vmem>> -> memref<128xi32, #tpu.memory_space<vmem>>
    %dma_start3A_85 = tpu.memref_slice %arg3[%mul3A_81] : memref<327680xi32, #tpu.memory_space<hbm>> -> memref<128xi32, #tpu.memory_space<hbm>>
    %dma_start3A_86 = tpu.memref_slice %arg14[%rem3A_77] : memref<4x!tpu.dma_semaphore, #tpu.memory_space<semaphore_mem>> -> memref<1x!tpu.dma_semaphore, #tpu.memory_space<semaphore_mem>>
    %dma_start3A_87 = tpu.memref_squeeze %dma_start3A_86 : memref<1x!tpu.dma_semaphore, #tpu.memory_space<semaphore_mem>> -> memref<!tpu.dma_semaphore, #tpu.memory_space<semaphore_mem>>
    %dma_start3A_88 = arith.constant 0 : i32
    %dma_start3A_89 = tpu.memref_slice %arg7[%rem3A_77, %dma_start3A_88] : memref<4x128xi32, #tpu.memory_space<vmem>> -> memref<1x128xi32, #tpu.memory_space<vmem>>
    %dma_start3A_90 = tpu.memref_squeeze %dma_start3A_89 : memref<1x128xi32, #tpu.memory_space<vmem>> -> memref<128xi32, #tpu.memory_space<vmem>>
    %dma_start3A_91 = tpu.memref_slice %arg3[%mul3A_81] : memref<327680xi32, #tpu.memory_space<hbm>> -> memref<128xi32, #tpu.memory_space<hbm>>
    tpu.enqueue_dma source(%dma_start3A_91 : memref<128xi32, #tpu.memory_space<hbm>>) target(%dma_start3A_90 : memref<128xi32, #tpu.memory_space<vmem>>) target_semaphore(%dma_start3A_87 : memref<!tpu.dma_semaphore, #tpu.memory_space<semaphore_mem>>)
    %dma_start3A_92 = arith.constant 0 : i32
    %dma_start3A_93 = tpu.memref_slice %arg8[%rem3A_77, %dma_start3A_92] : memref<4x128xi32, #tpu.memory_space<vmem>> -> memref<1x128xi32, #tpu.memory_space<vmem>>
    %dma_start3A_94 = tpu.memref_squeeze %dma_start3A_93 : memref<1x128xi32, #tpu.memory_space<vmem>> -> memref<128xi32, #tpu.memory_space<vmem>>
    %dma_start3A_95 = tpu.memref_slice %arg4[%mul3A_81] : memref<327680xi32, #tpu.memory_space<hbm>> -> memref<128xi32, #tpu.memory_space<hbm>>
    %dma_start3A_96 = tpu.memref_slice %arg14[%rem3A_77] : memref<4x!tpu.dma_semaphore, #tpu.memory_space<semaphore_mem>> -> memref<1x!tpu.dma_semaphore, #tpu.memory_space<semaphore_mem>>
    %dma_start3A_97 = tpu.memref_squeeze %dma_start3A_96 : memref<1x!tpu.dma_semaphore, #tpu.memory_space<semaphore_mem>> -> memref<!tpu.dma_semaphore, #tpu.memory_space<semaphore_mem>>
    %dma_start3A_98 = arith.constant 0 : i32
    %dma_start3A_99 = tpu.memref_slice %arg8[%rem3A_77, %dma_start3A_98] : memref<4x128xi32, #tpu.memory_space<vmem>> -> memref<1x128xi32, #tpu.memory_space<vmem>>
    %dma_start3A_100 = tpu.memref_squeeze %dma_start3A_99 : memref<1x128xi32, #tpu.memory_space<vmem>> -> memref<128xi32, #tpu.memory_space<vmem>>
    %dma_start3A_101 = tpu.memref_slice %arg4[%mul3A_81] : memref<327680xi32, #tpu.memory_space<hbm>> -> memref<128xi32, #tpu.memory_space<hbm>>
    tpu.enqueue_dma source(%dma_start3A_101 : memref<128xi32, #tpu.memory_space<hbm>>) target(%dma_start3A_100 : memref<128xi32, #tpu.memory_space<vmem>>) target_semaphore(%dma_start3A_97 : memref<!tpu.dma_semaphore, #tpu.memory_space<semaphore_mem>>)
    %dma_start3A_102 = arith.constant 0 : i32
    %dma_start3A_103 = tpu.memref_slice %arg9[%rem3A_77, %dma_start3A_102] : memref<4x128xf32, #tpu.memory_space<vmem>> -> memref<1x128xf32, #tpu.memory_space<vmem>>
    %dma_start3A_104 = tpu.memref_squeeze %dma_start3A_103 : memref<1x128xf32, #tpu.memory_space<vmem>> -> memref<128xf32, #tpu.memory_space<vmem>>
    %dma_start3A_105 = tpu.memref_slice %arg5[%mul3A_81] : memref<327680xf32, #tpu.memory_space<hbm>> -> memref<128xf32, #tpu.memory_space<hbm>>
    %dma_start3A_106 = tpu.memref_slice %arg14[%rem3A_77] : memref<4x!tpu.dma_semaphore, #tpu.memory_space<semaphore_mem>> -> memref<1x!tpu.dma_semaphore, #tpu.memory_space<semaphore_mem>>
    %dma_start3A_107 = tpu.memref_squeeze %dma_start3A_106 : memref<1x!tpu.dma_semaphore, #tpu.memory_space<semaphore_mem>> -> memref<!tpu.dma_semaphore, #tpu.memory_space<semaphore_mem>>
    %dma_start3A_108 = arith.constant 0 : i32
    %dma_start3A_109 = tpu.memref_slice %arg9[%rem3A_77, %dma_start3A_108] : memref<4x128xf32, #tpu.memory_space<vmem>> -> memref<1x128xf32, #tpu.memory_space<vmem>>
    %dma_start3A_110 = tpu.memref_squeeze %dma_start3A_109 : memref<1x128xf32, #tpu.memory_space<vmem>> -> memref<128xf32, #tpu.memory_space<vmem>>
    %dma_start3A_111 = tpu.memref_slice %arg5[%mul3A_81] : memref<327680xf32, #tpu.memory_space<hbm>> -> memref<128xf32, #tpu.memory_space<hbm>>
    tpu.enqueue_dma source(%dma_start3A_111 : memref<128xf32, #tpu.memory_space<hbm>>) target(%dma_start3A_110 : memref<128xf32, #tpu.memory_space<vmem>>) target_semaphore(%dma_start3A_107 : memref<!tpu.dma_semaphore, #tpu.memory_space<semaphore_mem>>)
    %rem3A_112 = arith.constant 0 : i32
    %rem3A_113 = arith.constant 4 : i32
    %rem3A_114 = arith.remsi %rem3A_112, %rem3A_113 : i32
    %dma_wait3A = arith.constant 0 : i32
    %dma_wait3A_115 = tpu.memref_slice %arg7[%rem3A_114, %dma_wait3A] : memref<4x128xi32, #tpu.memory_space<vmem>> -> memref<1x128xi32, #tpu.memory_space<vmem>>
    %dma_wait3A_116 = tpu.memref_squeeze %dma_wait3A_115 : memref<1x128xi32, #tpu.memory_space<vmem>> -> memref<128xi32, #tpu.memory_space<vmem>>
    %dma_wait3A_117 = arith.constant 0 : i32
    %dma_wait3A_118 = tpu.memref_slice %arg3[%dma_wait3A_117] : memref<327680xi32, #tpu.memory_space<hbm>> -> memref<128xi32, #tpu.memory_space<hbm>>
    %dma_wait3A_119 = tpu.memref_slice %arg14[%rem3A_114] : memref<4x!tpu.dma_semaphore, #tpu.memory_space<semaphore_mem>> -> memref<1x!tpu.dma_semaphore, #tpu.memory_space<semaphore_mem>>
    %dma_wait3A_120 = tpu.memref_squeeze %dma_wait3A_119 : memref<1x!tpu.dma_semaphore, #tpu.memory_space<semaphore_mem>> -> memref<!tpu.dma_semaphore, #tpu.memory_space<semaphore_mem>>
    %dma_wait3A_121 = arith.constant 0 : i32
    %dma_wait3A_122 = tpu.memref_slice %arg7[%rem3A_114, %dma_wait3A_121] : memref<4x128xi32, #tpu.memory_space<vmem>> -> memref<1x128xi32, #tpu.memory_space<vmem>>
    %dma_wait3A_123 = tpu.memref_squeeze %dma_wait3A_122 : memref<1x128xi32, #tpu.memory_space<vmem>> -> memref<128xi32, #tpu.memory_space<vmem>>
    %dma_wait3A_124 = arith.constant 0 : i32
    %dma_wait3A_125 = tpu.memref_slice %arg3[%dma_wait3A_124] : memref<327680xi32, #tpu.memory_space<hbm>> -> memref<128xi32, #tpu.memory_space<hbm>>
    tpu.wait_dma2 semaphore(%dma_wait3A_120 : memref<!tpu.dma_semaphore, #tpu.memory_space<semaphore_mem>>) src(%dma_wait3A_125 : memref<128xi32, #tpu.memory_space<hbm>>) dst(%dma_wait3A_123 : memref<128xi32, #tpu.memory_space<vmem>>)
    %dma_wait3A_126 = arith.constant 0 : i32
    %dma_wait3A_127 = tpu.memref_slice %arg8[%rem3A_114, %dma_wait3A_126] : memref<4x128xi32, #tpu.memory_space<vmem>> -> memref<1x128xi32, #tpu.memory_space<vmem>>
    %dma_wait3A_128 = tpu.memref_squeeze %dma_wait3A_127 : memref<1x128xi32, #tpu.memory_space<vmem>> -> memref<128xi32, #tpu.memory_space<vmem>>
    %dma_wait3A_129 = arith.constant 0 : i32
    %dma_wait3A_130 = tpu.memref_slice %arg4[%dma_wait3A_129] : memref<327680xi32, #tpu.memory_space<hbm>> -> memref<128xi32, #tpu.memory_space<hbm>>
    %dma_wait3A_131 = tpu.memref_slice %arg14[%rem3A_114] : memref<4x!tpu.dma_semaphore, #tpu.memory_space<semaphore_mem>> -> memref<1x!tpu.dma_semaphore, #tpu.memory_space<semaphore_mem>>
    %dma_wait3A_132 = tpu.memref_squeeze %dma_wait3A_131 : memref<1x!tpu.dma_semaphore, #tpu.memory_space<semaphore_mem>> -> memref<!tpu.dma_semaphore, #tpu.memory_space<semaphore_mem>>
    %dma_wait3A_133 = arith.constant 0 : i32
    %dma_wait3A_134 = tpu.memref_slice %arg8[%rem3A_114, %dma_wait3A_133] : memref<4x128xi32, #tpu.memory_space<vmem>> -> memref<1x128xi32, #tpu.memory_space<vmem>>
    %dma_wait3A_135 = tpu.memref_squeeze %dma_wait3A_134 : memref<1x128xi32, #tpu.memory_space<vmem>> -> memref<128xi32, #tpu.memory_space<vmem>>
    %dma_wait3A_136 = arith.constant 0 : i32
    %dma_wait3A_137 = tpu.memref_slice %arg4[%dma_wait3A_136] : memref<327680xi32, #tpu.memory_space<hbm>> -> memref<128xi32, #tpu.memory_space<hbm>>
    tpu.wait_dma2 semaphore(%dma_wait3A_132 : memref<!tpu.dma_semaphore, #tpu.memory_space<semaphore_mem>>) src(%dma_wait3A_137 : memref<128xi32, #tpu.memory_space<hbm>>) dst(%dma_wait3A_135 : memref<128xi32, #tpu.memory_space<vmem>>)
    %dma_wait3A_138 = arith.constant 0 : i32
    %dma_wait3A_139 = tpu.memref_slice %arg9[%rem3A_114, %dma_wait3A_138] : memref<4x128xf32, #tpu.memory_space<vmem>> -> memref<1x128xf32, #tpu.memory_space<vmem>>
    %dma_wait3A_140 = tpu.memref_squeeze %dma_wait3A_139 : memref<1x128xf32, #tpu.memory_space<vmem>> -> memref<128xf32, #tpu.memory_space<vmem>>
    %dma_wait3A_141 = arith.constant 0 : i32
    %dma_wait3A_142 = tpu.memref_slice %arg5[%dma_wait3A_141] : memref<327680xf32, #tpu.memory_space<hbm>> -> memref<128xf32, #tpu.memory_space<hbm>>
    %dma_wait3A_143 = tpu.memref_slice %arg14[%rem3A_114] : memref<4x!tpu.dma_semaphore, #tpu.memory_space<semaphore_mem>> -> memref<1x!tpu.dma_semaphore, #tpu.memory_space<semaphore_mem>>
    %dma_wait3A_144 = tpu.memref_squeeze %dma_wait3A_143 : memref<1x!tpu.dma_semaphore, #tpu.memory_space<semaphore_mem>> -> memref<!tpu.dma_semaphore, #tpu.memory_space<semaphore_mem>>
    %dma_wait3A_145 = arith.constant 0 : i32
    %dma_wait3A_146 = tpu.memref_slice %arg9[%rem3A_114, %dma_wait3A_145] : memref<4x128xf32, #tpu.memory_space<vmem>> -> memref<1x128xf32, #tpu.memory_space<vmem>>
    %dma_wait3A_147 = tpu.memref_squeeze %dma_wait3A_146 : memref<1x128xf32, #tpu.memory_space<vmem>> -> memref<128xf32, #tpu.memory_space<vmem>>
    %dma_wait3A_148 = arith.constant 0 : i32
    %dma_wait3A_149 = tpu.memref_slice %arg5[%dma_wait3A_148] : memref<327680xf32, #tpu.memory_space<hbm>> -> memref<128xf32, #tpu.memory_space<hbm>>
    tpu.wait_dma2 semaphore(%dma_wait3A_144 : memref<!tpu.dma_semaphore, #tpu.memory_space<semaphore_mem>>) src(%dma_wait3A_149 : memref<128xf32, #tpu.memory_space<hbm>>) dst(%dma_wait3A_147 : memref<128xf32, #tpu.memory_space<vmem>>)
    %rem3A_150 = arith.constant 0 : i32
    %rem3A_151 = arith.constant 4 : i32
    %rem3A_152 = arith.remsi %rem3A_150, %rem3A_151 : i32
    %dma_start3A_153 = arith.constant 0 : i32
    %dma_start3A_154 = arith.constant 0 : i32
    %dma_start3A_155 = tpu.memref_slice %arg7[%rem3A_152, %dma_start3A_154] : memref<4x128xi32, #tpu.memory_space<vmem>> -> memref<1x128xi32, #tpu.memory_space<vmem>>
    %dma_start3A_156 = tpu.memref_squeeze %dma_start3A_155 : memref<1x128xi32, #tpu.memory_space<vmem>> -> memref<128xi32, #tpu.memory_space<vmem>>
    %dma_start3A_157 = arith.constant 0 : i32
    %dma_start3A_158 = arith.constant 0 : i32
    %dma_start3A_159 = tpu.memref_slice %arg2[%dma_start3A_157, %dma_start3A_158] : memref<10000x128xf32, #tpu.memory_space<hbm>> -> memref<10000x128xf32, #tpu.memory_space<hbm>>
    %dma_start3A_160 = tpu.memref_slice %arg15[%dma_start3A_153] : memref<2x!tpu.dma_semaphore, #tpu.memory_space<semaphore_mem>> -> memref<1x!tpu.dma_semaphore, #tpu.memory_space<semaphore_mem>>
    %dma_start3A_161 = tpu.memref_squeeze %dma_start3A_160 : memref<1x!tpu.dma_semaphore, #tpu.memory_space<semaphore_mem>> -> memref<!tpu.dma_semaphore, #tpu.memory_space<semaphore_mem>>
    tpu.enqueue_indirect_dma source(%dma_start3A_159 : memref<10000x128xf32, #tpu.memory_space<hbm>>) target(%arg10 : memref<128x128xf32, #tpu.memory_space<vmem>>) offsets(%dma_start3A_156 : memref<128xi32, #tpu.memory_space<vmem>>) semaphore(%dma_start3A_161 : memref<!tpu.dma_semaphore, #tpu.memory_space<semaphore_mem>>)
    %scan3A_162 = arith.constant 0 : i32
    %scan3A_163 = arith.constant 40 : i32
    %scan3A_164 = arith.addi %scan3A_162, %scan3A_163 : i32
    %scan3A_165 = arith.constant 1 : i32
    scf.for %scan3A_216 = %scan3A_162 to %scan3A_164 step %scan3A_165  : i32 {
      %mul3A_217 = arith.constant 1 : i32
      %mul3A_218 = arith.muli %scan3A_216, %mul3A_217 : i32
      %add3A_219 = arith.constant 0 : i32
      %add3A_220 = arith.addi %add3A_219, %mul3A_218 : i32
      %mul3A_221 = arith.constant 2 : i32
      %mul3A_222 = arith.muli %add3A_220, %mul3A_221 : i32
      %add3A_223 = arith.constant 0 : i32
      %add3A_224 = arith.addi %mul3A_222, %add3A_223 : i32
      %rem3A_225 = arith.constant 4 : i32
      %rem3A_226 = arith.remsi %add3A_224, %rem3A_225 : i32
      %dma_wait3A_227 = arith.constant 0 : i32
      %dma_wait3A_228 = arith.constant 0 : i32
      %dma_wait3A_229 = tpu.memref_slice %arg7[%rem3A_226, %dma_wait3A_228] : memref<4x128xi32, #tpu.memory_space<vmem>> -> memref<1x128xi32, #tpu.memory_space<vmem>>
      %dma_wait3A_230 = tpu.memref_squeeze %dma_wait3A_229 : memref<1x128xi32, #tpu.memory_space<vmem>> -> memref<128xi32, #tpu.memory_space<vmem>>
      %dma_wait3A_231 = arith.constant 0 : i32
      %dma_wait3A_232 = arith.constant 0 : i32
      %dma_wait3A_233 = tpu.memref_slice %arg2[%dma_wait3A_231, %dma_wait3A_232] : memref<10000x128xf32, #tpu.memory_space<hbm>> -> memref<10000x128xf32, #tpu.memory_space<hbm>>
      %dma_wait3A_234 = tpu.memref_slice %arg15[%dma_wait3A_227] : memref<2x!tpu.dma_semaphore, #tpu.memory_space<semaphore_mem>> -> memref<1x!tpu.dma_semaphore, #tpu.memory_space<semaphore_mem>>
      %dma_wait3A_235 = tpu.memref_squeeze %dma_wait3A_234 : memref<1x!tpu.dma_semaphore, #tpu.memory_space<semaphore_mem>> -> memref<!tpu.dma_semaphore, #tpu.memory_space<semaphore_mem>>
      tpu.wait_indirect_dma semaphore(%dma_wait3A_235 : memref<!tpu.dma_semaphore, #tpu.memory_space<semaphore_mem>>) src(%dma_wait3A_233 : memref<10000x128xf32, #tpu.memory_space<hbm>>) dst(%arg10 : memref<128x128xf32, #tpu.memory_space<vmem>>)
      %ge3A = arith.constant 1 : i32
      %ge3A_236 = arith.cmpi sge, %add3A_224, %ge3A : i32
      %convert_element_type3A = arith.extui %ge3A_236 : i1 to i32
      %cond3A = arith.constant 0 : i32
      %cond3A_237 = arith.cmpi ne, %convert_element_type3A, %cond3A : i32
      scf.if %cond3A_237 {
        %sub3A_321 = arith.constant 1 : i32
        %sub3A_322 = arith.subi %add3A_224, %sub3A_321 : i32
        %rem3A_323 = arith.constant 4 : i32
        %rem3A_324 = arith.remsi %sub3A_322, %rem3A_323 : i32
        %dma_wait3A_325 = arith.constant 1 : i32
        %dma_wait3A_326 = arith.constant 0 : i32
        %dma_wait3A_327 = tpu.memref_slice %arg8[%rem3A_324, %dma_wait3A_326] : memref<4x128xi32, #tpu.memory_space<vmem>> -> memref<1x128xi32, #tpu.memory_space<vmem>>
        %dma_wait3A_328 = tpu.memref_squeeze %dma_wait3A_327 : memref<1x128xi32, #tpu.memory_space<vmem>> -> memref<128xi32, #tpu.memory_space<vmem>>
        %dma_wait3A_329 = arith.constant 0 : i32
        %dma_wait3A_330 = arith.constant 0 : i32
        %dma_wait3A_331 = tpu.memref_slice %arg13[%dma_wait3A_329, %dma_wait3A_330] : memref<10000x128xf32, #tpu.memory_space<vmem_shared>> -> memref<10000x128xf32, #tpu.memory_space<vmem_shared>>
        %dma_wait3A_332 = tpu.memref_slice %arg16[%dma_wait3A_325] : memref<2x!tpu.dma_semaphore, #tpu.memory_space<semaphore_mem>> -> memref<1x!tpu.dma_semaphore, #tpu.memory_space<semaphore_mem>>
        %dma_wait3A_333 = tpu.memref_squeeze %dma_wait3A_332 : memref<1x!tpu.dma_semaphore, #tpu.memory_space<semaphore_mem>> -> memref<!tpu.dma_semaphore, #tpu.memory_space<semaphore_mem>>
        tpu.wait_indirect_dma semaphore(%dma_wait3A_333 : memref<!tpu.dma_semaphore, #tpu.memory_space<semaphore_mem>>) src(%arg11 : memref<128x128xf32, #tpu.memory_space<vmem>>) dst(%dma_wait3A_331 : memref<10000x128xf32, #tpu.memory_space<vmem_shared>>)
      } else {
      }
      %add3A_238 = arith.constant 2 : i32
      %add3A_239 = arith.addi %add3A_224, %add3A_238 : i32
      %lt3A = arith.constant 80 : i32
      %lt3A_240 = arith.cmpi slt, %add3A_239, %lt3A : i32
      %convert_element_type3A_241 = arith.extui %lt3A_240 : i1 to i32
      %cond3A_242 = arith.constant 0 : i32
      %cond3A_243 = arith.cmpi ne, %convert_element_type3A_241, %cond3A_242 : i32
      scf.if %cond3A_243 {
        %add3A_321 = arith.constant 2 : i32
        %add3A_322 = arith.addi %add3A_224, %add3A_321 : i32
        %rem3A_323 = arith.constant 4 : i32
        %rem3A_324 = arith.remsi %add3A_322, %rem3A_323 : i32
        %add3A_325 = arith.addi %mul3A_39, %add3A_322 : i32
        %mul3A_326 = arith.constant 128 : i32
        %mul3A_327 = arith.muli %add3A_325, %mul3A_326 : i32
        %dma_start3A_328 = arith.constant 0 : i32
        %dma_start3A_329 = tpu.memref_slice %arg7[%rem3A_324, %dma_start3A_328] : memref<4x128xi32, #tpu.memory_space<vmem>> -> memref<1x128xi32, #tpu.memory_space<vmem>>
        %dma_start3A_330 = tpu.memref_squeeze %dma_start3A_329 : memref<1x128xi32, #tpu.memory_space<vmem>> -> memref<128xi32, #tpu.memory_space<vmem>>
        %dma_start3A_331 = tpu.memref_slice %arg3[%mul3A_327] : memref<327680xi32, #tpu.memory_space<hbm>> -> memref<128xi32, #tpu.memory_space<hbm>>
        %dma_start3A_332 = tpu.memref_slice %arg14[%rem3A_324] : memref<4x!tpu.dma_semaphore, #tpu.memory_space<semaphore_mem>> -> memref<1x!tpu.dma_semaphore, #tpu.memory_space<semaphore_mem>>
        %dma_start3A_333 = tpu.memref_squeeze %dma_start3A_332 : memref<1x!tpu.dma_semaphore, #tpu.memory_space<semaphore_mem>> -> memref<!tpu.dma_semaphore, #tpu.memory_space<semaphore_mem>>
        %dma_start3A_334 = arith.constant 0 : i32
        %dma_start3A_335 = tpu.memref_slice %arg7[%rem3A_324, %dma_start3A_334] : memref<4x128xi32, #tpu.memory_space<vmem>> -> memref<1x128xi32, #tpu.memory_space<vmem>>
        %dma_start3A_336 = tpu.memref_squeeze %dma_start3A_335 : memref<1x128xi32, #tpu.memory_space<vmem>> -> memref<128xi32, #tpu.memory_space<vmem>>
        %dma_start3A_337 = tpu.memref_slice %arg3[%mul3A_327] : memref<327680xi32, #tpu.memory_space<hbm>> -> memref<128xi32, #tpu.memory_space<hbm>>
        tpu.enqueue_dma source(%dma_start3A_337 : memref<128xi32, #tpu.memory_space<hbm>>) target(%dma_start3A_336 : memref<128xi32, #tpu.memory_space<vmem>>) target_semaphore(%dma_start3A_333 : memref<!tpu.dma_semaphore, #tpu.memory_space<semaphore_mem>>)
        %dma_start3A_338 = arith.constant 0 : i32
        %dma_start3A_339 = tpu.memref_slice %arg8[%rem3A_324, %dma_start3A_338] : memref<4x128xi32, #tpu.memory_space<vmem>> -> memref<1x128xi32, #tpu.memory_space<vmem>>
        %dma_start3A_340 = tpu.memref_squeeze %dma_start3A_339 : memref<1x128xi32, #tpu.memory_space<vmem>> -> memref<128xi32, #tpu.memory_space<vmem>>
        %dma_start3A_341 = tpu.memref_slice %arg4[%mul3A_327] : memref<327680xi32, #tpu.memory_space<hbm>> -> memref<128xi32, #tpu.memory_space<hbm>>
        %dma_start3A_342 = tpu.memref_slice %arg14[%rem3A_324] : memref<4x!tpu.dma_semaphore, #tpu.memory_space<semaphore_mem>> -> memref<1x!tpu.dma_semaphore, #tpu.memory_space<semaphore_mem>>
        %dma_start3A_343 = tpu.memref_squeeze %dma_start3A_342 : memref<1x!tpu.dma_semaphore, #tpu.memory_space<semaphore_mem>> -> memref<!tpu.dma_semaphore, #tpu.memory_space<semaphore_mem>>
        %dma_start3A_344 = arith.constant 0 : i32
        %dma_start3A_345 = tpu.memref_slice %arg8[%rem3A_324, %dma_start3A_344] : memref<4x128xi32, #tpu.memory_space<vmem>> -> memref<1x128xi32, #tpu.memory_space<vmem>>
        %dma_start3A_346 = tpu.memref_squeeze %dma_start3A_345 : memref<1x128xi32, #tpu.memory_space<vmem>> -> memref<128xi32, #tpu.memory_space<vmem>>
        %dma_start3A_347 = tpu.memref_slice %arg4[%mul3A_327] : memref<327680xi32, #tpu.memory_space<hbm>> -> memref<128xi32, #tpu.memory_space<hbm>>
        tpu.enqueue_dma source(%dma_start3A_347 : memref<128xi32, #tpu.memory_space<hbm>>) target(%dma_start3A_346 : memref<128xi32, #tpu.memory_space<vmem>>) target_semaphore(%dma_start3A_343 : memref<!tpu.dma_semaphore, #tpu.memory_space<semaphore_mem>>)
        %dma_start3A_348 = arith.constant 0 : i32
        %dma_start3A_349 = tpu.memref_slice %arg9[%rem3A_324, %dma_start3A_348] : memref<4x128xf32, #tpu.memory_space<vmem>> -> memref<1x128xf32, #tpu.memory_space<vmem>>
        %dma_start3A_350 = tpu.memref_squeeze %dma_start3A_349 : memref<1x128xf32, #tpu.memory_space<vmem>> -> memref<128xf32, #tpu.memory_space<vmem>>
        %dma_start3A_351 = tpu.memref_slice %arg5[%mul3A_327] : memref<327680xf32, #tpu.memory_space<hbm>> -> memref<128xf32, #tpu.memory_space<hbm>>
        %dma_start3A_352 = tpu.memref_slice %arg14[%rem3A_324] : memref<4x!tpu.dma_semaphore, #tpu.memory_space<semaphore_mem>> -> memref<1x!tpu.dma_semaphore, #tpu.memory_space<semaphore_mem>>
        %dma_start3A_353 = tpu.memref_squeeze %dma_start3A_352 : memref<1x!tpu.dma_semaphore, #tpu.memory_space<semaphore_mem>> -> memref<!tpu.dma_semaphore, #tpu.memory_space<semaphore_mem>>
        %dma_start3A_354 = arith.constant 0 : i32
        %dma_start3A_355 = tpu.memref_slice %arg9[%rem3A_324, %dma_start3A_354] : memref<4x128xf32, #tpu.memory_space<vmem>> -> memref<1x128xf32, #tpu.memory_space<vmem>>
        %dma_start3A_356 = tpu.memref_squeeze %dma_start3A_355 : memref<1x128xf32, #tpu.memory_space<vmem>> -> memref<128xf32, #tpu.memory_space<vmem>>
        %dma_start3A_357 = tpu.memref_slice %arg5[%mul3A_327] : memref<327680xf32, #tpu.memory_space<hbm>> -> memref<128xf32, #tpu.memory_space<hbm>>
        tpu.enqueue_dma source(%dma_start3A_357 : memref<128xf32, #tpu.memory_space<hbm>>) target(%dma_start3A_356 : memref<128xf32, #tpu.memory_space<vmem>>) target_semaphore(%dma_start3A_353 : memref<!tpu.dma_semaphore, #tpu.memory_space<semaphore_mem>>)
      } else {
      }
      %add3A_244 = arith.constant 1 : i32
      %add3A_245 = arith.addi %add3A_224, %add3A_244 : i32
      %lt3A_246 = arith.constant 80 : i32
      %lt3A_247 = arith.cmpi slt, %add3A_245, %lt3A_246 : i32
      %convert_element_type3A_248 = arith.extui %lt3A_247 : i1 to i32
      %cond3A_249 = arith.constant 0 : i32
      %cond3A_250 = arith.cmpi ne, %convert_element_type3A_248, %cond3A_249 : i32
      scf.if %cond3A_250 {
        %add3A_321 = arith.constant 1 : i32
        %add3A_322 = arith.addi %add3A_224, %add3A_321 : i32
        %rem3A_323 = arith.constant 4 : i32
        %rem3A_324 = arith.remsi %add3A_322, %rem3A_323 : i32
        %dma_wait3A_325 = arith.constant 0 : i32
        %dma_wait3A_326 = tpu.memref_slice %arg7[%rem3A_324, %dma_wait3A_325] : memref<4x128xi32, #tpu.memory_space<vmem>> -> memref<1x128xi32, #tpu.memory_space<vmem>>
        %dma_wait3A_327 = tpu.memref_squeeze %dma_wait3A_326 : memref<1x128xi32, #tpu.memory_space<vmem>> -> memref<128xi32, #tpu.memory_space<vmem>>
        %dma_wait3A_328 = arith.constant 0 : i32
        %dma_wait3A_329 = tpu.memref_slice %arg3[%dma_wait3A_328] : memref<327680xi32, #tpu.memory_space<hbm>> -> memref<128xi32, #tpu.memory_space<hbm>>
        %dma_wait3A_330 = tpu.memref_slice %arg14[%rem3A_324] : memref<4x!tpu.dma_semaphore, #tpu.memory_space<semaphore_mem>> -> memref<1x!tpu.dma_semaphore, #tpu.memory_space<semaphore_mem>>
        %dma_wait3A_331 = tpu.memref_squeeze %dma_wait3A_330 : memref<1x!tpu.dma_semaphore, #tpu.memory_space<semaphore_mem>> -> memref<!tpu.dma_semaphore, #tpu.memory_space<semaphore_mem>>
        %dma_wait3A_332 = arith.constant 0 : i32
        %dma_wait3A_333 = tpu.memref_slice %arg7[%rem3A_324, %dma_wait3A_332] : memref<4x128xi32, #tpu.memory_space<vmem>> -> memref<1x128xi32, #tpu.memory_space<vmem>>
        %dma_wait3A_334 = tpu.memref_squeeze %dma_wait3A_333 : memref<1x128xi32, #tpu.memory_space<vmem>> -> memref<128xi32, #tpu.memory_space<vmem>>
        %dma_wait3A_335 = arith.constant 0 : i32
        %dma_wait3A_336 = tpu.memref_slice %arg3[%dma_wait3A_335] : memref<327680xi32, #tpu.memory_space<hbm>> -> memref<128xi32, #tpu.memory_space<hbm>>
        tpu.wait_dma2 semaphore(%dma_wait3A_331 : memref<!tpu.dma_semaphore, #tpu.memory_space<semaphore_mem>>) src(%dma_wait3A_336 : memref<128xi32, #tpu.memory_space<hbm>>) dst(%dma_wait3A_334 : memref<128xi32, #tpu.memory_space<vmem>>)
        %dma_wait3A_337 = arith.constant 0 : i32
        %dma_wait3A_338 = tpu.memref_slice %arg8[%rem3A_324, %dma_wait3A_337] : memref<4x128xi32, #tpu.memory_space<vmem>> -> memref<1x128xi32, #tpu.memory_space<vmem>>
        %dma_wait3A_339 = tpu.memref_squeeze %dma_wait3A_338 : memref<1x128xi32, #tpu.memory_space<vmem>> -> memref<128xi32, #tpu.memory_space<vmem>>
        %dma_wait3A_340 = arith.constant 0 : i32
        %dma_wait3A_341 = tpu.memref_slice %arg4[%dma_wait3A_340] : memref<327680xi32, #tpu.memory_space<hbm>> -> memref<128xi32, #tpu.memory_space<hbm>>
        %dma_wait3A_342 = tpu.memref_slice %arg14[%rem3A_324] : memref<4x!tpu.dma_semaphore, #tpu.memory_space<semaphore_mem>> -> memref<1x!tpu.dma_semaphore, #tpu.memory_space<semaphore_mem>>
        %dma_wait3A_343 = tpu.memref_squeeze %dma_wait3A_342 : memref<1x!tpu.dma_semaphore, #tpu.memory_space<semaphore_mem>> -> memref<!tpu.dma_semaphore, #tpu.memory_space<semaphore_mem>>
        %dma_wait3A_344 = arith.constant 0 : i32
        %dma_wait3A_345 = tpu.memref_slice %arg8[%rem3A_324, %dma_wait3A_344] : memref<4x128xi32, #tpu.memory_space<vmem>> -> memref<1x128xi32, #tpu.memory_space<vmem>>
        %dma_wait3A_346 = tpu.memref_squeeze %dma_wait3A_345 : memref<1x128xi32, #tpu.memory_space<vmem>> -> memref<128xi32, #tpu.memory_space<vmem>>
        %dma_wait3A_347 = arith.constant 0 : i32
        %dma_wait3A_348 = tpu.memref_slice %arg4[%dma_wait3A_347] : memref<327680xi32, #tpu.memory_space<hbm>> -> memref<128xi32, #tpu.memory_space<hbm>>
        tpu.wait_dma2 semaphore(%dma_wait3A_343 : memref<!tpu.dma_semaphore, #tpu.memory_space<semaphore_mem>>) src(%dma_wait3A_348 : memref<128xi32, #tpu.memory_space<hbm>>) dst(%dma_wait3A_346 : memref<128xi32, #tpu.memory_space<vmem>>)
        %dma_wait3A_349 = arith.constant 0 : i32
        %dma_wait3A_350 = tpu.memref_slice %arg9[%rem3A_324, %dma_wait3A_349] : memref<4x128xf32, #tpu.memory_space<vmem>> -> memref<1x128xf32, #tpu.memory_space<vmem>>
        %dma_wait3A_351 = tpu.memref_squeeze %dma_wait3A_350 : memref<1x128xf32, #tpu.memory_space<vmem>> -> memref<128xf32, #tpu.memory_space<vmem>>
        %dma_wait3A_352 = arith.constant 0 : i32
        %dma_wait3A_353 = tpu.memref_slice %arg5[%dma_wait3A_352] : memref<327680xf32, #tpu.memory_space<hbm>> -> memref<128xf32, #tpu.memory_space<hbm>>
        %dma_wait3A_354 = tpu.memref_slice %arg14[%rem3A_324] : memref<4x!tpu.dma_semaphore, #tpu.memory_space<semaphore_mem>> -> memref<1x!tpu.dma_semaphore, #tpu.memory_space<semaphore_mem>>
        %dma_wait3A_355 = tpu.memref_squeeze %dma_wait3A_354 : memref<1x!tpu.dma_semaphore, #tpu.memory_space<semaphore_mem>> -> memref<!tpu.dma_semaphore, #tpu.memory_space<semaphore_mem>>
        %dma_wait3A_356 = arith.constant 0 : i32
        %dma_wait3A_357 = tpu.memref_slice %arg9[%rem3A_324, %dma_wait3A_356] : memref<4x128xf32, #tpu.memory_space<vmem>> -> memref<1x128xf32, #tpu.memory_space<vmem>>
        %dma_wait3A_358 = tpu.memref_squeeze %dma_wait3A_357 : memref<1x128xf32, #tpu.memory_space<vmem>> -> memref<128xf32, #tpu.memory_space<vmem>>
        %dma_wait3A_359 = arith.constant 0 : i32
        %dma_wait3A_360 = tpu.memref_slice %arg5[%dma_wait3A_359] : memref<327680xf32, #tpu.memory_space<hbm>> -> memref<128xf32, #tpu.memory_space<hbm>>
        tpu.wait_dma2 semaphore(%dma_wait3A_355 : memref<!tpu.dma_semaphore, #tpu.memory_space<semaphore_mem>>) src(%dma_wait3A_360 : memref<128xf32, #tpu.memory_space<hbm>>) dst(%dma_wait3A_358 : memref<128xf32, #tpu.memory_space<vmem>>)
        %add3A_361 = arith.constant 1 : i32
        %add3A_362 = arith.addi %add3A_224, %add3A_361 : i32
        %rem3A_363 = arith.constant 4 : i32
        %rem3A_364 = arith.remsi %add3A_362, %rem3A_363 : i32
        %dma_start3A_365 = arith.constant 1 : i32
        %dma_start3A_366 = arith.constant 0 : i32
        %dma_start3A_367 = tpu.memref_slice %arg7[%rem3A_364, %dma_start3A_366] : memref<4x128xi32, #tpu.memory_space<vmem>> -> memref<1x128xi32, #tpu.memory_space<vmem>>
        %dma_start3A_368 = tpu.memref_squeeze %dma_start3A_367 : memref<1x128xi32, #tpu.memory_space<vmem>> -> memref<128xi32, #tpu.memory_space<vmem>>
        %dma_start3A_369 = arith.constant 0 : i32
        %dma_start3A_370 = arith.constant 0 : i32
        %dma_start3A_371 = tpu.memref_slice %arg2[%dma_start3A_369, %dma_start3A_370] : memref<10000x128xf32, #tpu.memory_space<hbm>> -> memref<10000x128xf32, #tpu.memory_space<hbm>>
        %dma_start3A_372 = tpu.memref_slice %arg15[%dma_start3A_365] : memref<2x!tpu.dma_semaphore, #tpu.memory_space<semaphore_mem>> -> memref<1x!tpu.dma_semaphore, #tpu.memory_space<semaphore_mem>>
        %dma_start3A_373 = tpu.memref_squeeze %dma_start3A_372 : memref<1x!tpu.dma_semaphore, #tpu.memory_space<semaphore_mem>> -> memref<!tpu.dma_semaphore, #tpu.memory_space<semaphore_mem>>
        tpu.enqueue_indirect_dma source(%dma_start3A_371 : memref<10000x128xf32, #tpu.memory_space<hbm>>) target(%arg11 : memref<128x128xf32, #tpu.memory_space<vmem>>) offsets(%dma_start3A_368 : memref<128xi32, #tpu.memory_space<vmem>>) semaphore(%dma_start3A_373 : memref<!tpu.dma_semaphore, #tpu.memory_space<semaphore_mem>>)
      } else {
      }
      %rem3A_251 = arith.constant 4 : i32
      %rem3A_252 = arith.remsi %add3A_224, %rem3A_251 : i32
      %scan3A_253 = arith.constant 0 : i32
      %scan3A_254 = arith.constant 8 : i32
      %scan3A_255 = arith.addi %scan3A_253, %scan3A_254 : i32
      %scan3A_256 = arith.constant 1 : i32
      scf.for %scan3A_321 = %scan3A_253 to %scan3A_255 step %scan3A_256  : i32 {
        %mul3A_322 = arith.constant 1 : i32
        %mul3A_323 = arith.muli %scan3A_321, %mul3A_322 : i32
        %add3A_324 = arith.constant 0 : i32
        %add3A_325 = arith.addi %add3A_324, %mul3A_323 : i32
        %mul3A_326 = arith.constant 16 : i32
        %mul3A_327 = arith.muli %add3A_325, %mul3A_326 : i32
        %get3A = arith.index_cast %rem3A_252 : i32 to index
        %get3A_328 = arith.index_cast %mul3A_327 : i32 to index
        %get3A_329 = tpu.vector_load %arg9[%get3A, %get3A_328] {strides = array<i32>} : memref<4x128xf32, #tpu.memory_space<vmem>>, vector<1x16xf32>,
        %get3A_330 = vector.shape_cast %get3A_329 : vector<1x16xf32> to vector<16xf32>
        %broadcast_in_dim3A = arith.constant 0 : i32
        %broadcast_in_dim3A_331 = vector.broadcast %broadcast_in_dim3A : i32 to vector<16x1xi32>
        %gather3A = vector.shape_cast %broadcast_in_dim3A_331 : vector<16x1xi32> to vector<16xi32>
        %gather3A_332 = tpu.dynamic_gather %get3A_330[%gather3A] in [0] : vector<16xf32>, vector<16xi32> -> vector<16xf32>
        %mul3A_333 = arith.constant 16 : i32
        %mul3A_334 = arith.muli %add3A_325, %mul3A_333 : i32
        %add3A_335 = arith.constant 0 : i32
        %add3A_336 = arith.addi %mul3A_334, %add3A_335 : i32
        %get3A_337 = arith.index_cast %add3A_336 : i32 to index
        %get3A_338 = arith.constant 0 : index
        %get3A_339 = tpu.vector_load %arg10[%get3A_337, %get3A_338] {strides = array<i32>} : memref<128x128xf32, #tpu.memory_space<vmem>>, vector<1x16xf32>,
        %get3A_340 = vector.shape_cast %get3A_339 : vector<1x16xf32> to vector<16xf32>
        %mul3A_341 = arith.mulf %get3A_340, %gather3A_332 : vector<16xf32>
        %swap3A = arith.index_cast %add3A_336 : i32 to index
        %swap3A_342 = arith.constant 0 : index
        %swap3A_343 = tpu.vector_load %arg10[%swap3A, %swap3A_342] {strides = array<i32>} : memref<128x128xf32, #tpu.memory_space<vmem>>, vector<1x16xf32>,
        %swap3A_344 = vector.shape_cast %swap3A_343 : vector<1x16xf32> to vector<16xf32>
        %swap3A_345 = vector.shape_cast %mul3A_341 : vector<16xf32> to vector<1x16xf32>
        tpu.vector_store %arg10[%swap3A, %swap3A_342], %swap3A_345 {strides = array<i32>} : memref<128x128xf32, #tpu.memory_space<vmem>>, vector<1x16xf32>,
        %get3A_346 = arith.index_cast %add3A_336 : i32 to index
        %get3A_347 = arith.constant 16 : index
        %get3A_348 = tpu.vector_load %arg10[%get3A_346, %get3A_347] {strides = array<i32>} : memref<128x128xf32, #tpu.memory_space<vmem>>, vector<1x16xf32>,
        %get3A_349 = vector.shape_cast %get3A_348 : vector<1x16xf32> to vector<16xf32>
        %mul3A_350 = arith.mulf %get3A_349, %gather3A_332 : vector<16xf32>
        %swap3A_351 = arith.index_cast %add3A_336 : i32 to index
        %swap3A_352 = arith.constant 16 : index
        %swap3A_353 = tpu.vector_load %arg10[%swap3A_351, %swap3A_352] {strides = array<i32>} : memref<128x128xf32, #tpu.memory_space<vmem>>, vector<1x16xf32>,
        %swap3A_354 = vector.shape_cast %swap3A_353 : vector<1x16xf32> to vector<16xf32>
        %swap3A_355 = vector.shape_cast %mul3A_350 : vector<16xf32> to vector<1x16xf32>
        tpu.vector_store %arg10[%swap3A_351, %swap3A_352], %swap3A_355 {strides = array<i32>} : memref<128x128xf32, #tpu.memory_space<vmem>>, vector<1x16xf32>,
        %get3A_356 = arith.index_cast %add3A_336 : i32 to index
        %get3A_357 = arith.constant 32 : index
        %get3A_358 = tpu.vector_load %arg10[%get3A_356, %get3A_357] {strides = array<i32>} : memref<128x128xf32, #tpu.memory_space<vmem>>, vector<1x16xf32>,
        %get3A_359 = vector.shape_cast %get3A_358 : vector<1x16xf32> to vector<16xf32>
        %mul3A_360 = arith.mulf %get3A_359, %gather3A_332 : vector<16xf32>
        %swap3A_361 = arith.index_cast %add3A_336 : i32 to index
        %swap3A_362 = arith.constant 32 : index
        %swap3A_363 = tpu.vector_load %arg10[%swap3A_361, %swap3A_362] {strides = array<i32>} : memref<128x128xf32, #tpu.memory_space<vmem>>, vector<1x16xf32>,
        %swap3A_364 = vector.shape_cast %swap3A_363 : vector<1x16xf32> to vector<16xf32>
        %swap3A_365 = vector.shape_cast %mul3A_360 : vector<16xf32> to vector<1x16xf32>
        tpu.vector_store %arg10[%swap3A_361, %swap3A_362], %swap3A_365 {strides = array<i32>} : memref<128x128xf32, #tpu.memory_space<vmem>>, vector<1x16xf32>,
        %get3A_366 = arith.index_cast %add3A_336 : i32 to index
        %get3A_367 = arith.constant 48 : index
        %get3A_368 = tpu.vector_load %arg10[%get3A_366, %get3A_367] {strides = array<i32>} : memref<128x128xf32, #tpu.memory_space<vmem>>, vector<1x16xf32>,
        %get3A_369 = vector.shape_cast %get3A_368 : vector<1x16xf32> to vector<16xf32>
        %mul3A_370 = arith.mulf %get3A_369, %gather3A_332 : vector<16xf32>
        %swap3A_371 = arith.index_cast %add3A_336 : i32 to index
        %swap3A_372 = arith.constant 48 : index
        %swap3A_373 = tpu.vector_load %arg10[%swap3A_371, %swap3A_372] {strides = array<i32>} : memref<128x128xf32, #tpu.memory_space<vmem>>, vector<1x16xf32>,
        %swap3A_374 = vector.shape_cast %swap3A_373 : vector<1x16xf32> to vector<16xf32>
        %swap3A_375 = vector.shape_cast %mul3A_370 : vector<16xf32> to vector<1x16xf32>
        tpu.vector_store %arg10[%swap3A_371, %swap3A_372], %swap3A_375 {strides = array<i32>} : memref<128x128xf32, #tpu.memory_space<vmem>>, vector<1x16xf32>,
        %get3A_376 = arith.index_cast %add3A_336 : i32 to index
        %get3A_377 = arith.constant 64 : index
        %get3A_378 = tpu.vector_load %arg10[%get3A_376, %get3A_377] {strides = array<i32>} : memref<128x128xf32, #tpu.memory_space<vmem>>, vector<1x16xf32>,
        %get3A_379 = vector.shape_cast %get3A_378 : vector<1x16xf32> to vector<16xf32>
        %mul3A_380 = arith.mulf %get3A_379, %gather3A_332 : vector<16xf32>
        %swap3A_381 = arith.index_cast %add3A_336 : i32 to index
        %swap3A_382 = arith.constant 64 : index
        %swap3A_383 = tpu.vector_load %arg10[%swap3A_381, %swap3A_382] {strides = array<i32>} : memref<128x128xf32, #tpu.memory_space<vmem>>, vector<1x16xf32>,
        %swap3A_384 = vector.shape_cast %swap3A_383 : vector<1x16xf32> to vector<16xf32>
        %swap3A_385 = vector.shape_cast %mul3A_380 : vector<16xf32> to vector<1x16xf32>
        tpu.vector_store %arg10[%swap3A_381, %swap3A_382], %swap3A_385 {strides = array<i32>} : memref<128x128xf32, #tpu.memory_space<vmem>>, vector<1x16xf32>,
        %get3A_386 = arith.index_cast %add3A_336 : i32 to index
        %get3A_387 = arith.constant 80 : index
        %get3A_388 = tpu.vector_load %arg10[%get3A_386, %get3A_387] {strides = array<i32>} : memref<128x128xf32, #tpu.memory_space<vmem>>, vector<1x16xf32>,
        %get3A_389 = vector.shape_cast %get3A_388 : vector<1x16xf32> to vector<16xf32>
        %mul3A_390 = arith.mulf %get3A_389, %gather3A_332 : vector<16xf32>
        %swap3A_391 = arith.index_cast %add3A_336 : i32 to index
        %swap3A_392 = arith.constant 80 : index
        %swap3A_393 = tpu.vector_load %arg10[%swap3A_391, %swap3A_392] {strides = array<i32>} : memref<128x128xf32, #tpu.memory_space<vmem>>, vector<1x16xf32>,
        %swap3A_394 = vector.shape_cast %swap3A_393 : vector<1x16xf32> to vector<16xf32>
        %swap3A_395 = vector.shape_cast %mul3A_390 : vector<16xf32> to vector<1x16xf32>
        tpu.vector_store %arg10[%swap3A_391, %swap3A_392], %swap3A_395 {strides = array<i32>} : memref<128x128xf32, #tpu.memory_space<vmem>>, vector<1x16xf32>,
        %get3A_396 = arith.index_cast %add3A_336 : i32 to index
        %get3A_397 = arith.constant 96 : index
        %get3A_398 = tpu.vector_load %arg10[%get3A_396, %get3A_397] {strides = array<i32>} : memref<128x128xf32, #tpu.memory_space<vmem>>, vector<1x16xf32>,
        %get3A_399 = vector.shape_cast %get3A_398 : vector<1x16xf32> to vector<16xf32>
        %mul3A_400 = arith.mulf %get3A_399, %gather3A_332 : vector<16xf32>
        %swap3A_401 = arith.index_cast %add3A_336 : i32 to index
        %swap3A_402 = arith.constant 96 : index
        %swap3A_403 = tpu.vector_load %arg10[%swap3A_401, %swap3A_402] {strides = array<i32>} : memref<128x128xf32, #tpu.memory_space<vmem>>, vector<1x16xf32>,
        %swap3A_404 = vector.shape_cast %swap3A_403 : vector<1x16xf32> to vector<16xf32>
        %swap3A_405 = vector.shape_cast %mul3A_400 : vector<16xf32> to vector<1x16xf32>
        tpu.vector_store %arg10[%swap3A_401, %swap3A_402], %swap3A_405 {strides = array<i32>} : memref<128x128xf32, #tpu.memory_space<vmem>>, vector<1x16xf32>,
        %get3A_406 = arith.index_cast %add3A_336 : i32 to index
        %get3A_407 = arith.constant 112 : index
        %get3A_408 = tpu.vector_load %arg10[%get3A_406, %get3A_407] {strides = array<i32>} : memref<128x128xf32, #tpu.memory_space<vmem>>, vector<1x16xf32>,
        %get3A_409 = vector.shape_cast %get3A_408 : vector<1x16xf32> to vector<16xf32>
        %mul3A_410 = arith.mulf %get3A_409, %gather3A_332 : vector<16xf32>
        %swap3A_411 = arith.index_cast %add3A_336 : i32 to index
        %swap3A_412 = arith.constant 112 : index
        %swap3A_413 = tpu.vector_load %arg10[%swap3A_411, %swap3A_412] {strides = array<i32>} : memref<128x128xf32, #tpu.memory_space<vmem>>, vector<1x16xf32>,
        %swap3A_414 = vector.shape_cast %swap3A_413 : vector<1x16xf32> to vector<16xf32>
        %swap3A_415 = vector.shape_cast %mul3A_410 : vector<16xf32> to vector<1x16xf32>
        tpu.vector_store %arg10[%swap3A_411, %swap3A_412], %swap3A_415 {strides = array<i32>} : memref<128x128xf32, #tpu.memory_space<vmem>>, vector<1x16xf32>,
        %broadcast_in_dim3A_416 = arith.constant 1 : i32
        %broadcast_in_dim3A_417 = vector.broadcast %broadcast_in_dim3A_416 : i32 to vector<16x1xi32>
        %gather3A_418 = vector.shape_cast %broadcast_in_dim3A_417 : vector<16x1xi32> to vector<16xi32>
        %gather3A_419 = tpu.dynamic_gather %get3A_330[%gather3A_418] in [0] : vector<16xf32>, vector<16xi32> -> vector<16xf32>
        %mul3A_420 = arith.constant 16 : i32
        %mul3A_421 = arith.muli %add3A_325, %mul3A_420 : i32
        %add3A_422 = arith.constant 1 : i32
        %add3A_423 = arith.addi %mul3A_421, %add3A_422 : i32
        %get3A_424 = arith.index_cast %add3A_423 : i32 to index
        %get3A_425 = arith.constant 0 : index
        %get3A_426 = tpu.vector_load %arg10[%get3A_424, %get3A_425] {strides = array<i32>} : memref<128x128xf32, #tpu.memory_space<vmem>>, vector<1x16xf32>,
        %get3A_427 = vector.shape_cast %get3A_426 : vector<1x16xf32> to vector<16xf32>
        %mul3A_428 = arith.mulf %get3A_427, %gather3A_419 : vector<16xf32>
        %swap3A_429 = arith.index_cast %add3A_423 : i32 to index
        %swap3A_430 = arith.constant 0 : index
        %swap3A_431 = tpu.vector_load %arg10[%swap3A_429, %swap3A_430] {strides = array<i32>} : memref<128x128xf32, #tpu.memory_space<vmem>>, vector<1x16xf32>,
        %swap3A_432 = vector.shape_cast %swap3A_431 : vector<1x16xf32> to vector<16xf32>
        %swap3A_433 = vector.shape_cast %mul3A_428 : vector<16xf32> to vector<1x16xf32>
        tpu.vector_store %arg10[%swap3A_429, %swap3A_430], %swap3A_433 {strides = array<i32>} : memref<128x128xf32, #tpu.memory_space<vmem>>, vector<1x16xf32>,
        %get3A_434 = arith.index_cast %add3A_423 : i32 to index
        %get3A_435 = arith.constant 16 : index
        %get3A_436 = tpu.vector_load %arg10[%get3A_434, %get3A_435] {strides = array<i32>} : memref<128x128xf32, #tpu.memory_space<vmem>>, vector<1x16xf32>,
        %get3A_437 = vector.shape_cast %get3A_436 : vector<1x16xf32> to vector<16xf32>
        %mul3A_438 = arith.mulf %get3A_437, %gather3A_419 : vector<16xf32>
        %swap3A_439 = arith.index_cast %add3A_423 : i32 to index
        %swap3A_440 = arith.constant 16 : index
        %swap3A_441 = tpu.vector_load %arg10[%swap3A_439, %swap3A_440] {strides = array<i32>} : memref<128x128xf32, #tpu.memory_space<vmem>>, vector<1x16xf32>,
        %swap3A_442 = vector.shape_cast %swap3A_441 : vector<1x16xf32> to vector<16xf32>
        %swap3A_443 = vector.shape_cast %mul3A_438 : vector<16xf32> to vector<1x16xf32>
        tpu.vector_store %arg10[%swap3A_439, %swap3A_440], %swap3A_443 {strides = array<i32>} : memref<128x128xf32, #tpu.memory_space<vmem>>, vector<1x16xf32>,
        %get3A_444 = arith.index_cast %add3A_423 : i32 to index
        %get3A_445 = arith.constant 32 : index
        %get3A_446 = tpu.vector_load %arg10[%get3A_444, %get3A_445] {strides = array<i32>} : memref<128x128xf32, #tpu.memory_space<vmem>>, vector<1x16xf32>,
        %get3A_447 = vector.shape_cast %get3A_446 : vector<1x16xf32> to vector<16xf32>
        %mul3A_448 = arith.mulf %get3A_447, %gather3A_419 : vector<16xf32>
        %swap3A_449 = arith.index_cast %add3A_423 : i32 to index
        %swap3A_450 = arith.constant 32 : index
        %swap3A_451 = tpu.vector_load %arg10[%swap3A_449, %swap3A_450] {strides = array<i32>} : memref<128x128xf32, #tpu.memory_space<vmem>>, vector<1x16xf32>,
        %swap3A_452 = vector.shape_cast %swap3A_451 : vector<1x16xf32> to vector<16xf32>
        %swap3A_453 = vector.shape_cast %mul3A_448 : vector<16xf32> to vector<1x16xf32>
        tpu.vector_store %arg10[%swap3A_449, %swap3A_450], %swap3A_453 {strides = array<i32>} : memref<128x128xf32, #tpu.memory_space<vmem>>, vector<1x16xf32>,
        %get3A_454 = arith.index_cast %add3A_423 : i32 to index
        %get3A_455 = arith.constant 48 : index
        %get3A_456 = tpu.vector_load %arg10[%get3A_454, %get3A_455] {strides = array<i32>} : memref<128x128xf32, #tpu.memory_space<vmem>>, vector<1x16xf32>,
        %get3A_457 = vector.shape_cast %get3A_456 : vector<1x16xf32> to vector<16xf32>
        %mul3A_458 = arith.mulf %get3A_457, %gather3A_419 : vector<16xf32>
        %swap3A_459 = arith.index_cast %add3A_423 : i32 to index
        %swap3A_460 = arith.constant 48 : index
        %swap3A_461 = tpu.vector_load %arg10[%swap3A_459, %swap3A_460] {strides = array<i32>} : memref<128x128xf32, #tpu.memory_space<vmem>>, vector<1x16xf32>,
        %swap3A_462 = vector.shape_cast %swap3A_461 : vector<1x16xf32> to vector<16xf32>
        %swap3A_463 = vector.shape_cast %mul3A_458 : vector<16xf32> to vector<1x16xf32>
        tpu.vector_store %arg10[%swap3A_459, %swap3A_460], %swap3A_463 {strides = array<i32>} : memref<128x128xf32, #tpu.memory_space<vmem>>, vector<1x16xf32>,
        %get3A_464 = arith.index_cast %add3A_423 : i32 to index
        %get3A_465 = arith.constant 64 : index
        %get3A_466 = tpu.vector_load %arg10[%get3A_464, %get3A_465] {strides = array<i32>} : memref<128x128xf32, #tpu.memory_space<vmem>>, vector<1x16xf32>,
        %get3A_467 = vector.shape_cast %get3A_466 : vector<1x16xf32> to vector<16xf32>
        %mul3A_468 = arith.mulf %get3A_467, %gather3A_419 : vector<16xf32>
        %swap3A_469 = arith.index_cast %add3A_423 : i32 to index
        %swap3A_470 = arith.constant 64 : index
        %swap3A_471 = tpu.vector_load %arg10[%swap3A_469, %swap3A_470] {strides = array<i32>} : memref<128x128xf32, #tpu.memory_space<vmem>>, vector<1x16xf32>,
        %swap3A_472 = vector.shape_cast %swap3A_471 : vector<1x16xf32> to vector<16xf32>
        %swap3A_473 = vector.shape_cast %mul3A_468 : vector<16xf32> to vector<1x16xf32>
        tpu.vector_store %arg10[%swap3A_469, %swap3A_470], %swap3A_473 {strides = array<i32>} : memref<128x128xf32, #tpu.memory_space<vmem>>, vector<1x16xf32>,
        %get3A_474 = arith.index_cast %add3A_423 : i32 to index
        %get3A_475 = arith.constant 80 : index
        %get3A_476 = tpu.vector_load %arg10[%get3A_474, %get3A_475] {strides = array<i32>} : memref<128x128xf32, #tpu.memory_space<vmem>>, vector<1x16xf32>,
        %get3A_477 = vector.shape_cast %get3A_476 : vector<1x16xf32> to vector<16xf32>
        %mul3A_478 = arith.mulf %get3A_477, %gather3A_419 : vector<16xf32>
        %swap3A_479 = arith.index_cast %add3A_423 : i32 to index
        %swap3A_480 = arith.constant 80 : index
        %swap3A_481 = tpu.vector_load %arg10[%swap3A_479, %swap3A_480] {strides = array<i32>} : memref<128x128xf32, #tpu.memory_space<vmem>>, vector<1x16xf32>,
        %swap3A_482 = vector.shape_cast %swap3A_481 : vector<1x16xf32> to vector<16xf32>
        %swap3A_483 = vector.shape_cast %mul3A_478 : vector<16xf32> to vector<1x16xf32>
        tpu.vector_store %arg10[%swap3A_479, %swap3A_480], %swap3A_483 {strides = array<i32>} : memref<128x128xf32, #tpu.memory_space<vmem>>, vector<1x16xf32>,
        %get3A_484 = arith.index_cast %add3A_423 : i32 to index
        %get3A_485 = arith.constant 96 : index
        %get3A_486 = tpu.vector_load %arg10[%get3A_484, %get3A_485] {strides = array<i32>} : memref<128x128xf32, #tpu.memory_space<vmem>>, vector<1x16xf32>,
        %get3A_487 = vector.shape_cast %get3A_486 : vector<1x16xf32> to vector<16xf32>
        %mul3A_488 = arith.mulf %get3A_487, %gather3A_419 : vector<16xf32>
        %swap3A_489 = arith.index_cast %add3A_423 : i32 to index
        %swap3A_490 = arith.constant 96 : index
        %swap3A_491 = tpu.vector_load %arg10[%swap3A_489, %swap3A_490] {strides = array<i32>} : memref<128x128xf32, #tpu.memory_space<vmem>>, vector<1x16xf32>,
        %swap3A_492 = vector.shape_cast %swap3A_491 : vector<1x16xf32> to vector<16xf32>
        %swap3A_493 = vector.shape_cast %mul3A_488 : vector<16xf32> to vector<1x16xf32>
        tpu.vector_store %arg10[%swap3A_489, %swap3A_490], %swap3A_493 {strides = array<i32>} : memref<128x128xf32, #tpu.memory_space<vmem>>, vector<1x16xf32>,
        %get3A_494 = arith.index_cast %add3A_423 : i32 to index
        %get3A_495 = arith.constant 112 : index
        %get3A_496 = tpu.vector_load %arg10[%get3A_494, %get3A_495] {strides = array<i32>} : memref<128x128xf32, #tpu.memory_space<vmem>>, vector<1x16xf32>,
        %get3A_497 = vector.shape_cast %get3A_496 : vector<1x16xf32> to vector<16xf32>
        %mul3A_498 = arith.mulf %get3A_497, %gather3A_419 : vector<16xf32>
        %swap3A_499 = arith.index_cast %add3A_423 : i32 to index
        %swap3A_500 = arith.constant 112 : index
        %swap3A_501 = tpu.vector_load %arg10[%swap3A_499, %swap3A_500] {strides = array<i32>} : memref<128x128xf32, #tpu.memory_space<vmem>>, vector<1x16xf32>,
        %swap3A_502 = vector.shape_cast %swap3A_501 : vector<1x16xf32> to vector<16xf32>
        %swap3A_503 = vector.shape_cast %mul3A_498 : vector<16xf32> to vector<1x16xf32>
        tpu.vector_store %arg10[%swap3A_499, %swap3A_500], %swap3A_503 {strides = array<i32>} : memref<128x128xf32, #tpu.memory_space<vmem>>, vector<1x16xf32>,
        %broadcast_in_dim3A_504 = arith.constant 2 : i32
        %broadcast_in_dim3A_505 = vector.broadcast %broadcast_in_dim3A_504 : i32 to vector<16x1xi32>
        %gather3A_506 = vector.shape_cast %broadcast_in_dim3A_505 : vector<16x1xi32> to vector<16xi32>
        %gather3A_507 = tpu.dynamic_gather %get3A_330[%gather3A_506] in [0] : vector<16xf32>, vector<16xi32> -> vector<16xf32>
        %mul3A_508 = arith.constant 16 : i32
        %mul3A_509 = arith.muli %add3A_325, %mul3A_508 : i32
        %add3A_510 = arith.constant 2 : i32
        %add3A_511 = arith.addi %mul3A_509, %add3A_510 : i32
        %get3A_512 = arith.index_cast %add3A_511 : i32 to index
        %get3A_513 = arith.constant 0 : index
        %get3A_514 = tpu.vector_load %arg10[%get3A_512, %get3A_513] {strides = array<i32>} : memref<128x128xf32, #tpu.memory_space<vmem>>, vector<1x16xf32>,
        %get3A_515 = vector.shape_cast %get3A_514 : vector<1x16xf32> to vector<16xf32>
        %mul3A_516 = arith.mulf %get3A_515, %gather3A_507 : vector<16xf32>
        %swap3A_517 = arith.index_cast %add3A_511 : i32 to index
        %swap3A_518 = arith.constant 0 : index
        %swap3A_519 = tpu.vector_load %arg10[%swap3A_517, %swap3A_518] {strides = array<i32>} : memref<128x128xf32, #tpu.memory_space<vmem>>, vector<1x16xf32>,
        %swap3A_520 = vector.shape_cast %swap3A_519 : vector<1x16xf32> to vector<16xf32>
        %swap3A_521 = vector.shape_cast %mul3A_516 : vector<16xf32> to vector<1x16xf32>
        tpu.vector_store %arg10[%swap3A_517, %swap3A_518], %swap3A_521 {strides = array<i32>} : memref<128x128xf32, #tpu.memory_space<vmem>>, vector<1x16xf32>,
        %get3A_522 = arith.index_cast %add3A_511 : i32 to index
        %get3A_523 = arith.constant 16 : index
        %get3A_524 = tpu.vector_load %arg10[%get3A_522, %get3A_523] {strides = array<i32>} : memref<128x128xf32, #tpu.memory_space<vmem>>, vector<1x16xf32>,
        %get3A_525 = vector.shape_cast %get3A_524 : vector<1x16xf32> to vector<16xf32>
        %mul3A_526 = arith.mulf %get3A_525, %gather3A_507 : vector<16xf32>
        %swap3A_527 = arith.index_cast %add3A_511 : i32 to index
        %swap3A_528 = arith.constant 16 : index
        %swap3A_529 = tpu.vector_load %arg10[%swap3A_527, %swap3A_528] {strides = array<i32>} : memref<128x128xf32, #tpu.memory_space<vmem>>, vector<1x16xf32>,
        %swap3A_530 = vector.shape_cast %swap3A_529 : vector<1x16xf32> to vector<16xf32>
        %swap3A_531 = vector.shape_cast %mul3A_526 : vector<16xf32> to vector<1x16xf32>
        tpu.vector_store %arg10[%swap3A_527, %swap3A_528], %swap3A_531 {strides = array<i32>} : memref<128x128xf32, #tpu.memory_space<vmem>>, vector<1x16xf32>,
        %get3A_532 = arith.index_cast %add3A_511 : i32 to index
        %get3A_533 = arith.constant 32 : index
        %get3A_534 = tpu.vector_load %arg10[%get3A_532, %get3A_533] {strides = array<i32>} : memref<128x128xf32, #tpu.memory_space<vmem>>, vector<1x16xf32>,
        %get3A_535 = vector.shape_cast %get3A_534 : vector<1x16xf32> to vector<16xf32>
        %mul3A_536 = arith.mulf %get3A_535, %gather3A_507 : vector<16xf32>
        %swap3A_537 = arith.index_cast %add3A_511 : i32 to index
        %swap3A_538 = arith.constant 32 : index
        %swap3A_539 = tpu.vector_load %arg10[%swap3A_537, %swap3A_538] {strides = array<i32>} : memref<128x128xf32, #tpu.memory_space<vmem>>, vector<1x16xf32>,
        %swap3A_540 = vector.shape_cast %swap3A_539 : vector<1x16xf32> to vector<16xf32>
        %swap3A_541 = vector.shape_cast %mul3A_536 : vector<16xf32> to vector<1x16xf32>
        tpu.vector_store %arg10[%swap3A_537, %swap3A_538], %swap3A_541 {strides = array<i32>} : memref<128x128xf32, #tpu.memory_space<vmem>>, vector<1x16xf32>,
        %get3A_542 = arith.index_cast %add3A_511 : i32 to index
        %get3A_543 = arith.constant 48 : index
        %get3A_544 = tpu.vector_load %arg10[%get3A_542, %get3A_543] {strides = array<i32>} : memref<128x128xf32, #tpu.memory_space<vmem>>, vector<1x16xf32>,
        %get3A_545 = vector.shape_cast %get3A_544 : vector<1x16xf32> to vector<16xf32>
        %mul3A_546 = arith.mulf %get3A_545, %gather3A_507 : vector<16xf32>
        %swap3A_547 = arith.index_cast %add3A_511 : i32 to index
        %swap3A_548 = arith.constant 48 : index
        %swap3A_549 = tpu.vector_load %arg10[%swap3A_547, %swap3A_548] {strides = array<i32>} : memref<128x128xf32, #tpu.memory_space<vmem>>, vector<1x16xf32>,
        %swap3A_550 = vector.shape_cast %swap3A_549 : vector<1x16xf32> to vector<16xf32>
        %swap3A_551 = vector.shape_cast %mul3A_546 : vector<16xf32> to vector<1x16xf32>
        tpu.vector_store %arg10[%swap3A_547, %swap3A_548], %swap3A_551 {strides = array<i32>} : memref<128x128xf32, #tpu.memory_space<vmem>>, vector<1x16xf32>,
        %get3A_552 = arith.index_cast %add3A_511 : i32 to index
        %get3A_553 = arith.constant 64 : index
        %get3A_554 = tpu.vector_load %arg10[%get3A_552, %get3A_553] {strides = array<i32>} : memref<128x128xf32, #tpu.memory_space<vmem>>, vector<1x16xf32>,
        %get3A_555 = vector.shape_cast %get3A_554 : vector<1x16xf32> to vector<16xf32>
        %mul3A_556 = arith.mulf %get3A_555, %gather3A_507 : vector<16xf32>
        %swap3A_557 = arith.index_cast %add3A_511 : i32 to index
        %swap3A_558 = arith.constant 64 : index
        %swap3A_559 = tpu.vector_load %arg10[%swap3A_557, %swap3A_558] {strides = array<i32>} : memref<128x128xf32, #tpu.memory_space<vmem>>, vector<1x16xf32>,
        %swap3A_560 = vector.shape_cast %swap3A_559 : vector<1x16xf32> to vector<16xf32>
        %swap3A_561 = vector.shape_cast %mul3A_556 : vector<16xf32> to vector<1x16xf32>
        tpu.vector_store %arg10[%swap3A_557, %swap3A_558], %swap3A_561 {strides = array<i32>} : memref<128x128xf32, #tpu.memory_space<vmem>>, vector<1x16xf32>,
        %get3A_562 = arith.index_cast %add3A_511 : i32 to index
        %get3A_563 = arith.constant 80 : index
        %get3A_564 = tpu.vector_load %arg10[%get3A_562, %get3A_563] {strides = array<i32>} : memref<128x128xf32, #tpu.memory_space<vmem>>, vector<1x16xf32>,
        %get3A_565 = vector.shape_cast %get3A_564 : vector<1x16xf32> to vector<16xf32>
        %mul3A_566 = arith.mulf %get3A_565, %gather3A_507 : vector<16xf32>
        %swap3A_567 = arith.index_cast %add3A_511 : i32 to index
        %swap3A_568 = arith.constant 80 : index
        %swap3A_569 = tpu.vector_load %arg10[%swap3A_567, %swap3A_568] {strides = array<i32>} : memref<128x128xf32, #tpu.memory_space<vmem>>, vector<1x16xf32>,
        %swap3A_570 = vector.shape_cast %swap3A_569 : vector<1x16xf32> to vector<16xf32>
        %swap3A_571 = vector.shape_cast %mul3A_566 : vector<16xf32> to vector<1x16xf32>
        tpu.vector_store %arg10[%swap3A_567, %swap3A_568], %swap3A_571 {strides = array<i32>} : memref<128x128xf32, #tpu.memory_space<vmem>>, vector<1x16xf32>,
        %get3A_572 = arith.index_cast %add3A_511 : i32 to index
        %get3A_573 = arith.constant 96 : index
        %get3A_574 = tpu.vector_load %arg10[%get3A_572, %get3A_573] {strides = array<i32>} : memref<128x128xf32, #tpu.memory_space<vmem>>, vector<1x16xf32>,
        %get3A_575 = vector.shape_cast %get3A_574 : vector<1x16xf32> to vector<16xf32>
        %mul3A_576 = arith.mulf %get3A_575, %gather3A_507 : vector<16xf32>
        %swap3A_577 = arith.index_cast %add3A_511 : i32 to index
        %swap3A_578 = arith.constant 96 : index
        %swap3A_579 = tpu.vector_load %arg10[%swap3A_577, %swap3A_578] {strides = array<i32>} : memref<128x128xf32, #tpu.memory_space<vmem>>, vector<1x16xf32>,
        %swap3A_580 = vector.shape_cast %swap3A_579 : vector<1x16xf32> to vector<16xf32>
        %swap3A_581 = vector.shape_cast %mul3A_576 : vector<16xf32> to vector<1x16xf32>
        tpu.vector_store %arg10[%swap3A_577, %swap3A_578], %swap3A_581 {strides = array<i32>} : memref<128x128xf32, #tpu.memory_space<vmem>>, vector<1x16xf32>,
        %get3A_582 = arith.index_cast %add3A_511 : i32 to index
        %get3A_583 = arith.constant 112 : index
        %get3A_584 = tpu.vector_load %arg10[%get3A_582, %get3A_583] {strides = array<i32>} : memref<128x128xf32, #tpu.memory_space<vmem>>, vector<1x16xf32>,
        %get3A_585 = vector.shape_cast %get3A_584 : vector<1x16xf32> to vector<16xf32>
        %mul3A_586 = arith.mulf %get3A_585, %gather3A_507 : vector<16xf32>
        %swap3A_587 = arith.index_cast %add3A_511 : i32 to index
        %swap3A_588 = arith.constant 112 : index
        %swap3A_589 = tpu.vector_load %arg10[%swap3A_587, %swap3A_588] {strides = array<i32>} : memref<128x128xf32, #tpu.memory_space<vmem>>, vector<1x16xf32>,
        %swap3A_590 = vector.shape_cast %swap3A_589 : vector<1x16xf32> to vector<16xf32>
        %swap3A_591 = vector.shape_cast %mul3A_586 : vector<16xf32> to vector<1x16xf32>
        tpu.vector_store %arg10[%swap3A_587, %swap3A_588], %swap3A_591 {strides = array<i32>} : memref<128x128xf32, #tpu.memory_space<vmem>>, vector<1x16xf32>,
        %broadcast_in_dim3A_592 = arith.constant 3 : i32
        %broadcast_in_dim3A_593 = vector.broadcast %broadcast_in_dim3A_592 : i32 to vector<16x1xi32>
        %gather3A_594 = vector.shape_cast %broadcast_in_dim3A_593 : vector<16x1xi32> to vector<16xi32>
        %gather3A_595 = tpu.dynamic_gather %get3A_330[%gather3A_594] in [0] : vector<16xf32>, vector<16xi32> -> vector<16xf32>
        %mul3A_596 = arith.constant 16 : i32
        %mul3A_597 = arith.muli %add3A_325, %mul3A_596 : i32
        %add3A_598 = arith.constant 3 : i32
        %add3A_599 = arith.addi %mul3A_597, %add3A_598 : i32
        %get3A_600 = arith.index_cast %add3A_599 : i32 to index
        %get3A_601 = arith.constant 0 : index
        %get3A_602 = tpu.vector_load %arg10[%get3A_600, %get3A_601] {strides = array<i32>} : memref<128x128xf32, #tpu.memory_space<vmem>>, vector<1x16xf32>,
        %get3A_603 = vector.shape_cast %get3A_602 : vector<1x16xf32> to vector<16xf32>
        %mul3A_604 = arith.mulf %get3A_603, %gather3A_595 : vector<16xf32>
        %swap3A_605 = arith.index_cast %add3A_599 : i32 to index
        %swap3A_606 = arith.constant 0 : index
        %swap3A_607 = tpu.vector_load %arg10[%swap3A_605, %swap3A_606] {strides = array<i32>} : memref<128x128xf32, #tpu.memory_space<vmem>>, vector<1x16xf32>,
        %swap3A_608 = vector.shape_cast %swap3A_607 : vector<1x16xf32> to vector<16xf32>
        %swap3A_609 = vector.shape_cast %mul3A_604 : vector<16xf32> to vector<1x16xf32>
        tpu.vector_store %arg10[%swap3A_605, %swap3A_606], %swap3A_609 {strides = array<i32>} : memref<128x128xf32, #tpu.memory_space<vmem>>, vector<1x16xf32>,
        %get3A_610 = arith.index_cast %add3A_599 : i32 to index
        %get3A_611 = arith.constant 16 : index
        %get3A_612 = tpu.vector_load %arg10[%get3A_610, %get3A_611] {strides = array<i32>} : memref<128x128xf32, #tpu.memory_space<vmem>>, vector<1x16xf32>,
        %get3A_613 = vector.shape_cast %get3A_612 : vector<1x16xf32> to vector<16xf32>
        %mul3A_614 = arith.mulf %get3A_613, %gather3A_595 : vector<16xf32>
        %swap3A_615 = arith.index_cast %add3A_599 : i32 to index
        %swap3A_616 = arith.constant 16 : index
        %swap3A_617 = tpu.vector_load %arg10[%swap3A_615, %swap3A_616] {strides = array<i32>} : memref<128x128xf32, #tpu.memory_space<vmem>>, vector<1x16xf32>,
        %swap3A_618 = vector.shape_cast %swap3A_617 : vector<1x16xf32> to vector<16xf32>
        %swap3A_619 = vector.shape_cast %mul3A_614 : vector<16xf32> to vector<1x16xf32>
        tpu.vector_store %arg10[%swap3A_615, %swap3A_616], %swap3A_619 {strides = array<i32>} : memref<128x128xf32, #tpu.memory_space<vmem>>, vector<1x16xf32>,
        %get3A_620 = arith.index_cast %add3A_599 : i32 to index
        %get3A_621 = arith.constant 32 : index
        %get3A_622 = tpu.vector_load %arg10[%get3A_620, %get3A_621] {strides = array<i32>} : memref<128x128xf32, #tpu.memory_space<vmem>>, vector<1x16xf32>,
        %get3A_623 = vector.shape_cast %get3A_622 : vector<1x16xf32> to vector<16xf32>
        %mul3A_624 = arith.mulf %get3A_623, %gather3A_595 : vector<16xf32>
        %swap3A_625 = arith.index_cast %add3A_599 : i32 to index
        %swap3A_626 = arith.constant 32 : index
        %swap3A_627 = tpu.vector_load %arg10[%swap3A_625, %swap3A_626] {strides = array<i32>} : memref<128x128xf32, #tpu.memory_space<vmem>>, vector<1x16xf32>,
        %swap3A_628 = vector.shape_cast %swap3A_627 : vector<1x16xf32> to vector<16xf32>
        %swap3A_629 = vector.shape_cast %mul3A_624 : vector<16xf32> to vector<1x16xf32>
        tpu.vector_store %arg10[%swap3A_625, %swap3A_626], %swap3A_629 {strides = array<i32>} : memref<128x128xf32, #tpu.memory_space<vmem>>, vector<1x16xf32>,
        %get3A_630 = arith.index_cast %add3A_599 : i32 to index
        %get3A_631 = arith.constant 48 : index
        %get3A_632 = tpu.vector_load %arg10[%get3A_630, %get3A_631] {strides = array<i32>} : memref<128x128xf32, #tpu.memory_space<vmem>>, vector<1x16xf32>,
        %get3A_633 = vector.shape_cast %get3A_632 : vector<1x16xf32> to vector<16xf32>
        %mul3A_634 = arith.mulf %get3A_633, %gather3A_595 : vector<16xf32>
        %swap3A_635 = arith.index_cast %add3A_599 : i32 to index
        %swap3A_636 = arith.constant 48 : index
        %swap3A_637 = tpu.vector_load %arg10[%swap3A_635, %swap3A_636] {strides = array<i32>} : memref<128x128xf32, #tpu.memory_space<vmem>>, vector<1x16xf32>,
        %swap3A_638 = vector.shape_cast %swap3A_637 : vector<1x16xf32> to vector<16xf32>
        %swap3A_639 = vector.shape_cast %mul3A_634 : vector<16xf32> to vector<1x16xf32>
        tpu.vector_store %arg10[%swap3A_635, %swap3A_636], %swap3A_639 {strides = array<i32>} : memref<128x128xf32, #tpu.memory_space<vmem>>, vector<1x16xf32>,
        %get3A_640 = arith.index_cast %add3A_599 : i32 to index
        %get3A_641 = arith.constant 64 : index
        %get3A_642 = tpu.vector_load %arg10[%get3A_640, %get3A_641] {strides = array<i32>} : memref<128x128xf32, #tpu.memory_space<vmem>>, vector<1x16xf32>,
        %get3A_643 = vector.shape_cast %get3A_642 : vector<1x16xf32> to vector<16xf32>
        %mul3A_644 = arith.mulf %get3A_643, %gather3A_595 : vector<16xf32>
        %swap3A_645 = arith.index_cast %add3A_599 : i32 to index
        %swap3A_646 = arith.constant 64 : index
        %swap3A_647 = tpu.vector_load %arg10[%swap3A_645, %swap3A_646] {strides = array<i32>} : memref<128x128xf32, #tpu.memory_space<vmem>>, vector<1x16xf32>,
        %swap3A_648 = vector.shape_cast %swap3A_647 : vector<1x16xf32> to vector<16xf32>
        %swap3A_649 = vector.shape_cast %mul3A_644 : vector<16xf32> to vector<1x16xf32>
        tpu.vector_store %arg10[%swap3A_645, %swap3A_646], %swap3A_649 {strides = array<i32>} : memref<128x128xf32, #tpu.memory_space<vmem>>, vector<1x16xf32>,
        %get3A_650 = arith.index_cast %add3A_599 : i32 to index
        %get3A_651 = arith.constant 80 : index
        %get3A_652 = tpu.vector_load %arg10[%get3A_650, %get3A_651] {strides = array<i32>} : memref<128x128xf32, #tpu.memory_space<vmem>>, vector<1x16xf32>,
        %get3A_653 = vector.shape_cast %get3A_652 : vector<1x16xf32> to vector<16xf32>
        %mul3A_654 = arith.mulf %get3A_653, %gather3A_595 : vector<16xf32>
        %swap3A_655 = arith.index_cast %add3A_599 : i32 to index
        %swap3A_656 = arith.constant 80 : index
        %swap3A_657 = tpu.vector_load %arg10[%swap3A_655, %swap3A_656] {strides = array<i32>} : memref<128x128xf32, #tpu.memory_space<vmem>>, vector<1x16xf32>,
        %swap3A_658 = vector.shape_cast %swap3A_657 : vector<1x16xf32> to vector<16xf32>
        %swap3A_659 = vector.shape_cast %mul3A_654 : vector<16xf32> to vector<1x16xf32>
        tpu.vector_store %arg10[%swap3A_655, %swap3A_656], %swap3A_659 {strides = array<i32>} : memref<128x128xf32, #tpu.memory_space<vmem>>, vector<1x16xf32>,
        %get3A_660 = arith.index_cast %add3A_599 : i32 to index
        %get3A_661 = arith.constant 96 : index
        %get3A_662 = tpu.vector_load %arg10[%get3A_660, %get3A_661] {strides = array<i32>} : memref<128x128xf32, #tpu.memory_space<vmem>>, vector<1x16xf32>,
        %get3A_663 = vector.shape_cast %get3A_662 : vector<1x16xf32> to vector<16xf32>
        %mul3A_664 = arith.mulf %get3A_663, %gather3A_595 : vector<16xf32>
        %swap3A_665 = arith.index_cast %add3A_599 : i32 to index
        %swap3A_666 = arith.constant 96 : index
        %swap3A_667 = tpu.vector_load %arg10[%swap3A_665, %swap3A_666] {strides = array<i32>} : memref<128x128xf32, #tpu.memory_space<vmem>>, vector<1x16xf32>,
        %swap3A_668 = vector.shape_cast %swap3A_667 : vector<1x16xf32> to vector<16xf32>
        %swap3A_669 = vector.shape_cast %mul3A_664 : vector<16xf32> to vector<1x16xf32>
        tpu.vector_store %arg10[%swap3A_665, %swap3A_666], %swap3A_669 {strides = array<i32>} : memref<128x128xf32, #tpu.memory_space<vmem>>, vector<1x16xf32>,
        %get3A_670 = arith.index_cast %add3A_599 : i32 to index
        %get3A_671 = arith.constant 112 : index
        %get3A_672 = tpu.vector_load %arg10[%get3A_670, %get3A_671] {strides = array<i32>} : memref<128x128xf32, #tpu.memory_space<vmem>>, vector<1x16xf32>,
        %get3A_673 = vector.shape_cast %get3A_672 : vector<1x16xf32> to vector<16xf32>
        %mul3A_674 = arith.mulf %get3A_673, %gather3A_595 : vector<16xf32>
        %swap3A_675 = arith.index_cast %add3A_599 : i32 to index
        %swap3A_676 = arith.constant 112 : index
        %swap3A_677 = tpu.vector_load %arg10[%swap3A_675, %swap3A_676] {strides = array<i32>} : memref<128x128xf32, #tpu.memory_space<vmem>>, vector<1x16xf32>,
        %swap3A_678 = vector.shape_cast %swap3A_677 : vector<1x16xf32> to vector<16xf32>
        %swap3A_679 = vector.shape_cast %mul3A_674 : vector<16xf32> to vector<1x16xf32>
        tpu.vector_store %arg10[%swap3A_675, %swap3A_676], %swap3A_679 {strides = array<i32>} : memref<128x128xf32, #tpu.memory_space<vmem>>, vector<1x16xf32>,
        %broadcast_in_dim3A_680 = arith.constant 4 : i32
        %broadcast_in_dim3A_681 = vector.broadcast %broadcast_in_dim3A_680 : i32 to vector<16x1xi32>
        %gather3A_682 = vector.shape_cast %broadcast_in_dim3A_681 : vector<16x1xi32> to vector<16xi32>
        %gather3A_683 = tpu.dynamic_gather %get3A_330[%gather3A_682] in [0] : vector<16xf32>, vector<16xi32> -> vector<16xf32>
        %mul3A_684 = arith.constant 16 : i32
        %mul3A_685 = arith.muli %add3A_325, %mul3A_684 : i32
        %add3A_686 = arith.constant 4 : i32
        %add3A_687 = arith.addi %mul3A_685, %add3A_686 : i32
        %get3A_688 = arith.index_cast %add3A_687 : i32 to index
        %get3A_689 = arith.constant 0 : index
        %get3A_690 = tpu.vector_load %arg10[%get3A_688, %get3A_689] {strides = array<i32>} : memref<128x128xf32, #tpu.memory_space<vmem>>, vector<1x16xf32>,
        %get3A_691 = vector.shape_cast %get3A_690 : vector<1x16xf32> to vector<16xf32>
        %mul3A_692 = arith.mulf %get3A_691, %gather3A_683 : vector<16xf32>
        %swap3A_693 = arith.index_cast %add3A_687 : i32 to index
        %swap3A_694 = arith.constant 0 : index
        %swap3A_695 = tpu.vector_load %arg10[%swap3A_693, %swap3A_694] {strides = array<i32>} : memref<128x128xf32, #tpu.memory_space<vmem>>, vector<1x16xf32>,
        %swap3A_696 = vector.shape_cast %swap3A_695 : vector<1x16xf32> to vector<16xf32>
        %swap3A_697 = vector.shape_cast %mul3A_692 : vector<16xf32> to vector<1x16xf32>
        tpu.vector_store %arg10[%swap3A_693, %swap3A_694], %swap3A_697 {strides = array<i32>} : memref<128x128xf32, #tpu.memory_space<vmem>>, vector<1x16xf32>,
        %get3A_698 = arith.index_cast %add3A_687 : i32 to index
        %get3A_699 = arith.constant 16 : index
        %get3A_700 = tpu.vector_load %arg10[%get3A_698, %get3A_699] {strides = array<i32>} : memref<128x128xf32, #tpu.memory_space<vmem>>, vector<1x16xf32>,
        %get3A_701 = vector.shape_cast %get3A_700 : vector<1x16xf32> to vector<16xf32>
        %mul3A_702 = arith.mulf %get3A_701, %gather3A_683 : vector<16xf32>
        %swap3A_703 = arith.index_cast %add3A_687 : i32 to index
        %swap3A_704 = arith.constant 16 : index
        %swap3A_705 = tpu.vector_load %arg10[%swap3A_703, %swap3A_704] {strides = array<i32>} : memref<128x128xf32, #tpu.memory_space<vmem>>, vector<1x16xf32>,
        %swap3A_706 = vector.shape_cast %swap3A_705 : vector<1x16xf32> to vector<16xf32>
        %swap3A_707 = vector.shape_cast %mul3A_702 : vector<16xf32> to vector<1x16xf32>
        tpu.vector_store %arg10[%swap3A_703, %swap3A_704], %swap3A_707 {strides = array<i32>} : memref<128x128xf32, #tpu.memory_space<vmem>>, vector<1x16xf32>,
        %get3A_708 = arith.index_cast %add3A_687 : i32 to index
        %get3A_709 = arith.constant 32 : index
        %get3A_710 = tpu.vector_load %arg10[%get3A_708, %get3A_709] {strides = array<i32>} : memref<128x128xf32, #tpu.memory_space<vmem>>, vector<1x16xf32>,
        %get3A_711 = vector.shape_cast %get3A_710 : vector<1x16xf32> to vector<16xf32>
        %mul3A_712 = arith.mulf %get3A_711, %gather3A_683 : vector<16xf32>
        %swap3A_713 = arith.index_cast %add3A_687 : i32 to index
        %swap3A_714 = arith.constant 32 : index
        %swap3A_715 = tpu.vector_load %arg10[%swap3A_713, %swap3A_714] {strides = array<i32>} : memref<128x128xf32, #tpu.memory_space<vmem>>, vector<1x16xf32>,
        %swap3A_716 = vector.shape_cast %swap3A_715 : vector<1x16xf32> to vector<16xf32>
        %swap3A_717 = vector.shape_cast %mul3A_712 : vector<16xf32> to vector<1x16xf32>
        tpu.vector_store %arg10[%swap3A_713, %swap3A_714], %swap3A_717 {strides = array<i32>} : memref<128x128xf32, #tpu.memory_space<vmem>>, vector<1x16xf32>,
        %get3A_718 = arith.index_cast %add3A_687 : i32 to index
        %get3A_719 = arith.constant 48 : index
        %get3A_720 = tpu.vector_load %arg10[%get3A_718, %get3A_719] {strides = array<i32>} : memref<128x128xf32, #tpu.memory_space<vmem>>, vector<1x16xf32>,
        %get3A_721 = vector.shape_cast %get3A_720 : vector<1x16xf32> to vector<16xf32>
        %mul3A_722 = arith.mulf %get3A_721, %gather3A_683 : vector<16xf32>
        %swap3A_723 = arith.index_cast %add3A_687 : i32 to index
        %swap3A_724 = arith.constant 48 : index
        %swap3A_725 = tpu.vector_load %arg10[%swap3A_723, %swap3A_724] {strides = array<i32>} : memref<128x128xf32, #tpu.memory_space<vmem>>, vector<1x16xf32>,
        %swap3A_726 = vector.shape_cast %swap3A_725 : vector<1x16xf32> to vector<16xf32>
        %swap3A_727 = vector.shape_cast %mul3A_722 : vector<16xf32> to vector<1x16xf32>
        tpu.vector_store %arg10[%swap3A_723, %swap3A_724], %swap3A_727 {strides = array<i32>} : memref<128x128xf32, #tpu.memory_space<vmem>>, vector<1x16xf32>,
        %get3A_728 = arith.index_cast %add3A_687 : i32 to index
        %get3A_729 = arith.constant 64 : index
        %get3A_730 = tpu.vector_load %arg10[%get3A_728, %get3A_729] {strides = array<i32>} : memref<128x128xf32, #tpu.memory_space<vmem>>, vector<1x16xf32>,
        %get3A_731 = vector.shape_cast %get3A_730 : vector<1x16xf32> to vector<16xf32>
        %mul3A_732 = arith.mulf %get3A_731, %gather3A_683 : vector<16xf32>
        %swap3A_733 = arith.index_cast %add3A_687 : i32 to index
        %swap3A_734 = arith.constant 64 : index
        %swap3A_735 = tpu.vector_load %arg10[%swap3A_733, %swap3A_734] {strides = array<i32>} : memref<128x128xf32, #tpu.memory_space<vmem>>, vector<1x16xf32>,
        %swap3A_736 = vector.shape_cast %swap3A_735 : vector<1x16xf32> to vector<16xf32>
        %swap3A_737 = vector.shape_cast %mul3A_732 : vector<16xf32> to vector<1x16xf32>
        tpu.vector_store %arg10[%swap3A_733, %swap3A_734], %swap3A_737 {strides = array<i32>} : memref<128x128xf32, #tpu.memory_space<vmem>>, vector<1x16xf32>,
        %get3A_738 = arith.index_cast %add3A_687 : i32 to index
        %get3A_739 = arith.constant 80 : index
        %get3A_740 = tpu.vector_load %arg10[%get3A_738, %get3A_739] {strides = array<i32>} : memref<128x128xf32, #tpu.memory_space<vmem>>, vector<1x16xf32>,
        %get3A_741 = vector.shape_cast %get3A_740 : vector<1x16xf32> to vector<16xf32>
        %mul3A_742 = arith.mulf %get3A_741, %gather3A_683 : vector<16xf32>
        %swap3A_743 = arith.index_cast %add3A_687 : i32 to index
        %swap3A_744 = arith.constant 80 : index
        %swap3A_745 = tpu.vector_load %arg10[%swap3A_743, %swap3A_744] {strides = array<i32>} : memref<128x128xf32, #tpu.memory_space<vmem>>, vector<1x16xf32>,
        %swap3A_746 = vector.shape_cast %swap3A_745 : vector<1x16xf32> to vector<16xf32>
        %swap3A_747 = vector.shape_cast %mul3A_742 : vector<16xf32> to vector<1x16xf32>
        tpu.vector_store %arg10[%swap3A_743, %swap3A_744], %swap3A_747 {strides = array<i32>} : memref<128x128xf32, #tpu.memory_space<vmem>>, vector<1x16xf32>,
        %get3A_748 = arith.index_cast %add3A_687 : i32 to index
        %get3A_749 = arith.constant 96 : index
        %get3A_750 = tpu.vector_load %arg10[%get3A_748, %get3A_749] {strides = array<i32>} : memref<128x128xf32, #tpu.memory_space<vmem>>, vector<1x16xf32>,
        %get3A_751 = vector.shape_cast %get3A_750 : vector<1x16xf32> to vector<16xf32>
        %mul3A_752 = arith.mulf %get3A_751, %gather3A_683 : vector<16xf32>
        %swap3A_753 = arith.index_cast %add3A_687 : i32 to index
        %swap3A_754 = arith.constant 96 : index
        %swap3A_755 = tpu.vector_load %arg10[%swap3A_753, %swap3A_754] {strides = array<i32>} : memref<128x128xf32, #tpu.memory_space<vmem>>, vector<1x16xf32>,
        %swap3A_756 = vector.shape_cast %swap3A_755 : vector<1x16xf32> to vector<16xf32>
        %swap3A_757 = vector.shape_cast %mul3A_752 : vector<16xf32> to vector<1x16xf32>
        tpu.vector_store %arg10[%swap3A_753, %swap3A_754], %swap3A_757 {strides = array<i32>} : memref<128x128xf32, #tpu.memory_space<vmem>>, vector<1x16xf32>,
        %get3A_758 = arith.index_cast %add3A_687 : i32 to index
        %get3A_759 = arith.constant 112 : index
        %get3A_760 = tpu.vector_load %arg10[%get3A_758, %get3A_759] {strides = array<i32>} : memref<128x128xf32, #tpu.memory_space<vmem>>, vector<1x16xf32>,
        %get3A_761 = vector.shape_cast %get3A_760 : vector<1x16xf32> to vector<16xf32>
        %mul3A_762 = arith.mulf %get3A_761, %gather3A_683 : vector<16xf32>
        %swap3A_763 = arith.index_cast %add3A_687 : i32 to index
        %swap3A_764 = arith.constant 112 : index
        %swap3A_765 = tpu.vector_load %arg10[%swap3A_763, %swap3A_764] {strides = array<i32>} : memref<128x128xf32, #tpu.memory_space<vmem>>, vector<1x16xf32>,
        %swap3A_766 = vector.shape_cast %swap3A_765 : vector<1x16xf32> to vector<16xf32>
        %swap3A_767 = vector.shape_cast %mul3A_762 : vector<16xf32> to vector<1x16xf32>
        tpu.vector_store %arg10[%swap3A_763, %swap3A_764], %swap3A_767 {strides = array<i32>} : memref<128x128xf32, #tpu.memory_space<vmem>>, vector<1x16xf32>,
        %broadcast_in_dim3A_768 = arith.constant 5 : i32
        %broadcast_in_dim3A_769 = vector.broadcast %broadcast_in_dim3A_768 : i32 to vector<16x1xi32>
        %gather3A_770 = vector.shape_cast %broadcast_in_dim3A_769 : vector<16x1xi32> to vector<16xi32>
        %gather3A_771 = tpu.dynamic_gather %get3A_330[%gather3A_770] in [0] : vector<16xf32>, vector<16xi32> -> vector<16xf32>
        %mul3A_772 = arith.constant 16 : i32
        %mul3A_773 = arith.muli %add3A_325, %mul3A_772 : i32
        %add3A_774 = arith.constant 5 : i32
        %add3A_775 = arith.addi %mul3A_773, %add3A_774 : i32
        %get3A_776 = arith.index_cast %add3A_775 : i32 to index
        %get3A_777 = arith.constant 0 : index
        %get3A_778 = tpu.vector_load %arg10[%get3A_776, %get3A_777] {strides = array<i32>} : memref<128x128xf32, #tpu.memory_space<vmem>>, vector<1x16xf32>,
        %get3A_779 = vector.shape_cast %get3A_778 : vector<1x16xf32> to vector<16xf32>
        %mul3A_780 = arith.mulf %get3A_779, %gather3A_771 : vector<16xf32>
        %swap3A_781 = arith.index_cast %add3A_775 : i32 to index
        %swap3A_782 = arith.constant 0 : index
        %swap3A_783 = tpu.vector_load %arg10[%swap3A_781, %swap3A_782] {strides = array<i32>} : memref<128x128xf32, #tpu.memory_space<vmem>>, vector<1x16xf32>,
        %swap3A_784 = vector.shape_cast %swap3A_783 : vector<1x16xf32> to vector<16xf32>
        %swap3A_785 = vector.shape_cast %mul3A_780 : vector<16xf32> to vector<1x16xf32>
        tpu.vector_store %arg10[%swap3A_781, %swap3A_782], %swap3A_785 {strides = array<i32>} : memref<128x128xf32, #tpu.memory_space<vmem>>, vector<1x16xf32>,
        %get3A_786 = arith.index_cast %add3A_775 : i32 to index
        %get3A_787 = arith.constant 16 : index
        %get3A_788 = tpu.vector_load %arg10[%get3A_786, %get3A_787] {strides = array<i32>} : memref<128x128xf32, #tpu.memory_space<vmem>>, vector<1x16xf32>,
        %get3A_789 = vector.shape_cast %get3A_788 : vector<1x16xf32> to vector<16xf32>
        %mul3A_790 = arith.mulf %get3A_789, %gather3A_771 : vector<16xf32>
        %swap3A_791 = arith.index_cast %add3A_775 : i32 to index
        %swap3A_792 = arith.constant 16 : index
        %swap3A_793 = tpu.vector_load %arg10[%swap3A_791, %swap3A_792] {strides = array<i32>} : memref<128x128xf32, #tpu.memory_space<vmem>>, vector<1x16xf32>,
        %swap3A_794 = vector.shape_cast %swap3A_793 : vector<1x16xf32> to vector<16xf32>
        %swap3A_795 = vector.shape_cast %mul3A_790 : vector<16xf32> to vector<1x16xf32>
        tpu.vector_store %arg10[%swap3A_791, %swap3A_792], %swap3A_795 {strides = array<i32>} : memref<128x128xf32, #tpu.memory_space<vmem>>, vector<1x16xf32>,
        %get3A_796 = arith.index_cast %add3A_775 : i32 to index
        %get3A_797 = arith.constant 32 : index
        %get3A_798 = tpu.vector_load %arg10[%get3A_796, %get3A_797] {strides = array<i32>} : memref<128x128xf32, #tpu.memory_space<vmem>>, vector<1x16xf32>,
        %get3A_799 = vector.shape_cast %get3A_798 : vector<1x16xf32> to vector<16xf32>
        %mul3A_800 = arith.mulf %get3A_799, %gather3A_771 : vector<16xf32>
        %swap3A_801 = arith.index_cast %add3A_775 : i32 to index
        %swap3A_802 = arith.constant 32 : index
        %swap3A_803 = tpu.vector_load %arg10[%swap3A_801, %swap3A_802] {strides = array<i32>} : memref<128x128xf32, #tpu.memory_space<vmem>>, vector<1x16xf32>,
        %swap3A_804 = vector.shape_cast %swap3A_803 : vector<1x16xf32> to vector<16xf32>
        %swap3A_805 = vector.shape_cast %mul3A_800 : vector<16xf32> to vector<1x16xf32>
        tpu.vector_store %arg10[%swap3A_801, %swap3A_802], %swap3A_805 {strides = array<i32>} : memref<128x128xf32, #tpu.memory_space<vmem>>, vector<1x16xf32>,
        %get3A_806 = arith.index_cast %add3A_775 : i32 to index
        %get3A_807 = arith.constant 48 : index
        %get3A_808 = tpu.vector_load %arg10[%get3A_806, %get3A_807] {strides = array<i32>} : memref<128x128xf32, #tpu.memory_space<vmem>>, vector<1x16xf32>,
        %get3A_809 = vector.shape_cast %get3A_808 : vector<1x16xf32> to vector<16xf32>
        %mul3A_810 = arith.mulf %get3A_809, %gather3A_771 : vector<16xf32>
        %swap3A_811 = arith.index_cast %add3A_775 : i32 to index
        %swap3A_812 = arith.constant 48 : index
        %swap3A_813 = tpu.vector_load %arg10[%swap3A_811, %swap3A_812] {strides = array<i32>} : memref<128x128xf32, #tpu.memory_space<vmem>>, vector<1x16xf32>,
        %swap3A_814 = vector.shape_cast %swap3A_813 : vector<1x16xf32> to vector<16xf32>
        %swap3A_815 = vector.shape_cast %mul3A_810 : vector<16xf32> to vector<1x16xf32>
        tpu.vector_store %arg10[%swap3A_811, %swap3A_812], %swap3A_815 {strides = array<i32>} : memref<128x128xf32, #tpu.memory_space<vmem>>, vector<1x16xf32>,
        %get3A_816 = arith.index_cast %add3A_775 : i32 to index
        %get3A_817 = arith.constant 64 : index
        %get3A_818 = tpu.vector_load %arg10[%get3A_816, %get3A_817] {strides = array<i32>} : memref<128x128xf32, #tpu.memory_space<vmem>>, vector<1x16xf32>,
        %get3A_819 = vector.shape_cast %get3A_818 : vector<1x16xf32> to vector<16xf32>
        %mul3A_820 = arith.mulf %get3A_819, %gather3A_771 : vector<16xf32>
        %swap3A_821 = arith.index_cast %add3A_775 : i32 to index
        %swap3A_822 = arith.constant 64 : index
        %swap3A_823 = tpu.vector_load %arg10[%swap3A_821, %swap3A_822] {strides = array<i32>} : memref<128x128xf32, #tpu.memory_space<vmem>>, vector<1x16xf32>,
        %swap3A_824 = vector.shape_cast %swap3A_823 : vector<1x16xf32> to vector<16xf32>
        %swap3A_825 = vector.shape_cast %mul3A_820 : vector<16xf32> to vector<1x16xf32>
        tpu.vector_store %arg10[%swap3A_821, %swap3A_822], %swap3A_825 {strides = array<i32>} : memref<128x128xf32, #tpu.memory_space<vmem>>, vector<1x16xf32>,
        %get3A_826 = arith.index_cast %add3A_775 : i32 to index
        %get3A_827 = arith.constant 80 : index
        %get3A_828 = tpu.vector_load %arg10[%get3A_826, %get3A_827] {strides = array<i32>} : memref<128x128xf32, #tpu.memory_space<vmem>>, vector<1x16xf32>,
        %get3A_829 = vector.shape_cast %get3A_828 : vector<1x16xf32> to vector<16xf32>
        %mul3A_830 = arith.mulf %get3A_829, %gather3A_771 : vector<16xf32>
        %swap3A_831 = arith.index_cast %add3A_775 : i32 to index
        %swap3A_832 = arith.constant 80 : index
        %swap3A_833 = tpu.vector_load %arg10[%swap3A_831, %swap3A_832] {strides = array<i32>} : memref<128x128xf32, #tpu.memory_space<vmem>>, vector<1x16xf32>,
        %swap3A_834 = vector.shape_cast %swap3A_833 : vector<1x16xf32> to vector<16xf32>
        %swap3A_835 = vector.shape_cast %mul3A_830 : vector<16xf32> to vector<1x16xf32>
        tpu.vector_store %arg10[%swap3A_831, %swap3A_832], %swap3A_835 {strides = array<i32>} : memref<128x128xf32, #tpu.memory_space<vmem>>, vector<1x16xf32>,
        %get3A_836 = arith.index_cast %add3A_775 : i32 to index
        %get3A_837 = arith.constant 96 : index
        %get3A_838 = tpu.vector_load %arg10[%get3A_836, %get3A_837] {strides = array<i32>} : memref<128x128xf32, #tpu.memory_space<vmem>>, vector<1x16xf32>,
        %get3A_839 = vector.shape_cast %get3A_838 : vector<1x16xf32> to vector<16xf32>
        %mul3A_840 = arith.mulf %get3A_839, %gather3A_771 : vector<16xf32>
        %swap3A_841 = arith.index_cast %add3A_775 : i32 to index
        %swap3A_842 = arith.constant 96 : index
        %swap3A_843 = tpu.vector_load %arg10[%swap3A_841, %swap3A_842] {strides = array<i32>} : memref<128x128xf32, #tpu.memory_space<vmem>>, vector<1x16xf32>,
        %swap3A_844 = vector.shape_cast %swap3A_843 : vector<1x16xf32> to vector<16xf32>
        %swap3A_845 = vector.shape_cast %mul3A_840 : vector<16xf32> to vector<1x16xf32>
        tpu.vector_store %arg10[%swap3A_841, %swap3A_842], %swap3A_845 {strides = array<i32>} : memref<128x128xf32, #tpu.memory_space<vmem>>, vector<1x16xf32>,
        %get3A_846 = arith.index_cast %add3A_775 : i32 to index
        %get3A_847 = arith.constant 112 : index
        %get3A_848 = tpu.vector_load %arg10[%get3A_846, %get3A_847] {strides = array<i32>} : memref<128x128xf32, #tpu.memory_space<vmem>>, vector<1x16xf32>,
        %get3A_849 = vector.shape_cast %get3A_848 : vector<1x16xf32> to vector<16xf32>
        %mul3A_850 = arith.mulf %get3A_849, %gather3A_771 : vector<16xf32>
        %swap3A_851 = arith.index_cast %add3A_775 : i32 to index
        %swap3A_852 = arith.constant 112 : index
        %swap3A_853 = tpu.vector_load %arg10[%swap3A_851, %swap3A_852] {strides = array<i32>} : memref<128x128xf32, #tpu.memory_space<vmem>>, vector<1x16xf32>,
        %swap3A_854 = vector.shape_cast %swap3A_853 : vector<1x16xf32> to vector<16xf32>
        %swap3A_855 = vector.shape_cast %mul3A_850 : vector<16xf32> to vector<1x16xf32>
        tpu.vector_store %arg10[%swap3A_851, %swap3A_852], %swap3A_855 {strides = array<i32>} : memref<128x128xf32, #tpu.memory_space<vmem>>, vector<1x16xf32>,
        %broadcast_in_dim3A_856 = arith.constant 6 : i32
        %broadcast_in_dim3A_857 = vector.broadcast %broadcast_in_dim3A_856 : i32 to vector<16x1xi32>
        %gather3A_858 = vector.shape_cast %broadcast_in_dim3A_857 : vector<16x1xi32> to vector<16xi32>
        %gather3A_859 = tpu.dynamic_gather %get3A_330[%gather3A_858] in [0] : vector<16xf32>, vector<16xi32> -> vector<16xf32>
        %mul3A_860 = arith.constant 16 : i32
        %mul3A_861 = arith.muli %add3A_325, %mul3A_860 : i32
        %add3A_862 = arith.constant 6 : i32
        %add3A_863 = arith.addi %mul3A_861, %add3A_862 : i32
        %get3A_864 = arith.index_cast %add3A_863 : i32 to index
        %get3A_865 = arith.constant 0 : index
        %get3A_866 = tpu.vector_load %arg10[%get3A_864, %get3A_865] {strides = array<i32>} : memref<128x128xf32, #tpu.memory_space<vmem>>, vector<1x16xf32>,
        %get3A_867 = vector.shape_cast %get3A_866 : vector<1x16xf32> to vector<16xf32>
        %mul3A_868 = arith.mulf %get3A_867, %gather3A_859 : vector<16xf32>
        %swap3A_869 = arith.index_cast %add3A_863 : i32 to index
        %swap3A_870 = arith.constant 0 : index
        %swap3A_871 = tpu.vector_load %arg10[%swap3A_869, %swap3A_870] {strides = array<i32>} : memref<128x128xf32, #tpu.memory_space<vmem>>, vector<1x16xf32>,
        %swap3A_872 = vector.shape_cast %swap3A_871 : vector<1x16xf32> to vector<16xf32>
        %swap3A_873 = vector.shape_cast %mul3A_868 : vector<16xf32> to vector<1x16xf32>
        tpu.vector_store %arg10[%swap3A_869, %swap3A_870], %swap3A_873 {strides = array<i32>} : memref<128x128xf32, #tpu.memory_space<vmem>>, vector<1x16xf32>,
        %get3A_874 = arith.index_cast %add3A_863 : i32 to index
        %get3A_875 = arith.constant 16 : index
        %get3A_876 = tpu.vector_load %arg10[%get3A_874, %get3A_875] {strides = array<i32>} : memref<128x128xf32, #tpu.memory_space<vmem>>, vector<1x16xf32>,
        %get3A_877 = vector.shape_cast %get3A_876 : vector<1x16xf32> to vector<16xf32>
        %mul3A_878 = arith.mulf %get3A_877, %gather3A_859 : vector<16xf32>
        %swap3A_879 = arith.index_cast %add3A_863 : i32 to index
        %swap3A_880 = arith.constant 16 : index
        %swap3A_881 = tpu.vector_load %arg10[%swap3A_879, %swap3A_880] {strides = array<i32>} : memref<128x128xf32, #tpu.memory_space<vmem>>, vector<1x16xf32>,
        %swap3A_882 = vector.shape_cast %swap3A_881 : vector<1x16xf32> to vector<16xf32>
        %swap3A_883 = vector.shape_cast %mul3A_878 : vector<16xf32> to vector<1x16xf32>
        tpu.vector_store %arg10[%swap3A_879, %swap3A_880], %swap3A_883 {strides = array<i32>} : memref<128x128xf32, #tpu.memory_space<vmem>>, vector<1x16xf32>,
        %get3A_884 = arith.index_cast %add3A_863 : i32 to index
        %get3A_885 = arith.constant 32 : index
        %get3A_886 = tpu.vector_load %arg10[%get3A_884, %get3A_885] {strides = array<i32>} : memref<128x128xf32, #tpu.memory_space<vmem>>, vector<1x16xf32>,
        %get3A_887 = vector.shape_cast %get3A_886 : vector<1x16xf32> to vector<16xf32>
        %mul3A_888 = arith.mulf %get3A_887, %gather3A_859 : vector<16xf32>
        %swap3A_889 = arith.index_cast %add3A_863 : i32 to index
        %swap3A_890 = arith.constant 32 : index
        %swap3A_891 = tpu.vector_load %arg10[%swap3A_889, %swap3A_890] {strides = array<i32>} : memref<128x128xf32, #tpu.memory_space<vmem>>, vector<1x16xf32>,
        %swap3A_892 = vector.shape_cast %swap3A_891 : vector<1x16xf32> to vector<16xf32>
        %swap3A_893 = vector.shape_cast %mul3A_888 : vector<16xf32> to vector<1x16xf32>
        tpu.vector_store %arg10[%swap3A_889, %swap3A_890], %swap3A_893 {strides = array<i32>} : memref<128x128xf32, #tpu.memory_space<vmem>>, vector<1x16xf32>,
        %get3A_894 = arith.index_cast %add3A_863 : i32 to index
        %get3A_895 = arith.constant 48 : index
        %get3A_896 = tpu.vector_load %arg10[%get3A_894, %get3A_895] {strides = array<i32>} : memref<128x128xf32, #tpu.memory_space<vmem>>, vector<1x16xf32>,
        %get3A_897 = vector.shape_cast %get3A_896 : vector<1x16xf32> to vector<16xf32>
        %mul3A_898 = arith.mulf %get3A_897, %gather3A_859 : vector<16xf32>
        %swap3A_899 = arith.index_cast %add3A_863 : i32 to index
        %swap3A_900 = arith.constant 48 : index
        %swap3A_901 = tpu.vector_load %arg10[%swap3A_899, %swap3A_900] {strides = array<i32>} : memref<128x128xf32, #tpu.memory_space<vmem>>, vector<1x16xf32>,
        %swap3A_902 = vector.shape_cast %swap3A_901 : vector<1x16xf32> to vector<16xf32>
        %swap3A_903 = vector.shape_cast %mul3A_898 : vector<16xf32> to vector<1x16xf32>
        tpu.vector_store %arg10[%swap3A_899, %swap3A_900], %swap3A_903 {strides = array<i32>} : memref<128x128xf32, #tpu.memory_space<vmem>>, vector<1x16xf32>,
        %get3A_904 = arith.index_cast %add3A_863 : i32 to index
        %get3A_905 = arith.constant 64 : index
        %get3A_906 = tpu.vector_load %arg10[%get3A_904, %get3A_905] {strides = array<i32>} : memref<128x128xf32, #tpu.memory_space<vmem>>, vector<1x16xf32>,
        %get3A_907 = vector.shape_cast %get3A_906 : vector<1x16xf32> to vector<16xf32>
        %mul3A_908 = arith.mulf %get3A_907, %gather3A_859 : vector<16xf32>
        %swap3A_909 = arith.index_cast %add3A_863 : i32 to index
        %swap3A_910 = arith.constant 64 : index
        %swap3A_911 = tpu.vector_load %arg10[%swap3A_909, %swap3A_910] {strides = array<i32>} : memref<128x128xf32, #tpu.memory_space<vmem>>, vector<1x16xf32>,
        %swap3A_912 = vector.shape_cast %swap3A_911 : vector<1x16xf32> to vector<16xf32>
        %swap3A_913 = vector.shape_cast %mul3A_908 : vector<16xf32> to vector<1x16xf32>
        tpu.vector_store %arg10[%swap3A_909, %swap3A_910], %swap3A_913 {strides = array<i32>} : memref<128x128xf32, #tpu.memory_space<vmem>>, vector<1x16xf32>,
        %get3A_914 = arith.index_cast %add3A_863 : i32 to index
        %get3A_915 = arith.constant 80 : index
        %get3A_916 = tpu.vector_load %arg10[%get3A_914, %get3A_915] {strides = array<i32>} : memref<128x128xf32, #tpu.memory_space<vmem>>, vector<1x16xf32>,
        %get3A_917 = vector.shape_cast %get3A_916 : vector<1x16xf32> to vector<16xf32>
        %mul3A_918 = arith.mulf %get3A_917, %gather3A_859 : vector<16xf32>
        %swap3A_919 = arith.index_cast %add3A_863 : i32 to index
        %swap3A_920 = arith.constant 80 : index
        %swap3A_921 = tpu.vector_load %arg10[%swap3A_919, %swap3A_920] {strides = array<i32>} : memref<128x128xf32, #tpu.memory_space<vmem>>, vector<1x16xf32>,
        %swap3A_922 = vector.shape_cast %swap3A_921 : vector<1x16xf32> to vector<16xf32>
        %swap3A_923 = vector.shape_cast %mul3A_918 : vector<16xf32> to vector<1x16xf32>
        tpu.vector_store %arg10[%swap3A_919, %swap3A_920], %swap3A_923 {strides = array<i32>} : memref<128x128xf32, #tpu.memory_space<vmem>>, vector<1x16xf32>,
        %get3A_924 = arith.index_cast %add3A_863 : i32 to index
        %get3A_925 = arith.constant 96 : index
        %get3A_926 = tpu.vector_load %arg10[%get3A_924, %get3A_925] {strides = array<i32>} : memref<128x128xf32, #tpu.memory_space<vmem>>, vector<1x16xf32>,
        %get3A_927 = vector.shape_cast %get3A_926 : vector<1x16xf32> to vector<16xf32>
        %mul3A_928 = arith.mulf %get3A_927, %gather3A_859 : vector<16xf32>
        %swap3A_929 = arith.index_cast %add3A_863 : i32 to index
        %swap3A_930 = arith.constant 96 : index
        %swap3A_931 = tpu.vector_load %arg10[%swap3A_929, %swap3A_930] {strides = array<i32>} : memref<128x128xf32, #tpu.memory_space<vmem>>, vector<1x16xf32>,
        %swap3A_932 = vector.shape_cast %swap3A_931 : vector<1x16xf32> to vector<16xf32>
        %swap3A_933 = vector.shape_cast %mul3A_928 : vector<16xf32> to vector<1x16xf32>
        tpu.vector_store %arg10[%swap3A_929, %swap3A_930], %swap3A_933 {strides = array<i32>} : memref<128x128xf32, #tpu.memory_space<vmem>>, vector<1x16xf32>,
        %get3A_934 = arith.index_cast %add3A_863 : i32 to index
        %get3A_935 = arith.constant 112 : index
        %get3A_936 = tpu.vector_load %arg10[%get3A_934, %get3A_935] {strides = array<i32>} : memref<128x128xf32, #tpu.memory_space<vmem>>, vector<1x16xf32>,
        %get3A_937 = vector.shape_cast %get3A_936 : vector<1x16xf32> to vector<16xf32>
        %mul3A_938 = arith.mulf %get3A_937, %gather3A_859 : vector<16xf32>
        %swap3A_939 = arith.index_cast %add3A_863 : i32 to index
        %swap3A_940 = arith.constant 112 : index
        %swap3A_941 = tpu.vector_load %arg10[%swap3A_939, %swap3A_940] {strides = array<i32>} : memref<128x128xf32, #tpu.memory_space<vmem>>, vector<1x16xf32>,
        %swap3A_942 = vector.shape_cast %swap3A_941 : vector<1x16xf32> to vector<16xf32>
        %swap3A_943 = vector.shape_cast %mul3A_938 : vector<16xf32> to vector<1x16xf32>
        tpu.vector_store %arg10[%swap3A_939, %swap3A_940], %swap3A_943 {strides = array<i32>} : memref<128x128xf32, #tpu.memory_space<vmem>>, vector<1x16xf32>,
        %broadcast_in_dim3A_944 = arith.constant 7 : i32
        %broadcast_in_dim3A_945 = vector.broadcast %broadcast_in_dim3A_944 : i32 to vector<16x1xi32>
        %gather3A_946 = vector.shape_cast %broadcast_in_dim3A_945 : vector<16x1xi32> to vector<16xi32>
        %gather3A_947 = tpu.dynamic_gather %get3A_330[%gather3A_946] in [0] : vector<16xf32>, vector<16xi32> -> vector<16xf32>
        %mul3A_948 = arith.constant 16 : i32
        %mul3A_949 = arith.muli %add3A_325, %mul3A_948 : i32
        %add3A_950 = arith.constant 7 : i32
        %add3A_951 = arith.addi %mul3A_949, %add3A_950 : i32
        %get3A_952 = arith.index_cast %add3A_951 : i32 to index
        %get3A_953 = arith.constant 0 : index
        %get3A_954 = tpu.vector_load %arg10[%get3A_952, %get3A_953] {strides = array<i32>} : memref<128x128xf32, #tpu.memory_space<vmem>>, vector<1x16xf32>,
        %get3A_955 = vector.shape_cast %get3A_954 : vector<1x16xf32> to vector<16xf32>
        %mul3A_956 = arith.mulf %get3A_955, %gather3A_947 : vector<16xf32>
        %swap3A_957 = arith.index_cast %add3A_951 : i32 to index
        %swap3A_958 = arith.constant 0 : index
        %swap3A_959 = tpu.vector_load %arg10[%swap3A_957, %swap3A_958] {strides = array<i32>} : memref<128x128xf32, #tpu.memory_space<vmem>>, vector<1x16xf32>,
        %swap3A_960 = vector.shape_cast %swap3A_959 : vector<1x16xf32> to vector<16xf32>
        %swap3A_961 = vector.shape_cast %mul3A_956 : vector<16xf32> to vector<1x16xf32>
        tpu.vector_store %arg10[%swap3A_957, %swap3A_958], %swap3A_961 {strides = array<i32>} : memref<128x128xf32, #tpu.memory_space<vmem>>, vector<1x16xf32>,
        %get3A_962 = arith.index_cast %add3A_951 : i32 to index
        %get3A_963 = arith.constant 16 : index
        %get3A_964 = tpu.vector_load %arg10[%get3A_962, %get3A_963] {strides = array<i32>} : memref<128x128xf32, #tpu.memory_space<vmem>>, vector<1x16xf32>,
        %get3A_965 = vector.shape_cast %get3A_964 : vector<1x16xf32> to vector<16xf32>
        %mul3A_966 = arith.mulf %get3A_965, %gather3A_947 : vector<16xf32>
        %swap3A_967 = arith.index_cast %add3A_951 : i32 to index
        %swap3A_968 = arith.constant 16 : index
        %swap3A_969 = tpu.vector_load %arg10[%swap3A_967, %swap3A_968] {strides = array<i32>} : memref<128x128xf32, #tpu.memory_space<vmem>>, vector<1x16xf32>,
        %swap3A_970 = vector.shape_cast %swap3A_969 : vector<1x16xf32> to vector<16xf32>
        %swap3A_971 = vector.shape_cast %mul3A_966 : vector<16xf32> to vector<1x16xf32>
        tpu.vector_store %arg10[%swap3A_967, %swap3A_968], %swap3A_971 {strides = array<i32>} : memref<128x128xf32, #tpu.memory_space<vmem>>, vector<1x16xf32>,
        %get3A_972 = arith.index_cast %add3A_951 : i32 to index
        %get3A_973 = arith.constant 32 : index
        %get3A_974 = tpu.vector_load %arg10[%get3A_972, %get3A_973] {strides = array<i32>} : memref<128x128xf32, #tpu.memory_space<vmem>>, vector<1x16xf32>,
        %get3A_975 = vector.shape_cast %get3A_974 : vector<1x16xf32> to vector<16xf32>
        %mul3A_976 = arith.mulf %get3A_975, %gather3A_947 : vector<16xf32>
        %swap3A_977 = arith.index_cast %add3A_951 : i32 to index
        %swap3A_978 = arith.constant 32 : index
        %swap3A_979 = tpu.vector_load %arg10[%swap3A_977, %swap3A_978] {strides = array<i32>} : memref<128x128xf32, #tpu.memory_space<vmem>>, vector<1x16xf32>,
        %swap3A_980 = vector.shape_cast %swap3A_979 : vector<1x16xf32> to vector<16xf32>
        %swap3A_981 = vector.shape_cast %mul3A_976 : vector<16xf32> to vector<1x16xf32>
        tpu.vector_store %arg10[%swap3A_977, %swap3A_978], %swap3A_981 {strides = array<i32>} : memref<128x128xf32, #tpu.memory_space<vmem>>, vector<1x16xf32>,
        %get3A_982 = arith.index_cast %add3A_951 : i32 to index
        %get3A_983 = arith.constant 48 : index
        %get3A_984 = tpu.vector_load %arg10[%get3A_982, %get3A_983] {strides = array<i32>} : memref<128x128xf32, #tpu.memory_space<vmem>>, vector<1x16xf32>,
        %get3A_985 = vector.shape_cast %get3A_984 : vector<1x16xf32> to vector<16xf32>
        %mul3A_986 = arith.mulf %get3A_985, %gather3A_947 : vector<16xf32>
        %swap3A_987 = arith.index_cast %add3A_951 : i32 to index
        %swap3A_988 = arith.constant 48 : index
        %swap3A_989 = tpu.vector_load %arg10[%swap3A_987, %swap3A_988] {strides = array<i32>} : memref<128x128xf32, #tpu.memory_space<vmem>>, vector<1x16xf32>,
        %swap3A_990 = vector.shape_cast %swap3A_989 : vector<1x16xf32> to vector<16xf32>
        %swap3A_991 = vector.shape_cast %mul3A_986 : vector<16xf32> to vector<1x16xf32>
        tpu.vector_store %arg10[%swap3A_987, %swap3A_988], %swap3A_991 {strides = array<i32>} : memref<128x128xf32, #tpu.memory_space<vmem>>, vector<1x16xf32>,
        %get3A_992 = arith.index_cast %add3A_951 : i32 to index
        %get3A_993 = arith.constant 64 : index
        %get3A_994 = tpu.vector_load %arg10[%get3A_992, %get3A_993] {strides = array<i32>} : memref<128x128xf32, #tpu.memory_space<vmem>>, vector<1x16xf32>,
        %get3A_995 = vector.shape_cast %get3A_994 : vector<1x16xf32> to vector<16xf32>
        %mul3A_996 = arith.mulf %get3A_995, %gather3A_947 : vector<16xf32>
        %swap3A_997 = arith.index_cast %add3A_951 : i32 to index
        %swap3A_998 = arith.constant 64 : index
        %swap3A_999 = tpu.vector_load %arg10[%swap3A_997, %swap3A_998] {strides = array<i32>} : memref<128x128xf32, #tpu.memory_space<vmem>>, vector<1x16xf32>,
        %swap3A_1000 = vector.shape_cast %swap3A_999 : vector<1x16xf32> to vector<16xf32>
        %swap3A_1001 = vector.shape_cast %mul3A_996 : vector<16xf32> to vector<1x16xf32>
        tpu.vector_store %arg10[%swap3A_997, %swap3A_998], %swap3A_1001 {strides = array<i32>} : memref<128x128xf32, #tpu.memory_space<vmem>>, vector<1x16xf32>,
        %get3A_1002 = arith.index_cast %add3A_951 : i32 to index
        %get3A_1003 = arith.constant 80 : index
        %get3A_1004 = tpu.vector_load %arg10[%get3A_1002, %get3A_1003] {strides = array<i32>} : memref<128x128xf32, #tpu.memory_space<vmem>>, vector<1x16xf32>,
        %get3A_1005 = vector.shape_cast %get3A_1004 : vector<1x16xf32> to vector<16xf32>
        %mul3A_1006 = arith.mulf %get3A_1005, %gather3A_947 : vector<16xf32>
        %swap3A_1007 = arith.index_cast %add3A_951 : i32 to index
        %swap3A_1008 = arith.constant 80 : index
        %swap3A_1009 = tpu.vector_load %arg10[%swap3A_1007, %swap3A_1008] {strides = array<i32>} : memref<128x128xf32, #tpu.memory_space<vmem>>, vector<1x16xf32>,
        %swap3A_1010 = vector.shape_cast %swap3A_1009 : vector<1x16xf32> to vector<16xf32>
        %swap3A_1011 = vector.shape_cast %mul3A_1006 : vector<16xf32> to vector<1x16xf32>
        tpu.vector_store %arg10[%swap3A_1007, %swap3A_1008], %swap3A_1011 {strides = array<i32>} : memref<128x128xf32, #tpu.memory_space<vmem>>, vector<1x16xf32>,
        %get3A_1012 = arith.index_cast %add3A_951 : i32 to index
        %get3A_1013 = arith.constant 96 : index
        %get3A_1014 = tpu.vector_load %arg10[%get3A_1012, %get3A_1013] {strides = array<i32>} : memref<128x128xf32, #tpu.memory_space<vmem>>, vector<1x16xf32>,
        %get3A_1015 = vector.shape_cast %get3A_1014 : vector<1x16xf32> to vector<16xf32>
        %mul3A_1016 = arith.mulf %get3A_1015, %gather3A_947 : vector<16xf32>
        %swap3A_1017 = arith.index_cast %add3A_951 : i32 to index
        %swap3A_1018 = arith.constant 96 : index
        %swap3A_1019 = tpu.vector_load %arg10[%swap3A_1017, %swap3A_1018] {strides = array<i32>} : memref<128x128xf32, #tpu.memory_space<vmem>>, vector<1x16xf32>,
        %swap3A_1020 = vector.shape_cast %swap3A_1019 : vector<1x16xf32> to vector<16xf32>
        %swap3A_1021 = vector.shape_cast %mul3A_1016 : vector<16xf32> to vector<1x16xf32>
        tpu.vector_store %arg10[%swap3A_1017, %swap3A_1018], %swap3A_1021 {strides = array<i32>} : memref<128x128xf32, #tpu.memory_space<vmem>>, vector<1x16xf32>,
        %get3A_1022 = arith.index_cast %add3A_951 : i32 to index
        %get3A_1023 = arith.constant 112 : index
        %get3A_1024 = tpu.vector_load %arg10[%get3A_1022, %get3A_1023] {strides = array<i32>} : memref<128x128xf32, #tpu.memory_space<vmem>>, vector<1x16xf32>,
        %get3A_1025 = vector.shape_cast %get3A_1024 : vector<1x16xf32> to vector<16xf32>
        %mul3A_1026 = arith.mulf %get3A_1025, %gather3A_947 : vector<16xf32>
        %swap3A_1027 = arith.index_cast %add3A_951 : i32 to index
        %swap3A_1028 = arith.constant 112 : index
        %swap3A_1029 = tpu.vector_load %arg10[%swap3A_1027, %swap3A_1028] {strides = array<i32>} : memref<128x128xf32, #tpu.memory_space<vmem>>, vector<1x16xf32>,
        %swap3A_1030 = vector.shape_cast %swap3A_1029 : vector<1x16xf32> to vector<16xf32>
        %swap3A_1031 = vector.shape_cast %mul3A_1026 : vector<16xf32> to vector<1x16xf32>
        tpu.vector_store %arg10[%swap3A_1027, %swap3A_1028], %swap3A_1031 {strides = array<i32>} : memref<128x128xf32, #tpu.memory_space<vmem>>, vector<1x16xf32>,
        %broadcast_in_dim3A_1032 = arith.constant 8 : i32
        %broadcast_in_dim3A_1033 = vector.broadcast %broadcast_in_dim3A_1032 : i32 to vector<16x1xi32>
        %gather3A_1034 = vector.shape_cast %broadcast_in_dim3A_1033 : vector<16x1xi32> to vector<16xi32>
        %gather3A_1035 = tpu.dynamic_gather %get3A_330[%gather3A_1034] in [0] : vector<16xf32>, vector<16xi32> -> vector<16xf32>
        %mul3A_1036 = arith.constant 16 : i32
        %mul3A_1037 = arith.muli %add3A_325, %mul3A_1036 : i32
        %add3A_1038 = arith.constant 8 : i32
        %add3A_1039 = arith.addi %mul3A_1037, %add3A_1038 : i32
        %get3A_1040 = arith.index_cast %add3A_1039 : i32 to index
        %get3A_1041 = arith.constant 0 : index
        %get3A_1042 = tpu.vector_load %arg10[%get3A_1040, %get3A_1041] {strides = array<i32>} : memref<128x128xf32, #tpu.memory_space<vmem>>, vector<1x16xf32>,
        %get3A_1043 = vector.shape_cast %get3A_1042 : vector<1x16xf32> to vector<16xf32>
        %mul3A_1044 = arith.mulf %get3A_1043, %gather3A_1035 : vector<16xf32>
        %swap3A_1045 = arith.index_cast %add3A_1039 : i32 to index
        %swap3A_1046 = arith.constant 0 : index
        %swap3A_1047 = tpu.vector_load %arg10[%swap3A_1045, %swap3A_1046] {strides = array<i32>} : memref<128x128xf32, #tpu.memory_space<vmem>>, vector<1x16xf32>,
        %swap3A_1048 = vector.shape_cast %swap3A_1047 : vector<1x16xf32> to vector<16xf32>
        %swap3A_1049 = vector.shape_cast %mul3A_1044 : vector<16xf32> to vector<1x16xf32>
        tpu.vector_store %arg10[%swap3A_1045, %swap3A_1046], %swap3A_1049 {strides = array<i32>} : memref<128x128xf32, #tpu.memory_space<vmem>>, vector<1x16xf32>,
        %get3A_1050 = arith.index_cast %add3A_1039 : i32 to index
        %get3A_1051 = arith.constant 16 : index
        %get3A_1052 = tpu.vector_load %arg10[%get3A_1050, %get3A_1051] {strides = array<i32>} : memref<128x128xf32, #tpu.memory_space<vmem>>, vector<1x16xf32>,
        %get3A_1053 = vector.shape_cast %get3A_1052 : vector<1x16xf32> to vector<16xf32>
        %mul3A_1054 = arith.mulf %get3A_1053, %gather3A_1035 : vector<16xf32>
        %swap3A_1055 = arith.index_cast %add3A_1039 : i32 to index
        %swap3A_1056 = arith.constant 16 : index
        %swap3A_1057 = tpu.vector_load %arg10[%swap3A_1055, %swap3A_1056] {strides = array<i32>} : memref<128x128xf32, #tpu.memory_space<vmem>>, vector<1x16xf32>,
        %swap3A_1058 = vector.shape_cast %swap3A_1057 : vector<1x16xf32> to vector<16xf32>
        %swap3A_1059 = vector.shape_cast %mul3A_1054 : vector<16xf32> to vector<1x16xf32>
        tpu.vector_store %arg10[%swap3A_1055, %swap3A_1056], %swap3A_1059 {strides = array<i32>} : memref<128x128xf32, #tpu.memory_space<vmem>>, vector<1x16xf32>,
        %get3A_1060 = arith.index_cast %add3A_1039 : i32 to index
        %get3A_1061 = arith.constant 32 : index
        %get3A_1062 = tpu.vector_load %arg10[%get3A_1060, %get3A_1061] {strides = array<i32>} : memref<128x128xf32, #tpu.memory_space<vmem>>, vector<1x16xf32>,
        %get3A_1063 = vector.shape_cast %get3A_1062 : vector<1x16xf32> to vector<16xf32>
        %mul3A_1064 = arith.mulf %get3A_1063, %gather3A_1035 : vector<16xf32>
        %swap3A_1065 = arith.index_cast %add3A_1039 : i32 to index
        %swap3A_1066 = arith.constant 32 : index
        %swap3A_1067 = tpu.vector_load %arg10[%swap3A_1065, %swap3A_1066] {strides = array<i32>} : memref<128x128xf32, #tpu.memory_space<vmem>>, vector<1x16xf32>,
        %swap3A_1068 = vector.shape_cast %swap3A_1067 : vector<1x16xf32> to vector<16xf32>
        %swap3A_1069 = vector.shape_cast %mul3A_1064 : vector<16xf32> to vector<1x16xf32>
        tpu.vector_store %arg10[%swap3A_1065, %swap3A_1066], %swap3A_1069 {strides = array<i32>} : memref<128x128xf32, #tpu.memory_space<vmem>>, vector<1x16xf32>,
        %get3A_1070 = arith.index_cast %add3A_1039 : i32 to index
        %get3A_1071 = arith.constant 48 : index
        %get3A_1072 = tpu.vector_load %arg10[%get3A_1070, %get3A_1071] {strides = array<i32>} : memref<128x128xf32, #tpu.memory_space<vmem>>, vector<1x16xf32>,
        %get3A_1073 = vector.shape_cast %get3A_1072 : vector<1x16xf32> to vector<16xf32>
        %mul3A_1074 = arith.mulf %get3A_1073, %gather3A_1035 : vector<16xf32>
        %swap3A_1075 = arith.index_cast %add3A_1039 : i32 to index
        %swap3A_1076 = arith.constant 48 : index
        %swap3A_1077 = tpu.vector_load %arg10[%swap3A_1075, %swap3A_1076] {strides = array<i32>} : memref<128x128xf32, #tpu.memory_space<vmem>>, vector<1x16xf32>,
        %swap3A_1078 = vector.shape_cast %swap3A_1077 : vector<1x16xf32> to vector<16xf32>
        %swap3A_1079 = vector.shape_cast %mul3A_1074 : vector<16xf32> to vector<1x16xf32>
        tpu.vector_store %arg10[%swap3A_1075, %swap3A_1076], %swap3A_1079 {strides = array<i32>} : memref<128x128xf32, #tpu.memory_space<vmem>>, vector<1x16xf32>,
        %get3A_1080 = arith.index_cast %add3A_1039 : i32 to index
        %get3A_1081 = arith.constant 64 : index
        %get3A_1082 = tpu.vector_load %arg10[%get3A_1080, %get3A_1081] {strides = array<i32>} : memref<128x128xf32, #tpu.memory_space<vmem>>, vector<1x16xf32>,
        %get3A_1083 = vector.shape_cast %get3A_1082 : vector<1x16xf32> to vector<16xf32>
        %mul3A_1084 = arith.mulf %get3A_1083, %gather3A_1035 : vector<16xf32>
        %swap3A_1085 = arith.index_cast %add3A_1039 : i32 to index
        %swap3A_1086 = arith.constant 64 : index
        %swap3A_1087 = tpu.vector_load %arg10[%swap3A_1085, %swap3A_1086] {strides = array<i32>} : memref<128x128xf32, #tpu.memory_space<vmem>>, vector<1x16xf32>,
        %swap3A_1088 = vector.shape_cast %swap3A_1087 : vector<1x16xf32> to vector<16xf32>
        %swap3A_1089 = vector.shape_cast %mul3A_1084 : vector<16xf32> to vector<1x16xf32>
        tpu.vector_store %arg10[%swap3A_1085, %swap3A_1086], %swap3A_1089 {strides = array<i32>} : memref<128x128xf32, #tpu.memory_space<vmem>>, vector<1x16xf32>,
        %get3A_1090 = arith.index_cast %add3A_1039 : i32 to index
        %get3A_1091 = arith.constant 80 : index
        %get3A_1092 = tpu.vector_load %arg10[%get3A_1090, %get3A_1091] {strides = array<i32>} : memref<128x128xf32, #tpu.memory_space<vmem>>, vector<1x16xf32>,
        %get3A_1093 = vector.shape_cast %get3A_1092 : vector<1x16xf32> to vector<16xf32>
        %mul3A_1094 = arith.mulf %get3A_1093, %gather3A_1035 : vector<16xf32>
        %swap3A_1095 = arith.index_cast %add3A_1039 : i32 to index
        %swap3A_1096 = arith.constant 80 : index
        %swap3A_1097 = tpu.vector_load %arg10[%swap3A_1095, %swap3A_1096] {strides = array<i32>} : memref<128x128xf32, #tpu.memory_space<vmem>>, vector<1x16xf32>,
        %swap3A_1098 = vector.shape_cast %swap3A_1097 : vector<1x16xf32> to vector<16xf32>
        %swap3A_1099 = vector.shape_cast %mul3A_1094 : vector<16xf32> to vector<1x16xf32>
        tpu.vector_store %arg10[%swap3A_1095, %swap3A_1096], %swap3A_1099 {strides = array<i32>} : memref<128x128xf32, #tpu.memory_space<vmem>>, vector<1x16xf32>,
        %get3A_1100 = arith.index_cast %add3A_1039 : i32 to index
        %get3A_1101 = arith.constant 96 : index
        %get3A_1102 = tpu.vector_load %arg10[%get3A_1100, %get3A_1101] {strides = array<i32>} : memref<128x128xf32, #tpu.memory_space<vmem>>, vector<1x16xf32>,
        %get3A_1103 = vector.shape_cast %get3A_1102 : vector<1x16xf32> to vector<16xf32>
        %mul3A_1104 = arith.mulf %get3A_1103, %gather3A_1035 : vector<16xf32>
        %swap3A_1105 = arith.index_cast %add3A_1039 : i32 to index
        %swap3A_1106 = arith.constant 96 : index
        %swap3A_1107 = tpu.vector_load %arg10[%swap3A_1105, %swap3A_1106] {strides = array<i32>} : memref<128x128xf32, #tpu.memory_space<vmem>>, vector<1x16xf32>,
        %swap3A_1108 = vector.shape_cast %swap3A_1107 : vector<1x16xf32> to vector<16xf32>
        %swap3A_1109 = vector.shape_cast %mul3A_1104 : vector<16xf32> to vector<1x16xf32>
        tpu.vector_store %arg10[%swap3A_1105, %swap3A_1106], %swap3A_1109 {strides = array<i32>} : memref<128x128xf32, #tpu.memory_space<vmem>>, vector<1x16xf32>,
        %get3A_1110 = arith.index_cast %add3A_1039 : i32 to index
        %get3A_1111 = arith.constant 112 : index
        %get3A_1112 = tpu.vector_load %arg10[%get3A_1110, %get3A_1111] {strides = array<i32>} : memref<128x128xf32, #tpu.memory_space<vmem>>, vector<1x16xf32>,
        %get3A_1113 = vector.shape_cast %get3A_1112 : vector<1x16xf32> to vector<16xf32>
        %mul3A_1114 = arith.mulf %get3A_1113, %gather3A_1035 : vector<16xf32>
        %swap3A_1115 = arith.index_cast %add3A_1039 : i32 to index
        %swap3A_1116 = arith.constant 112 : index
        %swap3A_1117 = tpu.vector_load %arg10[%swap3A_1115, %swap3A_1116] {strides = array<i32>} : memref<128x128xf32, #tpu.memory_space<vmem>>, vector<1x16xf32>,
        %swap3A_1118 = vector.shape_cast %swap3A_1117 : vector<1x16xf32> to vector<16xf32>
        %swap3A_1119 = vector.shape_cast %mul3A_1114 : vector<16xf32> to vector<1x16xf32>
        tpu.vector_store %arg10[%swap3A_1115, %swap3A_1116], %swap3A_1119 {strides = array<i32>} : memref<128x128xf32, #tpu.memory_space<vmem>>, vector<1x16xf32>,
        %broadcast_in_dim3A_1120 = arith.constant 9 : i32
        %broadcast_in_dim3A_1121 = vector.broadcast %broadcast_in_dim3A_1120 : i32 to vector<16x1xi32>
        %gather3A_1122 = vector.shape_cast %broadcast_in_dim3A_1121 : vector<16x1xi32> to vector<16xi32>
        %gather3A_1123 = tpu.dynamic_gather %get3A_330[%gather3A_1122] in [0] : vector<16xf32>, vector<16xi32> -> vector<16xf32>
        %mul3A_1124 = arith.constant 16 : i32
        %mul3A_1125 = arith.muli %add3A_325, %mul3A_1124 : i32
        %add3A_1126 = arith.constant 9 : i32
        %add3A_1127 = arith.addi %mul3A_1125, %add3A_1126 : i32
        %get3A_1128 = arith.index_cast %add3A_1127 : i32 to index
        %get3A_1129 = arith.constant 0 : index
        %get3A_1130 = tpu.vector_load %arg10[%get3A_1128, %get3A_1129] {strides = array<i32>} : memref<128x128xf32, #tpu.memory_space<vmem>>, vector<1x16xf32>,
        %get3A_1131 = vector.shape_cast %get3A_1130 : vector<1x16xf32> to vector<16xf32>
        %mul3A_1132 = arith.mulf %get3A_1131, %gather3A_1123 : vector<16xf32>
        %swap3A_1133 = arith.index_cast %add3A_1127 : i32 to index
        %swap3A_1134 = arith.constant 0 : index
        %swap3A_1135 = tpu.vector_load %arg10[%swap3A_1133, %swap3A_1134] {strides = array<i32>} : memref<128x128xf32, #tpu.memory_space<vmem>>, vector<1x16xf32>,
        %swap3A_1136 = vector.shape_cast %swap3A_1135 : vector<1x16xf32> to vector<16xf32>
        %swap3A_1137 = vector.shape_cast %mul3A_1132 : vector<16xf32> to vector<1x16xf32>
        tpu.vector_store %arg10[%swap3A_1133, %swap3A_1134], %swap3A_1137 {strides = array<i32>} : memref<128x128xf32, #tpu.memory_space<vmem>>, vector<1x16xf32>,
        %get3A_1138 = arith.index_cast %add3A_1127 : i32 to index
        %get3A_1139 = arith.constant 16 : index
        %get3A_1140 = tpu.vector_load %arg10[%get3A_1138, %get3A_1139] {strides = array<i32>} : memref<128x128xf32, #tpu.memory_space<vmem>>, vector<1x16xf32>,
        %get3A_1141 = vector.shape_cast %get3A_1140 : vector<1x16xf32> to vector<16xf32>
        %mul3A_1142 = arith.mulf %get3A_1141, %gather3A_1123 : vector<16xf32>
        %swap3A_1143 = arith.index_cast %add3A_1127 : i32 to index
        %swap3A_1144 = arith.constant 16 : index
        %swap3A_1145 = tpu.vector_load %arg10[%swap3A_1143, %swap3A_1144] {strides = array<i32>} : memref<128x128xf32, #tpu.memory_space<vmem>>, vector<1x16xf32>,
        %swap3A_1146 = vector.shape_cast %swap3A_1145 : vector<1x16xf32> to vector<16xf32>
        %swap3A_1147 = vector.shape_cast %mul3A_1142 : vector<16xf32> to vector<1x16xf32>
        tpu.vector_store %arg10[%swap3A_1143, %swap3A_1144], %swap3A_1147 {strides = array<i32>} : memref<128x128xf32, #tpu.memory_space<vmem>>, vector<1x16xf32>,
        %get3A_1148 = arith.index_cast %add3A_1127 : i32 to index
        %get3A_1149 = arith.constant 32 : index
        %get3A_1150 = tpu.vector_load %arg10[%get3A_1148, %get3A_1149] {strides = array<i32>} : memref<128x128xf32, #tpu.memory_space<vmem>>, vector<1x16xf32>,
        %get3A_1151 = vector.shape_cast %get3A_1150 : vector<1x16xf32> to vector<16xf32>
        %mul3A_1152 = arith.mulf %get3A_1151, %gather3A_1123 : vector<16xf32>
        %swap3A_1153 = arith.index_cast %add3A_1127 : i32 to index
        %swap3A_1154 = arith.constant 32 : index
        %swap3A_1155 = tpu.vector_load %arg10[%swap3A_1153, %swap3A_1154] {strides = array<i32>} : memref<128x128xf32, #tpu.memory_space<vmem>>, vector<1x16xf32>,
        %swap3A_1156 = vector.shape_cast %swap3A_1155 : vector<1x16xf32> to vector<16xf32>
        %swap3A_1157 = vector.shape_cast %mul3A_1152 : vector<16xf32> to vector<1x16xf32>
        tpu.vector_store %arg10[%swap3A_1153, %swap3A_1154], %swap3A_1157 {strides = array<i32>} : memref<128x128xf32, #tpu.memory_space<vmem>>, vector<1x16xf32>,
        %get3A_1158 = arith.index_cast %add3A_1127 : i32 to index
        %get3A_1159 = arith.constant 48 : index
        %get3A_1160 = tpu.vector_load %arg10[%get3A_1158, %get3A_1159] {strides = array<i32>} : memref<128x128xf32, #tpu.memory_space<vmem>>, vector<1x16xf32>,
        %get3A_1161 = vector.shape_cast %get3A_1160 : vector<1x16xf32> to vector<16xf32>
        %mul3A_1162 = arith.mulf %get3A_1161, %gather3A_1123 : vector<16xf32>
        %swap3A_1163 = arith.index_cast %add3A_1127 : i32 to index
        %swap3A_1164 = arith.constant 48 : index
        %swap3A_1165 = tpu.vector_load %arg10[%swap3A_1163, %swap3A_1164] {strides = array<i32>} : memref<128x128xf32, #tpu.memory_space<vmem>>, vector<1x16xf32>,
        %swap3A_1166 = vector.shape_cast %swap3A_1165 : vector<1x16xf32> to vector<16xf32>
        %swap3A_1167 = vector.shape_cast %mul3A_1162 : vector<16xf32> to vector<1x16xf32>
        tpu.vector_store %arg10[%swap3A_1163, %swap3A_1164], %swap3A_1167 {strides = array<i32>} : memref<128x128xf32, #tpu.memory_space<vmem>>, vector<1x16xf32>,
        %get3A_1168 = arith.index_cast %add3A_1127 : i32 to index
        %get3A_1169 = arith.constant 64 : index
        %get3A_1170 = tpu.vector_load %arg10[%get3A_1168, %get3A_1169] {strides = array<i32>} : memref<128x128xf32, #tpu.memory_space<vmem>>, vector<1x16xf32>,
        %get3A_1171 = vector.shape_cast %get3A_1170 : vector<1x16xf32> to vector<16xf32>
        %mul3A_1172 = arith.mulf %get3A_1171, %gather3A_1123 : vector<16xf32>
        %swap3A_1173 = arith.index_cast %add3A_1127 : i32 to index
        %swap3A_1174 = arith.constant 64 : index
        %swap3A_1175 = tpu.vector_load %arg10[%swap3A_1173, %swap3A_1174] {strides = array<i32>} : memref<128x128xf32, #tpu.memory_space<vmem>>, vector<1x16xf32>,
        %swap3A_1176 = vector.shape_cast %swap3A_1175 : vector<1x16xf32> to vector<16xf32>
        %swap3A_1177 = vector.shape_cast %mul3A_1172 : vector<16xf32> to vector<1x16xf32>
        tpu.vector_store %arg10[%swap3A_1173, %swap3A_1174], %swap3A_1177 {strides = array<i32>} : memref<128x128xf32, #tpu.memory_space<vmem>>, vector<1x16xf32>,
        %get3A_1178 = arith.index_cast %add3A_1127 : i32 to index
        %get3A_1179 = arith.constant 80 : index
        %get3A_1180 = tpu.vector_load %arg10[%get3A_1178, %get3A_1179] {strides = array<i32>} : memref<128x128xf32, #tpu.memory_space<vmem>>, vector<1x16xf32>,
        %get3A_1181 = vector.shape_cast %get3A_1180 : vector<1x16xf32> to vector<16xf32>
        %mul3A_1182 = arith.mulf %get3A_1181, %gather3A_1123 : vector<16xf32>
        %swap3A_1183 = arith.index_cast %add3A_1127 : i32 to index
        %swap3A_1184 = arith.constant 80 : index
        %swap3A_1185 = tpu.vector_load %arg10[%swap3A_1183, %swap3A_1184] {strides = array<i32>} : memref<128x128xf32, #tpu.memory_space<vmem>>, vector<1x16xf32>,
        %swap3A_1186 = vector.shape_cast %swap3A_1185 : vector<1x16xf32> to vector<16xf32>
        %swap3A_1187 = vector.shape_cast %mul3A_1182 : vector<16xf32> to vector<1x16xf32>
        tpu.vector_store %arg10[%swap3A_1183, %swap3A_1184], %swap3A_1187 {strides = array<i32>} : memref<128x128xf32, #tpu.memory_space<vmem>>, vector<1x16xf32>,
        %get3A_1188 = arith.index_cast %add3A_1127 : i32 to index
        %get3A_1189 = arith.constant 96 : index
        %get3A_1190 = tpu.vector_load %arg10[%get3A_1188, %get3A_1189] {strides = array<i32>} : memref<128x128xf32, #tpu.memory_space<vmem>>, vector<1x16xf32>,
        %get3A_1191 = vector.shape_cast %get3A_1190 : vector<1x16xf32> to vector<16xf32>
        %mul3A_1192 = arith.mulf %get3A_1191, %gather3A_1123 : vector<16xf32>
        %swap3A_1193 = arith.index_cast %add3A_1127 : i32 to index
        %swap3A_1194 = arith.constant 96 : index
        %swap3A_1195 = tpu.vector_load %arg10[%swap3A_1193, %swap3A_1194] {strides = array<i32>} : memref<128x128xf32, #tpu.memory_space<vmem>>, vector<1x16xf32>,
        %swap3A_1196 = vector.shape_cast %swap3A_1195 : vector<1x16xf32> to vector<16xf32>
        %swap3A_1197 = vector.shape_cast %mul3A_1192 : vector<16xf32> to vector<1x16xf32>
        tpu.vector_store %arg10[%swap3A_1193, %swap3A_1194], %swap3A_1197 {strides = array<i32>} : memref<128x128xf32, #tpu.memory_space<vmem>>, vector<1x16xf32>,
        %get3A_1198 = arith.index_cast %add3A_1127 : i32 to index
        %get3A_1199 = arith.constant 112 : index
        %get3A_1200 = tpu.vector_load %arg10[%get3A_1198, %get3A_1199] {strides = array<i32>} : memref<128x128xf32, #tpu.memory_space<vmem>>, vector<1x16xf32>,
        %get3A_1201 = vector.shape_cast %get3A_1200 : vector<1x16xf32> to vector<16xf32>
        %mul3A_1202 = arith.mulf %get3A_1201, %gather3A_1123 : vector<16xf32>
        %swap3A_1203 = arith.index_cast %add3A_1127 : i32 to index
        %swap3A_1204 = arith.constant 112 : index
        %swap3A_1205 = tpu.vector_load %arg10[%swap3A_1203, %swap3A_1204] {strides = array<i32>} : memref<128x128xf32, #tpu.memory_space<vmem>>, vector<1x16xf32>,
        %swap3A_1206 = vector.shape_cast %swap3A_1205 : vector<1x16xf32> to vector<16xf32>
        %swap3A_1207 = vector.shape_cast %mul3A_1202 : vector<16xf32> to vector<1x16xf32>
        tpu.vector_store %arg10[%swap3A_1203, %swap3A_1204], %swap3A_1207 {strides = array<i32>} : memref<128x128xf32, #tpu.memory_space<vmem>>, vector<1x16xf32>,
        %broadcast_in_dim3A_1208 = arith.constant 10 : i32
        %broadcast_in_dim3A_1209 = vector.broadcast %broadcast_in_dim3A_1208 : i32 to vector<16x1xi32>
        %gather3A_1210 = vector.shape_cast %broadcast_in_dim3A_1209 : vector<16x1xi32> to vector<16xi32>
        %gather3A_1211 = tpu.dynamic_gather %get3A_330[%gather3A_1210] in [0] : vector<16xf32>, vector<16xi32> -> vector<16xf32>
        %mul3A_1212 = arith.constant 16 : i32
        %mul3A_1213 = arith.muli %add3A_325, %mul3A_1212 : i32
        %add3A_1214 = arith.constant 10 : i32
        %add3A_1215 = arith.addi %mul3A_1213, %add3A_1214 : i32
        %get3A_1216 = arith.index_cast %add3A_1215 : i32 to index
        %get3A_1217 = arith.constant 0 : index
        %get3A_1218 = tpu.vector_load %arg10[%get3A_1216, %get3A_1217] {strides = array<i32>} : memref<128x128xf32, #tpu.memory_space<vmem>>, vector<1x16xf32>,
        %get3A_1219 = vector.shape_cast %get3A_1218 : vector<1x16xf32> to vector<16xf32>
        %mul3A_1220 = arith.mulf %get3A_1219, %gather3A_1211 : vector<16xf32>
        %swap3A_1221 = arith.index_cast %add3A_1215 : i32 to index
        %swap3A_1222 = arith.constant 0 : index
        %swap3A_1223 = tpu.vector_load %arg10[%swap3A_1221, %swap3A_1222] {strides = array<i32>} : memref<128x128xf32, #tpu.memory_space<vmem>>, vector<1x16xf32>,
        %swap3A_1224 = vector.shape_cast %swap3A_1223 : vector<1x16xf32> to vector<16xf32>
        %swap3A_1225 = vector.shape_cast %mul3A_1220 : vector<16xf32> to vector<1x16xf32>
        tpu.vector_store %arg10[%swap3A_1221, %swap3A_1222], %swap3A_1225 {strides = array<i32>} : memref<128x128xf32, #tpu.memory_space<vmem>>, vector<1x16xf32>,
        %get3A_1226 = arith.index_cast %add3A_1215 : i32 to index
        %get3A_1227 = arith.constant 16 : index
        %get3A_1228 = tpu.vector_load %arg10[%get3A_1226, %get3A_1227] {strides = array<i32>} : memref<128x128xf32, #tpu.memory_space<vmem>>, vector<1x16xf32>,
        %get3A_1229 = vector.shape_cast %get3A_1228 : vector<1x16xf32> to vector<16xf32>
        %mul3A_1230 = arith.mulf %get3A_1229, %gather3A_1211 : vector<16xf32>
        %swap3A_1231 = arith.index_cast %add3A_1215 : i32 to index
        %swap3A_1232 = arith.constant 16 : index
        %swap3A_1233 = tpu.vector_load %arg10[%swap3A_1231, %swap3A_1232] {strides = array<i32>} : memref<128x128xf32, #tpu.memory_space<vmem>>, vector<1x16xf32>,
        %swap3A_1234 = vector.shape_cast %swap3A_1233 : vector<1x16xf32> to vector<16xf32>
        %swap3A_1235 = vector.shape_cast %mul3A_1230 : vector<16xf32> to vector<1x16xf32>
        tpu.vector_store %arg10[%swap3A_1231, %swap3A_1232], %swap3A_1235 {strides = array<i32>} : memref<128x128xf32, #tpu.memory_space<vmem>>, vector<1x16xf32>,
        %get3A_1236 = arith.index_cast %add3A_1215 : i32 to index
        %get3A_1237 = arith.constant 32 : index
        %get3A_1238 = tpu.vector_load %arg10[%get3A_1236, %get3A_1237] {strides = array<i32>} : memref<128x128xf32, #tpu.memory_space<vmem>>, vector<1x16xf32>,
        %get3A_1239 = vector.shape_cast %get3A_1238 : vector<1x16xf32> to vector<16xf32>
        %mul3A_1240 = arith.mulf %get3A_1239, %gather3A_1211 : vector<16xf32>
        %swap3A_1241 = arith.index_cast %add3A_1215 : i32 to index
        %swap3A_1242 = arith.constant 32 : index
        %swap3A_1243 = tpu.vector_load %arg10[%swap3A_1241, %swap3A_1242] {strides = array<i32>} : memref<128x128xf32, #tpu.memory_space<vmem>>, vector<1x16xf32>,
        %swap3A_1244 = vector.shape_cast %swap3A_1243 : vector<1x16xf32> to vector<16xf32>
        %swap3A_1245 = vector.shape_cast %mul3A_1240 : vector<16xf32> to vector<1x16xf32>
        tpu.vector_store %arg10[%swap3A_1241, %swap3A_1242], %swap3A_1245 {strides = array<i32>} : memref<128x128xf32, #tpu.memory_space<vmem>>, vector<1x16xf32>,
        %get3A_1246 = arith.index_cast %add3A_1215 : i32 to index
        %get3A_1247 = arith.constant 48 : index
        %get3A_1248 = tpu.vector_load %arg10[%get3A_1246, %get3A_1247] {strides = array<i32>} : memref<128x128xf32, #tpu.memory_space<vmem>>, vector<1x16xf32>,
        %get3A_1249 = vector.shape_cast %get3A_1248 : vector<1x16xf32> to vector<16xf32>
        %mul3A_1250 = arith.mulf %get3A_1249, %gather3A_1211 : vector<16xf32>
        %swap3A_1251 = arith.index_cast %add3A_1215 : i32 to index
        %swap3A_1252 = arith.constant 48 : index
        %swap3A_1253 = tpu.vector_load %arg10[%swap3A_1251, %swap3A_1252] {strides = array<i32>} : memref<128x128xf32, #tpu.memory_space<vmem>>, vector<1x16xf32>,
        %swap3A_1254 = vector.shape_cast %swap3A_1253 : vector<1x16xf32> to vector<16xf32>
        %swap3A_1255 = vector.shape_cast %mul3A_1250 : vector<16xf32> to vector<1x16xf32>
        tpu.vector_store %arg10[%swap3A_1251, %swap3A_1252], %swap3A_1255 {strides = array<i32>} : memref<128x128xf32, #tpu.memory_space<vmem>>, vector<1x16xf32>,
        %get3A_1256 = arith.index_cast %add3A_1215 : i32 to index
        %get3A_1257 = arith.constant 64 : index
        %get3A_1258 = tpu.vector_load %arg10[%get3A_1256, %get3A_1257] {strides = array<i32>} : memref<128x128xf32, #tpu.memory_space<vmem>>, vector<1x16xf32>,
        %get3A_1259 = vector.shape_cast %get3A_1258 : vector<1x16xf32> to vector<16xf32>
        %mul3A_1260 = arith.mulf %get3A_1259, %gather3A_1211 : vector<16xf32>
        %swap3A_1261 = arith.index_cast %add3A_1215 : i32 to index
        %swap3A_1262 = arith.constant 64 : index
        %swap3A_1263 = tpu.vector_load %arg10[%swap3A_1261, %swap3A_1262] {strides = array<i32>} : memref<128x128xf32, #tpu.memory_space<vmem>>, vector<1x16xf32>,
        %swap3A_1264 = vector.shape_cast %swap3A_1263 : vector<1x16xf32> to vector<16xf32>
        %swap3A_1265 = vector.shape_cast %mul3A_1260 : vector<16xf32> to vector<1x16xf32>
        tpu.vector_store %arg10[%swap3A_1261, %swap3A_1262], %swap3A_1265 {strides = array<i32>} : memref<128x128xf32, #tpu.memory_space<vmem>>, vector<1x16xf32>,
        %get3A_1266 = arith.index_cast %add3A_1215 : i32 to index
        %get3A_1267 = arith.constant 80 : index
        %get3A_1268 = tpu.vector_load %arg10[%get3A_1266, %get3A_1267] {strides = array<i32>} : memref<128x128xf32, #tpu.memory_space<vmem>>, vector<1x16xf32>,
        %get3A_1269 = vector.shape_cast %get3A_1268 : vector<1x16xf32> to vector<16xf32>
        %mul3A_1270 = arith.mulf %get3A_1269, %gather3A_1211 : vector<16xf32>
        %swap3A_1271 = arith.index_cast %add3A_1215 : i32 to index
        %swap3A_1272 = arith.constant 80 : index
        %swap3A_1273 = tpu.vector_load %arg10[%swap3A_1271, %swap3A_1272] {strides = array<i32>} : memref<128x128xf32, #tpu.memory_space<vmem>>, vector<1x16xf32>,
        %swap3A_1274 = vector.shape_cast %swap3A_1273 : vector<1x16xf32> to vector<16xf32>
        %swap3A_1275 = vector.shape_cast %mul3A_1270 : vector<16xf32> to vector<1x16xf32>
        tpu.vector_store %arg10[%swap3A_1271, %swap3A_1272], %swap3A_1275 {strides = array<i32>} : memref<128x128xf32, #tpu.memory_space<vmem>>, vector<1x16xf32>,
        %get3A_1276 = arith.index_cast %add3A_1215 : i32 to index
        %get3A_1277 = arith.constant 96 : index
        %get3A_1278 = tpu.vector_load %arg10[%get3A_1276, %get3A_1277] {strides = array<i32>} : memref<128x128xf32, #tpu.memory_space<vmem>>, vector<1x16xf32>,
        %get3A_1279 = vector.shape_cast %get3A_1278 : vector<1x16xf32> to vector<16xf32>
        %mul3A_1280 = arith.mulf %get3A_1279, %gather3A_1211 : vector<16xf32>
        %swap3A_1281 = arith.index_cast %add3A_1215 : i32 to index
        %swap3A_1282 = arith.constant 96 : index
        %swap3A_1283 = tpu.vector_load %arg10[%swap3A_1281, %swap3A_1282] {strides = array<i32>} : memref<128x128xf32, #tpu.memory_space<vmem>>, vector<1x16xf32>,
        %swap3A_1284 = vector.shape_cast %swap3A_1283 : vector<1x16xf32> to vector<16xf32>
        %swap3A_1285 = vector.shape_cast %mul3A_1280 : vector<16xf32> to vector<1x16xf32>
        tpu.vector_store %arg10[%swap3A_1281, %swap3A_1282], %swap3A_1285 {strides = array<i32>} : memref<128x128xf32, #tpu.memory_space<vmem>>, vector<1x16xf32>,
        %get3A_1286 = arith.index_cast %add3A_1215 : i32 to index
        %get3A_1287 = arith.constant 112 : index
        %get3A_1288 = tpu.vector_load %arg10[%get3A_1286, %get3A_1287] {strides = array<i32>} : memref<128x128xf32, #tpu.memory_space<vmem>>, vector<1x16xf32>,
        %get3A_1289 = vector.shape_cast %get3A_1288 : vector<1x16xf32> to vector<16xf32>
        %mul3A_1290 = arith.mulf %get3A_1289, %gather3A_1211 : vector<16xf32>
        %swap3A_1291 = arith.index_cast %add3A_1215 : i32 to index
        %swap3A_1292 = arith.constant 112 : index
        %swap3A_1293 = tpu.vector_load %arg10[%swap3A_1291, %swap3A_1292] {strides = array<i32>} : memref<128x128xf32, #tpu.memory_space<vmem>>, vector<1x16xf32>,
        %swap3A_1294 = vector.shape_cast %swap3A_1293 : vector<1x16xf32> to vector<16xf32>
        %swap3A_1295 = vector.shape_cast %mul3A_1290 : vector<16xf32> to vector<1x16xf32>
        tpu.vector_store %arg10[%swap3A_1291, %swap3A_1292], %swap3A_1295 {strides = array<i32>} : memref<128x128xf32, #tpu.memory_space<vmem>>, vector<1x16xf32>,
        %broadcast_in_dim3A_1296 = arith.constant 11 : i32
        %broadcast_in_dim3A_1297 = vector.broadcast %broadcast_in_dim3A_1296 : i32 to vector<16x1xi32>
        %gather3A_1298 = vector.shape_cast %broadcast_in_dim3A_1297 : vector<16x1xi32> to vector<16xi32>
        %gather3A_1299 = tpu.dynamic_gather %get3A_330[%gather3A_1298] in [0] : vector<16xf32>, vector<16xi32> -> vector<16xf32>
        %mul3A_1300 = arith.constant 16 : i32
        %mul3A_1301 = arith.muli %add3A_325, %mul3A_1300 : i32
        %add3A_1302 = arith.constant 11 : i32
        %add3A_1303 = arith.addi %mul3A_1301, %add3A_1302 : i32
        %get3A_1304 = arith.index_cast %add3A_1303 : i32 to index
        %get3A_1305 = arith.constant 0 : index
        %get3A_1306 = tpu.vector_load %arg10[%get3A_1304, %get3A_1305] {strides = array<i32>} : memref<128x128xf32, #tpu.memory_space<vmem>>, vector<1x16xf32>,
        %get3A_1307 = vector.shape_cast %get3A_1306 : vector<1x16xf32> to vector<16xf32>
        %mul3A_1308 = arith.mulf %get3A_1307, %gather3A_1299 : vector<16xf32>
        %swap3A_1309 = arith.index_cast %add3A_1303 : i32 to index
        %swap3A_1310 = arith.constant 0 : index
        %swap3A_1311 = tpu.vector_load %arg10[%swap3A_1309, %swap3A_1310] {strides = array<i32>} : memref<128x128xf32, #tpu.memory_space<vmem>>, vector<1x16xf32>,
        %swap3A_1312 = vector.shape_cast %swap3A_1311 : vector<1x16xf32> to vector<16xf32>
        %swap3A_1313 = vector.shape_cast %mul3A_1308 : vector<16xf32> to vector<1x16xf32>
        tpu.vector_store %arg10[%swap3A_1309, %swap3A_1310], %swap3A_1313 {strides = array<i32>} : memref<128x128xf32, #tpu.memory_space<vmem>>, vector<1x16xf32>,
        %get3A_1314 = arith.index_cast %add3A_1303 : i32 to index
        %get3A_1315 = arith.constant 16 : index
        %get3A_1316 = tpu.vector_load %arg10[%get3A_1314, %get3A_1315] {strides = array<i32>} : memref<128x128xf32, #tpu.memory_space<vmem>>, vector<1x16xf32>,
        %get3A_1317 = vector.shape_cast %get3A_1316 : vector<1x16xf32> to vector<16xf32>
        %mul3A_1318 = arith.mulf %get3A_1317, %gather3A_1299 : vector<16xf32>
        %swap3A_1319 = arith.index_cast %add3A_1303 : i32 to index
        %swap3A_1320 = arith.constant 16 : index
        %swap3A_1321 = tpu.vector_load %arg10[%swap3A_1319, %swap3A_1320] {strides = array<i32>} : memref<128x128xf32, #tpu.memory_space<vmem>>, vector<1x16xf32>,
        %swap3A_1322 = vector.shape_cast %swap3A_1321 : vector<1x16xf32> to vector<16xf32>
        %swap3A_1323 = vector.shape_cast %mul3A_1318 : vector<16xf32> to vector<1x16xf32>
        tpu.vector_store %arg10[%swap3A_1319, %swap3A_1320], %swap3A_1323 {strides = array<i32>} : memref<128x128xf32, #tpu.memory_space<vmem>>, vector<1x16xf32>,
        %get3A_1324 = arith.index_cast %add3A_1303 : i32 to index
        %get3A_1325 = arith.constant 32 : index
        %get3A_1326 = tpu.vector_load %arg10[%get3A_1324, %get3A_1325] {strides = array<i32>} : memref<128x128xf32, #tpu.memory_space<vmem>>, vector<1x16xf32>,
        %get3A_1327 = vector.shape_cast %get3A_1326 : vector<1x16xf32> to vector<16xf32>
        %mul3A_1328 = arith.mulf %get3A_1327, %gather3A_1299 : vector<16xf32>
        %swap3A_1329 = arith.index_cast %add3A_1303 : i32 to index
        %swap3A_1330 = arith.constant 32 : index
        %swap3A_1331 = tpu.vector_load %arg10[%swap3A_1329, %swap3A_1330] {strides = array<i32>} : memref<128x128xf32, #tpu.memory_space<vmem>>, vector<1x16xf32>,
        %swap3A_1332 = vector.shape_cast %swap3A_1331 : vector<1x16xf32> to vector<16xf32>
        %swap3A_1333 = vector.shape_cast %mul3A_1328 : vector<16xf32> to vector<1x16xf32>
        tpu.vector_store %arg10[%swap3A_1329, %swap3A_1330], %swap3A_1333 {strides = array<i32>} : memref<128x128xf32, #tpu.memory_space<vmem>>, vector<1x16xf32>,
        %get3A_1334 = arith.index_cast %add3A_1303 : i32 to index
        %get3A_1335 = arith.constant 48 : index
        %get3A_1336 = tpu.vector_load %arg10[%get3A_1334, %get3A_1335] {strides = array<i32>} : memref<128x128xf32, #tpu.memory_space<vmem>>, vector<1x16xf32>,
        %get3A_1337 = vector.shape_cast %get3A_1336 : vector<1x16xf32> to vector<16xf32>
        %mul3A_1338 = arith.mulf %get3A_1337, %gather3A_1299 : vector<16xf32>
        %swap3A_1339 = arith.index_cast %add3A_1303 : i32 to index
        %swap3A_1340 = arith.constant 48 : index
        %swap3A_1341 = tpu.vector_load %arg10[%swap3A_1339, %swap3A_1340] {strides = array<i32>} : memref<128x128xf32, #tpu.memory_space<vmem>>, vector<1x16xf32>,
        %swap3A_1342 = vector.shape_cast %swap3A_1341 : vector<1x16xf32> to vector<16xf32>
        %swap3A_1343 = vector.shape_cast %mul3A_1338 : vector<16xf32> to vector<1x16xf32>
        tpu.vector_store %arg10[%swap3A_1339, %swap3A_1340], %swap3A_1343 {strides = array<i32>} : memref<128x128xf32, #tpu.memory_space<vmem>>, vector<1x16xf32>,
        %get3A_1344 = arith.index_cast %add3A_1303 : i32 to index
        %get3A_1345 = arith.constant 64 : index
        %get3A_1346 = tpu.vector_load %arg10[%get3A_1344, %get3A_1345] {strides = array<i32>} : memref<128x128xf32, #tpu.memory_space<vmem>>, vector<1x16xf32>,
        %get3A_1347 = vector.shape_cast %get3A_1346 : vector<1x16xf32> to vector<16xf32>
        %mul3A_1348 = arith.mulf %get3A_1347, %gather3A_1299 : vector<16xf32>
        %swap3A_1349 = arith.index_cast %add3A_1303 : i32 to index
        %swap3A_1350 = arith.constant 64 : index
        %swap3A_1351 = tpu.vector_load %arg10[%swap3A_1349, %swap3A_1350] {strides = array<i32>} : memref<128x128xf32, #tpu.memory_space<vmem>>, vector<1x16xf32>,
        %swap3A_1352 = vector.shape_cast %swap3A_1351 : vector<1x16xf32> to vector<16xf32>
        %swap3A_1353 = vector.shape_cast %mul3A_1348 : vector<16xf32> to vector<1x16xf32>
        tpu.vector_store %arg10[%swap3A_1349, %swap3A_1350], %swap3A_1353 {strides = array<i32>} : memref<128x128xf32, #tpu.memory_space<vmem>>, vector<1x16xf32>,
        %get3A_1354 = arith.index_cast %add3A_1303 : i32 to index
        %get3A_1355 = arith.constant 80 : index
        %get3A_1356 = tpu.vector_load %arg10[%get3A_1354, %get3A_1355] {strides = array<i32>} : memref<128x128xf32, #tpu.memory_space<vmem>>, vector<1x16xf32>,
        %get3A_1357 = vector.shape_cast %get3A_1356 : vector<1x16xf32> to vector<16xf32>
        %mul3A_1358 = arith.mulf %get3A_1357, %gather3A_1299 : vector<16xf32>
        %swap3A_1359 = arith.index_cast %add3A_1303 : i32 to index
        %swap3A_1360 = arith.constant 80 : index
        %swap3A_1361 = tpu.vector_load %arg10[%swap3A_1359, %swap3A_1360] {strides = array<i32>} : memref<128x128xf32, #tpu.memory_space<vmem>>, vector<1x16xf32>,
        %swap3A_1362 = vector.shape_cast %swap3A_1361 : vector<1x16xf32> to vector<16xf32>
        %swap3A_1363 = vector.shape_cast %mul3A_1358 : vector<16xf32> to vector<1x16xf32>
        tpu.vector_store %arg10[%swap3A_1359, %swap3A_1360], %swap3A_1363 {strides = array<i32>} : memref<128x128xf32, #tpu.memory_space<vmem>>, vector<1x16xf32>,
        %get3A_1364 = arith.index_cast %add3A_1303 : i32 to index
        %get3A_1365 = arith.constant 96 : index
        %get3A_1366 = tpu.vector_load %arg10[%get3A_1364, %get3A_1365] {strides = array<i32>} : memref<128x128xf32, #tpu.memory_space<vmem>>, vector<1x16xf32>,
        %get3A_1367 = vector.shape_cast %get3A_1366 : vector<1x16xf32> to vector<16xf32>
        %mul3A_1368 = arith.mulf %get3A_1367, %gather3A_1299 : vector<16xf32>
        %swap3A_1369 = arith.index_cast %add3A_1303 : i32 to index
        %swap3A_1370 = arith.constant 96 : index
        %swap3A_1371 = tpu.vector_load %arg10[%swap3A_1369, %swap3A_1370] {strides = array<i32>} : memref<128x128xf32, #tpu.memory_space<vmem>>, vector<1x16xf32>,
        %swap3A_1372 = vector.shape_cast %swap3A_1371 : vector<1x16xf32> to vector<16xf32>
        %swap3A_1373 = vector.shape_cast %mul3A_1368 : vector<16xf32> to vector<1x16xf32>
        tpu.vector_store %arg10[%swap3A_1369, %swap3A_1370], %swap3A_1373 {strides = array<i32>} : memref<128x128xf32, #tpu.memory_space<vmem>>, vector<1x16xf32>,
        %get3A_1374 = arith.index_cast %add3A_1303 : i32 to index
        %get3A_1375 = arith.constant 112 : index
        %get3A_1376 = tpu.vector_load %arg10[%get3A_1374, %get3A_1375] {strides = array<i32>} : memref<128x128xf32, #tpu.memory_space<vmem>>, vector<1x16xf32>,
        %get3A_1377 = vector.shape_cast %get3A_1376 : vector<1x16xf32> to vector<16xf32>
        %mul3A_1378 = arith.mulf %get3A_1377, %gather3A_1299 : vector<16xf32>
        %swap3A_1379 = arith.index_cast %add3A_1303 : i32 to index
        %swap3A_1380 = arith.constant 112 : index
        %swap3A_1381 = tpu.vector_load %arg10[%swap3A_1379, %swap3A_1380] {strides = array<i32>} : memref<128x128xf32, #tpu.memory_space<vmem>>, vector<1x16xf32>,
        %swap3A_1382 = vector.shape_cast %swap3A_1381 : vector<1x16xf32> to vector<16xf32>
        %swap3A_1383 = vector.shape_cast %mul3A_1378 : vector<16xf32> to vector<1x16xf32>
        tpu.vector_store %arg10[%swap3A_1379, %swap3A_1380], %swap3A_1383 {strides = array<i32>} : memref<128x128xf32, #tpu.memory_space<vmem>>, vector<1x16xf32>,
        %broadcast_in_dim3A_1384 = arith.constant 12 : i32
        %broadcast_in_dim3A_1385 = vector.broadcast %broadcast_in_dim3A_1384 : i32 to vector<16x1xi32>
        %gather3A_1386 = vector.shape_cast %broadcast_in_dim3A_1385 : vector<16x1xi32> to vector<16xi32>
        %gather3A_1387 = tpu.dynamic_gather %get3A_330[%gather3A_1386] in [0] : vector<16xf32>, vector<16xi32> -> vector<16xf32>
        %mul3A_1388 = arith.constant 16 : i32
        %mul3A_1389 = arith.muli %add3A_325, %mul3A_1388 : i32
        %add3A_1390 = arith.constant 12 : i32
        %add3A_1391 = arith.addi %mul3A_1389, %add3A_1390 : i32
        %get3A_1392 = arith.index_cast %add3A_1391 : i32 to index
        %get3A_1393 = arith.constant 0 : index
        %get3A_1394 = tpu.vector_load %arg10[%get3A_1392, %get3A_1393] {strides = array<i32>} : memref<128x128xf32, #tpu.memory_space<vmem>>, vector<1x16xf32>,
        %get3A_1395 = vector.shape_cast %get3A_1394 : vector<1x16xf32> to vector<16xf32>
        %mul3A_1396 = arith.mulf %get3A_1395, %gather3A_1387 : vector<16xf32>
        %swap3A_1397 = arith.index_cast %add3A_1391 : i32 to index
        %swap3A_1398 = arith.constant 0 : index
        %swap3A_1399 = tpu.vector_load %arg10[%swap3A_1397, %swap3A_1398] {strides = array<i32>} : memref<128x128xf32, #tpu.memory_space<vmem>>, vector<1x16xf32>,
        %swap3A_1400 = vector.shape_cast %swap3A_1399 : vector<1x16xf32> to vector<16xf32>
        %swap3A_1401 = vector.shape_cast %mul3A_1396 : vector<16xf32> to vector<1x16xf32>
        tpu.vector_store %arg10[%swap3A_1397, %swap3A_1398], %swap3A_1401 {strides = array<i32>} : memref<128x128xf32, #tpu.memory_space<vmem>>, vector<1x16xf32>,
        %get3A_1402 = arith.index_cast %add3A_1391 : i32 to index
        %get3A_1403 = arith.constant 16 : index
        %get3A_1404 = tpu.vector_load %arg10[%get3A_1402, %get3A_1403] {strides = array<i32>} : memref<128x128xf32, #tpu.memory_space<vmem>>, vector<1x16xf32>,
        %get3A_1405 = vector.shape_cast %get3A_1404 : vector<1x16xf32> to vector<16xf32>
        %mul3A_1406 = arith.mulf %get3A_1405, %gather3A_1387 : vector<16xf32>
        %swap3A_1407 = arith.index_cast %add3A_1391 : i32 to index
        %swap3A_1408 = arith.constant 16 : index
        %swap3A_1409 = tpu.vector_load %arg10[%swap3A_1407, %swap3A_1408] {strides = array<i32>} : memref<128x128xf32, #tpu.memory_space<vmem>>, vector<1x16xf32>,
        %swap3A_1410 = vector.shape_cast %swap3A_1409 : vector<1x16xf32> to vector<16xf32>
        %swap3A_1411 = vector.shape_cast %mul3A_1406 : vector<16xf32> to vector<1x16xf32>
        tpu.vector_store %arg10[%swap3A_1407, %swap3A_1408], %swap3A_1411 {strides = array<i32>} : memref<128x128xf32, #tpu.memory_space<vmem>>, vector<1x16xf32>,
        %get3A_1412 = arith.index_cast %add3A_1391 : i32 to index
        %get3A_1413 = arith.constant 32 : index
        %get3A_1414 = tpu.vector_load %arg10[%get3A_1412, %get3A_1413] {strides = array<i32>} : memref<128x128xf32, #tpu.memory_space<vmem>>, vector<1x16xf32>,
        %get3A_1415 = vector.shape_cast %get3A_1414 : vector<1x16xf32> to vector<16xf32>
        %mul3A_1416 = arith.mulf %get3A_1415, %gather3A_1387 : vector<16xf32>
        %swap3A_1417 = arith.index_cast %add3A_1391 : i32 to index
        %swap3A_1418 = arith.constant 32 : index
        %swap3A_1419 = tpu.vector_load %arg10[%swap3A_1417, %swap3A_1418] {strides = array<i32>} : memref<128x128xf32, #tpu.memory_space<vmem>>, vector<1x16xf32>,
        %swap3A_1420 = vector.shape_cast %swap3A_1419 : vector<1x16xf32> to vector<16xf32>
        %swap3A_1421 = vector.shape_cast %mul3A_1416 : vector<16xf32> to vector<1x16xf32>
        tpu.vector_store %arg10[%swap3A_1417, %swap3A_1418], %swap3A_1421 {strides = array<i32>} : memref<128x128xf32, #tpu.memory_space<vmem>>, vector<1x16xf32>,
        %get3A_1422 = arith.index_cast %add3A_1391 : i32 to index
        %get3A_1423 = arith.constant 48 : index
        %get3A_1424 = tpu.vector_load %arg10[%get3A_1422, %get3A_1423] {strides = array<i32>} : memref<128x128xf32, #tpu.memory_space<vmem>>, vector<1x16xf32>,
        %get3A_1425 = vector.shape_cast %get3A_1424 : vector<1x16xf32> to vector<16xf32>
        %mul3A_1426 = arith.mulf %get3A_1425, %gather3A_1387 : vector<16xf32>
        %swap3A_1427 = arith.index_cast %add3A_1391 : i32 to index
        %swap3A_1428 = arith.constant 48 : index
        %swap3A_1429 = tpu.vector_load %arg10[%swap3A_1427, %swap3A_1428] {strides = array<i32>} : memref<128x128xf32, #tpu.memory_space<vmem>>, vector<1x16xf32>,
        %swap3A_1430 = vector.shape_cast %swap3A_1429 : vector<1x16xf32> to vector<16xf32>
        %swap3A_1431 = vector.shape_cast %mul3A_1426 : vector<16xf32> to vector<1x16xf32>
        tpu.vector_store %arg10[%swap3A_1427, %swap3A_1428], %swap3A_1431 {strides = array<i32>} : memref<128x128xf32, #tpu.memory_space<vmem>>, vector<1x16xf32>,
        %get3A_1432 = arith.index_cast %add3A_1391 : i32 to index
        %get3A_1433 = arith.constant 64 : index
        %get3A_1434 = tpu.vector_load %arg10[%get3A_1432, %get3A_1433] {strides = array<i32>} : memref<128x128xf32, #tpu.memory_space<vmem>>, vector<1x16xf32>,
        %get3A_1435 = vector.shape_cast %get3A_1434 : vector<1x16xf32> to vector<16xf32>
        %mul3A_1436 = arith.mulf %get3A_1435, %gather3A_1387 : vector<16xf32>
        %swap3A_1437 = arith.index_cast %add3A_1391 : i32 to index
        %swap3A_1438 = arith.constant 64 : index
        %swap3A_1439 = tpu.vector_load %arg10[%swap3A_1437, %swap3A_1438] {strides = array<i32>} : memref<128x128xf32, #tpu.memory_space<vmem>>, vector<1x16xf32>,
        %swap3A_1440 = vector.shape_cast %swap3A_1439 : vector<1x16xf32> to vector<16xf32>
        %swap3A_1441 = vector.shape_cast %mul3A_1436 : vector<16xf32> to vector<1x16xf32>
        tpu.vector_store %arg10[%swap3A_1437, %swap3A_1438], %swap3A_1441 {strides = array<i32>} : memref<128x128xf32, #tpu.memory_space<vmem>>, vector<1x16xf32>,
        %get3A_1442 = arith.index_cast %add3A_1391 : i32 to index
        %get3A_1443 = arith.constant 80 : index
        %get3A_1444 = tpu.vector_load %arg10[%get3A_1442, %get3A_1443] {strides = array<i32>} : memref<128x128xf32, #tpu.memory_space<vmem>>, vector<1x16xf32>,
        %get3A_1445 = vector.shape_cast %get3A_1444 : vector<1x16xf32> to vector<16xf32>
        %mul3A_1446 = arith.mulf %get3A_1445, %gather3A_1387 : vector<16xf32>
        %swap3A_1447 = arith.index_cast %add3A_1391 : i32 to index
        %swap3A_1448 = arith.constant 80 : index
        %swap3A_1449 = tpu.vector_load %arg10[%swap3A_1447, %swap3A_1448] {strides = array<i32>} : memref<128x128xf32, #tpu.memory_space<vmem>>, vector<1x16xf32>,
        %swap3A_1450 = vector.shape_cast %swap3A_1449 : vector<1x16xf32> to vector<16xf32>
        %swap3A_1451 = vector.shape_cast %mul3A_1446 : vector<16xf32> to vector<1x16xf32>
        tpu.vector_store %arg10[%swap3A_1447, %swap3A_1448], %swap3A_1451 {strides = array<i32>} : memref<128x128xf32, #tpu.memory_space<vmem>>, vector<1x16xf32>,
        %get3A_1452 = arith.index_cast %add3A_1391 : i32 to index
        %get3A_1453 = arith.constant 96 : index
        %get3A_1454 = tpu.vector_load %arg10[%get3A_1452, %get3A_1453] {strides = array<i32>} : memref<128x128xf32, #tpu.memory_space<vmem>>, vector<1x16xf32>,
        %get3A_1455 = vector.shape_cast %get3A_1454 : vector<1x16xf32> to vector<16xf32>
        %mul3A_1456 = arith.mulf %get3A_1455, %gather3A_1387 : vector<16xf32>
        %swap3A_1457 = arith.index_cast %add3A_1391 : i32 to index
        %swap3A_1458 = arith.constant 96 : index
        %swap3A_1459 = tpu.vector_load %arg10[%swap3A_1457, %swap3A_1458] {strides = array<i32>} : memref<128x128xf32, #tpu.memory_space<vmem>>, vector<1x16xf32>,
        %swap3A_1460 = vector.shape_cast %swap3A_1459 : vector<1x16xf32> to vector<16xf32>
        %swap3A_1461 = vector.shape_cast %mul3A_1456 : vector<16xf32> to vector<1x16xf32>
        tpu.vector_store %arg10[%swap3A_1457, %swap3A_1458], %swap3A_1461 {strides = array<i32>} : memref<128x128xf32, #tpu.memory_space<vmem>>, vector<1x16xf32>,
        %get3A_1462 = arith.index_cast %add3A_1391 : i32 to index
        %get3A_1463 = arith.constant 112 : index
        %get3A_1464 = tpu.vector_load %arg10[%get3A_1462, %get3A_1463] {strides = array<i32>} : memref<128x128xf32, #tpu.memory_space<vmem>>, vector<1x16xf32>,
        %get3A_1465 = vector.shape_cast %get3A_1464 : vector<1x16xf32> to vector<16xf32>
        %mul3A_1466 = arith.mulf %get3A_1465, %gather3A_1387 : vector<16xf32>
        %swap3A_1467 = arith.index_cast %add3A_1391 : i32 to index
        %swap3A_1468 = arith.constant 112 : index
        %swap3A_1469 = tpu.vector_load %arg10[%swap3A_1467, %swap3A_1468] {strides = array<i32>} : memref<128x128xf32, #tpu.memory_space<vmem>>, vector<1x16xf32>,
        %swap3A_1470 = vector.shape_cast %swap3A_1469 : vector<1x16xf32> to vector<16xf32>
        %swap3A_1471 = vector.shape_cast %mul3A_1466 : vector<16xf32> to vector<1x16xf32>
        tpu.vector_store %arg10[%swap3A_1467, %swap3A_1468], %swap3A_1471 {strides = array<i32>} : memref<128x128xf32, #tpu.memory_space<vmem>>, vector<1x16xf32>,
        %broadcast_in_dim3A_1472 = arith.constant 13 : i32
        %broadcast_in_dim3A_1473 = vector.broadcast %broadcast_in_dim3A_1472 : i32 to vector<16x1xi32>
        %gather3A_1474 = vector.shape_cast %broadcast_in_dim3A_1473 : vector<16x1xi32> to vector<16xi32>
        %gather3A_1475 = tpu.dynamic_gather %get3A_330[%gather3A_1474] in [0] : vector<16xf32>, vector<16xi32> -> vector<16xf32>
        %mul3A_1476 = arith.constant 16 : i32
        %mul3A_1477 = arith.muli %add3A_325, %mul3A_1476 : i32
        %add3A_1478 = arith.constant 13 : i32
        %add3A_1479 = arith.addi %mul3A_1477, %add3A_1478 : i32
        %get3A_1480 = arith.index_cast %add3A_1479 : i32 to index
        %get3A_1481 = arith.constant 0 : index
        %get3A_1482 = tpu.vector_load %arg10[%get3A_1480, %get3A_1481] {strides = array<i32>} : memref<128x128xf32, #tpu.memory_space<vmem>>, vector<1x16xf32>,
        %get3A_1483 = vector.shape_cast %get3A_1482 : vector<1x16xf32> to vector<16xf32>
        %mul3A_1484 = arith.mulf %get3A_1483, %gather3A_1475 : vector<16xf32>
        %swap3A_1485 = arith.index_cast %add3A_1479 : i32 to index
        %swap3A_1486 = arith.constant 0 : index
        %swap3A_1487 = tpu.vector_load %arg10[%swap3A_1485, %swap3A_1486] {strides = array<i32>} : memref<128x128xf32, #tpu.memory_space<vmem>>, vector<1x16xf32>,
        %swap3A_1488 = vector.shape_cast %swap3A_1487 : vector<1x16xf32> to vector<16xf32>
        %swap3A_1489 = vector.shape_cast %mul3A_1484 : vector<16xf32> to vector<1x16xf32>
        tpu.vector_store %arg10[%swap3A_1485, %swap3A_1486], %swap3A_1489 {strides = array<i32>} : memref<128x128xf32, #tpu.memory_space<vmem>>, vector<1x16xf32>,
        %get3A_1490 = arith.index_cast %add3A_1479 : i32 to index
        %get3A_1491 = arith.constant 16 : index
        %get3A_1492 = tpu.vector_load %arg10[%get3A_1490, %get3A_1491] {strides = array<i32>} : memref<128x128xf32, #tpu.memory_space<vmem>>, vector<1x16xf32>,
        %get3A_1493 = vector.shape_cast %get3A_1492 : vector<1x16xf32> to vector<16xf32>
        %mul3A_1494 = arith.mulf %get3A_1493, %gather3A_1475 : vector<16xf32>
        %swap3A_1495 = arith.index_cast %add3A_1479 : i32 to index
        %swap3A_1496 = arith.constant 16 : index
        %swap3A_1497 = tpu.vector_load %arg10[%swap3A_1495, %swap3A_1496] {strides = array<i32>} : memref<128x128xf32, #tpu.memory_space<vmem>>, vector<1x16xf32>,
        %swap3A_1498 = vector.shape_cast %swap3A_1497 : vector<1x16xf32> to vector<16xf32>
        %swap3A_1499 = vector.shape_cast %mul3A_1494 : vector<16xf32> to vector<1x16xf32>
        tpu.vector_store %arg10[%swap3A_1495, %swap3A_1496], %swap3A_1499 {strides = array<i32>} : memref<128x128xf32, #tpu.memory_space<vmem>>, vector<1x16xf32>,
        %get3A_1500 = arith.index_cast %add3A_1479 : i32 to index
        %get3A_1501 = arith.constant 32 : index
        %get3A_1502 = tpu.vector_load %arg10[%get3A_1500, %get3A_1501] {strides = array<i32>} : memref<128x128xf32, #tpu.memory_space<vmem>>, vector<1x16xf32>,
        %get3A_1503 = vector.shape_cast %get3A_1502 : vector<1x16xf32> to vector<16xf32>
        %mul3A_1504 = arith.mulf %get3A_1503, %gather3A_1475 : vector<16xf32>
        %swap3A_1505 = arith.index_cast %add3A_1479 : i32 to index
        %swap3A_1506 = arith.constant 32 : index
        %swap3A_1507 = tpu.vector_load %arg10[%swap3A_1505, %swap3A_1506] {strides = array<i32>} : memref<128x128xf32, #tpu.memory_space<vmem>>, vector<1x16xf32>,
        %swap3A_1508 = vector.shape_cast %swap3A_1507 : vector<1x16xf32> to vector<16xf32>
        %swap3A_1509 = vector.shape_cast %mul3A_1504 : vector<16xf32> to vector<1x16xf32>
        tpu.vector_store %arg10[%swap3A_1505, %swap3A_1506], %swap3A_1509 {strides = array<i32>} : memref<128x128xf32, #tpu.memory_space<vmem>>, vector<1x16xf32>,
        %get3A_1510 = arith.index_cast %add3A_1479 : i32 to index
        %get3A_1511 = arith.constant 48 : index
        %get3A_1512 = tpu.vector_load %arg10[%get3A_1510, %get3A_1511] {strides = array<i32>} : memref<128x128xf32, #tpu.memory_space<vmem>>, vector<1x16xf32>,
        %get3A_1513 = vector.shape_cast %get3A_1512 : vector<1x16xf32> to vector<16xf32>
        %mul3A_1514 = arith.mulf %get3A_1513, %gather3A_1475 : vector<16xf32>
        %swap3A_1515 = arith.index_cast %add3A_1479 : i32 to index
        %swap3A_1516 = arith.constant 48 : index
        %swap3A_1517 = tpu.vector_load %arg10[%swap3A_1515, %swap3A_1516] {strides = array<i32>} : memref<128x128xf32, #tpu.memory_space<vmem>>, vector<1x16xf32>,
        %swap3A_1518 = vector.shape_cast %swap3A_1517 : vector<1x16xf32> to vector<16xf32>
        %swap3A_1519 = vector.shape_cast %mul3A_1514 : vector<16xf32> to vector<1x16xf32>
        tpu.vector_store %arg10[%swap3A_1515, %swap3A_1516], %swap3A_1519 {strides = array<i32>} : memref<128x128xf32, #tpu.memory_space<vmem>>, vector<1x16xf32>,
        %get3A_1520 = arith.index_cast %add3A_1479 : i32 to index
        %get3A_1521 = arith.constant 64 : index
        %get3A_1522 = tpu.vector_load %arg10[%get3A_1520, %get3A_1521] {strides = array<i32>} : memref<128x128xf32, #tpu.memory_space<vmem>>, vector<1x16xf32>,
        %get3A_1523 = vector.shape_cast %get3A_1522 : vector<1x16xf32> to vector<16xf32>
        %mul3A_1524 = arith.mulf %get3A_1523, %gather3A_1475 : vector<16xf32>
        %swap3A_1525 = arith.index_cast %add3A_1479 : i32 to index
        %swap3A_1526 = arith.constant 64 : index
        %swap3A_1527 = tpu.vector_load %arg10[%swap3A_1525, %swap3A_1526] {strides = array<i32>} : memref<128x128xf32, #tpu.memory_space<vmem>>, vector<1x16xf32>,
        %swap3A_1528 = vector.shape_cast %swap3A_1527 : vector<1x16xf32> to vector<16xf32>
        %swap3A_1529 = vector.shape_cast %mul3A_1524 : vector<16xf32> to vector<1x16xf32>
        tpu.vector_store %arg10[%swap3A_1525, %swap3A_1526], %swap3A_1529 {strides = array<i32>} : memref<128x128xf32, #tpu.memory_space<vmem>>, vector<1x16xf32>,
        %get3A_1530 = arith.index_cast %add3A_1479 : i32 to index
        %get3A_1531 = arith.constant 80 : index
        %get3A_1532 = tpu.vector_load %arg10[%get3A_1530, %get3A_1531] {strides = array<i32>} : memref<128x128xf32, #tpu.memory_space<vmem>>, vector<1x16xf32>,
        %get3A_1533 = vector.shape_cast %get3A_1532 : vector<1x16xf32> to vector<16xf32>
        %mul3A_1534 = arith.mulf %get3A_1533, %gather3A_1475 : vector<16xf32>
        %swap3A_1535 = arith.index_cast %add3A_1479 : i32 to index
        %swap3A_1536 = arith.constant 80 : index
        %swap3A_1537 = tpu.vector_load %arg10[%swap3A_1535, %swap3A_1536] {strides = array<i32>} : memref<128x128xf32, #tpu.memory_space<vmem>>, vector<1x16xf32>,
        %swap3A_1538 = vector.shape_cast %swap3A_1537 : vector<1x16xf32> to vector<16xf32>
        %swap3A_1539 = vector.shape_cast %mul3A_1534 : vector<16xf32> to vector<1x16xf32>
        tpu.vector_store %arg10[%swap3A_1535, %swap3A_1536], %swap3A_1539 {strides = array<i32>} : memref<128x128xf32, #tpu.memory_space<vmem>>, vector<1x16xf32>,
        %get3A_1540 = arith.index_cast %add3A_1479 : i32 to index
        %get3A_1541 = arith.constant 96 : index
        %get3A_1542 = tpu.vector_load %arg10[%get3A_1540, %get3A_1541] {strides = array<i32>} : memref<128x128xf32, #tpu.memory_space<vmem>>, vector<1x16xf32>,
        %get3A_1543 = vector.shape_cast %get3A_1542 : vector<1x16xf32> to vector<16xf32>
        %mul3A_1544 = arith.mulf %get3A_1543, %gather3A_1475 : vector<16xf32>
        %swap3A_1545 = arith.index_cast %add3A_1479 : i32 to index
        %swap3A_1546 = arith.constant 96 : index
        %swap3A_1547 = tpu.vector_load %arg10[%swap3A_1545, %swap3A_1546] {strides = array<i32>} : memref<128x128xf32, #tpu.memory_space<vmem>>, vector<1x16xf32>,
        %swap3A_1548 = vector.shape_cast %swap3A_1547 : vector<1x16xf32> to vector<16xf32>
        %swap3A_1549 = vector.shape_cast %mul3A_1544 : vector<16xf32> to vector<1x16xf32>
        tpu.vector_store %arg10[%swap3A_1545, %swap3A_1546], %swap3A_1549 {strides = array<i32>} : memref<128x128xf32, #tpu.memory_space<vmem>>, vector<1x16xf32>,
        %get3A_1550 = arith.index_cast %add3A_1479 : i32 to index
        %get3A_1551 = arith.constant 112 : index
        %get3A_1552 = tpu.vector_load %arg10[%get3A_1550, %get3A_1551] {strides = array<i32>} : memref<128x128xf32, #tpu.memory_space<vmem>>, vector<1x16xf32>,
        %get3A_1553 = vector.shape_cast %get3A_1552 : vector<1x16xf32> to vector<16xf32>
        %mul3A_1554 = arith.mulf %get3A_1553, %gather3A_1475 : vector<16xf32>
        %swap3A_1555 = arith.index_cast %add3A_1479 : i32 to index
        %swap3A_1556 = arith.constant 112 : index
        %swap3A_1557 = tpu.vector_load %arg10[%swap3A_1555, %swap3A_1556] {strides = array<i32>} : memref<128x128xf32, #tpu.memory_space<vmem>>, vector<1x16xf32>,
        %swap3A_1558 = vector.shape_cast %swap3A_1557 : vector<1x16xf32> to vector<16xf32>
        %swap3A_1559 = vector.shape_cast %mul3A_1554 : vector<16xf32> to vector<1x16xf32>
        tpu.vector_store %arg10[%swap3A_1555, %swap3A_1556], %swap3A_1559 {strides = array<i32>} : memref<128x128xf32, #tpu.memory_space<vmem>>, vector<1x16xf32>,
        %broadcast_in_dim3A_1560 = arith.constant 14 : i32
        %broadcast_in_dim3A_1561 = vector.broadcast %broadcast_in_dim3A_1560 : i32 to vector<16x1xi32>
        %gather3A_1562 = vector.shape_cast %broadcast_in_dim3A_1561 : vector<16x1xi32> to vector<16xi32>
        %gather3A_1563 = tpu.dynamic_gather %get3A_330[%gather3A_1562] in [0] : vector<16xf32>, vector<16xi32> -> vector<16xf32>
        %mul3A_1564 = arith.constant 16 : i32
        %mul3A_1565 = arith.muli %add3A_325, %mul3A_1564 : i32
        %add3A_1566 = arith.constant 14 : i32
        %add3A_1567 = arith.addi %mul3A_1565, %add3A_1566 : i32
        %get3A_1568 = arith.index_cast %add3A_1567 : i32 to index
        %get3A_1569 = arith.constant 0 : index
        %get3A_1570 = tpu.vector_load %arg10[%get3A_1568, %get3A_1569] {strides = array<i32>} : memref<128x128xf32, #tpu.memory_space<vmem>>, vector<1x16xf32>,
        %get3A_1571 = vector.shape_cast %get3A_1570 : vector<1x16xf32> to vector<16xf32>
        %mul3A_1572 = arith.mulf %get3A_1571, %gather3A_1563 : vector<16xf32>
        %swap3A_1573 = arith.index_cast %add3A_1567 : i32 to index
        %swap3A_1574 = arith.constant 0 : index
        %swap3A_1575 = tpu.vector_load %arg10[%swap3A_1573, %swap3A_1574] {strides = array<i32>} : memref<128x128xf32, #tpu.memory_space<vmem>>, vector<1x16xf32>,
        %swap3A_1576 = vector.shape_cast %swap3A_1575 : vector<1x16xf32> to vector<16xf32>
        %swap3A_1577 = vector.shape_cast %mul3A_1572 : vector<16xf32> to vector<1x16xf32>
        tpu.vector_store %arg10[%swap3A_1573, %swap3A_1574], %swap3A_1577 {strides = array<i32>} : memref<128x128xf32, #tpu.memory_space<vmem>>, vector<1x16xf32>,
        %get3A_1578 = arith.index_cast %add3A_1567 : i32 to index
        %get3A_1579 = arith.constant 16 : index
        %get3A_1580 = tpu.vector_load %arg10[%get3A_1578, %get3A_1579] {strides = array<i32>} : memref<128x128xf32, #tpu.memory_space<vmem>>, vector<1x16xf32>,
        %get3A_1581 = vector.shape_cast %get3A_1580 : vector<1x16xf32> to vector<16xf32>
        %mul3A_1582 = arith.mulf %get3A_1581, %gather3A_1563 : vector<16xf32>
        %swap3A_1583 = arith.index_cast %add3A_1567 : i32 to index
        %swap3A_1584 = arith.constant 16 : index
        %swap3A_1585 = tpu.vector_load %arg10[%swap3A_1583, %swap3A_1584] {strides = array<i32>} : memref<128x128xf32, #tpu.memory_space<vmem>>, vector<1x16xf32>,
        %swap3A_1586 = vector.shape_cast %swap3A_1585 : vector<1x16xf32> to vector<16xf32>
        %swap3A_1587 = vector.shape_cast %mul3A_1582 : vector<16xf32> to vector<1x16xf32>
        tpu.vector_store %arg10[%swap3A_1583, %swap3A_1584], %swap3A_1587 {strides = array<i32>} : memref<128x128xf32, #tpu.memory_space<vmem>>, vector<1x16xf32>,
        %get3A_1588 = arith.index_cast %add3A_1567 : i32 to index
        %get3A_1589 = arith.constant 32 : index
        %get3A_1590 = tpu.vector_load %arg10[%get3A_1588, %get3A_1589] {strides = array<i32>} : memref<128x128xf32, #tpu.memory_space<vmem>>, vector<1x16xf32>,
        %get3A_1591 = vector.shape_cast %get3A_1590 : vector<1x16xf32> to vector<16xf32>
        %mul3A_1592 = arith.mulf %get3A_1591, %gather3A_1563 : vector<16xf32>
        %swap3A_1593 = arith.index_cast %add3A_1567 : i32 to index
        %swap3A_1594 = arith.constant 32 : index
        %swap3A_1595 = tpu.vector_load %arg10[%swap3A_1593, %swap3A_1594] {strides = array<i32>} : memref<128x128xf32, #tpu.memory_space<vmem>>, vector<1x16xf32>,
        %swap3A_1596 = vector.shape_cast %swap3A_1595 : vector<1x16xf32> to vector<16xf32>
        %swap3A_1597 = vector.shape_cast %mul3A_1592 : vector<16xf32> to vector<1x16xf32>
        tpu.vector_store %arg10[%swap3A_1593, %swap3A_1594], %swap3A_1597 {strides = array<i32>} : memref<128x128xf32, #tpu.memory_space<vmem>>, vector<1x16xf32>,
        %get3A_1598 = arith.index_cast %add3A_1567 : i32 to index
        %get3A_1599 = arith.constant 48 : index
        %get3A_1600 = tpu.vector_load %arg10[%get3A_1598, %get3A_1599] {strides = array<i32>} : memref<128x128xf32, #tpu.memory_space<vmem>>, vector<1x16xf32>,
        %get3A_1601 = vector.shape_cast %get3A_1600 : vector<1x16xf32> to vector<16xf32>
        %mul3A_1602 = arith.mulf %get3A_1601, %gather3A_1563 : vector<16xf32>
        %swap3A_1603 = arith.index_cast %add3A_1567 : i32 to index
        %swap3A_1604 = arith.constant 48 : index
        %swap3A_1605 = tpu.vector_load %arg10[%swap3A_1603, %swap3A_1604] {strides = array<i32>} : memref<128x128xf32, #tpu.memory_space<vmem>>, vector<1x16xf32>,
        %swap3A_1606 = vector.shape_cast %swap3A_1605 : vector<1x16xf32> to vector<16xf32>
        %swap3A_1607 = vector.shape_cast %mul3A_1602 : vector<16xf32> to vector<1x16xf32>
        tpu.vector_store %arg10[%swap3A_1603, %swap3A_1604], %swap3A_1607 {strides = array<i32>} : memref<128x128xf32, #tpu.memory_space<vmem>>, vector<1x16xf32>,
        %get3A_1608 = arith.index_cast %add3A_1567 : i32 to index
        %get3A_1609 = arith.constant 64 : index
        %get3A_1610 = tpu.vector_load %arg10[%get3A_1608, %get3A_1609] {strides = array<i32>} : memref<128x128xf32, #tpu.memory_space<vmem>>, vector<1x16xf32>,
        %get3A_1611 = vector.shape_cast %get3A_1610 : vector<1x16xf32> to vector<16xf32>
        %mul3A_1612 = arith.mulf %get3A_1611, %gather3A_1563 : vector<16xf32>
        %swap3A_1613 = arith.index_cast %add3A_1567 : i32 to index
        %swap3A_1614 = arith.constant 64 : index
        %swap3A_1615 = tpu.vector_load %arg10[%swap3A_1613, %swap3A_1614] {strides = array<i32>} : memref<128x128xf32, #tpu.memory_space<vmem>>, vector<1x16xf32>,
        %swap3A_1616 = vector.shape_cast %swap3A_1615 : vector<1x16xf32> to vector<16xf32>
        %swap3A_1617 = vector.shape_cast %mul3A_1612 : vector<16xf32> to vector<1x16xf32>
        tpu.vector_store %arg10[%swap3A_1613, %swap3A_1614], %swap3A_1617 {strides = array<i32>} : memref<128x128xf32, #tpu.memory_space<vmem>>, vector<1x16xf32>,
        %get3A_1618 = arith.index_cast %add3A_1567 : i32 to index
        %get3A_1619 = arith.constant 80 : index
        %get3A_1620 = tpu.vector_load %arg10[%get3A_1618, %get3A_1619] {strides = array<i32>} : memref<128x128xf32, #tpu.memory_space<vmem>>, vector<1x16xf32>,
        %get3A_1621 = vector.shape_cast %get3A_1620 : vector<1x16xf32> to vector<16xf32>
        %mul3A_1622 = arith.mulf %get3A_1621, %gather3A_1563 : vector<16xf32>
        %swap3A_1623 = arith.index_cast %add3A_1567 : i32 to index
        %swap3A_1624 = arith.constant 80 : index
        %swap3A_1625 = tpu.vector_load %arg10[%swap3A_1623, %swap3A_1624] {strides = array<i32>} : memref<128x128xf32, #tpu.memory_space<vmem>>, vector<1x16xf32>,
        %swap3A_1626 = vector.shape_cast %swap3A_1625 : vector<1x16xf32> to vector<16xf32>
        %swap3A_1627 = vector.shape_cast %mul3A_1622 : vector<16xf32> to vector<1x16xf32>
        tpu.vector_store %arg10[%swap3A_1623, %swap3A_1624], %swap3A_1627 {strides = array<i32>} : memref<128x128xf32, #tpu.memory_space<vmem>>, vector<1x16xf32>,
        %get3A_1628 = arith.index_cast %add3A_1567 : i32 to index
        %get3A_1629 = arith.constant 96 : index
        %get3A_1630 = tpu.vector_load %arg10[%get3A_1628, %get3A_1629] {strides = array<i32>} : memref<128x128xf32, #tpu.memory_space<vmem>>, vector<1x16xf32>,
        %get3A_1631 = vector.shape_cast %get3A_1630 : vector<1x16xf32> to vector<16xf32>
        %mul3A_1632 = arith.mulf %get3A_1631, %gather3A_1563 : vector<16xf32>
        %swap3A_1633 = arith.index_cast %add3A_1567 : i32 to index
        %swap3A_1634 = arith.constant 96 : index
        %swap3A_1635 = tpu.vector_load %arg10[%swap3A_1633, %swap3A_1634] {strides = array<i32>} : memref<128x128xf32, #tpu.memory_space<vmem>>, vector<1x16xf32>,
        %swap3A_1636 = vector.shape_cast %swap3A_1635 : vector<1x16xf32> to vector<16xf32>
        %swap3A_1637 = vector.shape_cast %mul3A_1632 : vector<16xf32> to vector<1x16xf32>
        tpu.vector_store %arg10[%swap3A_1633, %swap3A_1634], %swap3A_1637 {strides = array<i32>} : memref<128x128xf32, #tpu.memory_space<vmem>>, vector<1x16xf32>,
        %get3A_1638 = arith.index_cast %add3A_1567 : i32 to index
        %get3A_1639 = arith.constant 112 : index
        %get3A_1640 = tpu.vector_load %arg10[%get3A_1638, %get3A_1639] {strides = array<i32>} : memref<128x128xf32, #tpu.memory_space<vmem>>, vector<1x16xf32>,
        %get3A_1641 = vector.shape_cast %get3A_1640 : vector<1x16xf32> to vector<16xf32>
        %mul3A_1642 = arith.mulf %get3A_1641, %gather3A_1563 : vector<16xf32>
        %swap3A_1643 = arith.index_cast %add3A_1567 : i32 to index
        %swap3A_1644 = arith.constant 112 : index
        %swap3A_1645 = tpu.vector_load %arg10[%swap3A_1643, %swap3A_1644] {strides = array<i32>} : memref<128x128xf32, #tpu.memory_space<vmem>>, vector<1x16xf32>,
        %swap3A_1646 = vector.shape_cast %swap3A_1645 : vector<1x16xf32> to vector<16xf32>
        %swap3A_1647 = vector.shape_cast %mul3A_1642 : vector<16xf32> to vector<1x16xf32>
        tpu.vector_store %arg10[%swap3A_1643, %swap3A_1644], %swap3A_1647 {strides = array<i32>} : memref<128x128xf32, #tpu.memory_space<vmem>>, vector<1x16xf32>,
        %broadcast_in_dim3A_1648 = arith.constant 15 : i32
        %broadcast_in_dim3A_1649 = vector.broadcast %broadcast_in_dim3A_1648 : i32 to vector<16x1xi32>
        %gather3A_1650 = vector.shape_cast %broadcast_in_dim3A_1649 : vector<16x1xi32> to vector<16xi32>
        %gather3A_1651 = tpu.dynamic_gather %get3A_330[%gather3A_1650] in [0] : vector<16xf32>, vector<16xi32> -> vector<16xf32>
        %mul3A_1652 = arith.constant 16 : i32
        %mul3A_1653 = arith.muli %add3A_325, %mul3A_1652 : i32
        %add3A_1654 = arith.constant 15 : i32
        %add3A_1655 = arith.addi %mul3A_1653, %add3A_1654 : i32
        %get3A_1656 = arith.index_cast %add3A_1655 : i32 to index
        %get3A_1657 = arith.constant 0 : index
        %get3A_1658 = tpu.vector_load %arg10[%get3A_1656, %get3A_1657] {strides = array<i32>} : memref<128x128xf32, #tpu.memory_space<vmem>>, vector<1x16xf32>,
        %get3A_1659 = vector.shape_cast %get3A_1658 : vector<1x16xf32> to vector<16xf32>
        %mul3A_1660 = arith.mulf %get3A_1659, %gather3A_1651 : vector<16xf32>
        %swap3A_1661 = arith.index_cast %add3A_1655 : i32 to index
        %swap3A_1662 = arith.constant 0 : index
        %swap3A_1663 = tpu.vector_load %arg10[%swap3A_1661, %swap3A_1662] {strides = array<i32>} : memref<128x128xf32, #tpu.memory_space<vmem>>, vector<1x16xf32>,
        %swap3A_1664 = vector.shape_cast %swap3A_1663 : vector<1x16xf32> to vector<16xf32>
        %swap3A_1665 = vector.shape_cast %mul3A_1660 : vector<16xf32> to vector<1x16xf32>
        tpu.vector_store %arg10[%swap3A_1661, %swap3A_1662], %swap3A_1665 {strides = array<i32>} : memref<128x128xf32, #tpu.memory_space<vmem>>, vector<1x16xf32>,
        %get3A_1666 = arith.index_cast %add3A_1655 : i32 to index
        %get3A_1667 = arith.constant 16 : index
        %get3A_1668 = tpu.vector_load %arg10[%get3A_1666, %get3A_1667] {strides = array<i32>} : memref<128x128xf32, #tpu.memory_space<vmem>>, vector<1x16xf32>,
        %get3A_1669 = vector.shape_cast %get3A_1668 : vector<1x16xf32> to vector<16xf32>
        %mul3A_1670 = arith.mulf %get3A_1669, %gather3A_1651 : vector<16xf32>
        %swap3A_1671 = arith.index_cast %add3A_1655 : i32 to index
        %swap3A_1672 = arith.constant 16 : index
        %swap3A_1673 = tpu.vector_load %arg10[%swap3A_1671, %swap3A_1672] {strides = array<i32>} : memref<128x128xf32, #tpu.memory_space<vmem>>, vector<1x16xf32>,
        %swap3A_1674 = vector.shape_cast %swap3A_1673 : vector<1x16xf32> to vector<16xf32>
        %swap3A_1675 = vector.shape_cast %mul3A_1670 : vector<16xf32> to vector<1x16xf32>
        tpu.vector_store %arg10[%swap3A_1671, %swap3A_1672], %swap3A_1675 {strides = array<i32>} : memref<128x128xf32, #tpu.memory_space<vmem>>, vector<1x16xf32>,
        %get3A_1676 = arith.index_cast %add3A_1655 : i32 to index
        %get3A_1677 = arith.constant 32 : index
        %get3A_1678 = tpu.vector_load %arg10[%get3A_1676, %get3A_1677] {strides = array<i32>} : memref<128x128xf32, #tpu.memory_space<vmem>>, vector<1x16xf32>,
        %get3A_1679 = vector.shape_cast %get3A_1678 : vector<1x16xf32> to vector<16xf32>
        %mul3A_1680 = arith.mulf %get3A_1679, %gather3A_1651 : vector<16xf32>
        %swap3A_1681 = arith.index_cast %add3A_1655 : i32 to index
        %swap3A_1682 = arith.constant 32 : index
        %swap3A_1683 = tpu.vector_load %arg10[%swap3A_1681, %swap3A_1682] {strides = array<i32>} : memref<128x128xf32, #tpu.memory_space<vmem>>, vector<1x16xf32>,
        %swap3A_1684 = vector.shape_cast %swap3A_1683 : vector<1x16xf32> to vector<16xf32>
        %swap3A_1685 = vector.shape_cast %mul3A_1680 : vector<16xf32> to vector<1x16xf32>
        tpu.vector_store %arg10[%swap3A_1681, %swap3A_1682], %swap3A_1685 {strides = array<i32>} : memref<128x128xf32, #tpu.memory_space<vmem>>, vector<1x16xf32>,
        %get3A_1686 = arith.index_cast %add3A_1655 : i32 to index
        %get3A_1687 = arith.constant 48 : index
        %get3A_1688 = tpu.vector_load %arg10[%get3A_1686, %get3A_1687] {strides = array<i32>} : memref<128x128xf32, #tpu.memory_space<vmem>>, vector<1x16xf32>,
        %get3A_1689 = vector.shape_cast %get3A_1688 : vector<1x16xf32> to vector<16xf32>
        %mul3A_1690 = arith.mulf %get3A_1689, %gather3A_1651 : vector<16xf32>
        %swap3A_1691 = arith.index_cast %add3A_1655 : i32 to index
        %swap3A_1692 = arith.constant 48 : index
        %swap3A_1693 = tpu.vector_load %arg10[%swap3A_1691, %swap3A_1692] {strides = array<i32>} : memref<128x128xf32, #tpu.memory_space<vmem>>, vector<1x16xf32>,
        %swap3A_1694 = vector.shape_cast %swap3A_1693 : vector<1x16xf32> to vector<16xf32>
        %swap3A_1695 = vector.shape_cast %mul3A_1690 : vector<16xf32> to vector<1x16xf32>
        tpu.vector_store %arg10[%swap3A_1691, %swap3A_1692], %swap3A_1695 {strides = array<i32>} : memref<128x128xf32, #tpu.memory_space<vmem>>, vector<1x16xf32>,
        %get3A_1696 = arith.index_cast %add3A_1655 : i32 to index
        %get3A_1697 = arith.constant 64 : index
        %get3A_1698 = tpu.vector_load %arg10[%get3A_1696, %get3A_1697] {strides = array<i32>} : memref<128x128xf32, #tpu.memory_space<vmem>>, vector<1x16xf32>,
        %get3A_1699 = vector.shape_cast %get3A_1698 : vector<1x16xf32> to vector<16xf32>
        %mul3A_1700 = arith.mulf %get3A_1699, %gather3A_1651 : vector<16xf32>
        %swap3A_1701 = arith.index_cast %add3A_1655 : i32 to index
        %swap3A_1702 = arith.constant 64 : index
        %swap3A_1703 = tpu.vector_load %arg10[%swap3A_1701, %swap3A_1702] {strides = array<i32>} : memref<128x128xf32, #tpu.memory_space<vmem>>, vector<1x16xf32>,
        %swap3A_1704 = vector.shape_cast %swap3A_1703 : vector<1x16xf32> to vector<16xf32>
        %swap3A_1705 = vector.shape_cast %mul3A_1700 : vector<16xf32> to vector<1x16xf32>
        tpu.vector_store %arg10[%swap3A_1701, %swap3A_1702], %swap3A_1705 {strides = array<i32>} : memref<128x128xf32, #tpu.memory_space<vmem>>, vector<1x16xf32>,
        %get3A_1706 = arith.index_cast %add3A_1655 : i32 to index
        %get3A_1707 = arith.constant 80 : index
        %get3A_1708 = tpu.vector_load %arg10[%get3A_1706, %get3A_1707] {strides = array<i32>} : memref<128x128xf32, #tpu.memory_space<vmem>>, vector<1x16xf32>,
        %get3A_1709 = vector.shape_cast %get3A_1708 : vector<1x16xf32> to vector<16xf32>
        %mul3A_1710 = arith.mulf %get3A_1709, %gather3A_1651 : vector<16xf32>
        %swap3A_1711 = arith.index_cast %add3A_1655 : i32 to index
        %swap3A_1712 = arith.constant 80 : index
        %swap3A_1713 = tpu.vector_load %arg10[%swap3A_1711, %swap3A_1712] {strides = array<i32>} : memref<128x128xf32, #tpu.memory_space<vmem>>, vector<1x16xf32>,
        %swap3A_1714 = vector.shape_cast %swap3A_1713 : vector<1x16xf32> to vector<16xf32>
        %swap3A_1715 = vector.shape_cast %mul3A_1710 : vector<16xf32> to vector<1x16xf32>
        tpu.vector_store %arg10[%swap3A_1711, %swap3A_1712], %swap3A_1715 {strides = array<i32>} : memref<128x128xf32, #tpu.memory_space<vmem>>, vector<1x16xf32>,
        %get3A_1716 = arith.index_cast %add3A_1655 : i32 to index
        %get3A_1717 = arith.constant 96 : index
        %get3A_1718 = tpu.vector_load %arg10[%get3A_1716, %get3A_1717] {strides = array<i32>} : memref<128x128xf32, #tpu.memory_space<vmem>>, vector<1x16xf32>,
        %get3A_1719 = vector.shape_cast %get3A_1718 : vector<1x16xf32> to vector<16xf32>
        %mul3A_1720 = arith.mulf %get3A_1719, %gather3A_1651 : vector<16xf32>
        %swap3A_1721 = arith.index_cast %add3A_1655 : i32 to index
        %swap3A_1722 = arith.constant 96 : index
        %swap3A_1723 = tpu.vector_load %arg10[%swap3A_1721, %swap3A_1722] {strides = array<i32>} : memref<128x128xf32, #tpu.memory_space<vmem>>, vector<1x16xf32>,
        %swap3A_1724 = vector.shape_cast %swap3A_1723 : vector<1x16xf32> to vector<16xf32>
        %swap3A_1725 = vector.shape_cast %mul3A_1720 : vector<16xf32> to vector<1x16xf32>
        tpu.vector_store %arg10[%swap3A_1721, %swap3A_1722], %swap3A_1725 {strides = array<i32>} : memref<128x128xf32, #tpu.memory_space<vmem>>, vector<1x16xf32>,
        %get3A_1726 = arith.index_cast %add3A_1655 : i32 to index
        %get3A_1727 = arith.constant 112 : index
        %get3A_1728 = tpu.vector_load %arg10[%get3A_1726, %get3A_1727] {strides = array<i32>} : memref<128x128xf32, #tpu.memory_space<vmem>>, vector<1x16xf32>,
        %get3A_1729 = vector.shape_cast %get3A_1728 : vector<1x16xf32> to vector<16xf32>
        %mul3A_1730 = arith.mulf %get3A_1729, %gather3A_1651 : vector<16xf32>
        %swap3A_1731 = arith.index_cast %add3A_1655 : i32 to index
        %swap3A_1732 = arith.constant 112 : index
        %swap3A_1733 = tpu.vector_load %arg10[%swap3A_1731, %swap3A_1732] {strides = array<i32>} : memref<128x128xf32, #tpu.memory_space<vmem>>, vector<1x16xf32>,
        %swap3A_1734 = vector.shape_cast %swap3A_1733 : vector<1x16xf32> to vector<16xf32>
        %swap3A_1735 = vector.shape_cast %mul3A_1730 : vector<16xf32> to vector<1x16xf32>
        tpu.vector_store %arg10[%swap3A_1731, %swap3A_1732], %swap3A_1735 {strides = array<i32>} : memref<128x128xf32, #tpu.memory_space<vmem>>, vector<1x16xf32>,
      }
      %scan3A_257 = arith.constant 8 : i32
      %rem3A_258 = arith.constant 4 : i32
      %rem3A_259 = arith.remsi %add3A_224, %rem3A_258 : i32
      %dma_start3A_260 = arith.constant 0 : i32
      %dma_start3A_261 = arith.constant 0 : i32
      %dma_start3A_262 = tpu.memref_slice %arg8[%rem3A_259, %dma_start3A_261] : memref<4x128xi32, #tpu.memory_space<vmem>> -> memref<1x128xi32, #tpu.memory_space<vmem>>
      %dma_start3A_263 = tpu.memref_squeeze %dma_start3A_262 : memref<1x128xi32, #tpu.memory_space<vmem>> -> memref<128xi32, #tpu.memory_space<vmem>>
      %dma_start3A_264 = arith.constant 0 : i32
      %dma_start3A_265 = arith.constant 0 : i32
      %dma_start3A_266 = tpu.memref_slice %arg13[%dma_start3A_264, %dma_start3A_265] : memref<10000x128xf32, #tpu.memory_space<vmem_shared>> -> memref<10000x128xf32, #tpu.memory_space<vmem_shared>>
      %dma_start3A_267 = tpu.memref_slice %arg16[%dma_start3A_260] : memref<2x!tpu.dma_semaphore, #tpu.memory_space<semaphore_mem>> -> memref<1x!tpu.dma_semaphore, #tpu.memory_space<semaphore_mem>>
      %dma_start3A_268 = tpu.memref_squeeze %dma_start3A_267 : memref<1x!tpu.dma_semaphore, #tpu.memory_space<semaphore_mem>> -> memref<!tpu.dma_semaphore, #tpu.memory_space<semaphore_mem>>
      tpu.enqueue_indirect_dma source(%arg10 : memref<128x128xf32, #tpu.memory_space<vmem>>) target(%dma_start3A_266 : memref<10000x128xf32, #tpu.memory_space<vmem_shared>>) offsets(%dma_start3A_263 : memref<128xi32, #tpu.memory_space<vmem>>) semaphore(%dma_start3A_268 : memref<!tpu.dma_semaphore, #tpu.memory_space<semaphore_mem>>) {add = true}
      %mul3A_269 = arith.constant 2 : i32
      %mul3A_270 = arith.muli %add3A_220, %mul3A_269 : i32
      %add3A_271 = arith.constant 1 : i32
      %add3A_272 = arith.addi %mul3A_270, %add3A_271 : i32
      %rem3A_273 = arith.constant 4 : i32
      %rem3A_274 = arith.remsi %add3A_272, %rem3A_273 : i32
      %dma_wait3A_275 = arith.constant 1 : i32
      %dma_wait3A_276 = arith.constant 0 : i32
      %dma_wait3A_277 = tpu.memref_slice %arg7[%rem3A_274, %dma_wait3A_276] : memref<4x128xi32, #tpu.memory_space<vmem>> -> memref<1x128xi32, #tpu.memory_space<vmem>>
      %dma_wait3A_278 = tpu.memref_squeeze %dma_wait3A_277 : memref<1x128xi32, #tpu.memory_space<vmem>> -> memref<128xi32, #tpu.memory_space<vmem>>
      %dma_wait3A_279 = arith.constant 0 : i32
      %dma_wait3A_280 = arith.constant 0 : i32
      %dma_wait3A_281 = tpu.memref_slice %arg2[%dma_wait3A_279, %dma_wait3A_280] : memref<10000x128xf32, #tpu.memory_space<hbm>> -> memref<10000x128xf32, #tpu.memory_space<hbm>>
      %dma_wait3A_282 = tpu.memref_slice %arg15[%dma_wait3A_275] : memref<2x!tpu.dma_semaphore, #tpu.memory_space<semaphore_mem>> -> memref<1x!tpu.dma_semaphore, #tpu.memory_space<semaphore_mem>>
      %dma_wait3A_283 = tpu.memref_squeeze %dma_wait3A_282 : memref<1x!tpu.dma_semaphore, #tpu.memory_space<semaphore_mem>> -> memref<!tpu.dma_semaphore, #tpu.memory_space<semaphore_mem>>
      tpu.wait_indirect_dma semaphore(%dma_wait3A_283 : memref<!tpu.dma_semaphore, #tpu.memory_space<semaphore_mem>>) src(%dma_wait3A_281 : memref<10000x128xf32, #tpu.memory_space<hbm>>) dst(%arg11 : memref<128x128xf32, #tpu.memory_space<vmem>>)
      %ge3A_284 = arith.constant 1 : i32
      %ge3A_285 = arith.cmpi sge, %add3A_272, %ge3A_284 : i32
      %convert_element_type3A_286 = arith.extui %ge3A_285 : i1 to i32
      %cond3A_287 = arith.constant 0 : i32
      %cond3A_288 = arith.cmpi ne, %convert_element_type3A_286, %cond3A_287 : i32
      scf.if %cond3A_288 {
        %sub3A_321 = arith.constant 1 : i32
        %sub3A_322 = arith.subi %add3A_272, %sub3A_321 : i32
        %rem3A_323 = arith.constant 4 : i32
        %rem3A_324 = arith.remsi %sub3A_322, %rem3A_323 : i32
        %dma_wait3A_325 = arith.constant 0 : i32
        %dma_wait3A_326 = arith.constant 0 : i32
        %dma_wait3A_327 = tpu.memref_slice %arg8[%rem3A_324, %dma_wait3A_326] : memref<4x128xi32, #tpu.memory_space<vmem>> -> memref<1x128xi32, #tpu.memory_space<vmem>>
        %dma_wait3A_328 = tpu.memref_squeeze %dma_wait3A_327 : memref<1x128xi32, #tpu.memory_space<vmem>> -> memref<128xi32, #tpu.memory_space<vmem>>
        %dma_wait3A_329 = arith.constant 0 : i32
        %dma_wait3A_330 = arith.constant 0 : i32
        %dma_wait3A_331 = tpu.memref_slice %arg13[%dma_wait3A_329, %dma_wait3A_330] : memref<10000x128xf32, #tpu.memory_space<vmem_shared>> -> memref<10000x128xf32, #tpu.memory_space<vmem_shared>>
        %dma_wait3A_332 = tpu.memref_slice %arg16[%dma_wait3A_325] : memref<2x!tpu.dma_semaphore, #tpu.memory_space<semaphore_mem>> -> memref<1x!tpu.dma_semaphore, #tpu.memory_space<semaphore_mem>>
        %dma_wait3A_333 = tpu.memref_squeeze %dma_wait3A_332 : memref<1x!tpu.dma_semaphore, #tpu.memory_space<semaphore_mem>> -> memref<!tpu.dma_semaphore, #tpu.memory_space<semaphore_mem>>
        tpu.wait_indirect_dma semaphore(%dma_wait3A_333 : memref<!tpu.dma_semaphore, #tpu.memory_space<semaphore_mem>>) src(%arg10 : memref<128x128xf32, #tpu.memory_space<vmem>>) dst(%dma_wait3A_331 : memref<10000x128xf32, #tpu.memory_space<vmem_shared>>)
      } else {
      }
      %add3A_289 = arith.constant 2 : i32
      %add3A_290 = arith.addi %add3A_272, %add3A_289 : i32
      %lt3A_291 = arith.constant 80 : i32
      %lt3A_292 = arith.cmpi slt, %add3A_290, %lt3A_291 : i32
      %convert_element_type3A_293 = arith.extui %lt3A_292 : i1 to i32
      %cond3A_294 = arith.constant 0 : i32
      %cond3A_295 = arith.cmpi ne, %convert_element_type3A_293, %cond3A_294 : i32
      scf.if %cond3A_295 {
        %add3A_321 = arith.constant 2 : i32
        %add3A_322 = arith.addi %add3A_272, %add3A_321 : i32
        %rem3A_323 = arith.constant 4 : i32
        %rem3A_324 = arith.remsi %add3A_322, %rem3A_323 : i32
        %add3A_325 = arith.addi %mul3A_39, %add3A_322 : i32
        %mul3A_326 = arith.constant 128 : i32
        %mul3A_327 = arith.muli %add3A_325, %mul3A_326 : i32
        %dma_start3A_328 = arith.constant 0 : i32
        %dma_start3A_329 = tpu.memref_slice %arg7[%rem3A_324, %dma_start3A_328] : memref<4x128xi32, #tpu.memory_space<vmem>> -> memref<1x128xi32, #tpu.memory_space<vmem>>
        %dma_start3A_330 = tpu.memref_squeeze %dma_start3A_329 : memref<1x128xi32, #tpu.memory_space<vmem>> -> memref<128xi32, #tpu.memory_space<vmem>>
        %dma_start3A_331 = tpu.memref_slice %arg3[%mul3A_327] : memref<327680xi32, #tpu.memory_space<hbm>> -> memref<128xi32, #tpu.memory_space<hbm>>
        %dma_start3A_332 = tpu.memref_slice %arg14[%rem3A_324] : memref<4x!tpu.dma_semaphore, #tpu.memory_space<semaphore_mem>> -> memref<1x!tpu.dma_semaphore, #tpu.memory_space<semaphore_mem>>
        %dma_start3A_333 = tpu.memref_squeeze %dma_start3A_332 : memref<1x!tpu.dma_semaphore, #tpu.memory_space<semaphore_mem>> -> memref<!tpu.dma_semaphore, #tpu.memory_space<semaphore_mem>>
        %dma_start3A_334 = arith.constant 0 : i32
        %dma_start3A_335 = tpu.memref_slice %arg7[%rem3A_324, %dma_start3A_334] : memref<4x128xi32, #tpu.memory_space<vmem>> -> memref<1x128xi32, #tpu.memory_space<vmem>>
        %dma_start3A_336 = tpu.memref_squeeze %dma_start3A_335 : memref<1x128xi32, #tpu.memory_space<vmem>> -> memref<128xi32, #tpu.memory_space<vmem>>
        %dma_start3A_337 = tpu.memref_slice %arg3[%mul3A_327] : memref<327680xi32, #tpu.memory_space<hbm>> -> memref<128xi32, #tpu.memory_space<hbm>>
        tpu.enqueue_dma source(%dma_start3A_337 : memref<128xi32, #tpu.memory_space<hbm>>) target(%dma_start3A_336 : memref<128xi32, #tpu.memory_space<vmem>>) target_semaphore(%dma_start3A_333 : memref<!tpu.dma_semaphore, #tpu.memory_space<semaphore_mem>>)
        %dma_start3A_338 = arith.constant 0 : i32
        %dma_start3A_339 = tpu.memref_slice %arg8[%rem3A_324, %dma_start3A_338] : memref<4x128xi32, #tpu.memory_space<vmem>> -> memref<1x128xi32, #tpu.memory_space<vmem>>
        %dma_start3A_340 = tpu.memref_squeeze %dma_start3A_339 : memref<1x128xi32, #tpu.memory_space<vmem>> -> memref<128xi32, #tpu.memory_space<vmem>>
        %dma_start3A_341 = tpu.memref_slice %arg4[%mul3A_327] : memref<327680xi32, #tpu.memory_space<hbm>> -> memref<128xi32, #tpu.memory_space<hbm>>
        %dma_start3A_342 = tpu.memref_slice %arg14[%rem3A_324] : memref<4x!tpu.dma_semaphore, #tpu.memory_space<semaphore_mem>> -> memref<1x!tpu.dma_semaphore, #tpu.memory_space<semaphore_mem>>
        %dma_start3A_343 = tpu.memref_squeeze %dma_start3A_342 : memref<1x!tpu.dma_semaphore, #tpu.memory_space<semaphore_mem>> -> memref<!tpu.dma_semaphore, #tpu.memory_space<semaphore_mem>>
        %dma_start3A_344 = arith.constant 0 : i32
        %dma_start3A_345 = tpu.memref_slice %arg8[%rem3A_324, %dma_start3A_344] : memref<4x128xi32, #tpu.memory_space<vmem>> -> memref<1x128xi32, #tpu.memory_space<vmem>>
        %dma_start3A_346 = tpu.memref_squeeze %dma_start3A_345 : memref<1x128xi32, #tpu.memory_space<vmem>> -> memref<128xi32, #tpu.memory_space<vmem>>
        %dma_start3A_347 = tpu.memref_slice %arg4[%mul3A_327] : memref<327680xi32, #tpu.memory_space<hbm>> -> memref<128xi32, #tpu.memory_space<hbm>>
        tpu.enqueue_dma source(%dma_start3A_347 : memref<128xi32, #tpu.memory_space<hbm>>) target(%dma_start3A_346 : memref<128xi32, #tpu.memory_space<vmem>>) target_semaphore(%dma_start3A_343 : memref<!tpu.dma_semaphore, #tpu.memory_space<semaphore_mem>>)
        %dma_start3A_348 = arith.constant 0 : i32
        %dma_start3A_349 = tpu.memref_slice %arg9[%rem3A_324, %dma_start3A_348] : memref<4x128xf32, #tpu.memory_space<vmem>> -> memref<1x128xf32, #tpu.memory_space<vmem>>
        %dma_start3A_350 = tpu.memref_squeeze %dma_start3A_349 : memref<1x128xf32, #tpu.memory_space<vmem>> -> memref<128xf32, #tpu.memory_space<vmem>>
        %dma_start3A_351 = tpu.memref_slice %arg5[%mul3A_327] : memref<327680xf32, #tpu.memory_space<hbm>> -> memref<128xf32, #tpu.memory_space<hbm>>
        %dma_start3A_352 = tpu.memref_slice %arg14[%rem3A_324] : memref<4x!tpu.dma_semaphore, #tpu.memory_space<semaphore_mem>> -> memref<1x!tpu.dma_semaphore, #tpu.memory_space<semaphore_mem>>
        %dma_start3A_353 = tpu.memref_squeeze %dma_start3A_352 : memref<1x!tpu.dma_semaphore, #tpu.memory_space<semaphore_mem>> -> memref<!tpu.dma_semaphore, #tpu.memory_space<semaphore_mem>>
        %dma_start3A_354 = arith.constant 0 : i32
        %dma_start3A_355 = tpu.memref_slice %arg9[%rem3A_324, %dma_start3A_354] : memref<4x128xf32, #tpu.memory_space<vmem>> -> memref<1x128xf32, #tpu.memory_space<vmem>>
        %dma_start3A_356 = tpu.memref_squeeze %dma_start3A_355 : memref<1x128xf32, #tpu.memory_space<vmem>> -> memref<128xf32, #tpu.memory_space<vmem>>
        %dma_start3A_357 = tpu.memref_slice %arg5[%mul3A_327] : memref<327680xf32, #tpu.memory_space<hbm>> -> memref<128xf32, #tpu.memory_space<hbm>>
        tpu.enqueue_dma source(%dma_start3A_357 : memref<128xf32, #tpu.memory_space<hbm>>) target(%dma_start3A_356 : memref<128xf32, #tpu.memory_space<vmem>>) target_semaphore(%dma_start3A_353 : memref<!tpu.dma_semaphore, #tpu.memory_space<semaphore_mem>>)
      } else {
      }
      %add3A_296 = arith.constant 1 : i32
      %add3A_297 = arith.addi %add3A_272, %add3A_296 : i32
      %lt3A_298 = arith.constant 80 : i32
      %lt3A_299 = arith.cmpi slt, %add3A_297, %lt3A_298 : i32
      %convert_element_type3A_300 = arith.extui %lt3A_299 : i1 to i32
      %cond3A_301 = arith.constant 0 : i32
      %cond3A_302 = arith.cmpi ne, %convert_element_type3A_300, %cond3A_301 : i32
      scf.if %cond3A_302 {
        %add3A_321 = arith.constant 1 : i32
        %add3A_322 = arith.addi %add3A_272, %add3A_321 : i32
        %rem3A_323 = arith.constant 4 : i32
        %rem3A_324 = arith.remsi %add3A_322, %rem3A_323 : i32
        %dma_wait3A_325 = arith.constant 0 : i32
        %dma_wait3A_326 = tpu.memref_slice %arg7[%rem3A_324, %dma_wait3A_325] : memref<4x128xi32, #tpu.memory_space<vmem>> -> memref<1x128xi32, #tpu.memory_space<vmem>>
        %dma_wait3A_327 = tpu.memref_squeeze %dma_wait3A_326 : memref<1x128xi32, #tpu.memory_space<vmem>> -> memref<128xi32, #tpu.memory_space<vmem>>
        %dma_wait3A_328 = arith.constant 0 : i32
        %dma_wait3A_329 = tpu.memref_slice %arg3[%dma_wait3A_328] : memref<327680xi32, #tpu.memory_space<hbm>> -> memref<128xi32, #tpu.memory_space<hbm>>
        %dma_wait3A_330 = tpu.memref_slice %arg14[%rem3A_324] : memref<4x!tpu.dma_semaphore, #tpu.memory_space<semaphore_mem>> -> memref<1x!tpu.dma_semaphore, #tpu.memory_space<semaphore_mem>>
        %dma_wait3A_331 = tpu.memref_squeeze %dma_wait3A_330 : memref<1x!tpu.dma_semaphore, #tpu.memory_space<semaphore_mem>> -> memref<!tpu.dma_semaphore, #tpu.memory_space<semaphore_mem>>
        %dma_wait3A_332 = arith.constant 0 : i32
        %dma_wait3A_333 = tpu.memref_slice %arg7[%rem3A_324, %dma_wait3A_332] : memref<4x128xi32, #tpu.memory_space<vmem>> -> memref<1x128xi32, #tpu.memory_space<vmem>>
        %dma_wait3A_334 = tpu.memref_squeeze %dma_wait3A_333 : memref<1x128xi32, #tpu.memory_space<vmem>> -> memref<128xi32, #tpu.memory_space<vmem>>
        %dma_wait3A_335 = arith.constant 0 : i32
        %dma_wait3A_336 = tpu.memref_slice %arg3[%dma_wait3A_335] : memref<327680xi32, #tpu.memory_space<hbm>> -> memref<128xi32, #tpu.memory_space<hbm>>
        tpu.wait_dma2 semaphore(%dma_wait3A_331 : memref<!tpu.dma_semaphore, #tpu.memory_space<semaphore_mem>>) src(%dma_wait3A_336 : memref<128xi32, #tpu.memory_space<hbm>>) dst(%dma_wait3A_334 : memref<128xi32, #tpu.memory_space<vmem>>)
        %dma_wait3A_337 = arith.constant 0 : i32
        %dma_wait3A_338 = tpu.memref_slice %arg8[%rem3A_324, %dma_wait3A_337] : memref<4x128xi32, #tpu.memory_space<vmem>> -> memref<1x128xi32, #tpu.memory_space<vmem>>
        %dma_wait3A_339 = tpu.memref_squeeze %dma_wait3A_338 : memref<1x128xi32, #tpu.memory_space<vmem>> -> memref<128xi32, #tpu.memory_space<vmem>>
        %dma_wait3A_340 = arith.constant 0 : i32
        %dma_wait3A_341 = tpu.memref_slice %arg4[%dma_wait3A_340] : memref<327680xi32, #tpu.memory_space<hbm>> -> memref<128xi32, #tpu.memory_space<hbm>>
        %dma_wait3A_342 = tpu.memref_slice %arg14[%rem3A_324] : memref<4x!tpu.dma_semaphore, #tpu.memory_space<semaphore_mem>> -> memref<1x!tpu.dma_semaphore, #tpu.memory_space<semaphore_mem>>
        %dma_wait3A_343 = tpu.memref_squeeze %dma_wait3A_342 : memref<1x!tpu.dma_semaphore, #tpu.memory_space<semaphore_mem>> -> memref<!tpu.dma_semaphore, #tpu.memory_space<semaphore_mem>>
        %dma_wait3A_344 = arith.constant 0 : i32
        %dma_wait3A_345 = tpu.memref_slice %arg8[%rem3A_324, %dma_wait3A_344] : memref<4x128xi32, #tpu.memory_space<vmem>> -> memref<1x128xi32, #tpu.memory_space<vmem>>
        %dma_wait3A_346 = tpu.memref_squeeze %dma_wait3A_345 : memref<1x128xi32, #tpu.memory_space<vmem>> -> memref<128xi32, #tpu.memory_space<vmem>>
        %dma_wait3A_347 = arith.constant 0 : i32
        %dma_wait3A_348 = tpu.memref_slice %arg4[%dma_wait3A_347] : memref<327680xi32, #tpu.memory_space<hbm>> -> memref<128xi32, #tpu.memory_space<hbm>>
        tpu.wait_dma2 semaphore(%dma_wait3A_343 : memref<!tpu.dma_semaphore, #tpu.memory_space<semaphore_mem>>) src(%dma_wait3A_348 : memref<128xi32, #tpu.memory_space<hbm>>) dst(%dma_wait3A_346 : memref<128xi32, #tpu.memory_space<vmem>>)
        %dma_wait3A_349 = arith.constant 0 : i32
        %dma_wait3A_350 = tpu.memref_slice %arg9[%rem3A_324, %dma_wait3A_349] : memref<4x128xf32, #tpu.memory_space<vmem>> -> memref<1x128xf32, #tpu.memory_space<vmem>>
        %dma_wait3A_351 = tpu.memref_squeeze %dma_wait3A_350 : memref<1x128xf32, #tpu.memory_space<vmem>> -> memref<128xf32, #tpu.memory_space<vmem>>
        %dma_wait3A_352 = arith.constant 0 : i32
        %dma_wait3A_353 = tpu.memref_slice %arg5[%dma_wait3A_352] : memref<327680xf32, #tpu.memory_space<hbm>> -> memref<128xf32, #tpu.memory_space<hbm>>
        %dma_wait3A_354 = tpu.memref_slice %arg14[%rem3A_324] : memref<4x!tpu.dma_semaphore, #tpu.memory_space<semaphore_mem>> -> memref<1x!tpu.dma_semaphore, #tpu.memory_space<semaphore_mem>>
        %dma_wait3A_355 = tpu.memref_squeeze %dma_wait3A_354 : memref<1x!tpu.dma_semaphore, #tpu.memory_space<semaphore_mem>> -> memref<!tpu.dma_semaphore, #tpu.memory_space<semaphore_mem>>
        %dma_wait3A_356 = arith.constant 0 : i32
        %dma_wait3A_357 = tpu.memref_slice %arg9[%rem3A_324, %dma_wait3A_356] : memref<4x128xf32, #tpu.memory_space<vmem>> -> memref<1x128xf32, #tpu.memory_space<vmem>>
        %dma_wait3A_358 = tpu.memref_squeeze %dma_wait3A_357 : memref<1x128xf32, #tpu.memory_space<vmem>> -> memref<128xf32, #tpu.memory_space<vmem>>
        %dma_wait3A_359 = arith.constant 0 : i32
        %dma_wait3A_360 = tpu.memref_slice %arg5[%dma_wait3A_359] : memref<327680xf32, #tpu.memory_space<hbm>> -> memref<128xf32, #tpu.memory_space<hbm>>
        tpu.wait_dma2 semaphore(%dma_wait3A_355 : memref<!tpu.dma_semaphore, #tpu.memory_space<semaphore_mem>>) src(%dma_wait3A_360 : memref<128xf32, #tpu.memory_space<hbm>>) dst(%dma_wait3A_358 : memref<128xf32, #tpu.memory_space<vmem>>)
        %add3A_361 = arith.constant 1 : i32
        %add3A_362 = arith.addi %add3A_272, %add3A_361 : i32
        %rem3A_363 = arith.constant 4 : i32
        %rem3A_364 = arith.remsi %add3A_362, %rem3A_363 : i32
        %dma_start3A_365 = arith.constant 0 : i32
        %dma_start3A_366 = arith.constant 0 : i32
        %dma_start3A_367 = tpu.memref_slice %arg7[%rem3A_364, %dma_start3A_366] : memref<4x128xi32, #tpu.memory_space<vmem>> -> memref<1x128xi32, #tpu.memory_space<vmem>>
        %dma_start3A_368 = tpu.memref_squeeze %dma_start3A_367 : memref<1x128xi32, #tpu.memory_space<vmem>> -> memref<128xi32, #tpu.memory_space<vmem>>
        %dma_start3A_369 = arith.constant 0 : i32
        %dma_start3A_370 = arith.constant 0 : i32
        %dma_start3A_371 = tpu.memref_slice %arg2[%dma_start3A_369, %dma_start3A_370] : memref<10000x128xf32, #tpu.memory_space<hbm>> -> memref<10000x128xf32, #tpu.memory_space<hbm>>
        %dma_start3A_372 = tpu.memref_slice %arg15[%dma_start3A_365] : memref<2x!tpu.dma_semaphore, #tpu.memory_space<semaphore_mem>> -> memref<1x!tpu.dma_semaphore, #tpu.memory_space<semaphore_mem>>
        %dma_start3A_373 = tpu.memref_squeeze %dma_start3A_372 : memref<1x!tpu.dma_semaphore, #tpu.memory_space<semaphore_mem>> -> memref<!tpu.dma_semaphore, #tpu.memory_space<semaphore_mem>>
        tpu.enqueue_indirect_dma source(%dma_start3A_371 : memref<10000x128xf32, #tpu.memory_space<hbm>>) target(%arg10 : memref<128x128xf32, #tpu.memory_space<vmem>>) offsets(%dma_start3A_368 : memref<128xi32, #tpu.memory_space<vmem>>) semaphore(%dma_start3A_373 : memref<!tpu.dma_semaphore, #tpu.memory_space<semaphore_mem>>)
      } else {
      }
      %rem3A_303 = arith.constant 4 : i32
      %rem3A_304 = arith.remsi %add3A_272, %rem3A_303 : i32
      %scan3A_305 = arith.constant 0 : i32
      %scan3A_306 = arith.constant 8 : i32
      %scan3A_307 = arith.addi %scan3A_305, %scan3A_306 : i32
      %scan3A_308 = arith.constant 1 : i32
      scf.for %scan3A_321 = %scan3A_305 to %scan3A_307 step %scan3A_308  : i32 {
        %mul3A_322 = arith.constant 1 : i32
        %mul3A_323 = arith.muli %scan3A_321, %mul3A_322 : i32
        %add3A_324 = arith.constant 0 : i32
        %add3A_325 = arith.addi %add3A_324, %mul3A_323 : i32
        %mul3A_326 = arith.constant 16 : i32
        %mul3A_327 = arith.muli %add3A_325, %mul3A_326 : i32
        %get3A = arith.index_cast %rem3A_304 : i32 to index
        %get3A_328 = arith.index_cast %mul3A_327 : i32 to index
        %get3A_329 = tpu.vector_load %arg9[%get3A, %get3A_328] {strides = array<i32>} : memref<4x128xf32, #tpu.memory_space<vmem>>, vector<1x16xf32>,
        %get3A_330 = vector.shape_cast %get3A_329 : vector<1x16xf32> to vector<16xf32>
        %broadcast_in_dim3A = arith.constant 0 : i32
        %broadcast_in_dim3A_331 = vector.broadcast %broadcast_in_dim3A : i32 to vector<16x1xi32>
        %gather3A = vector.shape_cast %broadcast_in_dim3A_331 : vector<16x1xi32> to vector<16xi32>
        %gather3A_332 = tpu.dynamic_gather %get3A_330[%gather3A] in [0] : vector<16xf32>, vector<16xi32> -> vector<16xf32>
        %mul3A_333 = arith.constant 16 : i32
        %mul3A_334 = arith.muli %add3A_325, %mul3A_333 : i32
        %add3A_335 = arith.constant 0 : i32
        %add3A_336 = arith.addi %mul3A_334, %add3A_335 : i32
        %get3A_337 = arith.index_cast %add3A_336 : i32 to index
        %get3A_338 = arith.constant 0 : index
        %get3A_339 = tpu.vector_load %arg11[%get3A_337, %get3A_338] {strides = array<i32>} : memref<128x128xf32, #tpu.memory_space<vmem>>, vector<1x16xf32>,
        %get3A_340 = vector.shape_cast %get3A_339 : vector<1x16xf32> to vector<16xf32>
        %mul3A_341 = arith.mulf %get3A_340, %gather3A_332 : vector<16xf32>
        %swap3A = arith.index_cast %add3A_336 : i32 to index
        %swap3A_342 = arith.constant 0 : index
        %swap3A_343 = tpu.vector_load %arg11[%swap3A, %swap3A_342] {strides = array<i32>} : memref<128x128xf32, #tpu.memory_space<vmem>>, vector<1x16xf32>,
        %swap3A_344 = vector.shape_cast %swap3A_343 : vector<1x16xf32> to vector<16xf32>
        %swap3A_345 = vector.shape_cast %mul3A_341 : vector<16xf32> to vector<1x16xf32>
        tpu.vector_store %arg11[%swap3A, %swap3A_342], %swap3A_345 {strides = array<i32>} : memref<128x128xf32, #tpu.memory_space<vmem>>, vector<1x16xf32>,
        %get3A_346 = arith.index_cast %add3A_336 : i32 to index
        %get3A_347 = arith.constant 16 : index
        %get3A_348 = tpu.vector_load %arg11[%get3A_346, %get3A_347] {strides = array<i32>} : memref<128x128xf32, #tpu.memory_space<vmem>>, vector<1x16xf32>,
        %get3A_349 = vector.shape_cast %get3A_348 : vector<1x16xf32> to vector<16xf32>
        %mul3A_350 = arith.mulf %get3A_349, %gather3A_332 : vector<16xf32>
        %swap3A_351 = arith.index_cast %add3A_336 : i32 to index
        %swap3A_352 = arith.constant 16 : index
        %swap3A_353 = tpu.vector_load %arg11[%swap3A_351, %swap3A_352] {strides = array<i32>} : memref<128x128xf32, #tpu.memory_space<vmem>>, vector<1x16xf32>,
        %swap3A_354 = vector.shape_cast %swap3A_353 : vector<1x16xf32> to vector<16xf32>
        %swap3A_355 = vector.shape_cast %mul3A_350 : vector<16xf32> to vector<1x16xf32>
        tpu.vector_store %arg11[%swap3A_351, %swap3A_352], %swap3A_355 {strides = array<i32>} : memref<128x128xf32, #tpu.memory_space<vmem>>, vector<1x16xf32>,
        %get3A_356 = arith.index_cast %add3A_336 : i32 to index
        %get3A_357 = arith.constant 32 : index
        %get3A_358 = tpu.vector_load %arg11[%get3A_356, %get3A_357] {strides = array<i32>} : memref<128x128xf32, #tpu.memory_space<vmem>>, vector<1x16xf32>,
        %get3A_359 = vector.shape_cast %get3A_358 : vector<1x16xf32> to vector<16xf32>
        %mul3A_360 = arith.mulf %get3A_359, %gather3A_332 : vector<16xf32>
        %swap3A_361 = arith.index_cast %add3A_336 : i32 to index
        %swap3A_362 = arith.constant 32 : index
        %swap3A_363 = tpu.vector_load %arg11[%swap3A_361, %swap3A_362] {strides = array<i32>} : memref<128x128xf32, #tpu.memory_space<vmem>>, vector<1x16xf32>,
        %swap3A_364 = vector.shape_cast %swap3A_363 : vector<1x16xf32> to vector<16xf32>
        %swap3A_365 = vector.shape_cast %mul3A_360 : vector<16xf32> to vector<1x16xf32>
        tpu.vector_store %arg11[%swap3A_361, %swap3A_362], %swap3A_365 {strides = array<i32>} : memref<128x128xf32, #tpu.memory_space<vmem>>, vector<1x16xf32>,
        %get3A_366 = arith.index_cast %add3A_336 : i32 to index
        %get3A_367 = arith.constant 48 : index
        %get3A_368 = tpu.vector_load %arg11[%get3A_366, %get3A_367] {strides = array<i32>} : memref<128x128xf32, #tpu.memory_space<vmem>>, vector<1x16xf32>,
        %get3A_369 = vector.shape_cast %get3A_368 : vector<1x16xf32> to vector<16xf32>
        %mul3A_370 = arith.mulf %get3A_369, %gather3A_332 : vector<16xf32>
        %swap3A_371 = arith.index_cast %add3A_336 : i32 to index
        %swap3A_372 = arith.constant 48 : index
        %swap3A_373 = tpu.vector_load %arg11[%swap3A_371, %swap3A_372] {strides = array<i32>} : memref<128x128xf32, #tpu.memory_space<vmem>>, vector<1x16xf32>,
        %swap3A_374 = vector.shape_cast %swap3A_373 : vector<1x16xf32> to vector<16xf32>
        %swap3A_375 = vector.shape_cast %mul3A_370 : vector<16xf32> to vector<1x16xf32>
        tpu.vector_store %arg11[%swap3A_371, %swap3A_372], %swap3A_375 {strides = array<i32>} : memref<128x128xf32, #tpu.memory_space<vmem>>, vector<1x16xf32>,
        %get3A_376 = arith.index_cast %add3A_336 : i32 to index
        %get3A_377 = arith.constant 64 : index
        %get3A_378 = tpu.vector_load %arg11[%get3A_376, %get3A_377] {strides = array<i32>} : memref<128x128xf32, #tpu.memory_space<vmem>>, vector<1x16xf32>,
        %get3A_379 = vector.shape_cast %get3A_378 : vector<1x16xf32> to vector<16xf32>
        %mul3A_380 = arith.mulf %get3A_379, %gather3A_332 : vector<16xf32>
        %swap3A_381 = arith.index_cast %add3A_336 : i32 to index
        %swap3A_382 = arith.constant 64 : index
        %swap3A_383 = tpu.vector_load %arg11[%swap3A_381, %swap3A_382] {strides = array<i32>} : memref<128x128xf32, #tpu.memory_space<vmem>>, vector<1x16xf32>,
        %swap3A_384 = vector.shape_cast %swap3A_383 : vector<1x16xf32> to vector<16xf32>
        %swap3A_385 = vector.shape_cast %mul3A_380 : vector<16xf32> to vector<1x16xf32>
        tpu.vector_store %arg11[%swap3A_381, %swap3A_382], %swap3A_385 {strides = array<i32>} : memref<128x128xf32, #tpu.memory_space<vmem>>, vector<1x16xf32>,
        %get3A_386 = arith.index_cast %add3A_336 : i32 to index
        %get3A_387 = arith.constant 80 : index
        %get3A_388 = tpu.vector_load %arg11[%get3A_386, %get3A_387] {strides = array<i32>} : memref<128x128xf32, #tpu.memory_space<vmem>>, vector<1x16xf32>,
        %get3A_389 = vector.shape_cast %get3A_388 : vector<1x16xf32> to vector<16xf32>
        %mul3A_390 = arith.mulf %get3A_389, %gather3A_332 : vector<16xf32>
        %swap3A_391 = arith.index_cast %add3A_336 : i32 to index
        %swap3A_392 = arith.constant 80 : index
        %swap3A_393 = tpu.vector_load %arg11[%swap3A_391, %swap3A_392] {strides = array<i32>} : memref<128x128xf32, #tpu.memory_space<vmem>>, vector<1x16xf32>,
        %swap3A_394 = vector.shape_cast %swap3A_393 : vector<1x16xf32> to vector<16xf32>
        %swap3A_395 = vector.shape_cast %mul3A_390 : vector<16xf32> to vector<1x16xf32>
        tpu.vector_store %arg11[%swap3A_391, %swap3A_392], %swap3A_395 {strides = array<i32>} : memref<128x128xf32, #tpu.memory_space<vmem>>, vector<1x16xf32>,
        %get3A_396 = arith.index_cast %add3A_336 : i32 to index
        %get3A_397 = arith.constant 96 : index
        %get3A_398 = tpu.vector_load %arg11[%get3A_396, %get3A_397] {strides = array<i32>} : memref<128x128xf32, #tpu.memory_space<vmem>>, vector<1x16xf32>,
        %get3A_399 = vector.shape_cast %get3A_398 : vector<1x16xf32> to vector<16xf32>
        %mul3A_400 = arith.mulf %get3A_399, %gather3A_332 : vector<16xf32>
        %swap3A_401 = arith.index_cast %add3A_336 : i32 to index
        %swap3A_402 = arith.constant 96 : index
        %swap3A_403 = tpu.vector_load %arg11[%swap3A_401, %swap3A_402] {strides = array<i32>} : memref<128x128xf32, #tpu.memory_space<vmem>>, vector<1x16xf32>,
        %swap3A_404 = vector.shape_cast %swap3A_403 : vector<1x16xf32> to vector<16xf32>
        %swap3A_405 = vector.shape_cast %mul3A_400 : vector<16xf32> to vector<1x16xf32>
        tpu.vector_store %arg11[%swap3A_401, %swap3A_402], %swap3A_405 {strides = array<i32>} : memref<128x128xf32, #tpu.memory_space<vmem>>, vector<1x16xf32>,
        %get3A_406 = arith.index_cast %add3A_336 : i32 to index
        %get3A_407 = arith.constant 112 : index
        %get3A_408 = tpu.vector_load %arg11[%get3A_406, %get3A_407] {strides = array<i32>} : memref<128x128xf32, #tpu.memory_space<vmem>>, vector<1x16xf32>,
        %get3A_409 = vector.shape_cast %get3A_408 : vector<1x16xf32> to vector<16xf32>
        %mul3A_410 = arith.mulf %get3A_409, %gather3A_332 : vector<16xf32>
        %swap3A_411 = arith.index_cast %add3A_336 : i32 to index
        %swap3A_412 = arith.constant 112 : index
        %swap3A_413 = tpu.vector_load %arg11[%swap3A_411, %swap3A_412] {strides = array<i32>} : memref<128x128xf32, #tpu.memory_space<vmem>>, vector<1x16xf32>,
        %swap3A_414 = vector.shape_cast %swap3A_413 : vector<1x16xf32> to vector<16xf32>
        %swap3A_415 = vector.shape_cast %mul3A_410 : vector<16xf32> to vector<1x16xf32>
        tpu.vector_store %arg11[%swap3A_411, %swap3A_412], %swap3A_415 {strides = array<i32>} : memref<128x128xf32, #tpu.memory_space<vmem>>, vector<1x16xf32>,
        %broadcast_in_dim3A_416 = arith.constant 1 : i32
        %broadcast_in_dim3A_417 = vector.broadcast %broadcast_in_dim3A_416 : i32 to vector<16x1xi32>
        %gather3A_418 = vector.shape_cast %broadcast_in_dim3A_417 : vector<16x1xi32> to vector<16xi32>
        %gather3A_419 = tpu.dynamic_gather %get3A_330[%gather3A_418] in [0] : vector<16xf32>, vector<16xi32> -> vector<16xf32>
        %mul3A_420 = arith.constant 16 : i32
        %mul3A_421 = arith.muli %add3A_325, %mul3A_420 : i32
        %add3A_422 = arith.constant 1 : i32
        %add3A_423 = arith.addi %mul3A_421, %add3A_422 : i32
        %get3A_424 = arith.index_cast %add3A_423 : i32 to index
        %get3A_425 = arith.constant 0 : index
        %get3A_426 = tpu.vector_load %arg11[%get3A_424, %get3A_425] {strides = array<i32>} : memref<128x128xf32, #tpu.memory_space<vmem>>, vector<1x16xf32>,
        %get3A_427 = vector.shape_cast %get3A_426 : vector<1x16xf32> to vector<16xf32>
        %mul3A_428 = arith.mulf %get3A_427, %gather3A_419 : vector<16xf32>
        %swap3A_429 = arith.index_cast %add3A_423 : i32 to index
        %swap3A_430 = arith.constant 0 : index
        %swap3A_431 = tpu.vector_load %arg11[%swap3A_429, %swap3A_430] {strides = array<i32>} : memref<128x128xf32, #tpu.memory_space<vmem>>, vector<1x16xf32>,
        %swap3A_432 = vector.shape_cast %swap3A_431 : vector<1x16xf32> to vector<16xf32>
        %swap3A_433 = vector.shape_cast %mul3A_428 : vector<16xf32> to vector<1x16xf32>
        tpu.vector_store %arg11[%swap3A_429, %swap3A_430], %swap3A_433 {strides = array<i32>} : memref<128x128xf32, #tpu.memory_space<vmem>>, vector<1x16xf32>,
        %get3A_434 = arith.index_cast %add3A_423 : i32 to index
        %get3A_435 = arith.constant 16 : index
        %get3A_436 = tpu.vector_load %arg11[%get3A_434, %get3A_435] {strides = array<i32>} : memref<128x128xf32, #tpu.memory_space<vmem>>, vector<1x16xf32>,
        %get3A_437 = vector.shape_cast %get3A_436 : vector<1x16xf32> to vector<16xf32>
        %mul3A_438 = arith.mulf %get3A_437, %gather3A_419 : vector<16xf32>
        %swap3A_439 = arith.index_cast %add3A_423 : i32 to index
        %swap3A_440 = arith.constant 16 : index
        %swap3A_441 = tpu.vector_load %arg11[%swap3A_439, %swap3A_440] {strides = array<i32>} : memref<128x128xf32, #tpu.memory_space<vmem>>, vector<1x16xf32>,
        %swap3A_442 = vector.shape_cast %swap3A_441 : vector<1x16xf32> to vector<16xf32>
        %swap3A_443 = vector.shape_cast %mul3A_438 : vector<16xf32> to vector<1x16xf32>
        tpu.vector_store %arg11[%swap3A_439, %swap3A_440], %swap3A_443 {strides = array<i32>} : memref<128x128xf32, #tpu.memory_space<vmem>>, vector<1x16xf32>,
        %get3A_444 = arith.index_cast %add3A_423 : i32 to index
        %get3A_445 = arith.constant 32 : index
        %get3A_446 = tpu.vector_load %arg11[%get3A_444, %get3A_445] {strides = array<i32>} : memref<128x128xf32, #tpu.memory_space<vmem>>, vector<1x16xf32>,
        %get3A_447 = vector.shape_cast %get3A_446 : vector<1x16xf32> to vector<16xf32>
        %mul3A_448 = arith.mulf %get3A_447, %gather3A_419 : vector<16xf32>
        %swap3A_449 = arith.index_cast %add3A_423 : i32 to index
        %swap3A_450 = arith.constant 32 : index
        %swap3A_451 = tpu.vector_load %arg11[%swap3A_449, %swap3A_450] {strides = array<i32>} : memref<128x128xf32, #tpu.memory_space<vmem>>, vector<1x16xf32>,
        %swap3A_452 = vector.shape_cast %swap3A_451 : vector<1x16xf32> to vector<16xf32>
        %swap3A_453 = vector.shape_cast %mul3A_448 : vector<16xf32> to vector<1x16xf32>
        tpu.vector_store %arg11[%swap3A_449, %swap3A_450], %swap3A_453 {strides = array<i32>} : memref<128x128xf32, #tpu.memory_space<vmem>>, vector<1x16xf32>,
        %get3A_454 = arith.index_cast %add3A_423 : i32 to index
        %get3A_455 = arith.constant 48 : index
        %get3A_456 = tpu.vector_load %arg11[%get3A_454, %get3A_455] {strides = array<i32>} : memref<128x128xf32, #tpu.memory_space<vmem>>, vector<1x16xf32>,
        %get3A_457 = vector.shape_cast %get3A_456 : vector<1x16xf32> to vector<16xf32>
        %mul3A_458 = arith.mulf %get3A_457, %gather3A_419 : vector<16xf32>
        %swap3A_459 = arith.index_cast %add3A_423 : i32 to index
        %swap3A_460 = arith.constant 48 : index
        %swap3A_461 = tpu.vector_load %arg11[%swap3A_459, %swap3A_460] {strides = array<i32>} : memref<128x128xf32, #tpu.memory_space<vmem>>, vector<1x16xf32>,
        %swap3A_462 = vector.shape_cast %swap3A_461 : vector<1x16xf32> to vector<16xf32>
        %swap3A_463 = vector.shape_cast %mul3A_458 : vector<16xf32> to vector<1x16xf32>
        tpu.vector_store %arg11[%swap3A_459, %swap3A_460], %swap3A_463 {strides = array<i32>} : memref<128x128xf32, #tpu.memory_space<vmem>>, vector<1x16xf32>,
        %get3A_464 = arith.index_cast %add3A_423 : i32 to index
        %get3A_465 = arith.constant 64 : index
        %get3A_466 = tpu.vector_load %arg11[%get3A_464, %get3A_465] {strides = array<i32>} : memref<128x128xf32, #tpu.memory_space<vmem>>, vector<1x16xf32>,
        %get3A_467 = vector.shape_cast %get3A_466 : vector<1x16xf32> to vector<16xf32>
        %mul3A_468 = arith.mulf %get3A_467, %gather3A_419 : vector<16xf32>
        %swap3A_469 = arith.index_cast %add3A_423 : i32 to index
        %swap3A_470 = arith.constant 64 : index
        %swap3A_471 = tpu.vector_load %arg11[%swap3A_469, %swap3A_470] {strides = array<i32>} : memref<128x128xf32, #tpu.memory_space<vmem>>, vector<1x16xf32>,
        %swap3A_472 = vector.shape_cast %swap3A_471 : vector<1x16xf32> to vector<16xf32>
        %swap3A_473 = vector.shape_cast %mul3A_468 : vector<16xf32> to vector<1x16xf32>
        tpu.vector_store %arg11[%swap3A_469, %swap3A_470], %swap3A_473 {strides = array<i32>} : memref<128x128xf32, #tpu.memory_space<vmem>>, vector<1x16xf32>,
        %get3A_474 = arith.index_cast %add3A_423 : i32 to index
        %get3A_475 = arith.constant 80 : index
        %get3A_476 = tpu.vector_load %arg11[%get3A_474, %get3A_475] {strides = array<i32>} : memref<128x128xf32, #tpu.memory_space<vmem>>, vector<1x16xf32>,
        %get3A_477 = vector.shape_cast %get3A_476 : vector<1x16xf32> to vector<16xf32>
        %mul3A_478 = arith.mulf %get3A_477, %gather3A_419 : vector<16xf32>
        %swap3A_479 = arith.index_cast %add3A_423 : i32 to index
        %swap3A_480 = arith.constant 80 : index
        %swap3A_481 = tpu.vector_load %arg11[%swap3A_479, %swap3A_480] {strides = array<i32>} : memref<128x128xf32, #tpu.memory_space<vmem>>, vector<1x16xf32>,
        %swap3A_482 = vector.shape_cast %swap3A_481 : vector<1x16xf32> to vector<16xf32>
        %swap3A_483 = vector.shape_cast %mul3A_478 : vector<16xf32> to vector<1x16xf32>
        tpu.vector_store %arg11[%swap3A_479, %swap3A_480], %swap3A_483 {strides = array<i32>} : memref<128x128xf32, #tpu.memory_space<vmem>>, vector<1x16xf32>,
        %get3A_484 = arith.index_cast %add3A_423 : i32 to index
        %get3A_485 = arith.constant 96 : index
        %get3A_486 = tpu.vector_load %arg11[%get3A_484, %get3A_485] {strides = array<i32>} : memref<128x128xf32, #tpu.memory_space<vmem>>, vector<1x16xf32>,
        %get3A_487 = vector.shape_cast %get3A_486 : vector<1x16xf32> to vector<16xf32>
        %mul3A_488 = arith.mulf %get3A_487, %gather3A_419 : vector<16xf32>
        %swap3A_489 = arith.index_cast %add3A_423 : i32 to index
        %swap3A_490 = arith.constant 96 : index
        %swap3A_491 = tpu.vector_load %arg11[%swap3A_489, %swap3A_490] {strides = array<i32>} : memref<128x128xf32, #tpu.memory_space<vmem>>, vector<1x16xf32>,
        %swap3A_492 = vector.shape_cast %swap3A_491 : vector<1x16xf32> to vector<16xf32>
        %swap3A_493 = vector.shape_cast %mul3A_488 : vector<16xf32> to vector<1x16xf32>
        tpu.vector_store %arg11[%swap3A_489, %swap3A_490], %swap3A_493 {strides = array<i32>} : memref<128x128xf32, #tpu.memory_space<vmem>>, vector<1x16xf32>,
        %get3A_494 = arith.index_cast %add3A_423 : i32 to index
        %get3A_495 = arith.constant 112 : index
        %get3A_496 = tpu.vector_load %arg11[%get3A_494, %get3A_495] {strides = array<i32>} : memref<128x128xf32, #tpu.memory_space<vmem>>, vector<1x16xf32>,
        %get3A_497 = vector.shape_cast %get3A_496 : vector<1x16xf32> to vector<16xf32>
        %mul3A_498 = arith.mulf %get3A_497, %gather3A_419 : vector<16xf32>
        %swap3A_499 = arith.index_cast %add3A_423 : i32 to index
        %swap3A_500 = arith.constant 112 : index
        %swap3A_501 = tpu.vector_load %arg11[%swap3A_499, %swap3A_500] {strides = array<i32>} : memref<128x128xf32, #tpu.memory_space<vmem>>, vector<1x16xf32>,
        %swap3A_502 = vector.shape_cast %swap3A_501 : vector<1x16xf32> to vector<16xf32>
        %swap3A_503 = vector.shape_cast %mul3A_498 : vector<16xf32> to vector<1x16xf32>
        tpu.vector_store %arg11[%swap3A_499, %swap3A_500], %swap3A_503 {strides = array<i32>} : memref<128x128xf32, #tpu.memory_space<vmem>>, vector<1x16xf32>,
        %broadcast_in_dim3A_504 = arith.constant 2 : i32
        %broadcast_in_dim3A_505 = vector.broadcast %broadcast_in_dim3A_504 : i32 to vector<16x1xi32>
        %gather3A_506 = vector.shape_cast %broadcast_in_dim3A_505 : vector<16x1xi32> to vector<16xi32>
        %gather3A_507 = tpu.dynamic_gather %get3A_330[%gather3A_506] in [0] : vector<16xf32>, vector<16xi32> -> vector<16xf32>
        %mul3A_508 = arith.constant 16 : i32
        %mul3A_509 = arith.muli %add3A_325, %mul3A_508 : i32
        %add3A_510 = arith.constant 2 : i32
        %add3A_511 = arith.addi %mul3A_509, %add3A_510 : i32
        %get3A_512 = arith.index_cast %add3A_511 : i32 to index
        %get3A_513 = arith.constant 0 : index
        %get3A_514 = tpu.vector_load %arg11[%get3A_512, %get3A_513] {strides = array<i32>} : memref<128x128xf32, #tpu.memory_space<vmem>>, vector<1x16xf32>,
        %get3A_515 = vector.shape_cast %get3A_514 : vector<1x16xf32> to vector<16xf32>
        %mul3A_516 = arith.mulf %get3A_515, %gather3A_507 : vector<16xf32>
        %swap3A_517 = arith.index_cast %add3A_511 : i32 to index
        %swap3A_518 = arith.constant 0 : index
        %swap3A_519 = tpu.vector_load %arg11[%swap3A_517, %swap3A_518] {strides = array<i32>} : memref<128x128xf32, #tpu.memory_space<vmem>>, vector<1x16xf32>,
        %swap3A_520 = vector.shape_cast %swap3A_519 : vector<1x16xf32> to vector<16xf32>
        %swap3A_521 = vector.shape_cast %mul3A_516 : vector<16xf32> to vector<1x16xf32>
        tpu.vector_store %arg11[%swap3A_517, %swap3A_518], %swap3A_521 {strides = array<i32>} : memref<128x128xf32, #tpu.memory_space<vmem>>, vector<1x16xf32>,
        %get3A_522 = arith.index_cast %add3A_511 : i32 to index
        %get3A_523 = arith.constant 16 : index
        %get3A_524 = tpu.vector_load %arg11[%get3A_522, %get3A_523] {strides = array<i32>} : memref<128x128xf32, #tpu.memory_space<vmem>>, vector<1x16xf32>,
        %get3A_525 = vector.shape_cast %get3A_524 : vector<1x16xf32> to vector<16xf32>
        %mul3A_526 = arith.mulf %get3A_525, %gather3A_507 : vector<16xf32>
        %swap3A_527 = arith.index_cast %add3A_511 : i32 to index
        %swap3A_528 = arith.constant 16 : index
        %swap3A_529 = tpu.vector_load %arg11[%swap3A_527, %swap3A_528] {strides = array<i32>} : memref<128x128xf32, #tpu.memory_space<vmem>>, vector<1x16xf32>,
        %swap3A_530 = vector.shape_cast %swap3A_529 : vector<1x16xf32> to vector<16xf32>
        %swap3A_531 = vector.shape_cast %mul3A_526 : vector<16xf32> to vector<1x16xf32>
        tpu.vector_store %arg11[%swap3A_527, %swap3A_528], %swap3A_531 {strides = array<i32>} : memref<128x128xf32, #tpu.memory_space<vmem>>, vector<1x16xf32>,
        %get3A_532 = arith.index_cast %add3A_511 : i32 to index
        %get3A_533 = arith.constant 32 : index
        %get3A_534 = tpu.vector_load %arg11[%get3A_532, %get3A_533] {strides = array<i32>} : memref<128x128xf32, #tpu.memory_space<vmem>>, vector<1x16xf32>,
        %get3A_535 = vector.shape_cast %get3A_534 : vector<1x16xf32> to vector<16xf32>
        %mul3A_536 = arith.mulf %get3A_535, %gather3A_507 : vector<16xf32>
        %swap3A_537 = arith.index_cast %add3A_511 : i32 to index
        %swap3A_538 = arith.constant 32 : index
        %swap3A_539 = tpu.vector_load %arg11[%swap3A_537, %swap3A_538] {strides = array<i32>} : memref<128x128xf32, #tpu.memory_space<vmem>>, vector<1x16xf32>,
        %swap3A_540 = vector.shape_cast %swap3A_539 : vector<1x16xf32> to vector<16xf32>
        %swap3A_541 = vector.shape_cast %mul3A_536 : vector<16xf32> to vector<1x16xf32>
        tpu.vector_store %arg11[%swap3A_537, %swap3A_538], %swap3A_541 {strides = array<i32>} : memref<128x128xf32, #tpu.memory_space<vmem>>, vector<1x16xf32>,
        %get3A_542 = arith.index_cast %add3A_511 : i32 to index
        %get3A_543 = arith.constant 48 : index
        %get3A_544 = tpu.vector_load %arg11[%get3A_542, %get3A_543] {strides = array<i32>} : memref<128x128xf32, #tpu.memory_space<vmem>>, vector<1x16xf32>,
        %get3A_545 = vector.shape_cast %get3A_544 : vector<1x16xf32> to vector<16xf32>
        %mul3A_546 = arith.mulf %get3A_545, %gather3A_507 : vector<16xf32>
        %swap3A_547 = arith.index_cast %add3A_511 : i32 to index
        %swap3A_548 = arith.constant 48 : index
        %swap3A_549 = tpu.vector_load %arg11[%swap3A_547, %swap3A_548] {strides = array<i32>} : memref<128x128xf32, #tpu.memory_space<vmem>>, vector<1x16xf32>,
        %swap3A_550 = vector.shape_cast %swap3A_549 : vector<1x16xf32> to vector<16xf32>
        %swap3A_551 = vector.shape_cast %mul3A_546 : vector<16xf32> to vector<1x16xf32>
        tpu.vector_store %arg11[%swap3A_547, %swap3A_548], %swap3A_551 {strides = array<i32>} : memref<128x128xf32, #tpu.memory_space<vmem>>, vector<1x16xf32>,
        %get3A_552 = arith.index_cast %add3A_511 : i32 to index
        %get3A_553 = arith.constant 64 : index
        %get3A_554 = tpu.vector_load %arg11[%get3A_552, %get3A_553] {strides = array<i32>} : memref<128x128xf32, #tpu.memory_space<vmem>>, vector<1x16xf32>,
        %get3A_555 = vector.shape_cast %get3A_554 : vector<1x16xf32> to vector<16xf32>
        %mul3A_556 = arith.mulf %get3A_555, %gather3A_507 : vector<16xf32>
        %swap3A_557 = arith.index_cast %add3A_511 : i32 to index
        %swap3A_558 = arith.constant 64 : index
        %swap3A_559 = tpu.vector_load %arg11[%swap3A_557, %swap3A_558] {strides = array<i32>} : memref<128x128xf32, #tpu.memory_space<vmem>>, vector<1x16xf32>,
        %swap3A_560 = vector.shape_cast %swap3A_559 : vector<1x16xf32> to vector<16xf32>
        %swap3A_561 = vector.shape_cast %mul3A_556 : vector<16xf32> to vector<1x16xf32>
        tpu.vector_store %arg11[%swap3A_557, %swap3A_558], %swap3A_561 {strides = array<i32>} : memref<128x128xf32, #tpu.memory_space<vmem>>, vector<1x16xf32>,
        %get3A_562 = arith.index_cast %add3A_511 : i32 to index
        %get3A_563 = arith.constant 80 : index
        %get3A_564 = tpu.vector_load %arg11[%get3A_562, %get3A_563] {strides = array<i32>} : memref<128x128xf32, #tpu.memory_space<vmem>>, vector<1x16xf32>,
        %get3A_565 = vector.shape_cast %get3A_564 : vector<1x16xf32> to vector<16xf32>
        %mul3A_566 = arith.mulf %get3A_565, %gather3A_507 : vector<16xf32>
        %swap3A_567 = arith.index_cast %add3A_511 : i32 to index
        %swap3A_568 = arith.constant 80 : index
        %swap3A_569 = tpu.vector_load %arg11[%swap3A_567, %swap3A_568] {strides = array<i32>} : memref<128x128xf32, #tpu.memory_space<vmem>>, vector<1x16xf32>,
        %swap3A_570 = vector.shape_cast %swap3A_569 : vector<1x16xf32> to vector<16xf32>
        %swap3A_571 = vector.shape_cast %mul3A_566 : vector<16xf32> to vector<1x16xf32>
        tpu.vector_store %arg11[%swap3A_567, %swap3A_568], %swap3A_571 {strides = array<i32>} : memref<128x128xf32, #tpu.memory_space<vmem>>, vector<1x16xf32>,
        %get3A_572 = arith.index_cast %add3A_511 : i32 to index
        %get3A_573 = arith.constant 96 : index
        %get3A_574 = tpu.vector_load %arg11[%get3A_572, %get3A_573] {strides = array<i32>} : memref<128x128xf32, #tpu.memory_space<vmem>>, vector<1x16xf32>,
        %get3A_575 = vector.shape_cast %get3A_574 : vector<1x16xf32> to vector<16xf32>
        %mul3A_576 = arith.mulf %get3A_575, %gather3A_507 : vector<16xf32>
        %swap3A_577 = arith.index_cast %add3A_511 : i32 to index
        %swap3A_578 = arith.constant 96 : index
        %swap3A_579 = tpu.vector_load %arg11[%swap3A_577, %swap3A_578] {strides = array<i32>} : memref<128x128xf32, #tpu.memory_space<vmem>>, vector<1x16xf32>,
        %swap3A_580 = vector.shape_cast %swap3A_579 : vector<1x16xf32> to vector<16xf32>
        %swap3A_581 = vector.shape_cast %mul3A_576 : vector<16xf32> to vector<1x16xf32>
        tpu.vector_store %arg11[%swap3A_577, %swap3A_578], %swap3A_581 {strides = array<i32>} : memref<128x128xf32, #tpu.memory_space<vmem>>, vector<1x16xf32>,
        %get3A_582 = arith.index_cast %add3A_511 : i32 to index
        %get3A_583 = arith.constant 112 : index
        %get3A_584 = tpu.vector_load %arg11[%get3A_582, %get3A_583] {strides = array<i32>} : memref<128x128xf32, #tpu.memory_space<vmem>>, vector<1x16xf32>,
        %get3A_585 = vector.shape_cast %get3A_584 : vector<1x16xf32> to vector<16xf32>
        %mul3A_586 = arith.mulf %get3A_585, %gather3A_507 : vector<16xf32>
        %swap3A_587 = arith.index_cast %add3A_511 : i32 to index
        %swap3A_588 = arith.constant 112 : index
        %swap3A_589 = tpu.vector_load %arg11[%swap3A_587, %swap3A_588] {strides = array<i32>} : memref<128x128xf32, #tpu.memory_space<vmem>>, vector<1x16xf32>,
        %swap3A_590 = vector.shape_cast %swap3A_589 : vector<1x16xf32> to vector<16xf32>
        %swap3A_591 = vector.shape_cast %mul3A_586 : vector<16xf32> to vector<1x16xf32>
        tpu.vector_store %arg11[%swap3A_587, %swap3A_588], %swap3A_591 {strides = array<i32>} : memref<128x128xf32, #tpu.memory_space<vmem>>, vector<1x16xf32>,
        %broadcast_in_dim3A_592 = arith.constant 3 : i32
        %broadcast_in_dim3A_593 = vector.broadcast %broadcast_in_dim3A_592 : i32 to vector<16x1xi32>
        %gather3A_594 = vector.shape_cast %broadcast_in_dim3A_593 : vector<16x1xi32> to vector<16xi32>
        %gather3A_595 = tpu.dynamic_gather %get3A_330[%gather3A_594] in [0] : vector<16xf32>, vector<16xi32> -> vector<16xf32>
        %mul3A_596 = arith.constant 16 : i32
        %mul3A_597 = arith.muli %add3A_325, %mul3A_596 : i32
        %add3A_598 = arith.constant 3 : i32
        %add3A_599 = arith.addi %mul3A_597, %add3A_598 : i32
        %get3A_600 = arith.index_cast %add3A_599 : i32 to index
        %get3A_601 = arith.constant 0 : index
        %get3A_602 = tpu.vector_load %arg11[%get3A_600, %get3A_601] {strides = array<i32>} : memref<128x128xf32, #tpu.memory_space<vmem>>, vector<1x16xf32>,
        %get3A_603 = vector.shape_cast %get3A_602 : vector<1x16xf32> to vector<16xf32>
        %mul3A_604 = arith.mulf %get3A_603, %gather3A_595 : vector<16xf32>
        %swap3A_605 = arith.index_cast %add3A_599 : i32 to index
        %swap3A_606 = arith.constant 0 : index
        %swap3A_607 = tpu.vector_load %arg11[%swap3A_605, %swap3A_606] {strides = array<i32>} : memref<128x128xf32, #tpu.memory_space<vmem>>, vector<1x16xf32>,
        %swap3A_608 = vector.shape_cast %swap3A_607 : vector<1x16xf32> to vector<16xf32>
        %swap3A_609 = vector.shape_cast %mul3A_604 : vector<16xf32> to vector<1x16xf32>
        tpu.vector_store %arg11[%swap3A_605, %swap3A_606], %swap3A_609 {strides = array<i32>} : memref<128x128xf32, #tpu.memory_space<vmem>>, vector<1x16xf32>,
        %get3A_610 = arith.index_cast %add3A_599 : i32 to index
        %get3A_611 = arith.constant 16 : index
        %get3A_612 = tpu.vector_load %arg11[%get3A_610, %get3A_611] {strides = array<i32>} : memref<128x128xf32, #tpu.memory_space<vmem>>, vector<1x16xf32>,
        %get3A_613 = vector.shape_cast %get3A_612 : vector<1x16xf32> to vector<16xf32>
        %mul3A_614 = arith.mulf %get3A_613, %gather3A_595 : vector<16xf32>
        %swap3A_615 = arith.index_cast %add3A_599 : i32 to index
        %swap3A_616 = arith.constant 16 : index
        %swap3A_617 = tpu.vector_load %arg11[%swap3A_615, %swap3A_616] {strides = array<i32>} : memref<128x128xf32, #tpu.memory_space<vmem>>, vector<1x16xf32>,
        %swap3A_618 = vector.shape_cast %swap3A_617 : vector<1x16xf32> to vector<16xf32>
        %swap3A_619 = vector.shape_cast %mul3A_614 : vector<16xf32> to vector<1x16xf32>
        tpu.vector_store %arg11[%swap3A_615, %swap3A_616], %swap3A_619 {strides = array<i32>} : memref<128x128xf32, #tpu.memory_space<vmem>>, vector<1x16xf32>,
        %get3A_620 = arith.index_cast %add3A_599 : i32 to index
        %get3A_621 = arith.constant 32 : index
        %get3A_622 = tpu.vector_load %arg11[%get3A_620, %get3A_621] {strides = array<i32>} : memref<128x128xf32, #tpu.memory_space<vmem>>, vector<1x16xf32>,
        %get3A_623 = vector.shape_cast %get3A_622 : vector<1x16xf32> to vector<16xf32>
        %mul3A_624 = arith.mulf %get3A_623, %gather3A_595 : vector<16xf32>
        %swap3A_625 = arith.index_cast %add3A_599 : i32 to index
        %swap3A_626 = arith.constant 32 : index
        %swap3A_627 = tpu.vector_load %arg11[%swap3A_625, %swap3A_626] {strides = array<i32>} : memref<128x128xf32, #tpu.memory_space<vmem>>, vector<1x16xf32>,
        %swap3A_628 = vector.shape_cast %swap3A_627 : vector<1x16xf32> to vector<16xf32>
        %swap3A_629 = vector.shape_cast %mul3A_624 : vector<16xf32> to vector<1x16xf32>
        tpu.vector_store %arg11[%swap3A_625, %swap3A_626], %swap3A_629 {strides = array<i32>} : memref<128x128xf32, #tpu.memory_space<vmem>>, vector<1x16xf32>,
        %get3A_630 = arith.index_cast %add3A_599 : i32 to index
        %get3A_631 = arith.constant 48 : index
        %get3A_632 = tpu.vector_load %arg11[%get3A_630, %get3A_631] {strides = array<i32>} : memref<128x128xf32, #tpu.memory_space<vmem>>, vector<1x16xf32>,
        %get3A_633 = vector.shape_cast %get3A_632 : vector<1x16xf32> to vector<16xf32>
        %mul3A_634 = arith.mulf %get3A_633, %gather3A_595 : vector<16xf32>
        %swap3A_635 = arith.index_cast %add3A_599 : i32 to index
        %swap3A_636 = arith.constant 48 : index
        %swap3A_637 = tpu.vector_load %arg11[%swap3A_635, %swap3A_636] {strides = array<i32>} : memref<128x128xf32, #tpu.memory_space<vmem>>, vector<1x16xf32>,
        %swap3A_638 = vector.shape_cast %swap3A_637 : vector<1x16xf32> to vector<16xf32>
        %swap3A_639 = vector.shape_cast %mul3A_634 : vector<16xf32> to vector<1x16xf32>
        tpu.vector_store %arg11[%swap3A_635, %swap3A_636], %swap3A_639 {strides = array<i32>} : memref<128x128xf32, #tpu.memory_space<vmem>>, vector<1x16xf32>,
        %get3A_640 = arith.index_cast %add3A_599 : i32 to index
        %get3A_641 = arith.constant 64 : index
        %get3A_642 = tpu.vector_load %arg11[%get3A_640, %get3A_641] {strides = array<i32>} : memref<128x128xf32, #tpu.memory_space<vmem>>, vector<1x16xf32>,
        %get3A_643 = vector.shape_cast %get3A_642 : vector<1x16xf32> to vector<16xf32>
        %mul3A_644 = arith.mulf %get3A_643, %gather3A_595 : vector<16xf32>
        %swap3A_645 = arith.index_cast %add3A_599 : i32 to index
        %swap3A_646 = arith.constant 64 : index
        %swap3A_647 = tpu.vector_load %arg11[%swap3A_645, %swap3A_646] {strides = array<i32>} : memref<128x128xf32, #tpu.memory_space<vmem>>, vector<1x16xf32>,
        %swap3A_648 = vector.shape_cast %swap3A_647 : vector<1x16xf32> to vector<16xf32>
        %swap3A_649 = vector.shape_cast %mul3A_644 : vector<16xf32> to vector<1x16xf32>
        tpu.vector_store %arg11[%swap3A_645, %swap3A_646], %swap3A_649 {strides = array<i32>} : memref<128x128xf32, #tpu.memory_space<vmem>>, vector<1x16xf32>,
        %get3A_650 = arith.index_cast %add3A_599 : i32 to index
        %get3A_651 = arith.constant 80 : index
        %get3A_652 = tpu.vector_load %arg11[%get3A_650, %get3A_651] {strides = array<i32>} : memref<128x128xf32, #tpu.memory_space<vmem>>, vector<1x16xf32>,
        %get3A_653 = vector.shape_cast %get3A_652 : vector<1x16xf32> to vector<16xf32>
        %mul3A_654 = arith.mulf %get3A_653, %gather3A_595 : vector<16xf32>
        %swap3A_655 = arith.index_cast %add3A_599 : i32 to index
        %swap3A_656 = arith.constant 80 : index
        %swap3A_657 = tpu.vector_load %arg11[%swap3A_655, %swap3A_656] {strides = array<i32>} : memref<128x128xf32, #tpu.memory_space<vmem>>, vector<1x16xf32>,
        %swap3A_658 = vector.shape_cast %swap3A_657 : vector<1x16xf32> to vector<16xf32>
        %swap3A_659 = vector.shape_cast %mul3A_654 : vector<16xf32> to vector<1x16xf32>
        tpu.vector_store %arg11[%swap3A_655, %swap3A_656], %swap3A_659 {strides = array<i32>} : memref<128x128xf32, #tpu.memory_space<vmem>>, vector<1x16xf32>,
        %get3A_660 = arith.index_cast %add3A_599 : i32 to index
        %get3A_661 = arith.constant 96 : index
        %get3A_662 = tpu.vector_load %arg11[%get3A_660, %get3A_661] {strides = array<i32>} : memref<128x128xf32, #tpu.memory_space<vmem>>, vector<1x16xf32>,
        %get3A_663 = vector.shape_cast %get3A_662 : vector<1x16xf32> to vector<16xf32>
        %mul3A_664 = arith.mulf %get3A_663, %gather3A_595 : vector<16xf32>
        %swap3A_665 = arith.index_cast %add3A_599 : i32 to index
        %swap3A_666 = arith.constant 96 : index
        %swap3A_667 = tpu.vector_load %arg11[%swap3A_665, %swap3A_666] {strides = array<i32>} : memref<128x128xf32, #tpu.memory_space<vmem>>, vector<1x16xf32>,
        %swap3A_668 = vector.shape_cast %swap3A_667 : vector<1x16xf32> to vector<16xf32>
        %swap3A_669 = vector.shape_cast %mul3A_664 : vector<16xf32> to vector<1x16xf32>
        tpu.vector_store %arg11[%swap3A_665, %swap3A_666], %swap3A_669 {strides = array<i32>} : memref<128x128xf32, #tpu.memory_space<vmem>>, vector<1x16xf32>,
        %get3A_670 = arith.index_cast %add3A_599 : i32 to index
        %get3A_671 = arith.constant 112 : index
        %get3A_672 = tpu.vector_load %arg11[%get3A_670, %get3A_671] {strides = array<i32>} : memref<128x128xf32, #tpu.memory_space<vmem>>, vector<1x16xf32>,
        %get3A_673 = vector.shape_cast %get3A_672 : vector<1x16xf32> to vector<16xf32>
        %mul3A_674 = arith.mulf %get3A_673, %gather3A_595 : vector<16xf32>
        %swap3A_675 = arith.index_cast %add3A_599 : i32 to index
        %swap3A_676 = arith.constant 112 : index
        %swap3A_677 = tpu.vector_load %arg11[%swap3A_675, %swap3A_676] {strides = array<i32>} : memref<128x128xf32, #tpu.memory_space<vmem>>, vector<1x16xf32>,
        %swap3A_678 = vector.shape_cast %swap3A_677 : vector<1x16xf32> to vector<16xf32>
        %swap3A_679 = vector.shape_cast %mul3A_674 : vector<16xf32> to vector<1x16xf32>
        tpu.vector_store %arg11[%swap3A_675, %swap3A_676], %swap3A_679 {strides = array<i32>} : memref<128x128xf32, #tpu.memory_space<vmem>>, vector<1x16xf32>,
        %broadcast_in_dim3A_680 = arith.constant 4 : i32
        %broadcast_in_dim3A_681 = vector.broadcast %broadcast_in_dim3A_680 : i32 to vector<16x1xi32>
        %gather3A_682 = vector.shape_cast %broadcast_in_dim3A_681 : vector<16x1xi32> to vector<16xi32>
        %gather3A_683 = tpu.dynamic_gather %get3A_330[%gather3A_682] in [0] : vector<16xf32>, vector<16xi32> -> vector<16xf32>
        %mul3A_684 = arith.constant 16 : i32
        %mul3A_685 = arith.muli %add3A_325, %mul3A_684 : i32
        %add3A_686 = arith.constant 4 : i32
        %add3A_687 = arith.addi %mul3A_685, %add3A_686 : i32
        %get3A_688 = arith.index_cast %add3A_687 : i32 to index
        %get3A_689 = arith.constant 0 : index
        %get3A_690 = tpu.vector_load %arg11[%get3A_688, %get3A_689] {strides = array<i32>} : memref<128x128xf32, #tpu.memory_space<vmem>>, vector<1x16xf32>,
        %get3A_691 = vector.shape_cast %get3A_690 : vector<1x16xf32> to vector<16xf32>
        %mul3A_692 = arith.mulf %get3A_691, %gather3A_683 : vector<16xf32>
        %swap3A_693 = arith.index_cast %add3A_687 : i32 to index
        %swap3A_694 = arith.constant 0 : index
        %swap3A_695 = tpu.vector_load %arg11[%swap3A_693, %swap3A_694] {strides = array<i32>} : memref<128x128xf32, #tpu.memory_space<vmem>>, vector<1x16xf32>,
        %swap3A_696 = vector.shape_cast %swap3A_695 : vector<1x16xf32> to vector<16xf32>
        %swap3A_697 = vector.shape_cast %mul3A_692 : vector<16xf32> to vector<1x16xf32>
        tpu.vector_store %arg11[%swap3A_693, %swap3A_694], %swap3A_697 {strides = array<i32>} : memref<128x128xf32, #tpu.memory_space<vmem>>, vector<1x16xf32>,
        %get3A_698 = arith.index_cast %add3A_687 : i32 to index
        %get3A_699 = arith.constant 16 : index
        %get3A_700 = tpu.vector_load %arg11[%get3A_698, %get3A_699] {strides = array<i32>} : memref<128x128xf32, #tpu.memory_space<vmem>>, vector<1x16xf32>,
        %get3A_701 = vector.shape_cast %get3A_700 : vector<1x16xf32> to vector<16xf32>
        %mul3A_702 = arith.mulf %get3A_701, %gather3A_683 : vector<16xf32>
        %swap3A_703 = arith.index_cast %add3A_687 : i32 to index
        %swap3A_704 = arith.constant 16 : index
        %swap3A_705 = tpu.vector_load %arg11[%swap3A_703, %swap3A_704] {strides = array<i32>} : memref<128x128xf32, #tpu.memory_space<vmem>>, vector<1x16xf32>,
        %swap3A_706 = vector.shape_cast %swap3A_705 : vector<1x16xf32> to vector<16xf32>
        %swap3A_707 = vector.shape_cast %mul3A_702 : vector<16xf32> to vector<1x16xf32>
        tpu.vector_store %arg11[%swap3A_703, %swap3A_704], %swap3A_707 {strides = array<i32>} : memref<128x128xf32, #tpu.memory_space<vmem>>, vector<1x16xf32>,
        %get3A_708 = arith.index_cast %add3A_687 : i32 to index
        %get3A_709 = arith.constant 32 : index
        %get3A_710 = tpu.vector_load %arg11[%get3A_708, %get3A_709] {strides = array<i32>} : memref<128x128xf32, #tpu.memory_space<vmem>>, vector<1x16xf32>,
        %get3A_711 = vector.shape_cast %get3A_710 : vector<1x16xf32> to vector<16xf32>
        %mul3A_712 = arith.mulf %get3A_711, %gather3A_683 : vector<16xf32>
        %swap3A_713 = arith.index_cast %add3A_687 : i32 to index
        %swap3A_714 = arith.constant 32 : index
        %swap3A_715 = tpu.vector_load %arg11[%swap3A_713, %swap3A_714] {strides = array<i32>} : memref<128x128xf32, #tpu.memory_space<vmem>>, vector<1x16xf32>,
        %swap3A_716 = vector.shape_cast %swap3A_715 : vector<1x16xf32> to vector<16xf32>
        %swap3A_717 = vector.shape_cast %mul3A_712 : vector<16xf32> to vector<1x16xf32>
        tpu.vector_store %arg11[%swap3A_713, %swap3A_714], %swap3A_717 {strides = array<i32>} : memref<128x128xf32, #tpu.memory_space<vmem>>, vector<1x16xf32>,
        %get3A_718 = arith.index_cast %add3A_687 : i32 to index
        %get3A_719 = arith.constant 48 : index
        %get3A_720 = tpu.vector_load %arg11[%get3A_718, %get3A_719] {strides = array<i32>} : memref<128x128xf32, #tpu.memory_space<vmem>>, vector<1x16xf32>,
        %get3A_721 = vector.shape_cast %get3A_720 : vector<1x16xf32> to vector<16xf32>
        %mul3A_722 = arith.mulf %get3A_721, %gather3A_683 : vector<16xf32>
        %swap3A_723 = arith.index_cast %add3A_687 : i32 to index
        %swap3A_724 = arith.constant 48 : index
        %swap3A_725 = tpu.vector_load %arg11[%swap3A_723, %swap3A_724] {strides = array<i32>} : memref<128x128xf32, #tpu.memory_space<vmem>>, vector<1x16xf32>,
        %swap3A_726 = vector.shape_cast %swap3A_725 : vector<1x16xf32> to vector<16xf32>
        %swap3A_727 = vector.shape_cast %mul3A_722 : vector<16xf32> to vector<1x16xf32>
        tpu.vector_store %arg11[%swap3A_723, %swap3A_724], %swap3A_727 {strides = array<i32>} : memref<128x128xf32, #tpu.memory_space<vmem>>, vector<1x16xf32>,
        %get3A_728 = arith.index_cast %add3A_687 : i32 to index
        %get3A_729 = arith.constant 64 : index
        %get3A_730 = tpu.vector_load %arg11[%get3A_728, %get3A_729] {strides = array<i32>} : memref<128x128xf32, #tpu.memory_space<vmem>>, vector<1x16xf32>,
        %get3A_731 = vector.shape_cast %get3A_730 : vector<1x16xf32> to vector<16xf32>
        %mul3A_732 = arith.mulf %get3A_731, %gather3A_683 : vector<16xf32>
        %swap3A_733 = arith.index_cast %add3A_687 : i32 to index
        %swap3A_734 = arith.constant 64 : index
        %swap3A_735 = tpu.vector_load %arg11[%swap3A_733, %swap3A_734] {strides = array<i32>} : memref<128x128xf32, #tpu.memory_space<vmem>>, vector<1x16xf32>,
        %swap3A_736 = vector.shape_cast %swap3A_735 : vector<1x16xf32> to vector<16xf32>
        %swap3A_737 = vector.shape_cast %mul3A_732 : vector<16xf32> to vector<1x16xf32>
        tpu.vector_store %arg11[%swap3A_733, %swap3A_734], %swap3A_737 {strides = array<i32>} : memref<128x128xf32, #tpu.memory_space<vmem>>, vector<1x16xf32>,
        %get3A_738 = arith.index_cast %add3A_687 : i32 to index
        %get3A_739 = arith.constant 80 : index
        %get3A_740 = tpu.vector_load %arg11[%get3A_738, %get3A_739] {strides = array<i32>} : memref<128x128xf32, #tpu.memory_space<vmem>>, vector<1x16xf32>,
        %get3A_741 = vector.shape_cast %get3A_740 : vector<1x16xf32> to vector<16xf32>
        %mul3A_742 = arith.mulf %get3A_741, %gather3A_683 : vector<16xf32>
        %swap3A_743 = arith.index_cast %add3A_687 : i32 to index
        %swap3A_744 = arith.constant 80 : index
        %swap3A_745 = tpu.vector_load %arg11[%swap3A_743, %swap3A_744] {strides = array<i32>} : memref<128x128xf32, #tpu.memory_space<vmem>>, vector<1x16xf32>,
        %swap3A_746 = vector.shape_cast %swap3A_745 : vector<1x16xf32> to vector<16xf32>
        %swap3A_747 = vector.shape_cast %mul3A_742 : vector<16xf32> to vector<1x16xf32>
        tpu.vector_store %arg11[%swap3A_743, %swap3A_744], %swap3A_747 {strides = array<i32>} : memref<128x128xf32, #tpu.memory_space<vmem>>, vector<1x16xf32>,
        %get3A_748 = arith.index_cast %add3A_687 : i32 to index
        %get3A_749 = arith.constant 96 : index
        %get3A_750 = tpu.vector_load %arg11[%get3A_748, %get3A_749] {strides = array<i32>} : memref<128x128xf32, #tpu.memory_space<vmem>>, vector<1x16xf32>,
        %get3A_751 = vector.shape_cast %get3A_750 : vector<1x16xf32> to vector<16xf32>
        %mul3A_752 = arith.mulf %get3A_751, %gather3A_683 : vector<16xf32>
        %swap3A_753 = arith.index_cast %add3A_687 : i32 to index
        %swap3A_754 = arith.constant 96 : index
        %swap3A_755 = tpu.vector_load %arg11[%swap3A_753, %swap3A_754] {strides = array<i32>} : memref<128x128xf32, #tpu.memory_space<vmem>>, vector<1x16xf32>,
        %swap3A_756 = vector.shape_cast %swap3A_755 : vector<1x16xf32> to vector<16xf32>
        %swap3A_757 = vector.shape_cast %mul3A_752 : vector<16xf32> to vector<1x16xf32>
        tpu.vector_store %arg11[%swap3A_753, %swap3A_754], %swap3A_757 {strides = array<i32>} : memref<128x128xf32, #tpu.memory_space<vmem>>, vector<1x16xf32>,
        %get3A_758 = arith.index_cast %add3A_687 : i32 to index
        %get3A_759 = arith.constant 112 : index
        %get3A_760 = tpu.vector_load %arg11[%get3A_758, %get3A_759] {strides = array<i32>} : memref<128x128xf32, #tpu.memory_space<vmem>>, vector<1x16xf32>,
        %get3A_761 = vector.shape_cast %get3A_760 : vector<1x16xf32> to vector<16xf32>
        %mul3A_762 = arith.mulf %get3A_761, %gather3A_683 : vector<16xf32>
        %swap3A_763 = arith.index_cast %add3A_687 : i32 to index
        %swap3A_764 = arith.constant 112 : index
        %swap3A_765 = tpu.vector_load %arg11[%swap3A_763, %swap3A_764] {strides = array<i32>} : memref<128x128xf32, #tpu.memory_space<vmem>>, vector<1x16xf32>,
        %swap3A_766 = vector.shape_cast %swap3A_765 : vector<1x16xf32> to vector<16xf32>
        %swap3A_767 = vector.shape_cast %mul3A_762 : vector<16xf32> to vector<1x16xf32>
        tpu.vector_store %arg11[%swap3A_763, %swap3A_764], %swap3A_767 {strides = array<i32>} : memref<128x128xf32, #tpu.memory_space<vmem>>, vector<1x16xf32>,
        %broadcast_in_dim3A_768 = arith.constant 5 : i32
        %broadcast_in_dim3A_769 = vector.broadcast %broadcast_in_dim3A_768 : i32 to vector<16x1xi32>
        %gather3A_770 = vector.shape_cast %broadcast_in_dim3A_769 : vector<16x1xi32> to vector<16xi32>
        %gather3A_771 = tpu.dynamic_gather %get3A_330[%gather3A_770] in [0] : vector<16xf32>, vector<16xi32> -> vector<16xf32>
        %mul3A_772 = arith.constant 16 : i32
        %mul3A_773 = arith.muli %add3A_325, %mul3A_772 : i32
        %add3A_774 = arith.constant 5 : i32
        %add3A_775 = arith.addi %mul3A_773, %add3A_774 : i32
        %get3A_776 = arith.index_cast %add3A_775 : i32 to index
        %get3A_777 = arith.constant 0 : index
        %get3A_778 = tpu.vector_load %arg11[%get3A_776, %get3A_777] {strides = array<i32>} : memref<128x128xf32, #tpu.memory_space<vmem>>, vector<1x16xf32>,
        %get3A_779 = vector.shape_cast %get3A_778 : vector<1x16xf32> to vector<16xf32>
        %mul3A_780 = arith.mulf %get3A_779, %gather3A_771 : vector<16xf32>
        %swap3A_781 = arith.index_cast %add3A_775 : i32 to index
        %swap3A_782 = arith.constant 0 : index
        %swap3A_783 = tpu.vector_load %arg11[%swap3A_781, %swap3A_782] {strides = array<i32>} : memref<128x128xf32, #tpu.memory_space<vmem>>, vector<1x16xf32>,
        %swap3A_784 = vector.shape_cast %swap3A_783 : vector<1x16xf32> to vector<16xf32>
        %swap3A_785 = vector.shape_cast %mul3A_780 : vector<16xf32> to vector<1x16xf32>
        tpu.vector_store %arg11[%swap3A_781, %swap3A_782], %swap3A_785 {strides = array<i32>} : memref<128x128xf32, #tpu.memory_space<vmem>>, vector<1x16xf32>,
        %get3A_786 = arith.index_cast %add3A_775 : i32 to index
        %get3A_787 = arith.constant 16 : index
        %get3A_788 = tpu.vector_load %arg11[%get3A_786, %get3A_787] {strides = array<i32>} : memref<128x128xf32, #tpu.memory_space<vmem>>, vector<1x16xf32>,
        %get3A_789 = vector.shape_cast %get3A_788 : vector<1x16xf32> to vector<16xf32>
        %mul3A_790 = arith.mulf %get3A_789, %gather3A_771 : vector<16xf32>
        %swap3A_791 = arith.index_cast %add3A_775 : i32 to index
        %swap3A_792 = arith.constant 16 : index
        %swap3A_793 = tpu.vector_load %arg11[%swap3A_791, %swap3A_792] {strides = array<i32>} : memref<128x128xf32, #tpu.memory_space<vmem>>, vector<1x16xf32>,
        %swap3A_794 = vector.shape_cast %swap3A_793 : vector<1x16xf32> to vector<16xf32>
        %swap3A_795 = vector.shape_cast %mul3A_790 : vector<16xf32> to vector<1x16xf32>
        tpu.vector_store %arg11[%swap3A_791, %swap3A_792], %swap3A_795 {strides = array<i32>} : memref<128x128xf32, #tpu.memory_space<vmem>>, vector<1x16xf32>,
        %get3A_796 = arith.index_cast %add3A_775 : i32 to index
        %get3A_797 = arith.constant 32 : index
        %get3A_798 = tpu.vector_load %arg11[%get3A_796, %get3A_797] {strides = array<i32>} : memref<128x128xf32, #tpu.memory_space<vmem>>, vector<1x16xf32>,
        %get3A_799 = vector.shape_cast %get3A_798 : vector<1x16xf32> to vector<16xf32>
        %mul3A_800 = arith.mulf %get3A_799, %gather3A_771 : vector<16xf32>
        %swap3A_801 = arith.index_cast %add3A_775 : i32 to index
        %swap3A_802 = arith.constant 32 : index
        %swap3A_803 = tpu.vector_load %arg11[%swap3A_801, %swap3A_802] {strides = array<i32>} : memref<128x128xf32, #tpu.memory_space<vmem>>, vector<1x16xf32>,
        %swap3A_804 = vector.shape_cast %swap3A_803 : vector<1x16xf32> to vector<16xf32>
        %swap3A_805 = vector.shape_cast %mul3A_800 : vector<16xf32> to vector<1x16xf32>
        tpu.vector_store %arg11[%swap3A_801, %swap3A_802], %swap3A_805 {strides = array<i32>} : memref<128x128xf32, #tpu.memory_space<vmem>>, vector<1x16xf32>,
        %get3A_806 = arith.index_cast %add3A_775 : i32 to index
        %get3A_807 = arith.constant 48 : index
        %get3A_808 = tpu.vector_load %arg11[%get3A_806, %get3A_807] {strides = array<i32>} : memref<128x128xf32, #tpu.memory_space<vmem>>, vector<1x16xf32>,
        %get3A_809 = vector.shape_cast %get3A_808 : vector<1x16xf32> to vector<16xf32>
        %mul3A_810 = arith.mulf %get3A_809, %gather3A_771 : vector<16xf32>
        %swap3A_811 = arith.index_cast %add3A_775 : i32 to index
        %swap3A_812 = arith.constant 48 : index
        %swap3A_813 = tpu.vector_load %arg11[%swap3A_811, %swap3A_812] {strides = array<i32>} : memref<128x128xf32, #tpu.memory_space<vmem>>, vector<1x16xf32>,
        %swap3A_814 = vector.shape_cast %swap3A_813 : vector<1x16xf32> to vector<16xf32>
        %swap3A_815 = vector.shape_cast %mul3A_810 : vector<16xf32> to vector<1x16xf32>
        tpu.vector_store %arg11[%swap3A_811, %swap3A_812], %swap3A_815 {strides = array<i32>} : memref<128x128xf32, #tpu.memory_space<vmem>>, vector<1x16xf32>,
        %get3A_816 = arith.index_cast %add3A_775 : i32 to index
        %get3A_817 = arith.constant 64 : index
        %get3A_818 = tpu.vector_load %arg11[%get3A_816, %get3A_817] {strides = array<i32>} : memref<128x128xf32, #tpu.memory_space<vmem>>, vector<1x16xf32>,
        %get3A_819 = vector.shape_cast %get3A_818 : vector<1x16xf32> to vector<16xf32>
        %mul3A_820 = arith.mulf %get3A_819, %gather3A_771 : vector<16xf32>
        %swap3A_821 = arith.index_cast %add3A_775 : i32 to index
        %swap3A_822 = arith.constant 64 : index
        %swap3A_823 = tpu.vector_load %arg11[%swap3A_821, %swap3A_822] {strides = array<i32>} : memref<128x128xf32, #tpu.memory_space<vmem>>, vector<1x16xf32>,
        %swap3A_824 = vector.shape_cast %swap3A_823 : vector<1x16xf32> to vector<16xf32>
        %swap3A_825 = vector.shape_cast %mul3A_820 : vector<16xf32> to vector<1x16xf32>
        tpu.vector_store %arg11[%swap3A_821, %swap3A_822], %swap3A_825 {strides = array<i32>} : memref<128x128xf32, #tpu.memory_space<vmem>>, vector<1x16xf32>,
        %get3A_826 = arith.index_cast %add3A_775 : i32 to index
        %get3A_827 = arith.constant 80 : index
        %get3A_828 = tpu.vector_load %arg11[%get3A_826, %get3A_827] {strides = array<i32>} : memref<128x128xf32, #tpu.memory_space<vmem>>, vector<1x16xf32>,
        %get3A_829 = vector.shape_cast %get3A_828 : vector<1x16xf32> to vector<16xf32>
        %mul3A_830 = arith.mulf %get3A_829, %gather3A_771 : vector<16xf32>
        %swap3A_831 = arith.index_cast %add3A_775 : i32 to index
        %swap3A_832 = arith.constant 80 : index
        %swap3A_833 = tpu.vector_load %arg11[%swap3A_831, %swap3A_832] {strides = array<i32>} : memref<128x128xf32, #tpu.memory_space<vmem>>, vector<1x16xf32>,
        %swap3A_834 = vector.shape_cast %swap3A_833 : vector<1x16xf32> to vector<16xf32>
        %swap3A_835 = vector.shape_cast %mul3A_830 : vector<16xf32> to vector<1x16xf32>
        tpu.vector_store %arg11[%swap3A_831, %swap3A_832], %swap3A_835 {strides = array<i32>} : memref<128x128xf32, #tpu.memory_space<vmem>>, vector<1x16xf32>,
        %get3A_836 = arith.index_cast %add3A_775 : i32 to index
        %get3A_837 = arith.constant 96 : index
        %get3A_838 = tpu.vector_load %arg11[%get3A_836, %get3A_837] {strides = array<i32>} : memref<128x128xf32, #tpu.memory_space<vmem>>, vector<1x16xf32>,
        %get3A_839 = vector.shape_cast %get3A_838 : vector<1x16xf32> to vector<16xf32>
        %mul3A_840 = arith.mulf %get3A_839, %gather3A_771 : vector<16xf32>
        %swap3A_841 = arith.index_cast %add3A_775 : i32 to index
        %swap3A_842 = arith.constant 96 : index
        %swap3A_843 = tpu.vector_load %arg11[%swap3A_841, %swap3A_842] {strides = array<i32>} : memref<128x128xf32, #tpu.memory_space<vmem>>, vector<1x16xf32>,
        %swap3A_844 = vector.shape_cast %swap3A_843 : vector<1x16xf32> to vector<16xf32>
        %swap3A_845 = vector.shape_cast %mul3A_840 : vector<16xf32> to vector<1x16xf32>
        tpu.vector_store %arg11[%swap3A_841, %swap3A_842], %swap3A_845 {strides = array<i32>} : memref<128x128xf32, #tpu.memory_space<vmem>>, vector<1x16xf32>,
        %get3A_846 = arith.index_cast %add3A_775 : i32 to index
        %get3A_847 = arith.constant 112 : index
        %get3A_848 = tpu.vector_load %arg11[%get3A_846, %get3A_847] {strides = array<i32>} : memref<128x128xf32, #tpu.memory_space<vmem>>, vector<1x16xf32>,
        %get3A_849 = vector.shape_cast %get3A_848 : vector<1x16xf32> to vector<16xf32>
        %mul3A_850 = arith.mulf %get3A_849, %gather3A_771 : vector<16xf32>
        %swap3A_851 = arith.index_cast %add3A_775 : i32 to index
        %swap3A_852 = arith.constant 112 : index
        %swap3A_853 = tpu.vector_load %arg11[%swap3A_851, %swap3A_852] {strides = array<i32>} : memref<128x128xf32, #tpu.memory_space<vmem>>, vector<1x16xf32>,
        %swap3A_854 = vector.shape_cast %swap3A_853 : vector<1x16xf32> to vector<16xf32>
        %swap3A_855 = vector.shape_cast %mul3A_850 : vector<16xf32> to vector<1x16xf32>
        tpu.vector_store %arg11[%swap3A_851, %swap3A_852], %swap3A_855 {strides = array<i32>} : memref<128x128xf32, #tpu.memory_space<vmem>>, vector<1x16xf32>,
        %broadcast_in_dim3A_856 = arith.constant 6 : i32
        %broadcast_in_dim3A_857 = vector.broadcast %broadcast_in_dim3A_856 : i32 to vector<16x1xi32>
        %gather3A_858 = vector.shape_cast %broadcast_in_dim3A_857 : vector<16x1xi32> to vector<16xi32>
        %gather3A_859 = tpu.dynamic_gather %get3A_330[%gather3A_858] in [0] : vector<16xf32>, vector<16xi32> -> vector<16xf32>
        %mul3A_860 = arith.constant 16 : i32
        %mul3A_861 = arith.muli %add3A_325, %mul3A_860 : i32
        %add3A_862 = arith.constant 6 : i32
        %add3A_863 = arith.addi %mul3A_861, %add3A_862 : i32
        %get3A_864 = arith.index_cast %add3A_863 : i32 to index
        %get3A_865 = arith.constant 0 : index
        %get3A_866 = tpu.vector_load %arg11[%get3A_864, %get3A_865] {strides = array<i32>} : memref<128x128xf32, #tpu.memory_space<vmem>>, vector<1x16xf32>,
        %get3A_867 = vector.shape_cast %get3A_866 : vector<1x16xf32> to vector<16xf32>
        %mul3A_868 = arith.mulf %get3A_867, %gather3A_859 : vector<16xf32>
        %swap3A_869 = arith.index_cast %add3A_863 : i32 to index
        %swap3A_870 = arith.constant 0 : index
        %swap3A_871 = tpu.vector_load %arg11[%swap3A_869, %swap3A_870] {strides = array<i32>} : memref<128x128xf32, #tpu.memory_space<vmem>>, vector<1x16xf32>,
        %swap3A_872 = vector.shape_cast %swap3A_871 : vector<1x16xf32> to vector<16xf32>
        %swap3A_873 = vector.shape_cast %mul3A_868 : vector<16xf32> to vector<1x16xf32>
        tpu.vector_store %arg11[%swap3A_869, %swap3A_870], %swap3A_873 {strides = array<i32>} : memref<128x128xf32, #tpu.memory_space<vmem>>, vector<1x16xf32>,
        %get3A_874 = arith.index_cast %add3A_863 : i32 to index
        %get3A_875 = arith.constant 16 : index
        %get3A_876 = tpu.vector_load %arg11[%get3A_874, %get3A_875] {strides = array<i32>} : memref<128x128xf32, #tpu.memory_space<vmem>>, vector<1x16xf32>,
        %get3A_877 = vector.shape_cast %get3A_876 : vector<1x16xf32> to vector<16xf32>
        %mul3A_878 = arith.mulf %get3A_877, %gather3A_859 : vector<16xf32>
        %swap3A_879 = arith.index_cast %add3A_863 : i32 to index
        %swap3A_880 = arith.constant 16 : index
        %swap3A_881 = tpu.vector_load %arg11[%swap3A_879, %swap3A_880] {strides = array<i32>} : memref<128x128xf32, #tpu.memory_space<vmem>>, vector<1x16xf32>,
        %swap3A_882 = vector.shape_cast %swap3A_881 : vector<1x16xf32> to vector<16xf32>
        %swap3A_883 = vector.shape_cast %mul3A_878 : vector<16xf32> to vector<1x16xf32>
        tpu.vector_store %arg11[%swap3A_879, %swap3A_880], %swap3A_883 {strides = array<i32>} : memref<128x128xf32, #tpu.memory_space<vmem>>, vector<1x16xf32>,
        %get3A_884 = arith.index_cast %add3A_863 : i32 to index
        %get3A_885 = arith.constant 32 : index
        %get3A_886 = tpu.vector_load %arg11[%get3A_884, %get3A_885] {strides = array<i32>} : memref<128x128xf32, #tpu.memory_space<vmem>>, vector<1x16xf32>,
        %get3A_887 = vector.shape_cast %get3A_886 : vector<1x16xf32> to vector<16xf32>
        %mul3A_888 = arith.mulf %get3A_887, %gather3A_859 : vector<16xf32>
        %swap3A_889 = arith.index_cast %add3A_863 : i32 to index
        %swap3A_890 = arith.constant 32 : index
        %swap3A_891 = tpu.vector_load %arg11[%swap3A_889, %swap3A_890] {strides = array<i32>} : memref<128x128xf32, #tpu.memory_space<vmem>>, vector<1x16xf32>,
        %swap3A_892 = vector.shape_cast %swap3A_891 : vector<1x16xf32> to vector<16xf32>
        %swap3A_893 = vector.shape_cast %mul3A_888 : vector<16xf32> to vector<1x16xf32>
        tpu.vector_store %arg11[%swap3A_889, %swap3A_890], %swap3A_893 {strides = array<i32>} : memref<128x128xf32, #tpu.memory_space<vmem>>, vector<1x16xf32>,
        %get3A_894 = arith.index_cast %add3A_863 : i32 to index
        %get3A_895 = arith.constant 48 : index
        %get3A_896 = tpu.vector_load %arg11[%get3A_894, %get3A_895] {strides = array<i32>} : memref<128x128xf32, #tpu.memory_space<vmem>>, vector<1x16xf32>,
        %get3A_897 = vector.shape_cast %get3A_896 : vector<1x16xf32> to vector<16xf32>
        %mul3A_898 = arith.mulf %get3A_897, %gather3A_859 : vector<16xf32>
        %swap3A_899 = arith.index_cast %add3A_863 : i32 to index
        %swap3A_900 = arith.constant 48 : index
        %swap3A_901 = tpu.vector_load %arg11[%swap3A_899, %swap3A_900] {strides = array<i32>} : memref<128x128xf32, #tpu.memory_space<vmem>>, vector<1x16xf32>,
        %swap3A_902 = vector.shape_cast %swap3A_901 : vector<1x16xf32> to vector<16xf32>
        %swap3A_903 = vector.shape_cast %mul3A_898 : vector<16xf32> to vector<1x16xf32>
        tpu.vector_store %arg11[%swap3A_899, %swap3A_900], %swap3A_903 {strides = array<i32>} : memref<128x128xf32, #tpu.memory_space<vmem>>, vector<1x16xf32>,
        %get3A_904 = arith.index_cast %add3A_863 : i32 to index
        %get3A_905 = arith.constant 64 : index
        %get3A_906 = tpu.vector_load %arg11[%get3A_904, %get3A_905] {strides = array<i32>} : memref<128x128xf32, #tpu.memory_space<vmem>>, vector<1x16xf32>,
        %get3A_907 = vector.shape_cast %get3A_906 : vector<1x16xf32> to vector<16xf32>
        %mul3A_908 = arith.mulf %get3A_907, %gather3A_859 : vector<16xf32>
        %swap3A_909 = arith.index_cast %add3A_863 : i32 to index
        %swap3A_910 = arith.constant 64 : index
        %swap3A_911 = tpu.vector_load %arg11[%swap3A_909, %swap3A_910] {strides = array<i32>} : memref<128x128xf32, #tpu.memory_space<vmem>>, vector<1x16xf32>,
        %swap3A_912 = vector.shape_cast %swap3A_911 : vector<1x16xf32> to vector<16xf32>
        %swap3A_913 = vector.shape_cast %mul3A_908 : vector<16xf32> to vector<1x16xf32>
        tpu.vector_store %arg11[%swap3A_909, %swap3A_910], %swap3A_913 {strides = array<i32>} : memref<128x128xf32, #tpu.memory_space<vmem>>, vector<1x16xf32>,
        %get3A_914 = arith.index_cast %add3A_863 : i32 to index
        %get3A_915 = arith.constant 80 : index
        %get3A_916 = tpu.vector_load %arg11[%get3A_914, %get3A_915] {strides = array<i32>} : memref<128x128xf32, #tpu.memory_space<vmem>>, vector<1x16xf32>,
        %get3A_917 = vector.shape_cast %get3A_916 : vector<1x16xf32> to vector<16xf32>
        %mul3A_918 = arith.mulf %get3A_917, %gather3A_859 : vector<16xf32>
        %swap3A_919 = arith.index_cast %add3A_863 : i32 to index
        %swap3A_920 = arith.constant 80 : index
        %swap3A_921 = tpu.vector_load %arg11[%swap3A_919, %swap3A_920] {strides = array<i32>} : memref<128x128xf32, #tpu.memory_space<vmem>>, vector<1x16xf32>,
        %swap3A_922 = vector.shape_cast %swap3A_921 : vector<1x16xf32> to vector<16xf32>
        %swap3A_923 = vector.shape_cast %mul3A_918 : vector<16xf32> to vector<1x16xf32>
        tpu.vector_store %arg11[%swap3A_919, %swap3A_920], %swap3A_923 {strides = array<i32>} : memref<128x128xf32, #tpu.memory_space<vmem>>, vector<1x16xf32>,
        %get3A_924 = arith.index_cast %add3A_863 : i32 to index
        %get3A_925 = arith.constant 96 : index
        %get3A_926 = tpu.vector_load %arg11[%get3A_924, %get3A_925] {strides = array<i32>} : memref<128x128xf32, #tpu.memory_space<vmem>>, vector<1x16xf32>,
        %get3A_927 = vector.shape_cast %get3A_926 : vector<1x16xf32> to vector<16xf32>
        %mul3A_928 = arith.mulf %get3A_927, %gather3A_859 : vector<16xf32>
        %swap3A_929 = arith.index_cast %add3A_863 : i32 to index
        %swap3A_930 = arith.constant 96 : index
        %swap3A_931 = tpu.vector_load %arg11[%swap3A_929, %swap3A_930] {strides = array<i32>} : memref<128x128xf32, #tpu.memory_space<vmem>>, vector<1x16xf32>,
        %swap3A_932 = vector.shape_cast %swap3A_931 : vector<1x16xf32> to vector<16xf32>
        %swap3A_933 = vector.shape_cast %mul3A_928 : vector<16xf32> to vector<1x16xf32>
        tpu.vector_store %arg11[%swap3A_929, %swap3A_930], %swap3A_933 {strides = array<i32>} : memref<128x128xf32, #tpu.memory_space<vmem>>, vector<1x16xf32>,
        %get3A_934 = arith.index_cast %add3A_863 : i32 to index
        %get3A_935 = arith.constant 112 : index
        %get3A_936 = tpu.vector_load %arg11[%get3A_934, %get3A_935] {strides = array<i32>} : memref<128x128xf32, #tpu.memory_space<vmem>>, vector<1x16xf32>,
        %get3A_937 = vector.shape_cast %get3A_936 : vector<1x16xf32> to vector<16xf32>
        %mul3A_938 = arith.mulf %get3A_937, %gather3A_859 : vector<16xf32>
        %swap3A_939 = arith.index_cast %add3A_863 : i32 to index
        %swap3A_940 = arith.constant 112 : index
        %swap3A_941 = tpu.vector_load %arg11[%swap3A_939, %swap3A_940] {strides = array<i32>} : memref<128x128xf32, #tpu.memory_space<vmem>>, vector<1x16xf32>,
        %swap3A_942 = vector.shape_cast %swap3A_941 : vector<1x16xf32> to vector<16xf32>
        %swap3A_943 = vector.shape_cast %mul3A_938 : vector<16xf32> to vector<1x16xf32>
        tpu.vector_store %arg11[%swap3A_939, %swap3A_940], %swap3A_943 {strides = array<i32>} : memref<128x128xf32, #tpu.memory_space<vmem>>, vector<1x16xf32>,
        %broadcast_in_dim3A_944 = arith.constant 7 : i32
        %broadcast_in_dim3A_945 = vector.broadcast %broadcast_in_dim3A_944 : i32 to vector<16x1xi32>
        %gather3A_946 = vector.shape_cast %broadcast_in_dim3A_945 : vector<16x1xi32> to vector<16xi32>
        %gather3A_947 = tpu.dynamic_gather %get3A_330[%gather3A_946] in [0] : vector<16xf32>, vector<16xi32> -> vector<16xf32>
        %mul3A_948 = arith.constant 16 : i32
        %mul3A_949 = arith.muli %add3A_325, %mul3A_948 : i32
        %add3A_950 = arith.constant 7 : i32
        %add3A_951 = arith.addi %mul3A_949, %add3A_950 : i32
        %get3A_952 = arith.index_cast %add3A_951 : i32 to index
        %get3A_953 = arith.constant 0 : index
        %get3A_954 = tpu.vector_load %arg11[%get3A_952, %get3A_953] {strides = array<i32>} : memref<128x128xf32, #tpu.memory_space<vmem>>, vector<1x16xf32>,
        %get3A_955 = vector.shape_cast %get3A_954 : vector<1x16xf32> to vector<16xf32>
        %mul3A_956 = arith.mulf %get3A_955, %gather3A_947 : vector<16xf32>
        %swap3A_957 = arith.index_cast %add3A_951 : i32 to index
        %swap3A_958 = arith.constant 0 : index
        %swap3A_959 = tpu.vector_load %arg11[%swap3A_957, %swap3A_958] {strides = array<i32>} : memref<128x128xf32, #tpu.memory_space<vmem>>, vector<1x16xf32>,
        %swap3A_960 = vector.shape_cast %swap3A_959 : vector<1x16xf32> to vector<16xf32>
        %swap3A_961 = vector.shape_cast %mul3A_956 : vector<16xf32> to vector<1x16xf32>
        tpu.vector_store %arg11[%swap3A_957, %swap3A_958], %swap3A_961 {strides = array<i32>} : memref<128x128xf32, #tpu.memory_space<vmem>>, vector<1x16xf32>,
        %get3A_962 = arith.index_cast %add3A_951 : i32 to index
        %get3A_963 = arith.constant 16 : index
        %get3A_964 = tpu.vector_load %arg11[%get3A_962, %get3A_963] {strides = array<i32>} : memref<128x128xf32, #tpu.memory_space<vmem>>, vector<1x16xf32>,
        %get3A_965 = vector.shape_cast %get3A_964 : vector<1x16xf32> to vector<16xf32>
        %mul3A_966 = arith.mulf %get3A_965, %gather3A_947 : vector<16xf32>
        %swap3A_967 = arith.index_cast %add3A_951 : i32 to index
        %swap3A_968 = arith.constant 16 : index
        %swap3A_969 = tpu.vector_load %arg11[%swap3A_967, %swap3A_968] {strides = array<i32>} : memref<128x128xf32, #tpu.memory_space<vmem>>, vector<1x16xf32>,
        %swap3A_970 = vector.shape_cast %swap3A_969 : vector<1x16xf32> to vector<16xf32>
        %swap3A_971 = vector.shape_cast %mul3A_966 : vector<16xf32> to vector<1x16xf32>
        tpu.vector_store %arg11[%swap3A_967, %swap3A_968], %swap3A_971 {strides = array<i32>} : memref<128x128xf32, #tpu.memory_space<vmem>>, vector<1x16xf32>,
        %get3A_972 = arith.index_cast %add3A_951 : i32 to index
        %get3A_973 = arith.constant 32 : index
        %get3A_974 = tpu.vector_load %arg11[%get3A_972, %get3A_973] {strides = array<i32>} : memref<128x128xf32, #tpu.memory_space<vmem>>, vector<1x16xf32>,
        %get3A_975 = vector.shape_cast %get3A_974 : vector<1x16xf32> to vector<16xf32>
        %mul3A_976 = arith.mulf %get3A_975, %gather3A_947 : vector<16xf32>
        %swap3A_977 = arith.index_cast %add3A_951 : i32 to index
        %swap3A_978 = arith.constant 32 : index
        %swap3A_979 = tpu.vector_load %arg11[%swap3A_977, %swap3A_978] {strides = array<i32>} : memref<128x128xf32, #tpu.memory_space<vmem>>, vector<1x16xf32>,
        %swap3A_980 = vector.shape_cast %swap3A_979 : vector<1x16xf32> to vector<16xf32>
        %swap3A_981 = vector.shape_cast %mul3A_976 : vector<16xf32> to vector<1x16xf32>
        tpu.vector_store %arg11[%swap3A_977, %swap3A_978], %swap3A_981 {strides = array<i32>} : memref<128x128xf32, #tpu.memory_space<vmem>>, vector<1x16xf32>,
        %get3A_982 = arith.index_cast %add3A_951 : i32 to index
        %get3A_983 = arith.constant 48 : index
        %get3A_984 = tpu.vector_load %arg11[%get3A_982, %get3A_983] {strides = array<i32>} : memref<128x128xf32, #tpu.memory_space<vmem>>, vector<1x16xf32>,
        %get3A_985 = vector.shape_cast %get3A_984 : vector<1x16xf32> to vector<16xf32>
        %mul3A_986 = arith.mulf %get3A_985, %gather3A_947 : vector<16xf32>
        %swap3A_987 = arith.index_cast %add3A_951 : i32 to index
        %swap3A_988 = arith.constant 48 : index
        %swap3A_989 = tpu.vector_load %arg11[%swap3A_987, %swap3A_988] {strides = array<i32>} : memref<128x128xf32, #tpu.memory_space<vmem>>, vector<1x16xf32>,
        %swap3A_990 = vector.shape_cast %swap3A_989 : vector<1x16xf32> to vector<16xf32>
        %swap3A_991 = vector.shape_cast %mul3A_986 : vector<16xf32> to vector<1x16xf32>
        tpu.vector_store %arg11[%swap3A_987, %swap3A_988], %swap3A_991 {strides = array<i32>} : memref<128x128xf32, #tpu.memory_space<vmem>>, vector<1x16xf32>,
        %get3A_992 = arith.index_cast %add3A_951 : i32 to index
        %get3A_993 = arith.constant 64 : index
        %get3A_994 = tpu.vector_load %arg11[%get3A_992, %get3A_993] {strides = array<i32>} : memref<128x128xf32, #tpu.memory_space<vmem>>, vector<1x16xf32>,
        %get3A_995 = vector.shape_cast %get3A_994 : vector<1x16xf32> to vector<16xf32>
        %mul3A_996 = arith.mulf %get3A_995, %gather3A_947 : vector<16xf32>
        %swap3A_997 = arith.index_cast %add3A_951 : i32 to index
        %swap3A_998 = arith.constant 64 : index
        %swap3A_999 = tpu.vector_load %arg11[%swap3A_997, %swap3A_998] {strides = array<i32>} : memref<128x128xf32, #tpu.memory_space<vmem>>, vector<1x16xf32>,
        %swap3A_1000 = vector.shape_cast %swap3A_999 : vector<1x16xf32> to vector<16xf32>
        %swap3A_1001 = vector.shape_cast %mul3A_996 : vector<16xf32> to vector<1x16xf32>
        tpu.vector_store %arg11[%swap3A_997, %swap3A_998], %swap3A_1001 {strides = array<i32>} : memref<128x128xf32, #tpu.memory_space<vmem>>, vector<1x16xf32>,
        %get3A_1002 = arith.index_cast %add3A_951 : i32 to index
        %get3A_1003 = arith.constant 80 : index
        %get3A_1004 = tpu.vector_load %arg11[%get3A_1002, %get3A_1003] {strides = array<i32>} : memref<128x128xf32, #tpu.memory_space<vmem>>, vector<1x16xf32>,
        %get3A_1005 = vector.shape_cast %get3A_1004 : vector<1x16xf32> to vector<16xf32>
        %mul3A_1006 = arith.mulf %get3A_1005, %gather3A_947 : vector<16xf32>
        %swap3A_1007 = arith.index_cast %add3A_951 : i32 to index
        %swap3A_1008 = arith.constant 80 : index
        %swap3A_1009 = tpu.vector_load %arg11[%swap3A_1007, %swap3A_1008] {strides = array<i32>} : memref<128x128xf32, #tpu.memory_space<vmem>>, vector<1x16xf32>,
        %swap3A_1010 = vector.shape_cast %swap3A_1009 : vector<1x16xf32> to vector<16xf32>
        %swap3A_1011 = vector.shape_cast %mul3A_1006 : vector<16xf32> to vector<1x16xf32>
        tpu.vector_store %arg11[%swap3A_1007, %swap3A_1008], %swap3A_1011 {strides = array<i32>} : memref<128x128xf32, #tpu.memory_space<vmem>>, vector<1x16xf32>,
        %get3A_1012 = arith.index_cast %add3A_951 : i32 to index
        %get3A_1013 = arith.constant 96 : index
        %get3A_1014 = tpu.vector_load %arg11[%get3A_1012, %get3A_1013] {strides = array<i32>} : memref<128x128xf32, #tpu.memory_space<vmem>>, vector<1x16xf32>,
        %get3A_1015 = vector.shape_cast %get3A_1014 : vector<1x16xf32> to vector<16xf32>
        %mul3A_1016 = arith.mulf %get3A_1015, %gather3A_947 : vector<16xf32>
        %swap3A_1017 = arith.index_cast %add3A_951 : i32 to index
        %swap3A_1018 = arith.constant 96 : index
        %swap3A_1019 = tpu.vector_load %arg11[%swap3A_1017, %swap3A_1018] {strides = array<i32>} : memref<128x128xf32, #tpu.memory_space<vmem>>, vector<1x16xf32>,
        %swap3A_1020 = vector.shape_cast %swap3A_1019 : vector<1x16xf32> to vector<16xf32>
        %swap3A_1021 = vector.shape_cast %mul3A_1016 : vector<16xf32> to vector<1x16xf32>
        tpu.vector_store %arg11[%swap3A_1017, %swap3A_1018], %swap3A_1021 {strides = array<i32>} : memref<128x128xf32, #tpu.memory_space<vmem>>, vector<1x16xf32>,
        %get3A_1022 = arith.index_cast %add3A_951 : i32 to index
        %get3A_1023 = arith.constant 112 : index
        %get3A_1024 = tpu.vector_load %arg11[%get3A_1022, %get3A_1023] {strides = array<i32>} : memref<128x128xf32, #tpu.memory_space<vmem>>, vector<1x16xf32>,
        %get3A_1025 = vector.shape_cast %get3A_1024 : vector<1x16xf32> to vector<16xf32>
        %mul3A_1026 = arith.mulf %get3A_1025, %gather3A_947 : vector<16xf32>
        %swap3A_1027 = arith.index_cast %add3A_951 : i32 to index
        %swap3A_1028 = arith.constant 112 : index
        %swap3A_1029 = tpu.vector_load %arg11[%swap3A_1027, %swap3A_1028] {strides = array<i32>} : memref<128x128xf32, #tpu.memory_space<vmem>>, vector<1x16xf32>,
        %swap3A_1030 = vector.shape_cast %swap3A_1029 : vector<1x16xf32> to vector<16xf32>
        %swap3A_1031 = vector.shape_cast %mul3A_1026 : vector<16xf32> to vector<1x16xf32>
        tpu.vector_store %arg11[%swap3A_1027, %swap3A_1028], %swap3A_1031 {strides = array<i32>} : memref<128x128xf32, #tpu.memory_space<vmem>>, vector<1x16xf32>,
        %broadcast_in_dim3A_1032 = arith.constant 8 : i32
        %broadcast_in_dim3A_1033 = vector.broadcast %broadcast_in_dim3A_1032 : i32 to vector<16x1xi32>
        %gather3A_1034 = vector.shape_cast %broadcast_in_dim3A_1033 : vector<16x1xi32> to vector<16xi32>
        %gather3A_1035 = tpu.dynamic_gather %get3A_330[%gather3A_1034] in [0] : vector<16xf32>, vector<16xi32> -> vector<16xf32>
        %mul3A_1036 = arith.constant 16 : i32
        %mul3A_1037 = arith.muli %add3A_325, %mul3A_1036 : i32
        %add3A_1038 = arith.constant 8 : i32
        %add3A_1039 = arith.addi %mul3A_1037, %add3A_1038 : i32
        %get3A_1040 = arith.index_cast %add3A_1039 : i32 to index
        %get3A_1041 = arith.constant 0 : index
        %get3A_1042 = tpu.vector_load %arg11[%get3A_1040, %get3A_1041] {strides = array<i32>} : memref<128x128xf32, #tpu.memory_space<vmem>>, vector<1x16xf32>,
        %get3A_1043 = vector.shape_cast %get3A_1042 : vector<1x16xf32> to vector<16xf32>
        %mul3A_1044 = arith.mulf %get3A_1043, %gather3A_1035 : vector<16xf32>
        %swap3A_1045 = arith.index_cast %add3A_1039 : i32 to index
        %swap3A_1046 = arith.constant 0 : index
        %swap3A_1047 = tpu.vector_load %arg11[%swap3A_1045, %swap3A_1046] {strides = array<i32>} : memref<128x128xf32, #tpu.memory_space<vmem>>, vector<1x16xf32>,
        %swap3A_1048 = vector.shape_cast %swap3A_1047 : vector<1x16xf32> to vector<16xf32>
        %swap3A_1049 = vector.shape_cast %mul3A_1044 : vector<16xf32> to vector<1x16xf32>
        tpu.vector_store %arg11[%swap3A_1045, %swap3A_1046], %swap3A_1049 {strides = array<i32>} : memref<128x128xf32, #tpu.memory_space<vmem>>, vector<1x16xf32>,
        %get3A_1050 = arith.index_cast %add3A_1039 : i32 to index
        %get3A_1051 = arith.constant 16 : index
        %get3A_1052 = tpu.vector_load %arg11[%get3A_1050, %get3A_1051] {strides = array<i32>} : memref<128x128xf32, #tpu.memory_space<vmem>>, vector<1x16xf32>,
        %get3A_1053 = vector.shape_cast %get3A_1052 : vector<1x16xf32> to vector<16xf32>
        %mul3A_1054 = arith.mulf %get3A_1053, %gather3A_1035 : vector<16xf32>
        %swap3A_1055 = arith.index_cast %add3A_1039 : i32 to index
        %swap3A_1056 = arith.constant 16 : index
        %swap3A_1057 = tpu.vector_load %arg11[%swap3A_1055, %swap3A_1056] {strides = array<i32>} : memref<128x128xf32, #tpu.memory_space<vmem>>, vector<1x16xf32>,
        %swap3A_1058 = vector.shape_cast %swap3A_1057 : vector<1x16xf32> to vector<16xf32>
        %swap3A_1059 = vector.shape_cast %mul3A_1054 : vector<16xf32> to vector<1x16xf32>
        tpu.vector_store %arg11[%swap3A_1055, %swap3A_1056], %swap3A_1059 {strides = array<i32>} : memref<128x128xf32, #tpu.memory_space<vmem>>, vector<1x16xf32>,
        %get3A_1060 = arith.index_cast %add3A_1039 : i32 to index
        %get3A_1061 = arith.constant 32 : index
        %get3A_1062 = tpu.vector_load %arg11[%get3A_1060, %get3A_1061] {strides = array<i32>} : memref<128x128xf32, #tpu.memory_space<vmem>>, vector<1x16xf32>,
        %get3A_1063 = vector.shape_cast %get3A_1062 : vector<1x16xf32> to vector<16xf32>
        %mul3A_1064 = arith.mulf %get3A_1063, %gather3A_1035 : vector<16xf32>
        %swap3A_1065 = arith.index_cast %add3A_1039 : i32 to index
        %swap3A_1066 = arith.constant 32 : index
        %swap3A_1067 = tpu.vector_load %arg11[%swap3A_1065, %swap3A_1066] {strides = array<i32>} : memref<128x128xf32, #tpu.memory_space<vmem>>, vector<1x16xf32>,
        %swap3A_1068 = vector.shape_cast %swap3A_1067 : vector<1x16xf32> to vector<16xf32>
        %swap3A_1069 = vector.shape_cast %mul3A_1064 : vector<16xf32> to vector<1x16xf32>
        tpu.vector_store %arg11[%swap3A_1065, %swap3A_1066], %swap3A_1069 {strides = array<i32>} : memref<128x128xf32, #tpu.memory_space<vmem>>, vector<1x16xf32>,
        %get3A_1070 = arith.index_cast %add3A_1039 : i32 to index
        %get3A_1071 = arith.constant 48 : index
        %get3A_1072 = tpu.vector_load %arg11[%get3A_1070, %get3A_1071] {strides = array<i32>} : memref<128x128xf32, #tpu.memory_space<vmem>>, vector<1x16xf32>,
        %get3A_1073 = vector.shape_cast %get3A_1072 : vector<1x16xf32> to vector<16xf32>
        %mul3A_1074 = arith.mulf %get3A_1073, %gather3A_1035 : vector<16xf32>
        %swap3A_1075 = arith.index_cast %add3A_1039 : i32 to index
        %swap3A_1076 = arith.constant 48 : index
        %swap3A_1077 = tpu.vector_load %arg11[%swap3A_1075, %swap3A_1076] {strides = array<i32>} : memref<128x128xf32, #tpu.memory_space<vmem>>, vector<1x16xf32>,
        %swap3A_1078 = vector.shape_cast %swap3A_1077 : vector<1x16xf32> to vector<16xf32>
        %swap3A_1079 = vector.shape_cast %mul3A_1074 : vector<16xf32> to vector<1x16xf32>
        tpu.vector_store %arg11[%swap3A_1075, %swap3A_1076], %swap3A_1079 {strides = array<i32>} : memref<128x128xf32, #tpu.memory_space<vmem>>, vector<1x16xf32>,
        %get3A_1080 = arith.index_cast %add3A_1039 : i32 to index
        %get3A_1081 = arith.constant 64 : index
        %get3A_1082 = tpu.vector_load %arg11[%get3A_1080, %get3A_1081] {strides = array<i32>} : memref<128x128xf32, #tpu.memory_space<vmem>>, vector<1x16xf32>,
        %get3A_1083 = vector.shape_cast %get3A_1082 : vector<1x16xf32> to vector<16xf32>
        %mul3A_1084 = arith.mulf %get3A_1083, %gather3A_1035 : vector<16xf32>
        %swap3A_1085 = arith.index_cast %add3A_1039 : i32 to index
        %swap3A_1086 = arith.constant 64 : index
        %swap3A_1087 = tpu.vector_load %arg11[%swap3A_1085, %swap3A_1086] {strides = array<i32>} : memref<128x128xf32, #tpu.memory_space<vmem>>, vector<1x16xf32>,
        %swap3A_1088 = vector.shape_cast %swap3A_1087 : vector<1x16xf32> to vector<16xf32>
        %swap3A_1089 = vector.shape_cast %mul3A_1084 : vector<16xf32> to vector<1x16xf32>
        tpu.vector_store %arg11[%swap3A_1085, %swap3A_1086], %swap3A_1089 {strides = array<i32>} : memref<128x128xf32, #tpu.memory_space<vmem>>, vector<1x16xf32>,
        %get3A_1090 = arith.index_cast %add3A_1039 : i32 to index
        %get3A_1091 = arith.constant 80 : index
        %get3A_1092 = tpu.vector_load %arg11[%get3A_1090, %get3A_1091] {strides = array<i32>} : memref<128x128xf32, #tpu.memory_space<vmem>>, vector<1x16xf32>,
        %get3A_1093 = vector.shape_cast %get3A_1092 : vector<1x16xf32> to vector<16xf32>
        %mul3A_1094 = arith.mulf %get3A_1093, %gather3A_1035 : vector<16xf32>
        %swap3A_1095 = arith.index_cast %add3A_1039 : i32 to index
        %swap3A_1096 = arith.constant 80 : index
        %swap3A_1097 = tpu.vector_load %arg11[%swap3A_1095, %swap3A_1096] {strides = array<i32>} : memref<128x128xf32, #tpu.memory_space<vmem>>, vector<1x16xf32>,
        %swap3A_1098 = vector.shape_cast %swap3A_1097 : vector<1x16xf32> to vector<16xf32>
        %swap3A_1099 = vector.shape_cast %mul3A_1094 : vector<16xf32> to vector<1x16xf32>
        tpu.vector_store %arg11[%swap3A_1095, %swap3A_1096], %swap3A_1099 {strides = array<i32>} : memref<128x128xf32, #tpu.memory_space<vmem>>, vector<1x16xf32>,
        %get3A_1100 = arith.index_cast %add3A_1039 : i32 to index
        %get3A_1101 = arith.constant 96 : index
        %get3A_1102 = tpu.vector_load %arg11[%get3A_1100, %get3A_1101] {strides = array<i32>} : memref<128x128xf32, #tpu.memory_space<vmem>>, vector<1x16xf32>,
        %get3A_1103 = vector.shape_cast %get3A_1102 : vector<1x16xf32> to vector<16xf32>
        %mul3A_1104 = arith.mulf %get3A_1103, %gather3A_1035 : vector<16xf32>
        %swap3A_1105 = arith.index_cast %add3A_1039 : i32 to index
        %swap3A_1106 = arith.constant 96 : index
        %swap3A_1107 = tpu.vector_load %arg11[%swap3A_1105, %swap3A_1106] {strides = array<i32>} : memref<128x128xf32, #tpu.memory_space<vmem>>, vector<1x16xf32>,
        %swap3A_1108 = vector.shape_cast %swap3A_1107 : vector<1x16xf32> to vector<16xf32>
        %swap3A_1109 = vector.shape_cast %mul3A_1104 : vector<16xf32> to vector<1x16xf32>
        tpu.vector_store %arg11[%swap3A_1105, %swap3A_1106], %swap3A_1109 {strides = array<i32>} : memref<128x128xf32, #tpu.memory_space<vmem>>, vector<1x16xf32>,
        %get3A_1110 = arith.index_cast %add3A_1039 : i32 to index
        %get3A_1111 = arith.constant 112 : index
        %get3A_1112 = tpu.vector_load %arg11[%get3A_1110, %get3A_1111] {strides = array<i32>} : memref<128x128xf32, #tpu.memory_space<vmem>>, vector<1x16xf32>,
        %get3A_1113 = vector.shape_cast %get3A_1112 : vector<1x16xf32> to vector<16xf32>
        %mul3A_1114 = arith.mulf %get3A_1113, %gather3A_1035 : vector<16xf32>
        %swap3A_1115 = arith.index_cast %add3A_1039 : i32 to index
        %swap3A_1116 = arith.constant 112 : index
        %swap3A_1117 = tpu.vector_load %arg11[%swap3A_1115, %swap3A_1116] {strides = array<i32>} : memref<128x128xf32, #tpu.memory_space<vmem>>, vector<1x16xf32>,
        %swap3A_1118 = vector.shape_cast %swap3A_1117 : vector<1x16xf32> to vector<16xf32>
        %swap3A_1119 = vector.shape_cast %mul3A_1114 : vector<16xf32> to vector<1x16xf32>
        tpu.vector_store %arg11[%swap3A_1115, %swap3A_1116], %swap3A_1119 {strides = array<i32>} : memref<128x128xf32, #tpu.memory_space<vmem>>, vector<1x16xf32>,
        %broadcast_in_dim3A_1120 = arith.constant 9 : i32
        %broadcast_in_dim3A_1121 = vector.broadcast %broadcast_in_dim3A_1120 : i32 to vector<16x1xi32>
        %gather3A_1122 = vector.shape_cast %broadcast_in_dim3A_1121 : vector<16x1xi32> to vector<16xi32>
        %gather3A_1123 = tpu.dynamic_gather %get3A_330[%gather3A_1122] in [0] : vector<16xf32>, vector<16xi32> -> vector<16xf32>
        %mul3A_1124 = arith.constant 16 : i32
        %mul3A_1125 = arith.muli %add3A_325, %mul3A_1124 : i32
        %add3A_1126 = arith.constant 9 : i32
        %add3A_1127 = arith.addi %mul3A_1125, %add3A_1126 : i32
        %get3A_1128 = arith.index_cast %add3A_1127 : i32 to index
        %get3A_1129 = arith.constant 0 : index
        %get3A_1130 = tpu.vector_load %arg11[%get3A_1128, %get3A_1129] {strides = array<i32>} : memref<128x128xf32, #tpu.memory_space<vmem>>, vector<1x16xf32>,
        %get3A_1131 = vector.shape_cast %get3A_1130 : vector<1x16xf32> to vector<16xf32>
        %mul3A_1132 = arith.mulf %get3A_1131, %gather3A_1123 : vector<16xf32>
        %swap3A_1133 = arith.index_cast %add3A_1127 : i32 to index
        %swap3A_1134 = arith.constant 0 : index
        %swap3A_1135 = tpu.vector_load %arg11[%swap3A_1133, %swap3A_1134] {strides = array<i32>} : memref<128x128xf32, #tpu.memory_space<vmem>>, vector<1x16xf32>,
        %swap3A_1136 = vector.shape_cast %swap3A_1135 : vector<1x16xf32> to vector<16xf32>
        %swap3A_1137 = vector.shape_cast %mul3A_1132 : vector<16xf32> to vector<1x16xf32>
        tpu.vector_store %arg11[%swap3A_1133, %swap3A_1134], %swap3A_1137 {strides = array<i32>} : memref<128x128xf32, #tpu.memory_space<vmem>>, vector<1x16xf32>,
        %get3A_1138 = arith.index_cast %add3A_1127 : i32 to index
        %get3A_1139 = arith.constant 16 : index
        %get3A_1140 = tpu.vector_load %arg11[%get3A_1138, %get3A_1139] {strides = array<i32>} : memref<128x128xf32, #tpu.memory_space<vmem>>, vector<1x16xf32>,
        %get3A_1141 = vector.shape_cast %get3A_1140 : vector<1x16xf32> to vector<16xf32>
        %mul3A_1142 = arith.mulf %get3A_1141, %gather3A_1123 : vector<16xf32>
        %swap3A_1143 = arith.index_cast %add3A_1127 : i32 to index
        %swap3A_1144 = arith.constant 16 : index
        %swap3A_1145 = tpu.vector_load %arg11[%swap3A_1143, %swap3A_1144] {strides = array<i32>} : memref<128x128xf32, #tpu.memory_space<vmem>>, vector<1x16xf32>,
        %swap3A_1146 = vector.shape_cast %swap3A_1145 : vector<1x16xf32> to vector<16xf32>
        %swap3A_1147 = vector.shape_cast %mul3A_1142 : vector<16xf32> to vector<1x16xf32>
        tpu.vector_store %arg11[%swap3A_1143, %swap3A_1144], %swap3A_1147 {strides = array<i32>} : memref<128x128xf32, #tpu.memory_space<vmem>>, vector<1x16xf32>,
        %get3A_1148 = arith.index_cast %add3A_1127 : i32 to index
        %get3A_1149 = arith.constant 32 : index
        %get3A_1150 = tpu.vector_load %arg11[%get3A_1148, %get3A_1149] {strides = array<i32>} : memref<128x128xf32, #tpu.memory_space<vmem>>, vector<1x16xf32>,
        %get3A_1151 = vector.shape_cast %get3A_1150 : vector<1x16xf32> to vector<16xf32>
        %mul3A_1152 = arith.mulf %get3A_1151, %gather3A_1123 : vector<16xf32>
        %swap3A_1153 = arith.index_cast %add3A_1127 : i32 to index
        %swap3A_1154 = arith.constant 32 : index
        %swap3A_1155 = tpu.vector_load %arg11[%swap3A_1153, %swap3A_1154] {strides = array<i32>} : memref<128x128xf32, #tpu.memory_space<vmem>>, vector<1x16xf32>,
        %swap3A_1156 = vector.shape_cast %swap3A_1155 : vector<1x16xf32> to vector<16xf32>
        %swap3A_1157 = vector.shape_cast %mul3A_1152 : vector<16xf32> to vector<1x16xf32>
        tpu.vector_store %arg11[%swap3A_1153, %swap3A_1154], %swap3A_1157 {strides = array<i32>} : memref<128x128xf32, #tpu.memory_space<vmem>>, vector<1x16xf32>,
        %get3A_1158 = arith.index_cast %add3A_1127 : i32 to index
        %get3A_1159 = arith.constant 48 : index
        %get3A_1160 = tpu.vector_load %arg11[%get3A_1158, %get3A_1159] {strides = array<i32>} : memref<128x128xf32, #tpu.memory_space<vmem>>, vector<1x16xf32>,
        %get3A_1161 = vector.shape_cast %get3A_1160 : vector<1x16xf32> to vector<16xf32>
        %mul3A_1162 = arith.mulf %get3A_1161, %gather3A_1123 : vector<16xf32>
        %swap3A_1163 = arith.index_cast %add3A_1127 : i32 to index
        %swap3A_1164 = arith.constant 48 : index
        %swap3A_1165 = tpu.vector_load %arg11[%swap3A_1163, %swap3A_1164] {strides = array<i32>} : memref<128x128xf32, #tpu.memory_space<vmem>>, vector<1x16xf32>,
        %swap3A_1166 = vector.shape_cast %swap3A_1165 : vector<1x16xf32> to vector<16xf32>
        %swap3A_1167 = vector.shape_cast %mul3A_1162 : vector<16xf32> to vector<1x16xf32>
        tpu.vector_store %arg11[%swap3A_1163, %swap3A_1164], %swap3A_1167 {strides = array<i32>} : memref<128x128xf32, #tpu.memory_space<vmem>>, vector<1x16xf32>,
        %get3A_1168 = arith.index_cast %add3A_1127 : i32 to index
        %get3A_1169 = arith.constant 64 : index
        %get3A_1170 = tpu.vector_load %arg11[%get3A_1168, %get3A_1169] {strides = array<i32>} : memref<128x128xf32, #tpu.memory_space<vmem>>, vector<1x16xf32>,
        %get3A_1171 = vector.shape_cast %get3A_1170 : vector<1x16xf32> to vector<16xf32>
        %mul3A_1172 = arith.mulf %get3A_1171, %gather3A_1123 : vector<16xf32>
        %swap3A_1173 = arith.index_cast %add3A_1127 : i32 to index
        %swap3A_1174 = arith.constant 64 : index
        %swap3A_1175 = tpu.vector_load %arg11[%swap3A_1173, %swap3A_1174] {strides = array<i32>} : memref<128x128xf32, #tpu.memory_space<vmem>>, vector<1x16xf32>,
        %swap3A_1176 = vector.shape_cast %swap3A_1175 : vector<1x16xf32> to vector<16xf32>
        %swap3A_1177 = vector.shape_cast %mul3A_1172 : vector<16xf32> to vector<1x16xf32>
        tpu.vector_store %arg11[%swap3A_1173, %swap3A_1174], %swap3A_1177 {strides = array<i32>} : memref<128x128xf32, #tpu.memory_space<vmem>>, vector<1x16xf32>,
        %get3A_1178 = arith.index_cast %add3A_1127 : i32 to index
        %get3A_1179 = arith.constant 80 : index
        %get3A_1180 = tpu.vector_load %arg11[%get3A_1178, %get3A_1179] {strides = array<i32>} : memref<128x128xf32, #tpu.memory_space<vmem>>, vector<1x16xf32>,
        %get3A_1181 = vector.shape_cast %get3A_1180 : vector<1x16xf32> to vector<16xf32>
        %mul3A_1182 = arith.mulf %get3A_1181, %gather3A_1123 : vector<16xf32>
        %swap3A_1183 = arith.index_cast %add3A_1127 : i32 to index
        %swap3A_1184 = arith.constant 80 : index
        %swap3A_1185 = tpu.vector_load %arg11[%swap3A_1183, %swap3A_1184] {strides = array<i32>} : memref<128x128xf32, #tpu.memory_space<vmem>>, vector<1x16xf32>,
        %swap3A_1186 = vector.shape_cast %swap3A_1185 : vector<1x16xf32> to vector<16xf32>
        %swap3A_1187 = vector.shape_cast %mul3A_1182 : vector<16xf32> to vector<1x16xf32>
        tpu.vector_store %arg11[%swap3A_1183, %swap3A_1184], %swap3A_1187 {strides = array<i32>} : memref<128x128xf32, #tpu.memory_space<vmem>>, vector<1x16xf32>,
        %get3A_1188 = arith.index_cast %add3A_1127 : i32 to index
        %get3A_1189 = arith.constant 96 : index
        %get3A_1190 = tpu.vector_load %arg11[%get3A_1188, %get3A_1189] {strides = array<i32>} : memref<128x128xf32, #tpu.memory_space<vmem>>, vector<1x16xf32>,
        %get3A_1191 = vector.shape_cast %get3A_1190 : vector<1x16xf32> to vector<16xf32>
        %mul3A_1192 = arith.mulf %get3A_1191, %gather3A_1123 : vector<16xf32>
        %swap3A_1193 = arith.index_cast %add3A_1127 : i32 to index
        %swap3A_1194 = arith.constant 96 : index
        %swap3A_1195 = tpu.vector_load %arg11[%swap3A_1193, %swap3A_1194] {strides = array<i32>} : memref<128x128xf32, #tpu.memory_space<vmem>>, vector<1x16xf32>,
        %swap3A_1196 = vector.shape_cast %swap3A_1195 : vector<1x16xf32> to vector<16xf32>
        %swap3A_1197 = vector.shape_cast %mul3A_1192 : vector<16xf32> to vector<1x16xf32>
        tpu.vector_store %arg11[%swap3A_1193, %swap3A_1194], %swap3A_1197 {strides = array<i32>} : memref<128x128xf32, #tpu.memory_space<vmem>>, vector<1x16xf32>,
        %get3A_1198 = arith.index_cast %add3A_1127 : i32 to index
        %get3A_1199 = arith.constant 112 : index
        %get3A_1200 = tpu.vector_load %arg11[%get3A_1198, %get3A_1199] {strides = array<i32>} : memref<128x128xf32, #tpu.memory_space<vmem>>, vector<1x16xf32>,
        %get3A_1201 = vector.shape_cast %get3A_1200 : vector<1x16xf32> to vector<16xf32>
        %mul3A_1202 = arith.mulf %get3A_1201, %gather3A_1123 : vector<16xf32>
        %swap3A_1203 = arith.index_cast %add3A_1127 : i32 to index
        %swap3A_1204 = arith.constant 112 : index
        %swap3A_1205 = tpu.vector_load %arg11[%swap3A_1203, %swap3A_1204] {strides = array<i32>} : memref<128x128xf32, #tpu.memory_space<vmem>>, vector<1x16xf32>,
        %swap3A_1206 = vector.shape_cast %swap3A_1205 : vector<1x16xf32> to vector<16xf32>
        %swap3A_1207 = vector.shape_cast %mul3A_1202 : vector<16xf32> to vector<1x16xf32>
        tpu.vector_store %arg11[%swap3A_1203, %swap3A_1204], %swap3A_1207 {strides = array<i32>} : memref<128x128xf32, #tpu.memory_space<vmem>>, vector<1x16xf32>,
        %broadcast_in_dim3A_1208 = arith.constant 10 : i32
        %broadcast_in_dim3A_1209 = vector.broadcast %broadcast_in_dim3A_1208 : i32 to vector<16x1xi32>
        %gather3A_1210 = vector.shape_cast %broadcast_in_dim3A_1209 : vector<16x1xi32> to vector<16xi32>
        %gather3A_1211 = tpu.dynamic_gather %get3A_330[%gather3A_1210] in [0] : vector<16xf32>, vector<16xi32> -> vector<16xf32>
        %mul3A_1212 = arith.constant 16 : i32
        %mul3A_1213 = arith.muli %add3A_325, %mul3A_1212 : i32
        %add3A_1214 = arith.constant 10 : i32
        %add3A_1215 = arith.addi %mul3A_1213, %add3A_1214 : i32
        %get3A_1216 = arith.index_cast %add3A_1215 : i32 to index
        %get3A_1217 = arith.constant 0 : index
        %get3A_1218 = tpu.vector_load %arg11[%get3A_1216, %get3A_1217] {strides = array<i32>} : memref<128x128xf32, #tpu.memory_space<vmem>>, vector<1x16xf32>,
        %get3A_1219 = vector.shape_cast %get3A_1218 : vector<1x16xf32> to vector<16xf32>
        %mul3A_1220 = arith.mulf %get3A_1219, %gather3A_1211 : vector<16xf32>
        %swap3A_1221 = arith.index_cast %add3A_1215 : i32 to index
        %swap3A_1222 = arith.constant 0 : index
        %swap3A_1223 = tpu.vector_load %arg11[%swap3A_1221, %swap3A_1222] {strides = array<i32>} : memref<128x128xf32, #tpu.memory_space<vmem>>, vector<1x16xf32>,
        %swap3A_1224 = vector.shape_cast %swap3A_1223 : vector<1x16xf32> to vector<16xf32>
        %swap3A_1225 = vector.shape_cast %mul3A_1220 : vector<16xf32> to vector<1x16xf32>
        tpu.vector_store %arg11[%swap3A_1221, %swap3A_1222], %swap3A_1225 {strides = array<i32>} : memref<128x128xf32, #tpu.memory_space<vmem>>, vector<1x16xf32>,
        %get3A_1226 = arith.index_cast %add3A_1215 : i32 to index
        %get3A_1227 = arith.constant 16 : index
        %get3A_1228 = tpu.vector_load %arg11[%get3A_1226, %get3A_1227] {strides = array<i32>} : memref<128x128xf32, #tpu.memory_space<vmem>>, vector<1x16xf32>,
        %get3A_1229 = vector.shape_cast %get3A_1228 : vector<1x16xf32> to vector<16xf32>
        %mul3A_1230 = arith.mulf %get3A_1229, %gather3A_1211 : vector<16xf32>
        %swap3A_1231 = arith.index_cast %add3A_1215 : i32 to index
        %swap3A_1232 = arith.constant 16 : index
        %swap3A_1233 = tpu.vector_load %arg11[%swap3A_1231, %swap3A_1232] {strides = array<i32>} : memref<128x128xf32, #tpu.memory_space<vmem>>, vector<1x16xf32>,
        %swap3A_1234 = vector.shape_cast %swap3A_1233 : vector<1x16xf32> to vector<16xf32>
        %swap3A_1235 = vector.shape_cast %mul3A_1230 : vector<16xf32> to vector<1x16xf32>
        tpu.vector_store %arg11[%swap3A_1231, %swap3A_1232], %swap3A_1235 {strides = array<i32>} : memref<128x128xf32, #tpu.memory_space<vmem>>, vector<1x16xf32>,
        %get3A_1236 = arith.index_cast %add3A_1215 : i32 to index
        %get3A_1237 = arith.constant 32 : index
        %get3A_1238 = tpu.vector_load %arg11[%get3A_1236, %get3A_1237] {strides = array<i32>} : memref<128x128xf32, #tpu.memory_space<vmem>>, vector<1x16xf32>,
        %get3A_1239 = vector.shape_cast %get3A_1238 : vector<1x16xf32> to vector<16xf32>
        %mul3A_1240 = arith.mulf %get3A_1239, %gather3A_1211 : vector<16xf32>
        %swap3A_1241 = arith.index_cast %add3A_1215 : i32 to index
        %swap3A_1242 = arith.constant 32 : index
        %swap3A_1243 = tpu.vector_load %arg11[%swap3A_1241, %swap3A_1242] {strides = array<i32>} : memref<128x128xf32, #tpu.memory_space<vmem>>, vector<1x16xf32>,
        %swap3A_1244 = vector.shape_cast %swap3A_1243 : vector<1x16xf32> to vector<16xf32>
        %swap3A_1245 = vector.shape_cast %mul3A_1240 : vector<16xf32> to vector<1x16xf32>
        tpu.vector_store %arg11[%swap3A_1241, %swap3A_1242], %swap3A_1245 {strides = array<i32>} : memref<128x128xf32, #tpu.memory_space<vmem>>, vector<1x16xf32>,
        %get3A_1246 = arith.index_cast %add3A_1215 : i32 to index
        %get3A_1247 = arith.constant 48 : index
        %get3A_1248 = tpu.vector_load %arg11[%get3A_1246, %get3A_1247] {strides = array<i32>} : memref<128x128xf32, #tpu.memory_space<vmem>>, vector<1x16xf32>,
        %get3A_1249 = vector.shape_cast %get3A_1248 : vector<1x16xf32> to vector<16xf32>
        %mul3A_1250 = arith.mulf %get3A_1249, %gather3A_1211 : vector<16xf32>
        %swap3A_1251 = arith.index_cast %add3A_1215 : i32 to index
        %swap3A_1252 = arith.constant 48 : index
        %swap3A_1253 = tpu.vector_load %arg11[%swap3A_1251, %swap3A_1252] {strides = array<i32>} : memref<128x128xf32, #tpu.memory_space<vmem>>, vector<1x16xf32>,
        %swap3A_1254 = vector.shape_cast %swap3A_1253 : vector<1x16xf32> to vector<16xf32>
        %swap3A_1255 = vector.shape_cast %mul3A_1250 : vector<16xf32> to vector<1x16xf32>
        tpu.vector_store %arg11[%swap3A_1251, %swap3A_1252], %swap3A_1255 {strides = array<i32>} : memref<128x128xf32, #tpu.memory_space<vmem>>, vector<1x16xf32>,
        %get3A_1256 = arith.index_cast %add3A_1215 : i32 to index
        %get3A_1257 = arith.constant 64 : index
        %get3A_1258 = tpu.vector_load %arg11[%get3A_1256, %get3A_1257] {strides = array<i32>} : memref<128x128xf32, #tpu.memory_space<vmem>>, vector<1x16xf32>,
        %get3A_1259 = vector.shape_cast %get3A_1258 : vector<1x16xf32> to vector<16xf32>
        %mul3A_1260 = arith.mulf %get3A_1259, %gather3A_1211 : vector<16xf32>
        %swap3A_1261 = arith.index_cast %add3A_1215 : i32 to index
        %swap3A_1262 = arith.constant 64 : index
        %swap3A_1263 = tpu.vector_load %arg11[%swap3A_1261, %swap3A_1262] {strides = array<i32>} : memref<128x128xf32, #tpu.memory_space<vmem>>, vector<1x16xf32>,
        %swap3A_1264 = vector.shape_cast %swap3A_1263 : vector<1x16xf32> to vector<16xf32>
        %swap3A_1265 = vector.shape_cast %mul3A_1260 : vector<16xf32> to vector<1x16xf32>
        tpu.vector_store %arg11[%swap3A_1261, %swap3A_1262], %swap3A_1265 {strides = array<i32>} : memref<128x128xf32, #tpu.memory_space<vmem>>, vector<1x16xf32>,
        %get3A_1266 = arith.index_cast %add3A_1215 : i32 to index
        %get3A_1267 = arith.constant 80 : index
        %get3A_1268 = tpu.vector_load %arg11[%get3A_1266, %get3A_1267] {strides = array<i32>} : memref<128x128xf32, #tpu.memory_space<vmem>>, vector<1x16xf32>,
        %get3A_1269 = vector.shape_cast %get3A_1268 : vector<1x16xf32> to vector<16xf32>
        %mul3A_1270 = arith.mulf %get3A_1269, %gather3A_1211 : vector<16xf32>
        %swap3A_1271 = arith.index_cast %add3A_1215 : i32 to index
        %swap3A_1272 = arith.constant 80 : index
        %swap3A_1273 = tpu.vector_load %arg11[%swap3A_1271, %swap3A_1272] {strides = array<i32>} : memref<128x128xf32, #tpu.memory_space<vmem>>, vector<1x16xf32>,
        %swap3A_1274 = vector.shape_cast %swap3A_1273 : vector<1x16xf32> to vector<16xf32>
        %swap3A_1275 = vector.shape_cast %mul3A_1270 : vector<16xf32> to vector<1x16xf32>
        tpu.vector_store %arg11[%swap3A_1271, %swap3A_1272], %swap3A_1275 {strides = array<i32>} : memref<128x128xf32, #tpu.memory_space<vmem>>, vector<1x16xf32>,
        %get3A_1276 = arith.index_cast %add3A_1215 : i32 to index
        %get3A_1277 = arith.constant 96 : index
        %get3A_1278 = tpu.vector_load %arg11[%get3A_1276, %get3A_1277] {strides = array<i32>} : memref<128x128xf32, #tpu.memory_space<vmem>>, vector<1x16xf32>,
        %get3A_1279 = vector.shape_cast %get3A_1278 : vector<1x16xf32> to vector<16xf32>
        %mul3A_1280 = arith.mulf %get3A_1279, %gather3A_1211 : vector<16xf32>
        %swap3A_1281 = arith.index_cast %add3A_1215 : i32 to index
        %swap3A_1282 = arith.constant 96 : index
        %swap3A_1283 = tpu.vector_load %arg11[%swap3A_1281, %swap3A_1282] {strides = array<i32>} : memref<128x128xf32, #tpu.memory_space<vmem>>, vector<1x16xf32>,
        %swap3A_1284 = vector.shape_cast %swap3A_1283 : vector<1x16xf32> to vector<16xf32>
        %swap3A_1285 = vector.shape_cast %mul3A_1280 : vector<16xf32> to vector<1x16xf32>
        tpu.vector_store %arg11[%swap3A_1281, %swap3A_1282], %swap3A_1285 {strides = array<i32>} : memref<128x128xf32, #tpu.memory_space<vmem>>, vector<1x16xf32>,
        %get3A_1286 = arith.index_cast %add3A_1215 : i32 to index
        %get3A_1287 = arith.constant 112 : index
        %get3A_1288 = tpu.vector_load %arg11[%get3A_1286, %get3A_1287] {strides = array<i32>} : memref<128x128xf32, #tpu.memory_space<vmem>>, vector<1x16xf32>,
        %get3A_1289 = vector.shape_cast %get3A_1288 : vector<1x16xf32> to vector<16xf32>
        %mul3A_1290 = arith.mulf %get3A_1289, %gather3A_1211 : vector<16xf32>
        %swap3A_1291 = arith.index_cast %add3A_1215 : i32 to index
        %swap3A_1292 = arith.constant 112 : index
        %swap3A_1293 = tpu.vector_load %arg11[%swap3A_1291, %swap3A_1292] {strides = array<i32>} : memref<128x128xf32, #tpu.memory_space<vmem>>, vector<1x16xf32>,
        %swap3A_1294 = vector.shape_cast %swap3A_1293 : vector<1x16xf32> to vector<16xf32>
        %swap3A_1295 = vector.shape_cast %mul3A_1290 : vector<16xf32> to vector<1x16xf32>
        tpu.vector_store %arg11[%swap3A_1291, %swap3A_1292], %swap3A_1295 {strides = array<i32>} : memref<128x128xf32, #tpu.memory_space<vmem>>, vector<1x16xf32>,
        %broadcast_in_dim3A_1296 = arith.constant 11 : i32
        %broadcast_in_dim3A_1297 = vector.broadcast %broadcast_in_dim3A_1296 : i32 to vector<16x1xi32>
        %gather3A_1298 = vector.shape_cast %broadcast_in_dim3A_1297 : vector<16x1xi32> to vector<16xi32>
        %gather3A_1299 = tpu.dynamic_gather %get3A_330[%gather3A_1298] in [0] : vector<16xf32>, vector<16xi32> -> vector<16xf32>
        %mul3A_1300 = arith.constant 16 : i32
        %mul3A_1301 = arith.muli %add3A_325, %mul3A_1300 : i32
        %add3A_1302 = arith.constant 11 : i32
        %add3A_1303 = arith.addi %mul3A_1301, %add3A_1302 : i32
        %get3A_1304 = arith.index_cast %add3A_1303 : i32 to index
        %get3A_1305 = arith.constant 0 : index
        %get3A_1306 = tpu.vector_load %arg11[%get3A_1304, %get3A_1305] {strides = array<i32>} : memref<128x128xf32, #tpu.memory_space<vmem>>, vector<1x16xf32>,
        %get3A_1307 = vector.shape_cast %get3A_1306 : vector<1x16xf32> to vector<16xf32>
        %mul3A_1308 = arith.mulf %get3A_1307, %gather3A_1299 : vector<16xf32>
        %swap3A_1309 = arith.index_cast %add3A_1303 : i32 to index
        %swap3A_1310 = arith.constant 0 : index
        %swap3A_1311 = tpu.vector_load %arg11[%swap3A_1309, %swap3A_1310] {strides = array<i32>} : memref<128x128xf32, #tpu.memory_space<vmem>>, vector<1x16xf32>,
        %swap3A_1312 = vector.shape_cast %swap3A_1311 : vector<1x16xf32> to vector<16xf32>
        %swap3A_1313 = vector.shape_cast %mul3A_1308 : vector<16xf32> to vector<1x16xf32>
        tpu.vector_store %arg11[%swap3A_1309, %swap3A_1310], %swap3A_1313 {strides = array<i32>} : memref<128x128xf32, #tpu.memory_space<vmem>>, vector<1x16xf32>,
        %get3A_1314 = arith.index_cast %add3A_1303 : i32 to index
        %get3A_1315 = arith.constant 16 : index
        %get3A_1316 = tpu.vector_load %arg11[%get3A_1314, %get3A_1315] {strides = array<i32>} : memref<128x128xf32, #tpu.memory_space<vmem>>, vector<1x16xf32>,
        %get3A_1317 = vector.shape_cast %get3A_1316 : vector<1x16xf32> to vector<16xf32>
        %mul3A_1318 = arith.mulf %get3A_1317, %gather3A_1299 : vector<16xf32>
        %swap3A_1319 = arith.index_cast %add3A_1303 : i32 to index
        %swap3A_1320 = arith.constant 16 : index
        %swap3A_1321 = tpu.vector_load %arg11[%swap3A_1319, %swap3A_1320] {strides = array<i32>} : memref<128x128xf32, #tpu.memory_space<vmem>>, vector<1x16xf32>,
        %swap3A_1322 = vector.shape_cast %swap3A_1321 : vector<1x16xf32> to vector<16xf32>
        %swap3A_1323 = vector.shape_cast %mul3A_1318 : vector<16xf32> to vector<1x16xf32>
        tpu.vector_store %arg11[%swap3A_1319, %swap3A_1320], %swap3A_1323 {strides = array<i32>} : memref<128x128xf32, #tpu.memory_space<vmem>>, vector<1x16xf32>,
        %get3A_1324 = arith.index_cast %add3A_1303 : i32 to index
        %get3A_1325 = arith.constant 32 : index
        %get3A_1326 = tpu.vector_load %arg11[%get3A_1324, %get3A_1325] {strides = array<i32>} : memref<128x128xf32, #tpu.memory_space<vmem>>, vector<1x16xf32>,
        %get3A_1327 = vector.shape_cast %get3A_1326 : vector<1x16xf32> to vector<16xf32>
        %mul3A_1328 = arith.mulf %get3A_1327, %gather3A_1299 : vector<16xf32>
        %swap3A_1329 = arith.index_cast %add3A_1303 : i32 to index
        %swap3A_1330 = arith.constant 32 : index
        %swap3A_1331 = tpu.vector_load %arg11[%swap3A_1329, %swap3A_1330] {strides = array<i32>} : memref<128x128xf32, #tpu.memory_space<vmem>>, vector<1x16xf32>,
        %swap3A_1332 = vector.shape_cast %swap3A_1331 : vector<1x16xf32> to vector<16xf32>
        %swap3A_1333 = vector.shape_cast %mul3A_1328 : vector<16xf32> to vector<1x16xf32>
        tpu.vector_store %arg11[%swap3A_1329, %swap3A_1330], %swap3A_1333 {strides = array<i32>} : memref<128x128xf32, #tpu.memory_space<vmem>>, vector<1x16xf32>,
        %get3A_1334 = arith.index_cast %add3A_1303 : i32 to index
        %get3A_1335 = arith.constant 48 : index
        %get3A_1336 = tpu.vector_load %arg11[%get3A_1334, %get3A_1335] {strides = array<i32>} : memref<128x128xf32, #tpu.memory_space<vmem>>, vector<1x16xf32>,
        %get3A_1337 = vector.shape_cast %get3A_1336 : vector<1x16xf32> to vector<16xf32>
        %mul3A_1338 = arith.mulf %get3A_1337, %gather3A_1299 : vector<16xf32>
        %swap3A_1339 = arith.index_cast %add3A_1303 : i32 to index
        %swap3A_1340 = arith.constant 48 : index
        %swap3A_1341 = tpu.vector_load %arg11[%swap3A_1339, %swap3A_1340] {strides = array<i32>} : memref<128x128xf32, #tpu.memory_space<vmem>>, vector<1x16xf32>,
        %swap3A_1342 = vector.shape_cast %swap3A_1341 : vector<1x16xf32> to vector<16xf32>
        %swap3A_1343 = vector.shape_cast %mul3A_1338 : vector<16xf32> to vector<1x16xf32>
        tpu.vector_store %arg11[%swap3A_1339, %swap3A_1340], %swap3A_1343 {strides = array<i32>} : memref<128x128xf32, #tpu.memory_space<vmem>>, vector<1x16xf32>,
        %get3A_1344 = arith.index_cast %add3A_1303 : i32 to index
        %get3A_1345 = arith.constant 64 : index
        %get3A_1346 = tpu.vector_load %arg11[%get3A_1344, %get3A_1345] {strides = array<i32>} : memref<128x128xf32, #tpu.memory_space<vmem>>, vector<1x16xf32>,
        %get3A_1347 = vector.shape_cast %get3A_1346 : vector<1x16xf32> to vector<16xf32>
        %mul3A_1348 = arith.mulf %get3A_1347, %gather3A_1299 : vector<16xf32>
        %swap3A_1349 = arith.index_cast %add3A_1303 : i32 to index
        %swap3A_1350 = arith.constant 64 : index
        %swap3A_1351 = tpu.vector_load %arg11[%swap3A_1349, %swap3A_1350] {strides = array<i32>} : memref<128x128xf32, #tpu.memory_space<vmem>>, vector<1x16xf32>,
        %swap3A_1352 = vector.shape_cast %swap3A_1351 : vector<1x16xf32> to vector<16xf32>
        %swap3A_1353 = vector.shape_cast %mul3A_1348 : vector<16xf32> to vector<1x16xf32>
        tpu.vector_store %arg11[%swap3A_1349, %swap3A_1350], %swap3A_1353 {strides = array<i32>} : memref<128x128xf32, #tpu.memory_space<vmem>>, vector<1x16xf32>,
        %get3A_1354 = arith.index_cast %add3A_1303 : i32 to index
        %get3A_1355 = arith.constant 80 : index
        %get3A_1356 = tpu.vector_load %arg11[%get3A_1354, %get3A_1355] {strides = array<i32>} : memref<128x128xf32, #tpu.memory_space<vmem>>, vector<1x16xf32>,
        %get3A_1357 = vector.shape_cast %get3A_1356 : vector<1x16xf32> to vector<16xf32>
        %mul3A_1358 = arith.mulf %get3A_1357, %gather3A_1299 : vector<16xf32>
        %swap3A_1359 = arith.index_cast %add3A_1303 : i32 to index
        %swap3A_1360 = arith.constant 80 : index
        %swap3A_1361 = tpu.vector_load %arg11[%swap3A_1359, %swap3A_1360] {strides = array<i32>} : memref<128x128xf32, #tpu.memory_space<vmem>>, vector<1x16xf32>,
        %swap3A_1362 = vector.shape_cast %swap3A_1361 : vector<1x16xf32> to vector<16xf32>
        %swap3A_1363 = vector.shape_cast %mul3A_1358 : vector<16xf32> to vector<1x16xf32>
        tpu.vector_store %arg11[%swap3A_1359, %swap3A_1360], %swap3A_1363 {strides = array<i32>} : memref<128x128xf32, #tpu.memory_space<vmem>>, vector<1x16xf32>,
        %get3A_1364 = arith.index_cast %add3A_1303 : i32 to index
        %get3A_1365 = arith.constant 96 : index
        %get3A_1366 = tpu.vector_load %arg11[%get3A_1364, %get3A_1365] {strides = array<i32>} : memref<128x128xf32, #tpu.memory_space<vmem>>, vector<1x16xf32>,
        %get3A_1367 = vector.shape_cast %get3A_1366 : vector<1x16xf32> to vector<16xf32>
        %mul3A_1368 = arith.mulf %get3A_1367, %gather3A_1299 : vector<16xf32>
        %swap3A_1369 = arith.index_cast %add3A_1303 : i32 to index
        %swap3A_1370 = arith.constant 96 : index
        %swap3A_1371 = tpu.vector_load %arg11[%swap3A_1369, %swap3A_1370] {strides = array<i32>} : memref<128x128xf32, #tpu.memory_space<vmem>>, vector<1x16xf32>,
        %swap3A_1372 = vector.shape_cast %swap3A_1371 : vector<1x16xf32> to vector<16xf32>
        %swap3A_1373 = vector.shape_cast %mul3A_1368 : vector<16xf32> to vector<1x16xf32>
        tpu.vector_store %arg11[%swap3A_1369, %swap3A_1370], %swap3A_1373 {strides = array<i32>} : memref<128x128xf32, #tpu.memory_space<vmem>>, vector<1x16xf32>,
        %get3A_1374 = arith.index_cast %add3A_1303 : i32 to index
        %get3A_1375 = arith.constant 112 : index
        %get3A_1376 = tpu.vector_load %arg11[%get3A_1374, %get3A_1375] {strides = array<i32>} : memref<128x128xf32, #tpu.memory_space<vmem>>, vector<1x16xf32>,
        %get3A_1377 = vector.shape_cast %get3A_1376 : vector<1x16xf32> to vector<16xf32>
        %mul3A_1378 = arith.mulf %get3A_1377, %gather3A_1299 : vector<16xf32>
        %swap3A_1379 = arith.index_cast %add3A_1303 : i32 to index
        %swap3A_1380 = arith.constant 112 : index
        %swap3A_1381 = tpu.vector_load %arg11[%swap3A_1379, %swap3A_1380] {strides = array<i32>} : memref<128x128xf32, #tpu.memory_space<vmem>>, vector<1x16xf32>,
        %swap3A_1382 = vector.shape_cast %swap3A_1381 : vector<1x16xf32> to vector<16xf32>
        %swap3A_1383 = vector.shape_cast %mul3A_1378 : vector<16xf32> to vector<1x16xf32>
        tpu.vector_store %arg11[%swap3A_1379, %swap3A_1380], %swap3A_1383 {strides = array<i32>} : memref<128x128xf32, #tpu.memory_space<vmem>>, vector<1x16xf32>,
        %broadcast_in_dim3A_1384 = arith.constant 12 : i32
        %broadcast_in_dim3A_1385 = vector.broadcast %broadcast_in_dim3A_1384 : i32 to vector<16x1xi32>
        %gather3A_1386 = vector.shape_cast %broadcast_in_dim3A_1385 : vector<16x1xi32> to vector<16xi32>
        %gather3A_1387 = tpu.dynamic_gather %get3A_330[%gather3A_1386] in [0] : vector<16xf32>, vector<16xi32> -> vector<16xf32>
        %mul3A_1388 = arith.constant 16 : i32
        %mul3A_1389 = arith.muli %add3A_325, %mul3A_1388 : i32
        %add3A_1390 = arith.constant 12 : i32
        %add3A_1391 = arith.addi %mul3A_1389, %add3A_1390 : i32
        %get3A_1392 = arith.index_cast %add3A_1391 : i32 to index
        %get3A_1393 = arith.constant 0 : index
        %get3A_1394 = tpu.vector_load %arg11[%get3A_1392, %get3A_1393] {strides = array<i32>} : memref<128x128xf32, #tpu.memory_space<vmem>>, vector<1x16xf32>,
        %get3A_1395 = vector.shape_cast %get3A_1394 : vector<1x16xf32> to vector<16xf32>
        %mul3A_1396 = arith.mulf %get3A_1395, %gather3A_1387 : vector<16xf32>
        %swap3A_1397 = arith.index_cast %add3A_1391 : i32 to index
        %swap3A_1398 = arith.constant 0 : index
        %swap3A_1399 = tpu.vector_load %arg11[%swap3A_1397, %swap3A_1398] {strides = array<i32>} : memref<128x128xf32, #tpu.memory_space<vmem>>, vector<1x16xf32>,
        %swap3A_1400 = vector.shape_cast %swap3A_1399 : vector<1x16xf32> to vector<16xf32>
        %swap3A_1401 = vector.shape_cast %mul3A_1396 : vector<16xf32> to vector<1x16xf32>
        tpu.vector_store %arg11[%swap3A_1397, %swap3A_1398], %swap3A_1401 {strides = array<i32>} : memref<128x128xf32, #tpu.memory_space<vmem>>, vector<1x16xf32>,
        %get3A_1402 = arith.index_cast %add3A_1391 : i32 to index
        %get3A_1403 = arith.constant 16 : index
        %get3A_1404 = tpu.vector_load %arg11[%get3A_1402, %get3A_1403] {strides = array<i32>} : memref<128x128xf32, #tpu.memory_space<vmem>>, vector<1x16xf32>,
        %get3A_1405 = vector.shape_cast %get3A_1404 : vector<1x16xf32> to vector<16xf32>
        %mul3A_1406 = arith.mulf %get3A_1405, %gather3A_1387 : vector<16xf32>
        %swap3A_1407 = arith.index_cast %add3A_1391 : i32 to index
        %swap3A_1408 = arith.constant 16 : index
        %swap3A_1409 = tpu.vector_load %arg11[%swap3A_1407, %swap3A_1408] {strides = array<i32>} : memref<128x128xf32, #tpu.memory_space<vmem>>, vector<1x16xf32>,
        %swap3A_1410 = vector.shape_cast %swap3A_1409 : vector<1x16xf32> to vector<16xf32>
        %swap3A_1411 = vector.shape_cast %mul3A_1406 : vector<16xf32> to vector<1x16xf32>
        tpu.vector_store %arg11[%swap3A_1407, %swap3A_1408], %swap3A_1411 {strides = array<i32>} : memref<128x128xf32, #tpu.memory_space<vmem>>, vector<1x16xf32>,
        %get3A_1412 = arith.index_cast %add3A_1391 : i32 to index
        %get3A_1413 = arith.constant 32 : index
        %get3A_1414 = tpu.vector_load %arg11[%get3A_1412, %get3A_1413] {strides = array<i32>} : memref<128x128xf32, #tpu.memory_space<vmem>>, vector<1x16xf32>,
        %get3A_1415 = vector.shape_cast %get3A_1414 : vector<1x16xf32> to vector<16xf32>
        %mul3A_1416 = arith.mulf %get3A_1415, %gather3A_1387 : vector<16xf32>
        %swap3A_1417 = arith.index_cast %add3A_1391 : i32 to index
        %swap3A_1418 = arith.constant 32 : index
        %swap3A_1419 = tpu.vector_load %arg11[%swap3A_1417, %swap3A_1418] {strides = array<i32>} : memref<128x128xf32, #tpu.memory_space<vmem>>, vector<1x16xf32>,
        %swap3A_1420 = vector.shape_cast %swap3A_1419 : vector<1x16xf32> to vector<16xf32>
        %swap3A_1421 = vector.shape_cast %mul3A_1416 : vector<16xf32> to vector<1x16xf32>
        tpu.vector_store %arg11[%swap3A_1417, %swap3A_1418], %swap3A_1421 {strides = array<i32>} : memref<128x128xf32, #tpu.memory_space<vmem>>, vector<1x16xf32>,
        %get3A_1422 = arith.index_cast %add3A_1391 : i32 to index
        %get3A_1423 = arith.constant 48 : index
        %get3A_1424 = tpu.vector_load %arg11[%get3A_1422, %get3A_1423] {strides = array<i32>} : memref<128x128xf32, #tpu.memory_space<vmem>>, vector<1x16xf32>,
        %get3A_1425 = vector.shape_cast %get3A_1424 : vector<1x16xf32> to vector<16xf32>
        %mul3A_1426 = arith.mulf %get3A_1425, %gather3A_1387 : vector<16xf32>
        %swap3A_1427 = arith.index_cast %add3A_1391 : i32 to index
        %swap3A_1428 = arith.constant 48 : index
        %swap3A_1429 = tpu.vector_load %arg11[%swap3A_1427, %swap3A_1428] {strides = array<i32>} : memref<128x128xf32, #tpu.memory_space<vmem>>, vector<1x16xf32>,
        %swap3A_1430 = vector.shape_cast %swap3A_1429 : vector<1x16xf32> to vector<16xf32>
        %swap3A_1431 = vector.shape_cast %mul3A_1426 : vector<16xf32> to vector<1x16xf32>
        tpu.vector_store %arg11[%swap3A_1427, %swap3A_1428], %swap3A_1431 {strides = array<i32>} : memref<128x128xf32, #tpu.memory_space<vmem>>, vector<1x16xf32>,
        %get3A_1432 = arith.index_cast %add3A_1391 : i32 to index
        %get3A_1433 = arith.constant 64 : index
        %get3A_1434 = tpu.vector_load %arg11[%get3A_1432, %get3A_1433] {strides = array<i32>} : memref<128x128xf32, #tpu.memory_space<vmem>>, vector<1x16xf32>,
        %get3A_1435 = vector.shape_cast %get3A_1434 : vector<1x16xf32> to vector<16xf32>
        %mul3A_1436 = arith.mulf %get3A_1435, %gather3A_1387 : vector<16xf32>
        %swap3A_1437 = arith.index_cast %add3A_1391 : i32 to index
        %swap3A_1438 = arith.constant 64 : index
        %swap3A_1439 = tpu.vector_load %arg11[%swap3A_1437, %swap3A_1438] {strides = array<i32>} : memref<128x128xf32, #tpu.memory_space<vmem>>, vector<1x16xf32>,
        %swap3A_1440 = vector.shape_cast %swap3A_1439 : vector<1x16xf32> to vector<16xf32>
        %swap3A_1441 = vector.shape_cast %mul3A_1436 : vector<16xf32> to vector<1x16xf32>
        tpu.vector_store %arg11[%swap3A_1437, %swap3A_1438], %swap3A_1441 {strides = array<i32>} : memref<128x128xf32, #tpu.memory_space<vmem>>, vector<1x16xf32>,
        %get3A_1442 = arith.index_cast %add3A_1391 : i32 to index
        %get3A_1443 = arith.constant 80 : index
        %get3A_1444 = tpu.vector_load %arg11[%get3A_1442, %get3A_1443] {strides = array<i32>} : memref<128x128xf32, #tpu.memory_space<vmem>>, vector<1x16xf32>,
        %get3A_1445 = vector.shape_cast %get3A_1444 : vector<1x16xf32> to vector<16xf32>
        %mul3A_1446 = arith.mulf %get3A_1445, %gather3A_1387 : vector<16xf32>
        %swap3A_1447 = arith.index_cast %add3A_1391 : i32 to index
        %swap3A_1448 = arith.constant 80 : index
        %swap3A_1449 = tpu.vector_load %arg11[%swap3A_1447, %swap3A_1448] {strides = array<i32>} : memref<128x128xf32, #tpu.memory_space<vmem>>, vector<1x16xf32>,
        %swap3A_1450 = vector.shape_cast %swap3A_1449 : vector<1x16xf32> to vector<16xf32>
        %swap3A_1451 = vector.shape_cast %mul3A_1446 : vector<16xf32> to vector<1x16xf32>
        tpu.vector_store %arg11[%swap3A_1447, %swap3A_1448], %swap3A_1451 {strides = array<i32>} : memref<128x128xf32, #tpu.memory_space<vmem>>, vector<1x16xf32>,
        %get3A_1452 = arith.index_cast %add3A_1391 : i32 to index
        %get3A_1453 = arith.constant 96 : index
        %get3A_1454 = tpu.vector_load %arg11[%get3A_1452, %get3A_1453] {strides = array<i32>} : memref<128x128xf32, #tpu.memory_space<vmem>>, vector<1x16xf32>,
        %get3A_1455 = vector.shape_cast %get3A_1454 : vector<1x16xf32> to vector<16xf32>
        %mul3A_1456 = arith.mulf %get3A_1455, %gather3A_1387 : vector<16xf32>
        %swap3A_1457 = arith.index_cast %add3A_1391 : i32 to index
        %swap3A_1458 = arith.constant 96 : index
        %swap3A_1459 = tpu.vector_load %arg11[%swap3A_1457, %swap3A_1458] {strides = array<i32>} : memref<128x128xf32, #tpu.memory_space<vmem>>, vector<1x16xf32>,
        %swap3A_1460 = vector.shape_cast %swap3A_1459 : vector<1x16xf32> to vector<16xf32>
        %swap3A_1461 = vector.shape_cast %mul3A_1456 : vector<16xf32> to vector<1x16xf32>
        tpu.vector_store %arg11[%swap3A_1457, %swap3A_1458], %swap3A_1461 {strides = array<i32>} : memref<128x128xf32, #tpu.memory_space<vmem>>, vector<1x16xf32>,
        %get3A_1462 = arith.index_cast %add3A_1391 : i32 to index
        %get3A_1463 = arith.constant 112 : index
        %get3A_1464 = tpu.vector_load %arg11[%get3A_1462, %get3A_1463] {strides = array<i32>} : memref<128x128xf32, #tpu.memory_space<vmem>>, vector<1x16xf32>,
        %get3A_1465 = vector.shape_cast %get3A_1464 : vector<1x16xf32> to vector<16xf32>
        %mul3A_1466 = arith.mulf %get3A_1465, %gather3A_1387 : vector<16xf32>
        %swap3A_1467 = arith.index_cast %add3A_1391 : i32 to index
        %swap3A_1468 = arith.constant 112 : index
        %swap3A_1469 = tpu.vector_load %arg11[%swap3A_1467, %swap3A_1468] {strides = array<i32>} : memref<128x128xf32, #tpu.memory_space<vmem>>, vector<1x16xf32>,
        %swap3A_1470 = vector.shape_cast %swap3A_1469 : vector<1x16xf32> to vector<16xf32>
        %swap3A_1471 = vector.shape_cast %mul3A_1466 : vector<16xf32> to vector<1x16xf32>
        tpu.vector_store %arg11[%swap3A_1467, %swap3A_1468], %swap3A_1471 {strides = array<i32>} : memref<128x128xf32, #tpu.memory_space<vmem>>, vector<1x16xf32>,
        %broadcast_in_dim3A_1472 = arith.constant 13 : i32
        %broadcast_in_dim3A_1473 = vector.broadcast %broadcast_in_dim3A_1472 : i32 to vector<16x1xi32>
        %gather3A_1474 = vector.shape_cast %broadcast_in_dim3A_1473 : vector<16x1xi32> to vector<16xi32>
        %gather3A_1475 = tpu.dynamic_gather %get3A_330[%gather3A_1474] in [0] : vector<16xf32>, vector<16xi32> -> vector<16xf32>
        %mul3A_1476 = arith.constant 16 : i32
        %mul3A_1477 = arith.muli %add3A_325, %mul3A_1476 : i32
        %add3A_1478 = arith.constant 13 : i32
        %add3A_1479 = arith.addi %mul3A_1477, %add3A_1478 : i32
        %get3A_1480 = arith.index_cast %add3A_1479 : i32 to index
        %get3A_1481 = arith.constant 0 : index
        %get3A_1482 = tpu.vector_load %arg11[%get3A_1480, %get3A_1481] {strides = array<i32>} : memref<128x128xf32, #tpu.memory_space<vmem>>, vector<1x16xf32>,
        %get3A_1483 = vector.shape_cast %get3A_1482 : vector<1x16xf32> to vector<16xf32>
        %mul3A_1484 = arith.mulf %get3A_1483, %gather3A_1475 : vector<16xf32>
        %swap3A_1485 = arith.index_cast %add3A_1479 : i32 to index
        %swap3A_1486 = arith.constant 0 : index
        %swap3A_1487 = tpu.vector_load %arg11[%swap3A_1485, %swap3A_1486] {strides = array<i32>} : memref<128x128xf32, #tpu.memory_space<vmem>>, vector<1x16xf32>,
        %swap3A_1488 = vector.shape_cast %swap3A_1487 : vector<1x16xf32> to vector<16xf32>
        %swap3A_1489 = vector.shape_cast %mul3A_1484 : vector<16xf32> to vector<1x16xf32>
        tpu.vector_store %arg11[%swap3A_1485, %swap3A_1486], %swap3A_1489 {strides = array<i32>} : memref<128x128xf32, #tpu.memory_space<vmem>>, vector<1x16xf32>,
        %get3A_1490 = arith.index_cast %add3A_1479 : i32 to index
        %get3A_1491 = arith.constant 16 : index
        %get3A_1492 = tpu.vector_load %arg11[%get3A_1490, %get3A_1491] {strides = array<i32>} : memref<128x128xf32, #tpu.memory_space<vmem>>, vector<1x16xf32>,
        %get3A_1493 = vector.shape_cast %get3A_1492 : vector<1x16xf32> to vector<16xf32>
        %mul3A_1494 = arith.mulf %get3A_1493, %gather3A_1475 : vector<16xf32>
        %swap3A_1495 = arith.index_cast %add3A_1479 : i32 to index
        %swap3A_1496 = arith.constant 16 : index
        %swap3A_1497 = tpu.vector_load %arg11[%swap3A_1495, %swap3A_1496] {strides = array<i32>} : memref<128x128xf32, #tpu.memory_space<vmem>>, vector<1x16xf32>,
        %swap3A_1498 = vector.shape_cast %swap3A_1497 : vector<1x16xf32> to vector<16xf32>
        %swap3A_1499 = vector.shape_cast %mul3A_1494 : vector<16xf32> to vector<1x16xf32>
        tpu.vector_store %arg11[%swap3A_1495, %swap3A_1496], %swap3A_1499 {strides = array<i32>} : memref<128x128xf32, #tpu.memory_space<vmem>>, vector<1x16xf32>,
        %get3A_1500 = arith.index_cast %add3A_1479 : i32 to index
        %get3A_1501 = arith.constant 32 : index
        %get3A_1502 = tpu.vector_load %arg11[%get3A_1500, %get3A_1501] {strides = array<i32>} : memref<128x128xf32, #tpu.memory_space<vmem>>, vector<1x16xf32>,
        %get3A_1503 = vector.shape_cast %get3A_1502 : vector<1x16xf32> to vector<16xf32>
        %mul3A_1504 = arith.mulf %get3A_1503, %gather3A_1475 : vector<16xf32>
        %swap3A_1505 = arith.index_cast %add3A_1479 : i32 to index
        %swap3A_1506 = arith.constant 32 : index
        %swap3A_1507 = tpu.vector_load %arg11[%swap3A_1505, %swap3A_1506] {strides = array<i32>} : memref<128x128xf32, #tpu.memory_space<vmem>>, vector<1x16xf32>,
        %swap3A_1508 = vector.shape_cast %swap3A_1507 : vector<1x16xf32> to vector<16xf32>
        %swap3A_1509 = vector.shape_cast %mul3A_1504 : vector<16xf32> to vector<1x16xf32>
        tpu.vector_store %arg11[%swap3A_1505, %swap3A_1506], %swap3A_1509 {strides = array<i32>} : memref<128x128xf32, #tpu.memory_space<vmem>>, vector<1x16xf32>,
        %get3A_1510 = arith.index_cast %add3A_1479 : i32 to index
        %get3A_1511 = arith.constant 48 : index
        %get3A_1512 = tpu.vector_load %arg11[%get3A_1510, %get3A_1511] {strides = array<i32>} : memref<128x128xf32, #tpu.memory_space<vmem>>, vector<1x16xf32>,
        %get3A_1513 = vector.shape_cast %get3A_1512 : vector<1x16xf32> to vector<16xf32>
        %mul3A_1514 = arith.mulf %get3A_1513, %gather3A_1475 : vector<16xf32>
        %swap3A_1515 = arith.index_cast %add3A_1479 : i32 to index
        %swap3A_1516 = arith.constant 48 : index
        %swap3A_1517 = tpu.vector_load %arg11[%swap3A_1515, %swap3A_1516] {strides = array<i32>} : memref<128x128xf32, #tpu.memory_space<vmem>>, vector<1x16xf32>,
        %swap3A_1518 = vector.shape_cast %swap3A_1517 : vector<1x16xf32> to vector<16xf32>
        %swap3A_1519 = vector.shape_cast %mul3A_1514 : vector<16xf32> to vector<1x16xf32>
        tpu.vector_store %arg11[%swap3A_1515, %swap3A_1516], %swap3A_1519 {strides = array<i32>} : memref<128x128xf32, #tpu.memory_space<vmem>>, vector<1x16xf32>,
        %get3A_1520 = arith.index_cast %add3A_1479 : i32 to index
        %get3A_1521 = arith.constant 64 : index
        %get3A_1522 = tpu.vector_load %arg11[%get3A_1520, %get3A_1521] {strides = array<i32>} : memref<128x128xf32, #tpu.memory_space<vmem>>, vector<1x16xf32>,
        %get3A_1523 = vector.shape_cast %get3A_1522 : vector<1x16xf32> to vector<16xf32>
        %mul3A_1524 = arith.mulf %get3A_1523, %gather3A_1475 : vector<16xf32>
        %swap3A_1525 = arith.index_cast %add3A_1479 : i32 to index
        %swap3A_1526 = arith.constant 64 : index
        %swap3A_1527 = tpu.vector_load %arg11[%swap3A_1525, %swap3A_1526] {strides = array<i32>} : memref<128x128xf32, #tpu.memory_space<vmem>>, vector<1x16xf32>,
        %swap3A_1528 = vector.shape_cast %swap3A_1527 : vector<1x16xf32> to vector<16xf32>
        %swap3A_1529 = vector.shape_cast %mul3A_1524 : vector<16xf32> to vector<1x16xf32>
        tpu.vector_store %arg11[%swap3A_1525, %swap3A_1526], %swap3A_1529 {strides = array<i32>} : memref<128x128xf32, #tpu.memory_space<vmem>>, vector<1x16xf32>,
        %get3A_1530 = arith.index_cast %add3A_1479 : i32 to index
        %get3A_1531 = arith.constant 80 : index
        %get3A_1532 = tpu.vector_load %arg11[%get3A_1530, %get3A_1531] {strides = array<i32>} : memref<128x128xf32, #tpu.memory_space<vmem>>, vector<1x16xf32>,
        %get3A_1533 = vector.shape_cast %get3A_1532 : vector<1x16xf32> to vector<16xf32>
        %mul3A_1534 = arith.mulf %get3A_1533, %gather3A_1475 : vector<16xf32>
        %swap3A_1535 = arith.index_cast %add3A_1479 : i32 to index
        %swap3A_1536 = arith.constant 80 : index
        %swap3A_1537 = tpu.vector_load %arg11[%swap3A_1535, %swap3A_1536] {strides = array<i32>} : memref<128x128xf32, #tpu.memory_space<vmem>>, vector<1x16xf32>,
        %swap3A_1538 = vector.shape_cast %swap3A_1537 : vector<1x16xf32> to vector<16xf32>
        %swap3A_1539 = vector.shape_cast %mul3A_1534 : vector<16xf32> to vector<1x16xf32>
        tpu.vector_store %arg11[%swap3A_1535, %swap3A_1536], %swap3A_1539 {strides = array<i32>} : memref<128x128xf32, #tpu.memory_space<vmem>>, vector<1x16xf32>,
        %get3A_1540 = arith.index_cast %add3A_1479 : i32 to index
        %get3A_1541 = arith.constant 96 : index
        %get3A_1542 = tpu.vector_load %arg11[%get3A_1540, %get3A_1541] {strides = array<i32>} : memref<128x128xf32, #tpu.memory_space<vmem>>, vector<1x16xf32>,
        %get3A_1543 = vector.shape_cast %get3A_1542 : vector<1x16xf32> to vector<16xf32>
        %mul3A_1544 = arith.mulf %get3A_1543, %gather3A_1475 : vector<16xf32>
        %swap3A_1545 = arith.index_cast %add3A_1479 : i32 to index
        %swap3A_1546 = arith.constant 96 : index
        %swap3A_1547 = tpu.vector_load %arg11[%swap3A_1545, %swap3A_1546] {strides = array<i32>} : memref<128x128xf32, #tpu.memory_space<vmem>>, vector<1x16xf32>,
        %swap3A_1548 = vector.shape_cast %swap3A_1547 : vector<1x16xf32> to vector<16xf32>
        %swap3A_1549 = vector.shape_cast %mul3A_1544 : vector<16xf32> to vector<1x16xf32>
        tpu.vector_store %arg11[%swap3A_1545, %swap3A_1546], %swap3A_1549 {strides = array<i32>} : memref<128x128xf32, #tpu.memory_space<vmem>>, vector<1x16xf32>,
        %get3A_1550 = arith.index_cast %add3A_1479 : i32 to index
        %get3A_1551 = arith.constant 112 : index
        %get3A_1552 = tpu.vector_load %arg11[%get3A_1550, %get3A_1551] {strides = array<i32>} : memref<128x128xf32, #tpu.memory_space<vmem>>, vector<1x16xf32>,
        %get3A_1553 = vector.shape_cast %get3A_1552 : vector<1x16xf32> to vector<16xf32>
        %mul3A_1554 = arith.mulf %get3A_1553, %gather3A_1475 : vector<16xf32>
        %swap3A_1555 = arith.index_cast %add3A_1479 : i32 to index
        %swap3A_1556 = arith.constant 112 : index
        %swap3A_1557 = tpu.vector_load %arg11[%swap3A_1555, %swap3A_1556] {strides = array<i32>} : memref<128x128xf32, #tpu.memory_space<vmem>>, vector<1x16xf32>,
        %swap3A_1558 = vector.shape_cast %swap3A_1557 : vector<1x16xf32> to vector<16xf32>
        %swap3A_1559 = vector.shape_cast %mul3A_1554 : vector<16xf32> to vector<1x16xf32>
        tpu.vector_store %arg11[%swap3A_1555, %swap3A_1556], %swap3A_1559 {strides = array<i32>} : memref<128x128xf32, #tpu.memory_space<vmem>>, vector<1x16xf32>,
        %broadcast_in_dim3A_1560 = arith.constant 14 : i32
        %broadcast_in_dim3A_1561 = vector.broadcast %broadcast_in_dim3A_1560 : i32 to vector<16x1xi32>
        %gather3A_1562 = vector.shape_cast %broadcast_in_dim3A_1561 : vector<16x1xi32> to vector<16xi32>
        %gather3A_1563 = tpu.dynamic_gather %get3A_330[%gather3A_1562] in [0] : vector<16xf32>, vector<16xi32> -> vector<16xf32>
        %mul3A_1564 = arith.constant 16 : i32
        %mul3A_1565 = arith.muli %add3A_325, %mul3A_1564 : i32
        %add3A_1566 = arith.constant 14 : i32
        %add3A_1567 = arith.addi %mul3A_1565, %add3A_1566 : i32
        %get3A_1568 = arith.index_cast %add3A_1567 : i32 to index
        %get3A_1569 = arith.constant 0 : index
        %get3A_1570 = tpu.vector_load %arg11[%get3A_1568, %get3A_1569] {strides = array<i32>} : memref<128x128xf32, #tpu.memory_space<vmem>>, vector<1x16xf32>,
        %get3A_1571 = vector.shape_cast %get3A_1570 : vector<1x16xf32> to vector<16xf32>
        %mul3A_1572 = arith.mulf %get3A_1571, %gather3A_1563 : vector<16xf32>
        %swap3A_1573 = arith.index_cast %add3A_1567 : i32 to index
        %swap3A_1574 = arith.constant 0 : index
        %swap3A_1575 = tpu.vector_load %arg11[%swap3A_1573, %swap3A_1574] {strides = array<i32>} : memref<128x128xf32, #tpu.memory_space<vmem>>, vector<1x16xf32>,
        %swap3A_1576 = vector.shape_cast %swap3A_1575 : vector<1x16xf32> to vector<16xf32>
        %swap3A_1577 = vector.shape_cast %mul3A_1572 : vector<16xf32> to vector<1x16xf32>
        tpu.vector_store %arg11[%swap3A_1573, %swap3A_1574], %swap3A_1577 {strides = array<i32>} : memref<128x128xf32, #tpu.memory_space<vmem>>, vector<1x16xf32>,
        %get3A_1578 = arith.index_cast %add3A_1567 : i32 to index
        %get3A_1579 = arith.constant 16 : index
        %get3A_1580 = tpu.vector_load %arg11[%get3A_1578, %get3A_1579] {strides = array<i32>} : memref<128x128xf32, #tpu.memory_space<vmem>>, vector<1x16xf32>,
        %get3A_1581 = vector.shape_cast %get3A_1580 : vector<1x16xf32> to vector<16xf32>
        %mul3A_1582 = arith.mulf %get3A_1581, %gather3A_1563 : vector<16xf32>
        %swap3A_1583 = arith.index_cast %add3A_1567 : i32 to index
        %swap3A_1584 = arith.constant 16 : index
        %swap3A_1585 = tpu.vector_load %arg11[%swap3A_1583, %swap3A_1584] {strides = array<i32>} : memref<128x128xf32, #tpu.memory_space<vmem>>, vector<1x16xf32>,
        %swap3A_1586 = vector.shape_cast %swap3A_1585 : vector<1x16xf32> to vector<16xf32>
        %swap3A_1587 = vector.shape_cast %mul3A_1582 : vector<16xf32> to vector<1x16xf32>
        tpu.vector_store %arg11[%swap3A_1583, %swap3A_1584], %swap3A_1587 {strides = array<i32>} : memref<128x128xf32, #tpu.memory_space<vmem>>, vector<1x16xf32>,
        %get3A_1588 = arith.index_cast %add3A_1567 : i32 to index
        %get3A_1589 = arith.constant 32 : index
        %get3A_1590 = tpu.vector_load %arg11[%get3A_1588, %get3A_1589] {strides = array<i32>} : memref<128x128xf32, #tpu.memory_space<vmem>>, vector<1x16xf32>,
        %get3A_1591 = vector.shape_cast %get3A_1590 : vector<1x16xf32> to vector<16xf32>
        %mul3A_1592 = arith.mulf %get3A_1591, %gather3A_1563 : vector<16xf32>
        %swap3A_1593 = arith.index_cast %add3A_1567 : i32 to index
        %swap3A_1594 = arith.constant 32 : index
        %swap3A_1595 = tpu.vector_load %arg11[%swap3A_1593, %swap3A_1594] {strides = array<i32>} : memref<128x128xf32, #tpu.memory_space<vmem>>, vector<1x16xf32>,
        %swap3A_1596 = vector.shape_cast %swap3A_1595 : vector<1x16xf32> to vector<16xf32>
        %swap3A_1597 = vector.shape_cast %mul3A_1592 : vector<16xf32> to vector<1x16xf32>
        tpu.vector_store %arg11[%swap3A_1593, %swap3A_1594], %swap3A_1597 {strides = array<i32>} : memref<128x128xf32, #tpu.memory_space<vmem>>, vector<1x16xf32>,
        %get3A_1598 = arith.index_cast %add3A_1567 : i32 to index
        %get3A_1599 = arith.constant 48 : index
        %get3A_1600 = tpu.vector_load %arg11[%get3A_1598, %get3A_1599] {strides = array<i32>} : memref<128x128xf32, #tpu.memory_space<vmem>>, vector<1x16xf32>,
        %get3A_1601 = vector.shape_cast %get3A_1600 : vector<1x16xf32> to vector<16xf32>
        %mul3A_1602 = arith.mulf %get3A_1601, %gather3A_1563 : vector<16xf32>
        %swap3A_1603 = arith.index_cast %add3A_1567 : i32 to index
        %swap3A_1604 = arith.constant 48 : index
        %swap3A_1605 = tpu.vector_load %arg11[%swap3A_1603, %swap3A_1604] {strides = array<i32>} : memref<128x128xf32, #tpu.memory_space<vmem>>, vector<1x16xf32>,
        %swap3A_1606 = vector.shape_cast %swap3A_1605 : vector<1x16xf32> to vector<16xf32>
        %swap3A_1607 = vector.shape_cast %mul3A_1602 : vector<16xf32> to vector<1x16xf32>
        tpu.vector_store %arg11[%swap3A_1603, %swap3A_1604], %swap3A_1607 {strides = array<i32>} : memref<128x128xf32, #tpu.memory_space<vmem>>, vector<1x16xf32>,
        %get3A_1608 = arith.index_cast %add3A_1567 : i32 to index
        %get3A_1609 = arith.constant 64 : index
        %get3A_1610 = tpu.vector_load %arg11[%get3A_1608, %get3A_1609] {strides = array<i32>} : memref<128x128xf32, #tpu.memory_space<vmem>>, vector<1x16xf32>,
        %get3A_1611 = vector.shape_cast %get3A_1610 : vector<1x16xf32> to vector<16xf32>
        %mul3A_1612 = arith.mulf %get3A_1611, %gather3A_1563 : vector<16xf32>
        %swap3A_1613 = arith.index_cast %add3A_1567 : i32 to index
        %swap3A_1614 = arith.constant 64 : index
        %swap3A_1615 = tpu.vector_load %arg11[%swap3A_1613, %swap3A_1614] {strides = array<i32>} : memref<128x128xf32, #tpu.memory_space<vmem>>, vector<1x16xf32>,
        %swap3A_1616 = vector.shape_cast %swap3A_1615 : vector<1x16xf32> to vector<16xf32>
        %swap3A_1617 = vector.shape_cast %mul3A_1612 : vector<16xf32> to vector<1x16xf32>
        tpu.vector_store %arg11[%swap3A_1613, %swap3A_1614], %swap3A_1617 {strides = array<i32>} : memref<128x128xf32, #tpu.memory_space<vmem>>, vector<1x16xf32>,
        %get3A_1618 = arith.index_cast %add3A_1567 : i32 to index
        %get3A_1619 = arith.constant 80 : index
        %get3A_1620 = tpu.vector_load %arg11[%get3A_1618, %get3A_1619] {strides = array<i32>} : memref<128x128xf32, #tpu.memory_space<vmem>>, vector<1x16xf32>,
        %get3A_1621 = vector.shape_cast %get3A_1620 : vector<1x16xf32> to vector<16xf32>
        %mul3A_1622 = arith.mulf %get3A_1621, %gather3A_1563 : vector<16xf32>
        %swap3A_1623 = arith.index_cast %add3A_1567 : i32 to index
        %swap3A_1624 = arith.constant 80 : index
        %swap3A_1625 = tpu.vector_load %arg11[%swap3A_1623, %swap3A_1624] {strides = array<i32>} : memref<128x128xf32, #tpu.memory_space<vmem>>, vector<1x16xf32>,
        %swap3A_1626 = vector.shape_cast %swap3A_1625 : vector<1x16xf32> to vector<16xf32>
        %swap3A_1627 = vector.shape_cast %mul3A_1622 : vector<16xf32> to vector<1x16xf32>
        tpu.vector_store %arg11[%swap3A_1623, %swap3A_1624], %swap3A_1627 {strides = array<i32>} : memref<128x128xf32, #tpu.memory_space<vmem>>, vector<1x16xf32>,
        %get3A_1628 = arith.index_cast %add3A_1567 : i32 to index
        %get3A_1629 = arith.constant 96 : index
        %get3A_1630 = tpu.vector_load %arg11[%get3A_1628, %get3A_1629] {strides = array<i32>} : memref<128x128xf32, #tpu.memory_space<vmem>>, vector<1x16xf32>,
        %get3A_1631 = vector.shape_cast %get3A_1630 : vector<1x16xf32> to vector<16xf32>
        %mul3A_1632 = arith.mulf %get3A_1631, %gather3A_1563 : vector<16xf32>
        %swap3A_1633 = arith.index_cast %add3A_1567 : i32 to index
        %swap3A_1634 = arith.constant 96 : index
        %swap3A_1635 = tpu.vector_load %arg11[%swap3A_1633, %swap3A_1634] {strides = array<i32>} : memref<128x128xf32, #tpu.memory_space<vmem>>, vector<1x16xf32>,
        %swap3A_1636 = vector.shape_cast %swap3A_1635 : vector<1x16xf32> to vector<16xf32>
        %swap3A_1637 = vector.shape_cast %mul3A_1632 : vector<16xf32> to vector<1x16xf32>
        tpu.vector_store %arg11[%swap3A_1633, %swap3A_1634], %swap3A_1637 {strides = array<i32>} : memref<128x128xf32, #tpu.memory_space<vmem>>, vector<1x16xf32>,
        %get3A_1638 = arith.index_cast %add3A_1567 : i32 to index
        %get3A_1639 = arith.constant 112 : index
        %get3A_1640 = tpu.vector_load %arg11[%get3A_1638, %get3A_1639] {strides = array<i32>} : memref<128x128xf32, #tpu.memory_space<vmem>>, vector<1x16xf32>,
        %get3A_1641 = vector.shape_cast %get3A_1640 : vector<1x16xf32> to vector<16xf32>
        %mul3A_1642 = arith.mulf %get3A_1641, %gather3A_1563 : vector<16xf32>
        %swap3A_1643 = arith.index_cast %add3A_1567 : i32 to index
        %swap3A_1644 = arith.constant 112 : index
        %swap3A_1645 = tpu.vector_load %arg11[%swap3A_1643, %swap3A_1644] {strides = array<i32>} : memref<128x128xf32, #tpu.memory_space<vmem>>, vector<1x16xf32>,
        %swap3A_1646 = vector.shape_cast %swap3A_1645 : vector<1x16xf32> to vector<16xf32>
        %swap3A_1647 = vector.shape_cast %mul3A_1642 : vector<16xf32> to vector<1x16xf32>
        tpu.vector_store %arg11[%swap3A_1643, %swap3A_1644], %swap3A_1647 {strides = array<i32>} : memref<128x128xf32, #tpu.memory_space<vmem>>, vector<1x16xf32>,
        %broadcast_in_dim3A_1648 = arith.constant 15 : i32
        %broadcast_in_dim3A_1649 = vector.broadcast %broadcast_in_dim3A_1648 : i32 to vector<16x1xi32>
        %gather3A_1650 = vector.shape_cast %broadcast_in_dim3A_1649 : vector<16x1xi32> to vector<16xi32>
        %gather3A_1651 = tpu.dynamic_gather %get3A_330[%gather3A_1650] in [0] : vector<16xf32>, vector<16xi32> -> vector<16xf32>
        %mul3A_1652 = arith.constant 16 : i32
        %mul3A_1653 = arith.muli %add3A_325, %mul3A_1652 : i32
        %add3A_1654 = arith.constant 15 : i32
        %add3A_1655 = arith.addi %mul3A_1653, %add3A_1654 : i32
        %get3A_1656 = arith.index_cast %add3A_1655 : i32 to index
        %get3A_1657 = arith.constant 0 : index
        %get3A_1658 = tpu.vector_load %arg11[%get3A_1656, %get3A_1657] {strides = array<i32>} : memref<128x128xf32, #tpu.memory_space<vmem>>, vector<1x16xf32>,
        %get3A_1659 = vector.shape_cast %get3A_1658 : vector<1x16xf32> to vector<16xf32>
        %mul3A_1660 = arith.mulf %get3A_1659, %gather3A_1651 : vector<16xf32>
        %swap3A_1661 = arith.index_cast %add3A_1655 : i32 to index
        %swap3A_1662 = arith.constant 0 : index
        %swap3A_1663 = tpu.vector_load %arg11[%swap3A_1661, %swap3A_1662] {strides = array<i32>} : memref<128x128xf32, #tpu.memory_space<vmem>>, vector<1x16xf32>,
        %swap3A_1664 = vector.shape_cast %swap3A_1663 : vector<1x16xf32> to vector<16xf32>
        %swap3A_1665 = vector.shape_cast %mul3A_1660 : vector<16xf32> to vector<1x16xf32>
        tpu.vector_store %arg11[%swap3A_1661, %swap3A_1662], %swap3A_1665 {strides = array<i32>} : memref<128x128xf32, #tpu.memory_space<vmem>>, vector<1x16xf32>,
        %get3A_1666 = arith.index_cast %add3A_1655 : i32 to index
        %get3A_1667 = arith.constant 16 : index
        %get3A_1668 = tpu.vector_load %arg11[%get3A_1666, %get3A_1667] {strides = array<i32>} : memref<128x128xf32, #tpu.memory_space<vmem>>, vector<1x16xf32>,
        %get3A_1669 = vector.shape_cast %get3A_1668 : vector<1x16xf32> to vector<16xf32>
        %mul3A_1670 = arith.mulf %get3A_1669, %gather3A_1651 : vector<16xf32>
        %swap3A_1671 = arith.index_cast %add3A_1655 : i32 to index
        %swap3A_1672 = arith.constant 16 : index
        %swap3A_1673 = tpu.vector_load %arg11[%swap3A_1671, %swap3A_1672] {strides = array<i32>} : memref<128x128xf32, #tpu.memory_space<vmem>>, vector<1x16xf32>,
        %swap3A_1674 = vector.shape_cast %swap3A_1673 : vector<1x16xf32> to vector<16xf32>
        %swap3A_1675 = vector.shape_cast %mul3A_1670 : vector<16xf32> to vector<1x16xf32>
        tpu.vector_store %arg11[%swap3A_1671, %swap3A_1672], %swap3A_1675 {strides = array<i32>} : memref<128x128xf32, #tpu.memory_space<vmem>>, vector<1x16xf32>,
        %get3A_1676 = arith.index_cast %add3A_1655 : i32 to index
        %get3A_1677 = arith.constant 32 : index
        %get3A_1678 = tpu.vector_load %arg11[%get3A_1676, %get3A_1677] {strides = array<i32>} : memref<128x128xf32, #tpu.memory_space<vmem>>, vector<1x16xf32>,
        %get3A_1679 = vector.shape_cast %get3A_1678 : vector<1x16xf32> to vector<16xf32>
        %mul3A_1680 = arith.mulf %get3A_1679, %gather3A_1651 : vector<16xf32>
        %swap3A_1681 = arith.index_cast %add3A_1655 : i32 to index
        %swap3A_1682 = arith.constant 32 : index
        %swap3A_1683 = tpu.vector_load %arg11[%swap3A_1681, %swap3A_1682] {strides = array<i32>} : memref<128x128xf32, #tpu.memory_space<vmem>>, vector<1x16xf32>,
        %swap3A_1684 = vector.shape_cast %swap3A_1683 : vector<1x16xf32> to vector<16xf32>
        %swap3A_1685 = vector.shape_cast %mul3A_1680 : vector<16xf32> to vector<1x16xf32>
        tpu.vector_store %arg11[%swap3A_1681, %swap3A_1682], %swap3A_1685 {strides = array<i32>} : memref<128x128xf32, #tpu.memory_space<vmem>>, vector<1x16xf32>,
        %get3A_1686 = arith.index_cast %add3A_1655 : i32 to index
        %get3A_1687 = arith.constant 48 : index
        %get3A_1688 = tpu.vector_load %arg11[%get3A_1686, %get3A_1687] {strides = array<i32>} : memref<128x128xf32, #tpu.memory_space<vmem>>, vector<1x16xf32>,
        %get3A_1689 = vector.shape_cast %get3A_1688 : vector<1x16xf32> to vector<16xf32>
        %mul3A_1690 = arith.mulf %get3A_1689, %gather3A_1651 : vector<16xf32>
        %swap3A_1691 = arith.index_cast %add3A_1655 : i32 to index
        %swap3A_1692 = arith.constant 48 : index
        %swap3A_1693 = tpu.vector_load %arg11[%swap3A_1691, %swap3A_1692] {strides = array<i32>} : memref<128x128xf32, #tpu.memory_space<vmem>>, vector<1x16xf32>,
        %swap3A_1694 = vector.shape_cast %swap3A_1693 : vector<1x16xf32> to vector<16xf32>
        %swap3A_1695 = vector.shape_cast %mul3A_1690 : vector<16xf32> to vector<1x16xf32>
        tpu.vector_store %arg11[%swap3A_1691, %swap3A_1692], %swap3A_1695 {strides = array<i32>} : memref<128x128xf32, #tpu.memory_space<vmem>>, vector<1x16xf32>,
        %get3A_1696 = arith.index_cast %add3A_1655 : i32 to index
        %get3A_1697 = arith.constant 64 : index
        %get3A_1698 = tpu.vector_load %arg11[%get3A_1696, %get3A_1697] {strides = array<i32>} : memref<128x128xf32, #tpu.memory_space<vmem>>, vector<1x16xf32>,
        %get3A_1699 = vector.shape_cast %get3A_1698 : vector<1x16xf32> to vector<16xf32>
        %mul3A_1700 = arith.mulf %get3A_1699, %gather3A_1651 : vector<16xf32>
        %swap3A_1701 = arith.index_cast %add3A_1655 : i32 to index
        %swap3A_1702 = arith.constant 64 : index
        %swap3A_1703 = tpu.vector_load %arg11[%swap3A_1701, %swap3A_1702] {strides = array<i32>} : memref<128x128xf32, #tpu.memory_space<vmem>>, vector<1x16xf32>,
        %swap3A_1704 = vector.shape_cast %swap3A_1703 : vector<1x16xf32> to vector<16xf32>
        %swap3A_1705 = vector.shape_cast %mul3A_1700 : vector<16xf32> to vector<1x16xf32>
        tpu.vector_store %arg11[%swap3A_1701, %swap3A_1702], %swap3A_1705 {strides = array<i32>} : memref<128x128xf32, #tpu.memory_space<vmem>>, vector<1x16xf32>,
        %get3A_1706 = arith.index_cast %add3A_1655 : i32 to index
        %get3A_1707 = arith.constant 80 : index
        %get3A_1708 = tpu.vector_load %arg11[%get3A_1706, %get3A_1707] {strides = array<i32>} : memref<128x128xf32, #tpu.memory_space<vmem>>, vector<1x16xf32>,
        %get3A_1709 = vector.shape_cast %get3A_1708 : vector<1x16xf32> to vector<16xf32>
        %mul3A_1710 = arith.mulf %get3A_1709, %gather3A_1651 : vector<16xf32>
        %swap3A_1711 = arith.index_cast %add3A_1655 : i32 to index
        %swap3A_1712 = arith.constant 80 : index
        %swap3A_1713 = tpu.vector_load %arg11[%swap3A_1711, %swap3A_1712] {strides = array<i32>} : memref<128x128xf32, #tpu.memory_space<vmem>>, vector<1x16xf32>,
        %swap3A_1714 = vector.shape_cast %swap3A_1713 : vector<1x16xf32> to vector<16xf32>
        %swap3A_1715 = vector.shape_cast %mul3A_1710 : vector<16xf32> to vector<1x16xf32>
        tpu.vector_store %arg11[%swap3A_1711, %swap3A_1712], %swap3A_1715 {strides = array<i32>} : memref<128x128xf32, #tpu.memory_space<vmem>>, vector<1x16xf32>,
        %get3A_1716 = arith.index_cast %add3A_1655 : i32 to index
        %get3A_1717 = arith.constant 96 : index
        %get3A_1718 = tpu.vector_load %arg11[%get3A_1716, %get3A_1717] {strides = array<i32>} : memref<128x128xf32, #tpu.memory_space<vmem>>, vector<1x16xf32>,
        %get3A_1719 = vector.shape_cast %get3A_1718 : vector<1x16xf32> to vector<16xf32>
        %mul3A_1720 = arith.mulf %get3A_1719, %gather3A_1651 : vector<16xf32>
        %swap3A_1721 = arith.index_cast %add3A_1655 : i32 to index
        %swap3A_1722 = arith.constant 96 : index
        %swap3A_1723 = tpu.vector_load %arg11[%swap3A_1721, %swap3A_1722] {strides = array<i32>} : memref<128x128xf32, #tpu.memory_space<vmem>>, vector<1x16xf32>,
        %swap3A_1724 = vector.shape_cast %swap3A_1723 : vector<1x16xf32> to vector<16xf32>
        %swap3A_1725 = vector.shape_cast %mul3A_1720 : vector<16xf32> to vector<1x16xf32>
        tpu.vector_store %arg11[%swap3A_1721, %swap3A_1722], %swap3A_1725 {strides = array<i32>} : memref<128x128xf32, #tpu.memory_space<vmem>>, vector<1x16xf32>,
        %get3A_1726 = arith.index_cast %add3A_1655 : i32 to index
        %get3A_1727 = arith.constant 112 : index
        %get3A_1728 = tpu.vector_load %arg11[%get3A_1726, %get3A_1727] {strides = array<i32>} : memref<128x128xf32, #tpu.memory_space<vmem>>, vector<1x16xf32>,
        %get3A_1729 = vector.shape_cast %get3A_1728 : vector<1x16xf32> to vector<16xf32>
        %mul3A_1730 = arith.mulf %get3A_1729, %gather3A_1651 : vector<16xf32>
        %swap3A_1731 = arith.index_cast %add3A_1655 : i32 to index
        %swap3A_1732 = arith.constant 112 : index
        %swap3A_1733 = tpu.vector_load %arg11[%swap3A_1731, %swap3A_1732] {strides = array<i32>} : memref<128x128xf32, #tpu.memory_space<vmem>>, vector<1x16xf32>,
        %swap3A_1734 = vector.shape_cast %swap3A_1733 : vector<1x16xf32> to vector<16xf32>
        %swap3A_1735 = vector.shape_cast %mul3A_1730 : vector<16xf32> to vector<1x16xf32>
        tpu.vector_store %arg11[%swap3A_1731, %swap3A_1732], %swap3A_1735 {strides = array<i32>} : memref<128x128xf32, #tpu.memory_space<vmem>>, vector<1x16xf32>,
      }
      %scan3A_309 = arith.constant 8 : i32
      %rem3A_310 = arith.constant 4 : i32
      %rem3A_311 = arith.remsi %add3A_272, %rem3A_310 : i32
      %dma_start3A_312 = arith.constant 1 : i32
      %dma_start3A_313 = arith.constant 0 : i32
      %dma_start3A_314 = tpu.memref_slice %arg8[%rem3A_311, %dma_start3A_313] : memref<4x128xi32, #tpu.memory_space<vmem>> -> memref<1x128xi32, #tpu.memory_space<vmem>>
      %dma_start3A_315 = tpu.memref_squeeze %dma_start3A_314 : memref<1x128xi32, #tpu.memory_space<vmem>> -> memref<128xi32, #tpu.memory_space<vmem>>
      %dma_start3A_316 = arith.constant 0 : i32
      %dma_start3A_317 = arith.constant 0 : i32
      %dma_start3A_318 = tpu.memref_slice %arg13[%dma_start3A_316, %dma_start3A_317] : memref<10000x128xf32, #tpu.memory_space<vmem_shared>> -> memref<10000x128xf32, #tpu.memory_space<vmem_shared>>
      %dma_start3A_319 = tpu.memref_slice %arg16[%dma_start3A_312] : memref<2x!tpu.dma_semaphore, #tpu.memory_space<semaphore_mem>> -> memref<1x!tpu.dma_semaphore, #tpu.memory_space<semaphore_mem>>
      %dma_start3A_320 = tpu.memref_squeeze %dma_start3A_319 : memref<1x!tpu.dma_semaphore, #tpu.memory_space<semaphore_mem>> -> memref<!tpu.dma_semaphore, #tpu.memory_space<semaphore_mem>>
      tpu.enqueue_indirect_dma source(%arg11 : memref<128x128xf32, #tpu.memory_space<vmem>>) target(%dma_start3A_318 : memref<10000x128xf32, #tpu.memory_space<vmem_shared>>) offsets(%dma_start3A_315 : memref<128xi32, #tpu.memory_space<vmem>>) semaphore(%dma_start3A_320 : memref<!tpu.dma_semaphore, #tpu.memory_space<semaphore_mem>>) {add = true}
    }
    %scan3A_166 = arith.constant 40 : i32
    %rem3A_167 = arith.constant 79 : i32
    %rem3A_168 = arith.constant 4 : i32
    %rem3A_169 = arith.remsi %rem3A_167, %rem3A_168 : i32
    %dma_wait3A_170 = arith.constant 1 : i32
    %dma_wait3A_171 = arith.constant 0 : i32
    %dma_wait3A_172 = tpu.memref_slice %arg8[%rem3A_169, %dma_wait3A_171] : memref<4x128xi32, #tpu.memory_space<vmem>> -> memref<1x128xi32, #tpu.memory_space<vmem>>
    %dma_wait3A_173 = tpu.memref_squeeze %dma_wait3A_172 : memref<1x128xi32, #tpu.memory_space<vmem>> -> memref<128xi32, #tpu.memory_space<vmem>>
    %dma_wait3A_174 = arith.constant 0 : i32
    %dma_wait3A_175 = arith.constant 0 : i32
    %dma_wait3A_176 = tpu.memref_slice %arg13[%dma_wait3A_174, %dma_wait3A_175] : memref<10000x128xf32, #tpu.memory_space<vmem_shared>> -> memref<10000x128xf32, #tpu.memory_space<vmem_shared>>
    %dma_wait3A_177 = tpu.memref_slice %arg16[%dma_wait3A_170] : memref<2x!tpu.dma_semaphore, #tpu.memory_space<semaphore_mem>> -> memref<1x!tpu.dma_semaphore, #tpu.memory_space<semaphore_mem>>
    %dma_wait3A_178 = tpu.memref_squeeze %dma_wait3A_177 : memref<1x!tpu.dma_semaphore, #tpu.memory_space<semaphore_mem>> -> memref<!tpu.dma_semaphore, #tpu.memory_space<semaphore_mem>>
    tpu.wait_indirect_dma semaphore(%dma_wait3A_178 : memref<!tpu.dma_semaphore, #tpu.memory_space<semaphore_mem>>) src(%arg11 : memref<128x128xf32, #tpu.memory_space<vmem>>) dst(%dma_wait3A_176 : memref<10000x128xf32, #tpu.memory_space<vmem_shared>>)
    %barrier3A_179 = arith.constant 0 : index
    tpu.barrier barrier_id(%barrier3A_179)
    %sub3A_180 = arith.constant 125 : i32
    %sub3A_181 = arith.subi %sub3A_180, %arg1 : i32
    %sub3A_182 = arith.constant 16 : i32
    %sub3A_183 = arith.constant 1 : i32
    %sub3A_184 = arith.subi %sub3A_182, %sub3A_183 : i32
    %add3A_185 = arith.addi %sub3A_181, %sub3A_184 : i32
    %div3A_186 = arith.constant 16 : i32
    %div3A_187 = arith.divsi %add3A_185, %div3A_186 : i32
    %while3A_188 = arith.constant 16 : i32
    %while3A_189 = arith.constant 0 : i32
    %while3A_190 = arith.subi %div3A_187, %while3A_189 : i32
    %while3A_191 = arith.addi %while3A_189, %while3A_190 : i32
    %while3A_192 = arith.constant 1 : i32
    %while3A_193 = arith.divsi %while3A_190, %while3A_192 : i32
    %while3A_194 = arith.muli %while3A_193, %while3A_192 : i32
    %while3A_195 = arith.addi %while3A_189, %while3A_194 : i32
    %while3A_196 = arith.constant 1 : i32
    scf.for %while3A_216 = %while3A_189 to %while3A_195 step %while3A_196  : i32 {
      %mul3A_217 = arith.muli %while3A_216, %while3A_188 : i32
      %add3A_218 = arith.addi %arg1, %mul3A_217 : i32
      %mul3A_219 = arith.constant 80 : i32
      %mul3A_220 = arith.muli %add3A_218, %mul3A_219 : i32
      %mul3A_221 = arith.constant 80 : i32
      %mul3A_222 = arith.muli %add3A_218, %mul3A_221 : i32
      %dma_start3A_223 = arith.constant 0 : i32
      %dma_start3A_224 = tpu.memref_slice %arg6[%arg0, %mul3A_222, %dma_start3A_223] : memref<2x10000x128xf32, #tpu.memory_space<hbm>> -> memref<1x80x128xf32, #tpu.memory_space<hbm>>
      %dma_start3A_225 = tpu.memref_squeeze %dma_start3A_224 : memref<1x80x128xf32, #tpu.memory_space<hbm>> -> memref<80x128xf32, #tpu.memory_space<hbm>>
      %dma_start3A_226 = arith.constant 0 : i32
      %dma_start3A_227 = tpu.memref_slice %arg13[%mul3A_220, %dma_start3A_226] : memref<10000x128xf32, #tpu.memory_space<vmem_shared>> -> memref<80x128xf32, #tpu.memory_space<vmem_shared>>
      tpu.enqueue_dma source(%dma_start3A_227 : memref<80x128xf32, #tpu.memory_space<vmem_shared>>) target(%dma_start3A_225 : memref<80x128xf32, #tpu.memory_space<hbm>>) target_semaphore(%arg17 : memref<!tpu.dma_semaphore, #tpu.memory_space<semaphore_mem>>)
    }
    %while3A_197 = arith.constant 1 : i32
    scf.for %while3A_216 = %while3A_195 to %while3A_191 step %while3A_197  : i32 {
      %mul3A_217 = arith.muli %while3A_216, %while3A_188 : i32
      %add3A_218 = arith.addi %arg1, %mul3A_217 : i32
      %mul3A_219 = arith.constant 80 : i32
      %mul3A_220 = arith.muli %add3A_218, %mul3A_219 : i32
      %mul3A_221 = arith.constant 80 : i32
      %mul3A_222 = arith.muli %add3A_218, %mul3A_221 : i32
      %dma_start3A_223 = arith.constant 0 : i32
      %dma_start3A_224 = tpu.memref_slice %arg6[%arg0, %mul3A_222, %dma_start3A_223] : memref<2x10000x128xf32, #tpu.memory_space<hbm>> -> memref<1x80x128xf32, #tpu.memory_space<hbm>>
      %dma_start3A_225 = tpu.memref_squeeze %dma_start3A_224 : memref<1x80x128xf32, #tpu.memory_space<hbm>> -> memref<80x128xf32, #tpu.memory_space<hbm>>
      %dma_start3A_226 = arith.constant 0 : i32
      %dma_start3A_227 = tpu.memref_slice %arg13[%mul3A_220, %dma_start3A_226] : memref<10000x128xf32, #tpu.memory_space<vmem_shared>> -> memref<80x128xf32, #tpu.memory_space<vmem_shared>>
      tpu.enqueue_dma source(%dma_start3A_227 : memref<80x128xf32, #tpu.memory_space<vmem_shared>>) target(%dma_start3A_225 : memref<80x128xf32, #tpu.memory_space<hbm>>) target_semaphore(%arg17 : memref<!tpu.dma_semaphore, #tpu.memory_space<semaphore_mem>>)
    }
    %sub3A_198 = arith.constant 125 : i32
    %sub3A_199 = arith.subi %sub3A_198, %arg1 : i32
    %sub3A_200 = arith.constant 16 : i32
    %sub3A_201 = arith.constant 1 : i32
    %sub3A_202 = arith.subi %sub3A_200, %sub3A_201 : i32
    %add3A_203 = arith.addi %sub3A_199, %sub3A_202 : i32
    %div3A_204 = arith.constant 16 : i32
    %div3A_205 = arith.divsi %add3A_203, %div3A_204 : i32
    %while3A_206 = arith.constant 16 : i32
    %while3A_207 = arith.constant 0 : i32
    %while3A_208 = arith.subi %div3A_205, %while3A_207 : i32
    %while3A_209 = arith.addi %while3A_207, %while3A_208 : i32
    %while3A_210 = arith.constant 1 : i32
    %while3A_211 = arith.divsi %while3A_208, %while3A_210 : i32
    %while3A_212 = arith.muli %while3A_211, %while3A_210 : i32
    %while3A_213 = arith.addi %while3A_207, %while3A_212 : i32
    %while3A_214 = arith.constant 1 : i32
    scf.for %while3A_216 = %while3A_207 to %while3A_213 step %while3A_214  : i32 {
      %mul3A_217 = arith.muli %while3A_216, %while3A_206 : i32
      %add3A_218 = arith.addi %arg1, %mul3A_217 : i32
      %mul3A_219 = arith.constant 80 : i32
      %mul3A_220 = arith.muli %add3A_218, %mul3A_219 : i32
      %mul3A_221 = arith.constant 80 : i32
      %mul3A_222 = arith.muli %add3A_218, %mul3A_221 : i32
      %dma_wait3A_223 = arith.constant 0 : i32
      %dma_wait3A_224 = tpu.memref_slice %arg6[%arg0, %mul3A_222, %dma_wait3A_223] : memref<2x10000x128xf32, #tpu.memory_space<hbm>> -> memref<1x80x128xf32, #tpu.memory_space<hbm>>
      %dma_wait3A_225 = tpu.memref_squeeze %dma_wait3A_224 : memref<1x80x128xf32, #tpu.memory_space<hbm>> -> memref<80x128xf32, #tpu.memory_space<hbm>>
      %dma_wait3A_226 = arith.constant 0 : i32
      %dma_wait3A_227 = tpu.memref_slice %arg13[%mul3A_220, %dma_wait3A_226] : memref<10000x128xf32, #tpu.memory_space<vmem_shared>> -> memref<80x128xf32, #tpu.memory_space<vmem_shared>>
      tpu.wait_dma2 semaphore(%arg17 : memref<!tpu.dma_semaphore, #tpu.memory_space<semaphore_mem>>) src(%dma_wait3A_227 : memref<80x128xf32, #tpu.memory_space<vmem_shared>>) dst(%dma_wait3A_225 : memref<80x128xf32, #tpu.memory_space<hbm>>)
    }
    %while3A_215 = arith.constant 1 : i32
    scf.for %while3A_216 = %while3A_213 to %while3A_209 step %while3A_215  : i32 {
      %mul3A_217 = arith.muli %while3A_216, %while3A_206 : i32
      %add3A_218 = arith.addi %arg1, %mul3A_217 : i32
      %mul3A_219 = arith.constant 80 : i32
      %mul3A_220 = arith.muli %add3A_218, %mul3A_219 : i32
      %mul3A_221 = arith.constant 80 : i32
      %mul3A_222 = arith.muli %add3A_218, %mul3A_221 : i32
      %dma_wait3A_223 = arith.constant 0 : i32
      %dma_wait3A_224 = tpu.memref_slice %arg6[%arg0, %mul3A_222, %dma_wait3A_223] : memref<2x10000x128xf32, #tpu.memory_space<hbm>> -> memref<1x80x128xf32, #tpu.memory_space<hbm>>
      %dma_wait3A_225 = tpu.memref_squeeze %dma_wait3A_224 : memref<1x80x128xf32, #tpu.memory_space<hbm>> -> memref<80x128xf32, #tpu.memory_space<hbm>>
      %dma_wait3A_226 = arith.constant 0 : i32
      %dma_wait3A_227 = tpu.memref_slice %arg13[%mul3A_220, %dma_wait3A_226] : memref<10000x128xf32, #tpu.memory_space<vmem_shared>> -> memref<80x128xf32, #tpu.memory_space<vmem_shared>>
      tpu.wait_dma2 semaphore(%arg17 : memref<!tpu.dma_semaphore, #tpu.memory_space<semaphore_mem>>) src(%dma_wait3A_227 : memref<80x128xf32, #tpu.memory_space<vmem_shared>>) dst(%dma_wait3A_225 : memref<80x128xf32, #tpu.memory_space<hbm>>)
    }
    return
  }
}

module attributes {stable_mosaic.version = 14 : i64} {
  func.func @body(%arg0: i32, %arg1: memref<1280x128xf32, #tpu.memory_space<vmem>>, %arg2: memref<128x128xf32, #tpu.memory_space<vmem>>, %arg3: memref<1280x128xf32, #tpu.memory_space<vmem>>) attributes {dimension_semantics = [#tpu.dimension_semantics<arbitrary>], iteration_bounds = array<i64: 8>, scalar_prefetch = 0 : i64, scratch_operands = 0 : i64, tpu.core_type = #tpu.core_type<tc>, window_params = [{transform_indices = @transform_0, window_bounds = array<i64: 1280, 128>}, {pipeline_mode = #tpu.pipeline_mode<synchronous>, transform_indices = @transform_1, window_bounds = array<i64: 128, 128>}, {transform_indices = @transform_2, window_bounds = array<i64: 1280, 128>}]} {
    %get3A = arith.constant 0 : index
    %get3A_0 = arith.constant 0 : index
    %get3A_1 = vector.load %arg1[%get3A, %get3A_0] : memref<1280x128xf32, #tpu.memory_space<vmem>>, vector<1280x128xf32>
    %get3A_2 = arith.constant 0 : index
    %get3A_3 = arith.constant 0 : index
    %get3A_4 = vector.load %arg2[%get3A_2, %get3A_3] : memref<128x128xf32, #tpu.memory_space<vmem>>, vector<128x128xf32>
    %dot_general3A = arith.constant dense<0.000000e+00> : vector<1280x128xf32>
    %dot_general3A_5 = tpu.matmul %get3A_1, %get3A_4, %dot_general3A {dimension_numbers = #tpu.dot_dimension_numbers<[1], [0], [0], [1], [0, 0, 1, 1], [], []>, transpose_lhs_hint = false} : vector<1280x128xf32>, vector<128x128xf32>, vector<1280x128xf32> -> vector<1280x128xf32>
    %swap3A = arith.constant 0 : index
    %swap3A_6 = arith.constant 0 : index
    %swap3A_7 = vector.load %arg3[%swap3A, %swap3A_6] : memref<1280x128xf32, #tpu.memory_space<vmem>>, vector<1280x128xf32>
    tpu.vector_store %arg3[%swap3A, %swap3A_6], %dot_general3A_5 {strides = array<i32>} : memref<1280x128xf32, #tpu.memory_space<vmem>>, vector<1280x128xf32>,
    return
  }
  func.func @transform_0(%arg0: i32) -> (i32, i32) {
    %c0_i32 = arith.constant 0 : i32
    %c0_i32_0 = arith.constant 0 : i32
    return %arg0, %c0_i32 : i32, i32
  }
  func.func @transform_1(%arg0: i32) -> (i32, i32) {
    %c0_i32 = arith.constant 0 : i32
    %c0_i32_0 = arith.constant 0 : i32
    %c0_i32_1 = arith.constant 0 : i32
    return %c0_i32, %c0_i32_0 : i32, i32
  }
  func.func @transform_2(%arg0: i32) -> (i32, i32) {
    %c0_i32 = arith.constant 0 : i32
    %c0_i32_0 = arith.constant 0 : i32
    return %arg0, %c0_i32 : i32, i32
  }
}

module attributes {stable_mosaic.version = 14 : i64} {
  func.func @body(%arg0: i32, %arg1: memref<1280x128xf32, #tpu.memory_space<vmem>>, %arg2: memref<10240xf32, #tpu.memory_space<vmem>>, %arg3: memref<10240xf32, #tpu.memory_space<vmem>>, %arg4: memref<1280x128xf32, #tpu.memory_space<vmem>>) attributes {dimension_semantics = [#tpu.dimension_semantics<arbitrary>], iteration_bounds = array<i64: 8>, scalar_prefetch = 0 : i64, scratch_operands = 0 : i64, tpu.core_type = #tpu.core_type<tc>, window_params = [{transform_indices = @transform_0, window_bounds = array<i64: 1280, 128>}, {pipeline_mode = #tpu.pipeline_mode<synchronous>, transform_indices = @transform_1, window_bounds = array<i64: 10240>}, {pipeline_mode = #tpu.pipeline_mode<synchronous>, transform_indices = @transform_2, window_bounds = array<i64: 10240>}, {transform_indices = @transform_3, window_bounds = array<i64: 1280, 128>}]} {
    %mul3A = arith.constant 1280 : i32
    %mul3A_0 = arith.muli %arg0, %mul3A : i32
    %get3A = arith.index_cast %mul3A_0 : i32 to index
    %get3A_1 = vector.load %arg2[%get3A] : memref<10240xf32, #tpu.memory_space<vmem>>, vector<1280xf32>
    %mul3A_2 = arith.constant 1280 : i32
    %mul3A_3 = arith.muli %arg0, %mul3A_2 : i32
    %get3A_4 = arith.index_cast %mul3A_3 : i32 to index
    %get3A_5 = vector.load %arg3[%get3A_4] : memref<10240xf32, #tpu.memory_space<vmem>>, vector<1280xf32>
    %add3A = arith.addf %get3A_1, %get3A_5 : vector<1280xf32>
    %add3A_6 = arith.constant 2.000000e+00 : f32
    %add3A_7 = vector.broadcast %add3A_6 : f32 to vector<1280xf32>
    %add3A_8 = arith.addf %add3A, %add3A_7 : vector<1280xf32>
    %gt3A = arith.constant 0.000000e+00 : f32
    %gt3A_9 = vector.broadcast %gt3A : f32 to vector<1280xf32>
    %gt3A_10 = arith.cmpf ogt, %add3A_8, %gt3A_9 : vector<1280xf32>
    %gt3A_11 = arith.constant 0.000000e+00 : f32
    %gt3A_12 = vector.broadcast %gt3A_11 : f32 to vector<1280xf32>
    %gt3A_13 = arith.cmpf ogt, %add3A_8, %gt3A_12 : vector<1280xf32>
    %jit3A = arith.constant 1.000000e+00 : f32
    %broadcast_in_dim3A = vector.broadcast %jit3A : f32 to vector<1280xf32>
    %select_n3A = arith.select %gt3A_13, %add3A_8, %broadcast_in_dim3A : vector<1280xi1>, vector<1280xf32>
    %rsqrt3A = math.rsqrt %select_n3A : vector<1280xf32>
    %jit3A_14 = arith.constant 0.000000e+00 : f32
    %broadcast_in_dim3A_15 = vector.broadcast %jit3A_14 : f32 to vector<1280xf32>
    %select_n3A_16 = arith.select %gt3A_10, %rsqrt3A, %broadcast_in_dim3A_15 : vector<1280xi1>, vector<1280xf32>
    %broadcast_in_dim3A_17 = vector.shape_cast %select_n3A_16 : vector<1280xf32> to vector<1280x1xf32>
    %get3A_18 = arith.constant 0 : index
    %get3A_19 = arith.constant 0 : index
    %get3A_20 = vector.load %arg1[%get3A_18, %get3A_19] : memref<1280x128xf32, #tpu.memory_space<vmem>>, vector<1280x128xf32>
    %mul3A_21 = vector.broadcast %broadcast_in_dim3A_17 : vector<1280x1xf32> to vector<1280x128xf32>
    %mul3A_22 = arith.mulf %mul3A_21, %get3A_20 : vector<1280x128xf32>
    %swap3A = arith.constant 0 : index
    %swap3A_23 = arith.constant 0 : index
    %swap3A_24 = vector.load %arg4[%swap3A, %swap3A_23] : memref<1280x128xf32, #tpu.memory_space<vmem>>, vector<1280x128xf32>
    tpu.vector_store %arg4[%swap3A, %swap3A_23], %mul3A_22 {strides = array<i32>} : memref<1280x128xf32, #tpu.memory_space<vmem>>, vector<1280x128xf32>,
    return
  }
  func.func @transform_0(%arg0: i32) -> (i32, i32) {
    %c0_i32 = arith.constant 0 : i32
    %c0_i32_0 = arith.constant 0 : i32
    return %arg0, %c0_i32 : i32, i32
  }
  func.func @transform_1(%arg0: i32) -> i32 {
    %c0_i32 = arith.constant 0 : i32
    %c0_i32_0 = arith.constant 0 : i32
    return %c0_i32 : i32
  }
  func.func @transform_2(%arg0: i32) -> i32 {
    %c0_i32 = arith.constant 0 : i32
    %c0_i32_0 = arith.constant 0 : i32
    return %c0_i32 : i32
  }
  func.func @transform_3(%arg0: i32) -> (i32, i32) {
    %c0_i32 = arith.constant 0 : i32
    %c0_i32_0 = arith.constant 0 : i32
    return %arg0, %c0_i32 : i32, i32
  }
}

module attributes {stable_mosaic.version = 14 : i64} {
  func.func @body(%arg0: i32, %arg1: memref<2x1280x128xf32, #tpu.memory_space<vmem>>, %arg2: memref<10240xf32, #tpu.memory_space<vmem>>, %arg3: memref<10240xf32, #tpu.memory_space<vmem>>, %arg4: memref<1280x128xf32, #tpu.memory_space<vmem>>, %arg5: memref<1x128xf32, #tpu.memory_space<vmem>>, %arg6: memref<1280x128xf32, #tpu.memory_space<vmem>>) attributes {dimension_semantics = [#tpu.dimension_semantics<arbitrary>], iteration_bounds = array<i64: 8>, scalar_prefetch = 0 : i64, scratch_operands = 0 : i64, tpu.core_type = #tpu.core_type<tc>, window_params = [{transform_indices = @transform_0, window_bounds = array<i64: 2, 1280, 128>}, {pipeline_mode = #tpu.pipeline_mode<synchronous>, transform_indices = @transform_1, window_bounds = array<i64: 10240>}, {pipeline_mode = #tpu.pipeline_mode<synchronous>, transform_indices = @transform_2, window_bounds = array<i64: 10240>}, {transform_indices = @transform_3, window_bounds = array<i64: 1280, 128>}, {pipeline_mode = #tpu.pipeline_mode<synchronous>, transform_indices = @transform_4, window_bounds = array<i64: 1, 128>}, {transform_indices = @transform_5, window_bounds = array<i64: 1280, 128>}]} {
    %mul3A = arith.constant 1280 : i32
    %mul3A_0 = arith.muli %arg0, %mul3A : i32
    %get3A = arith.index_cast %mul3A_0 : i32 to index
    %get3A_1 = vector.load %arg2[%get3A] : memref<10240xf32, #tpu.memory_space<vmem>>, vector<1280xf32>
    %mul3A_2 = arith.constant 1280 : i32
    %mul3A_3 = arith.muli %arg0, %mul3A_2 : i32
    %get3A_4 = arith.index_cast %mul3A_3 : i32 to index
    %get3A_5 = vector.load %arg3[%get3A_4] : memref<10240xf32, #tpu.memory_space<vmem>>, vector<1280xf32>
    %add3A = arith.addf %get3A_1, %get3A_5 : vector<1280xf32>
    %add3A_6 = arith.constant 2.000000e+00 : f32
    %add3A_7 = vector.broadcast %add3A_6 : f32 to vector<1280xf32>
    %add3A_8 = arith.addf %add3A, %add3A_7 : vector<1280xf32>
    %gt3A = arith.constant 0.000000e+00 : f32
    %gt3A_9 = vector.broadcast %gt3A : f32 to vector<1280xf32>
    %gt3A_10 = arith.cmpf ogt, %add3A_8, %gt3A_9 : vector<1280xf32>
    %gt3A_11 = arith.constant 0.000000e+00 : f32
    %gt3A_12 = vector.broadcast %gt3A_11 : f32 to vector<1280xf32>
    %gt3A_13 = arith.cmpf ogt, %add3A_8, %gt3A_12 : vector<1280xf32>
    %jit3A = arith.constant 1.000000e+00 : f32
    %broadcast_in_dim3A = vector.broadcast %jit3A : f32 to vector<1280xf32>
    %select_n3A = arith.select %gt3A_13, %add3A_8, %broadcast_in_dim3A : vector<1280xi1>, vector<1280xf32>
    %rsqrt3A = math.rsqrt %select_n3A : vector<1280xf32>
    %jit3A_14 = arith.constant 0.000000e+00 : f32
    %broadcast_in_dim3A_15 = vector.broadcast %jit3A_14 : f32 to vector<1280xf32>
    %select_n3A_16 = arith.select %gt3A_10, %rsqrt3A, %broadcast_in_dim3A_15 : vector<1280xi1>, vector<1280xf32>
    %get3A_17 = arith.constant 0 : index
    %get3A_18 = arith.constant 0 : index
    %get3A_19 = arith.constant 0 : index
    %get3A_20 = vector.load %arg1[%get3A_17, %get3A_18, %get3A_19] : memref<2x1280x128xf32, #tpu.memory_space<vmem>>, vector<1x1280x128xf32>
    %get3A_21 = vector.shape_cast %get3A_20 : vector<1x1280x128xf32> to vector<1280x128xf32>
    %get3A_22 = arith.constant 1 : index
    %get3A_23 = arith.constant 0 : index
    %get3A_24 = arith.constant 0 : index
    %get3A_25 = vector.load %arg1[%get3A_22, %get3A_23, %get3A_24] : memref<2x1280x128xf32, #tpu.memory_space<vmem>>, vector<1x1280x128xf32>
    %get3A_26 = vector.shape_cast %get3A_25 : vector<1x1280x128xf32> to vector<1280x128xf32>
    %add3A_27 = arith.addf %get3A_21, %get3A_26 : vector<1280x128xf32>
    %get3A_28 = arith.constant 0 : index
    %get3A_29 = arith.constant 0 : index
    %get3A_30 = vector.load %arg4[%get3A_28, %get3A_29] : memref<1280x128xf32, #tpu.memory_space<vmem>>, vector<1280x128xf32>
    %mul3A_31 = arith.constant 2.000000e+00 : f32
    %mul3A_32 = vector.broadcast %mul3A_31 : f32 to vector<1280x128xf32>
    %mul3A_33 = arith.mulf %mul3A_32, %get3A_30 : vector<1280x128xf32>
    %add3A_34 = arith.addf %add3A_27, %mul3A_33 : vector<1280x128xf32>
    %broadcast_in_dim3A_35 = vector.shape_cast %select_n3A_16 : vector<1280xf32> to vector<1280x1xf32>
    %mul3A_36 = vector.broadcast %broadcast_in_dim3A_35 : vector<1280x1xf32> to vector<1280x128xf32>
    %mul3A_37 = arith.mulf %mul3A_36, %add3A_34 : vector<1280x128xf32>
    %get3A_38 = arith.constant 0 : index
    %get3A_39 = arith.constant 0 : index
    %get3A_40 = vector.load %arg5[%get3A_38, %get3A_39] : memref<1x128xf32, #tpu.memory_space<vmem>>, vector<1x128xf32>
    %add3A_41 = vector.broadcast %get3A_40 : vector<1x128xf32> to vector<1280x128xf32>
    %add3A_42 = arith.addf %mul3A_37, %add3A_41 : vector<1280x128xf32>
    %max3A = arith.constant 0.000000e+00 : f32
    %max3A_43 = vector.broadcast %max3A : f32 to vector<1280x128xf32>
    %max3A_44 = arith.maximumf %add3A_42, %max3A_43 : vector<1280x128xf32>
    %swap3A = arith.constant 0 : index
    %swap3A_45 = arith.constant 0 : index
    %swap3A_46 = vector.load %arg6[%swap3A, %swap3A_45] : memref<1280x128xf32, #tpu.memory_space<vmem>>, vector<1280x128xf32>
    tpu.vector_store %arg6[%swap3A, %swap3A_45], %max3A_44 {strides = array<i32>} : memref<1280x128xf32, #tpu.memory_space<vmem>>, vector<1280x128xf32>,
    return
  }
  func.func @transform_0(%arg0: i32) -> (i32, i32, i32) {
    %c0_i32 = arith.constant 0 : i32
    %c0_i32_0 = arith.constant 0 : i32
    %c0_i32_1 = arith.constant 0 : i32
    return %c0_i32, %arg0, %c0_i32_0 : i32, i32, i32
  }
  func.func @transform_1(%arg0: i32) -> i32 {
    %c0_i32 = arith.constant 0 : i32
    %c0_i32_0 = arith.constant 0 : i32
    return %c0_i32 : i32
  }
  func.func @transform_2(%arg0: i32) -> i32 {
    %c0_i32 = arith.constant 0 : i32
    %c0_i32_0 = arith.constant 0 : i32
    return %c0_i32 : i32
  }
  func.func @transform_3(%arg0: i32) -> (i32, i32) {
    %c0_i32 = arith.constant 0 : i32
    %c0_i32_0 = arith.constant 0 : i32
    return %arg0, %c0_i32 : i32, i32
  }
  func.func @transform_4(%arg0: i32) -> (i32, i32) {
    %c0_i32 = arith.constant 0 : i32
    %c0_i32_0 = arith.constant 0 : i32
    %c0_i32_1 = arith.constant 0 : i32
    return %c0_i32, %c0_i32_0 : i32, i32
  }
  func.func @transform_5(%arg0: i32) -> (i32, i32) {
    %c0_i32 = arith.constant 0 : i32
    %c0_i32_0 = arith.constant 0 : i32
    return %arg0, %c0_i32 : i32, i32
  }
}

</mosaic_0001>

<sc_bundles>
// kernel: kernel.10.cloned.1.call-start
scs
__scs_entry_jumppad:
0x0: {  	(pc) =	sbr.rel $0x88, $3  }
0x1: {  	(tag) =	ssettag $0x0;
	lr =	simm.s32 $0x1  }
0x2: {  	[smem:$0x3F9C] =	sst lr;
	_ =	strace $0xD0000000  }
0x3: {  	_ = 	snop  }
0x4: {  	_ = 	snop  }
0x5: {  	_ = 	snop  }
0x6: {  	_ = 	snop  }
0x7: {  	_ = 	snop  }
__scs_overlays_trampoline_lowered:
0x8: {  	[smem:$0x3FAB] =	sst s0  }
0x9: {  	[smem:$0x3FAC] =	sst s1  }
0xa: {  	[smem:$0x3FAD] =	sst s2  }
0xb: {  	[smem:$0x3FAE] =	sst s3  }
0xc: {  	[smem:$0x3FAF] =	sst s4  }
0xd: {  	[smem:$0x3FB0] =	sst s5  }
0xe: {  	[smem:$0x3FB1] =	sst s6  }
0xf: {  	[smem:$0x3FB2] =	sst s7  }
0x10: {  	[smem:$0x3FB3] =	sst s8  }
0x11: {  	[smem:$0x3FB4] =	sst s9;
	s0 =	simm.s32 @!p0 $0x0  }
0x12: {  	s1 =	sld [smem:$0x3F9A];
	s0 =	simm.s32 @p0 $0x1  }
0x13: {  	[smem:$0x3FB5] =	sst s0;
	s0 =	simm.s32 @!p1 $0x0  }
0x14: {  	s2 =	sld [smem:$0x3F99];
	s0 =	simm.s32 @p1 $0x1  }
0x15: {  	[smem:$0x3FB6] =	sst s0;
	s0 =	simm.s32 @!p2 $0x0  }
0x16: {  	s3 =	sld [smem:$0x3FDB];
	s0 =	simm.s32 @p2 $0x1  }
0x17: {  	s4 =	simm.s32 $0x1BF5;
	[smem:$0x3FB8] =	sst s0  }
0x18: {  	s0 =	sld [smem:$0x3F9B];
	_ =	swait.ge [sflag:s4], $0x0  }
0x19: {  	s7 =	sld [smem:$0x3F9C]  }
0x1a: {  	s8 =	sadd.s32 $0xFFFFE003, lr  }
0x1b: {  	s9 =	sadd.s32 $0xFFFFFEF7, lr;
	s5 =	simm.s32 $0xFFFFFFFF;
	p2 =	slt.u32 s8, $0xFFFFF086  }
0x1c: {  	p1 =	slt.u32 s9, $0xF7A;
	s5 =	simm.s32 @!p2 $0x0  }
0x1d: {  	s5 =	simm.s32 @p1 $0x1;
	p0 =	seq.s32 s7, s2  }
0x1e: {  	s7 =	smul.u32 @!p0 $0xF7A, s2;
	p2 =	seq.s32 @!p0 s5, $0x0  }
0x1f: {  	s9 =	smul.u32 $0xF7A, s1;
	s8 =	simm.s32 @!p0 $0x1BF5;
	p2 =	por !p2, p0  }
0x20: {  	[sflag:s8] =	ssyncset.s32 @!p0 $0xFFFFF086;
	s6 =	sadd.s32 @!p0 s3, s7;
	s7 =	simm.s32 @!p0 $0x108  }
0x21: {  	s3 =	sadd.s32 s3, s9;
	s6 =	sadd.s32 @!p0 $0x88, s6;
	s7 =	simm.s32 @p2 $0x1082  }
0x22: {  	[simem:s7], [sflag:s8] =	dma.local @!p0 [hbm:s6], $0xF7A  }
0x23: {  	s9 =	sor.u32 $0xD0000000, s2;
	s6 =	simm.s32 $0x108;
	_ =	swait.ge @!p0 [sflag:s8], $0x0  }
0x24: {  	s3 =	sadd.s32 $0x88, s3;
	s6 =	simm.s32 @!p1 $0x1082;
	[sflag:s4] =	ssyncset.s32 $0xFFFFF086  }
0x25: {  	[simem:s6], [sflag:s4] =	dma.local [hbm:s3], $0xF7A  }
0x26: {  	[smem:$0x3F9C] =	sst s1;
	(tag) =	ssettag s2;
	_ =	strace s9  }
0x27: {  	s1 =	sld [smem:$0x3FAC]  }
0x28: {  	s2 =	sld [smem:$0x3FAD]  }
0x29: {  	s4 =	sld [smem:$0x3FAF]  }
0x2a: {  	p0 =	seq.s32 s5, $0x0;
	s5 =	sld [smem:$0x3FB0]  }
0x2b: {  	s6 =	sld [smem:$0x3FB1]  }
0x2c: {  	s7 =	sld [smem:$0x3FB2]  }
0x2d: {  	s3 =	simm.s32 $0x108;
	s8 =	sld [smem:$0x3FB3]  }
0x2e: {  	s3 =	simm.s32 @!p0 $0x1082;
	s9 =	sld [smem:$0x3FB4]  }
0x2f: {  	lr =	sadd.s32 s0, s3;
	s0 =	sld [smem:$0x3FAB]  }
0x30: {  	s3 =	sld [smem:$0x3FAE]  }
0x31: {  	[smem:$0x3FB7] =	sst s10  }
0x32: {  	s10 =	sld [smem:$0x3FB5];
	_ =	sdelay $0x3  }
0x33: {  	p0 =	seq.s32 s10, $0x1;
	s10 =	sld [smem:$0x3FB7];
	_ =	sdelay $0x3  }
0x34: {  	[smem:$0x3FB7] =	sst s10  }
0x35: {  	s10 =	sld [smem:$0x3FB6];
	_ =	sdelay $0x3  }
0x36: {  	p1 =	seq.s32 s10, $0x1;
	s10 =	sld [smem:$0x3FB7];
	_ =	sdelay $0x3  }
0x37: {  	[smem:$0x3FB7] =	sst s10  }
0x38: {  	s10 =	sld [smem:$0x3FB8]  }
0x39: {  	_ = 	snop;
	(pc) =	sbr.ind lr, $3  }
0x3a: {  	_ = 	snop  }
0x3b: {  	_ = 	snop  }
0x3c: {  	p2 =	seq.s32 s10, $0x1;
	s10 =	sld [smem:$0x3FB7]  }
0x3d: {  	_ =	shalt  }
0x3e: {  	_ =	shalt  }
0x3f: {  	_ =	shalt  }
0x40: {  	_ =	shalt  }
0x41: {  	_ =	shalt  }
0x42: {  	_ =	shalt  }
0x43: {  	_ =	shalt  }
0x44: {  	_ =	shalt  }
0x45: {  	_ =	shalt  }
0x46: {  	_ =	shalt  }
0x47: {  	_ =	shalt  }
0x48: {  	_ =	shalt  }
0x49: {  	_ =	shalt  }
0x4a: {  	_ =	shalt  }
0x4b: {  	_ =	shalt  }
0x4c: {  	_ =	shalt  }
0x4d: {  	_ =	shalt  }
0x4e: {  	_ =	shalt  }
0x4f: {  	_ =	shalt  }
0x50: {  	_ =	shalt  }
0x51: {  	_ =	shalt  }
0x52: {  	_ =	shalt  }
0x53: {  	_ =	shalt  }
0x54: {  	_ =	shalt  }
0x55: {  	_ =	shalt  }
0x56: {  	_ =	shalt  }
0x57: {  	_ =	shalt  }
0x58: {  	_ =	shalt  }
0x59: {  	_ =	shalt  }
0x5a: {  	_ =	shalt  }
0x5b: {  	_ =	shalt  }
0x5c: {  	_ =	shalt  }
0x5d: {  	_ =	shalt  }
0x5e: {  	_ =	shalt  }
0x5f: {  	_ =	shalt  }
0x60: {  	_ =	shalt  }
0x61: {  	_ =	shalt  }
0x62: {  	_ =	shalt  }
0x63: {  	_ =	shalt  }
0x64: {  	_ =	shalt  }
0x65: {  	_ =	shalt  }
0x66: {  	_ =	shalt  }
0x67: {  	_ =	shalt  }
0x68: {  	_ =	shalt  }
0x69: {  	_ =	shalt  }
0x6a: {  	_ =	shalt  }
0x6b: {  	_ =	shalt  }
0x6c: {  	_ =	shalt  }
0x6d: {  	_ =	shalt  }
0x6e: {  	_ =	shalt  }
0x6f: {  	_ =	shalt  }
0x70: {  	_ =	shalt  }
0x71: {  	_ =	shalt  }
0x72: {  	_ =	shalt  }
0x73: {  	_ =	shalt  }
0x74: {  	_ =	shalt  }
0x75: {  	_ =	shalt  }
0x76: {  	_ =	shalt  }
0x77: {  	_ =	shalt  }
0x78: {  	_ =	shalt  }
0x79: {  	_ =	shalt  }
0x7a: {  	_ =	shalt  }
0x7b: {  	_ =	shalt  }
0x7c: {  	_ =	shalt  }
0x7d: {  	_ =	shalt  }
0x7e: {  	_ =	shalt  }
0x7f: {  	_ =	shalt  }
0x80: {  	_ =	shalt  }
0x81: {  	_ =	shalt  }
0x82: {  	_ =	shalt  }
0x83: {  	_ =	shalt  }
0x84: {  	_ =	shalt  }
0x85: {  	_ =	shalt  }
0x86: {  	_ =	shalt  }
0x87: {  	_ =	shalt  }
.Lfunc_end0:
.L_simem_size_0:
called_computation.1_lowered:
.L_overlay_start_0:
0x88: {  	s2 =	sld [smem:$0x3FD9]  }
0x89: {  	s3 =	sld [smem:$0x3FFE];
	_ =	sdelay $0x1  }
0x8a: {  	s1 =	srdreg.scid  }
0x8b: {  	s0 =	sand.u32 $0x1, s1  }
0x8c: {  	s17 =	sshll.u32 s0, $0xA;
	s2 =	sadd.s32 s3, s2  }
0x8d: {  	s2 =	sadd.s32 s2, s17  }
0x8e: {  	[smem:$0x3FC3] =	sst s2  }
0x8f: {  	_ = 	snop  }
0x90: {  	s2 =	sld [smem:$0x3FD0];
	(tm) =	ssettm $0x1  }
0x91: {  	s18 =	sld [smem:$0x3FFB];
	_ =	sdelay $0x3  }
0x92: {  	_ =	strace s18  }
0x93: {  	s3 =	sld [smem:$0x3FFC];
	_ =	sdelay $0x3  }
0x94: {  	_ =	strace s3  }
0x95: {  	s3 =	sld [smem:$0x3FFD];
	_ =	sdelay $0x3  }
0x96: {  	_ =	strace s3  }
0x97: {  	_ =	strace $0x8FFFFFFF  }
0x98: {  	s19 =	sld [smem:$0x3FDB];
	_ =	sdelay $0x1  }
0x99: {  	s4 =	simm.s32 $_scs_section_size  }
0x9a: {  	s5 =	simm.s32 $_size__tile_overlayer_lowered;
	s6 =	simm.s32 $_tile_overlayer_lowered  }
0x9b: {  	s22 =	simm.s32 $0x1BFF;
	s21 =	sshll.u32 s6, $0x1;
	s3 =	sadd.s32 s4, s19  }
0x9c: {  	s7 =	simm.s32 $0x0;
	s20 =	sshll.u32 s5, $0x1;
	s5 =	sadd.s32 s21, s3  }
0x9d: {  	[timem:s7], [sflag:s22] =	dma.local [hbm:s5], s20  }
0x9e: {  	_ =	swait.ge [sflag:s22], s20  }
0x9f: {  	s4 =	ssub.s32 $0x0, s20;
	[sflag:s22] =	ssyncset.done $0x0  }
0xa0: {  	[sflag:s22] =	ssyncadd.s32 s4;
	_ =	sdelay $0x1  }
0xa1: {  	s23 =	simm.s32 $0x1B8B  }
0xa2: {  	_ =	swait.ge [sflag:s23], $0x1  }
0xa3: {  	[sflag:s23] =	ssyncset.done $0x0  }
0xa4: {  	s25 =	simm.s32 $0x1B8E;
	s24 =	sld [smem:$0x3FFE];
	[sflag:s23] =	ssyncadd.s32 $0xFFFFFFFF  }
0xa5: {  	s26 =	simm.s32 $execute0_lowered;
	[smem:$0x3FD2] =	sst s25  }
0xa6: {  	s5 =	sshll.u32 s26, $0x1;
	_ =	strace $0x80000049;
	[dreg:$0x1] =	wrdreg $0xFFFFFFFF  }
0xa7: {  	s28 =	simm.s32 $_size_execute0_lowered;
	s3 =	sadd.s32 s3, s5;
	[dreg:$0x0] =	wrdreg $0x0  }
0xa8: {  	s5 =	sshll.u32 s28, $0x1;
	[dreg:$0x2] =	wrdreg s3  }
0xa9: {  	[dreg:$0x3] =	wrdreg s5  }
0xaa: {  	[dreg:$0x4] =	wrdreg $0xC0  }
0xab: {  	_ =	task [dreg:s7], $0x5FFFF  }
0xac: {  	[dreg:$0x1] =	wrdreg $0xFFFFFFFF  }
0xad: {  	[dreg:$0x0] =	wrdreg $0x60  }
0xae: {  	[dreg:$0x2] =	wrdreg s2  }
0xaf: {  	[dreg:$0x3] =	wrdreg s24  }
0xb0: {  	[dreg:$0x4] =	wrdreg $0xAE000  }
0xb1: {  	[dreg:$0x5] =	wrdreg $0x9  }
0xb2: {  	_ =	task.clear_ibuf [dreg:s7], $0x6FFFF;
	_ =	strace $0x90000049  }
0xb3: {  	s29 =	simm.s32 $0x9;
	_ =	strace $0x8000004B  }
0xb4: {  	_ =	swait.ge [sflag:s29], $0x1  }
0xb5: {  	[sflag:s29] =	ssyncadd.s32 $0xFFFFFFFF  }
0xb6: {  	_ =	strace $0x9000004B  }
0xb7: {  	_ =	sfence  }
0xb8: {  	s30 =	sld [smem:$0x0];
	_ =	sdelay $0x2  }
0xb9: {  	s31 =	sshll.u32 s1, $0xD;
	s1 =	sshrl.u32 s1, $0x2  }
0xba: {  	s3 =	sand.u32 $0x4000, s31;
	s1 =	sadd.s32 s1, s30  }
0xbb: {  	s0 =	sor.u32 s3, s0;
	s1 =	sshll.u32 s1, $0x11  }
0xbc: {  	s0 =	sor.u32 s1, s0  }
0xbd: {  	s0 =	sadd.s32 $0x8F2B, s0  }
0xbe: {  	[sflag:s0] =	ssyncadd.remote.s32 $0x1  }
0xbf: {  	_ =	sfence.sel $0xFFFF  }
0xc0: {  	[dreg:$0x0] =	wrdreg $0xFFFFFFFF;
	(pc) =	sbr.abs _section_cstart, $3  }
0xc1: {  	[dreg:$0x1] =	wrdreg $0xFFFFFFFF  }
0xc2: {  	_ =	task.clear_ibuf [dreg:s7], $0x2FFFF;
	_ =	strace $0x9FFFFFFF  }
0xc3: {  	(tm) =	ssettm $0x7FFFFFFF  }
tec
execute0_lowered:
.L_overlay_start_1:
0x0: {  	(tag) =	ssettag $0x1  }
0x1: {  	s1 =	rddreg [dreg:$0x0]  }
0x2: {  	s0 =	rddreg [dreg:$0x1]  }
0x3: {  	s2 =	rddreg [dreg:$0x2];
	s3 =	srdreg.scid  }
0x4: {  	s4 =	simm.s32 $0x0;
	s13 =	stileid.u32;
	s28 =	simm.s32 $0x600  }
0x5: {  	s29 =	simm.s32 $0x5;
	s30 =	simm.s32 $0x4600;
	s31 =	simm.s32 $0x6  }
0x6: {  	s3 =	sand.u32 $0x1, s3;
	[smem:$0x7FF] =	sst s4;
	s8 =	smul.u32 $0x2800, s13  }
0x7: {  	s5 =	sadd.s32 $0x17200, s0;
	s9 =	sshll.u32 s13, $0x1;
	s22 =	smul.u32 $0xA000, s13  }
0x8: {  	s7 =	smul.u32 $0x138800, s3;
	s18 =	ssub.s32 $0x2, s3;
	s3 =	sor.u32 s3, s9  }
0x9: {  	s6 =	sadd.s32 $0xD200, s0;
	s10 =	ssub.s32 $0x8C, s13;
	s11 =	smul.u32 $0x500, s3  }
0xa: {  	_ =	strace $0x8000004A;
	s19 =	sshrl.u32 s18, $0x1;
	s9 =	smul.u32 $0x50, s3  }
0xb: {  	s26 =	sshrl.u32 s22, $0x2;
	s22 =	simm.s32 $0x0;
	s8 =	sadd.s32 s8, s7  }
0xc: {  	s7 =	sadd.s32 $0x3200, s0;
	s12 =	ssub.s32 s18, s19;
	s17 =	sadd.s32 s26, s2  }
0xd: {  	s19 =	simm.s32 $0x8600;
	s26 =	simm.s32 $0x1;
	s8 =	sshrl.u32 s8, $0x3  }
0xe: {  	s20 =	sadd.s32 s5, s11;
	s21 =	sor.u32 $0x10, s11;
	s23 =	sadd.s32 s6, s11  }
0xf: {  	v0 =	vimm.f32 $0.0e+00;
	v1 =	vimm.s32 $0x0;
	s11 =	sadd.s32 s7, s11;
	s16 =	smax.u32 s12, $0x1;
	[dreg:$0x4] =	wrdreg s20  }
0x10: {  	v2 =	vimm.s32 $0x1;
	v3 =	vimm.s32 $0x2;
	v4 =	vimm.s32 $0x3;
	s0 =	sadd.s32 s8, s0;
	s8 =	sshrl.u32 s10, $0x4;
	[dreg:$0x5] =	wrdreg s23  }
0x11: {  	v5 =	vimm.s32 $0x4;
	v6 =	vimm.s32 $0x5;
	v7 =	vimm.s32 $0x6;
	[dreg:$0x6] =	wrdreg s11;
	s24 =	sadd.s32 s5, s21;
	s25 =	sadd.s32 s6, s21  }
0x12: {  	v8 =	vimm.s32 $0x7;
	v9 =	vimm.s32 $0x8;
	v10 =	vimm.s32 $0x9;
	s3 =	sadd.s32 s7, s21;
	s20 =	simm.s32 $0x9;
	[dreg:$0x7] =	wrdreg s24  }
0x13: {  	v11 =	vimm.s32 $0xA;
	v12 =	vimm.s32 $0xB;
	v13 =	vimm.s32 $0xC;
	s23 =	simm.s32 $0x80;
	s21 =	simm.s32 $0x8;
	[dreg:$0x8] =	wrdreg s25  }
0x14: {  	v14 =	vimm.s32 $0xD;
	v15 =	vimm.s32 $0xE;
	v16 =	vimm.s32 $0xF;
	[dreg:$0x9] =	wrdreg s3;
	s18 =	sadd.s32 $0x21200, s0;
	s0 =	simm.s32 $0x7  }
.LBB2_1:
0x15: {  	s3 =	simm.s32 $0x70;
	s10 =	simm.s32 $0x3C0  }
.LBB2_2:
0x16: {  	p0 =	sne.s32 s10, $0x9FC0;
	[tilespmem:s3+$0x8600] =	vst v0  }
0x17: {  	[tilespmem:s3+$0x8590] =	vst v0  }
0x18: {  	[tilespmem:s3+$0x85A0] =	vst v0  }
.Ltmp0:
0x19: {  	[tilespmem:s3+$0x85B0] =	vst v0;
	(pc) =	sbr.rel @p0 .LBB2_2-.Ltmp0, $4  }
0x1a: {  	[tilespmem:s3+$0x85C0] =	vst v0  }
0x1b: {  	[tilespmem:s3+$0x85D0] =	vst v0  }
0x1c: {  	[tilespmem:s3+$0x85E0] =	vst v0  }
0x1d: {  	[tilespmem:s3+$0x85F0] =	vst v0;
	s3 =	sshra.s32 s10, $0x2;
	s10 =	sadd.s32 $0x200, s10  }
0x1e: {  	[tilespmem:s3+$0x8600] =	vst v0  }
0x1f: {  	[tilespmem:s3+$0x8590] =	vst v0  }
0x20: {  	[tilespmem:s3+$0x85A0] =	vst v0  }
0x21: {  	[tilespmem:s3+$0x85B0] =	vst v0;
	p0 =	sne.s32 s8, $0x1  }
.Ltmp1:
0x22: {  	[tilespmem:s3+$0x85C0] =	vst v0;
	(pc) =	sbr.rel @!p0 .LBB2_5-.Ltmp1, $4  }
0x23: {  	[tilespmem:s3+$0x85D0] =	vst v0  }
0x24: {  	[tilespmem:s3+$0x85E0] =	vst v0  }
0x25: {  	[tilespmem:s3+$0x85F0] =	vst v0;
	s3 =	sadd.s32 $0xFFFFFFFF, s8;
	s10 =	smov.u32 s17  }
0x26: {  	[spmem:s17] =	stream.linear.scatter [tilespmem:s19], [sflag:$0x9], $0x2800, $0x38;
	[tilespmem:$0x1E680] =	vst v63  }
.LBB2_4:
0x27: {  	p1 =	sne.s32 s3, $0x1  }
.Ltmp2:
0x28: {  	_ = 	snop;
	(pc) =	sbr.rel @p1 .LBB2_4-.Ltmp2, $3  }
0x29: {  	_ = 	snop  }
0x2a: {  	s3 =	sadd.s32 $0xFFFFFFFF, s3;
	s10 =	sadd.s32 $0x28000, s10;
	_ =	sdelay $0x1  }
0x2b: {  	[spmem:s10] =	stream.linear.scatter [tilespmem:s19], [sflag:$0x9], $0x2800, $0x38;
	[tilespmem:$0x1E680] =	vst v63  }
.LBB2_5:
.Ltmp3:
0x2c: {  	(pc) =	sbr.rel @!p0 .LBB2_7-.Ltmp3, $3  }
0x2d: {  	_ =	sdelay $0x1  }
0x2e: {  	_ =	swait.ge [sflag:s20], $0x2800  }
0x2f: {  	s3 =	sadd.s32 $0xFFFFFFFF, s8;
	[sflag:s20] =	ssyncset.done $0x0  }
.LBB2_6:
0x30: {  	p1 =	sne.s32 s3, $0x1;
	s3 =	sadd.s32 $0xFFFFFFFF, s3;
	[sflag:s20] =	ssyncadd.s32 $0xFFFFD800  }
.Ltmp4:
0x31: {  	(pc) =	sbr.rel @p1 .LBB2_6-.Ltmp4, $3  }
0x32: {  	_ =	sdelay $0x1  }
0x33: {  	_ =	swait.ge [sflag:s20], $0x2800  }
0x34: {  	[sflag:s20] =	ssyncset.done $0x0  }
.LBB2_7:
0x35: {  	[sflag:s20] =	ssyncadd.s32 $0xFFFFD800  }
0x36: {  	[bflag:$0x0] =	sbarrier.arrive $0xFFFF  }
0x37: {  	s24 =	simm.s32 $0x0;
	s3 =	rddreg [dreg:$0x4]  }
0x38: {  	[tilespmem:s24], [sflag:$0x1] =	stream.linear.gather [hbm4b:s3+s24], $0x80, $0x38;
	[tilespmem:$0x1E680] =	vst v63  }
0x39: {  	s10 =	simm.s32 $0x200;
	s25 =	rddreg [dreg:$0x5]  }
0x3a: {  	[tilespmem:s10], [sflag:$0x1] =	stream.linear.gather [hbm4b:s25+s24], $0x80, $0x38;
	[tilespmem:$0x1E680] =	vst v63  }
0x3b: {  	s11 =	simm.s32 $0x400;
	s10 =	rddreg [dreg:$0x6]  }
0x3c: {  	[tilespmem:s11], [sflag:$0x1] =	stream.linear.gather [hbm4b:s10+s24], $0x80, $0x38;
	[tilespmem:$0x1E680] =	vst v63  }
0x3d: {  	s12 =	rddreg [dreg:$0x7]  }
0x3e: {  	[tilespmem:s23], [sflag:$0x2] =	stream.linear.gather [hbm4b:s12+s24], $0x80, $0x38;
	[tilespmem:$0x1E680] =	vst v63  }
0x3f: {  	s14 =	simm.s32 $0x280;
	s13 =	rddreg [dreg:$0x8]  }
0x40: {  	[tilespmem:s14], [sflag:$0x2] =	stream.linear.gather [hbm4b:s13+s24], $0x80, $0x38;
	[tilespmem:$0x1E680] =	vst v63  }
0x41: {  	s15 =	rddreg [dreg:$0x9];
	s25 =	simm.s32 $0x480  }
0x42: {  	[tilespmem:s25], [sflag:$0x2] =	stream.linear.gather [hbm4b:s15+s24], $0x80, $0x38;
	[tilespmem:$0x1E680] =	vst v63  }
0x43: {  	_ =	swait.ge [sflag:s26], $0x80  }
0x44: {  	[sflag:s26] =	ssyncset.done $0x0  }
0x45: {  	[sflag:s26] =	ssyncadd.s32 $0xFFFFFF80  }
0x46: {  	_ =	swait.ge [sflag:s26], $0x80  }
0x47: {  	[sflag:s26] =	ssyncset.done $0x0  }
0x48: {  	[sflag:s26] =	ssyncadd.s32 $0xFFFFFF80  }
0x49: {  	_ =	swait.ge [sflag:s26], $0x80  }
0x4a: {  	[sflag:s26] =	ssyncset.done $0x0  }
0x4b: {  	[sflag:s26] =	ssyncadd.s32 $0xFFFFFF80  }
0x4c: {  	[tilespmem:s28], [sflag:$0x5] =	stream.indirect.gather [hbm4b:s1+s23], $0x80, s24, s23, $0xb8;
	[tilespmem:$0x1E680] =	vst v63  }
.LBB2_8:
0x4d: {  	p2 =	seq.s32 s24, $0x0  }
0x4e: {  	p1 =	seq.s32 @!p2 s24, $0x27  }
0x4f: {  	_ =	swait.ge [sflag:s29], $0x4000;
	p3 =	por p2, !p1  }
.Ltmp5:
0x50: {  	[sflag:s29] =	ssyncset.done $0x0;
	(pc) =	sbr.rel @!p3 .LBB2_10-.Ltmp5, $4  }
0x51: {  	s3 =	simm.s32 @!p2 $0x8;
	[sflag:s29] =	ssyncadd.s32 $0xFFFFC000  }
0x52: {  	_ =	swait.ge @!p2 [sflag:s3], $0x4000  }
0x53: {  	s10 =	sshll.u32 s24, $0x1;
	[sflag:s3] =	ssyncset.done @!p2 $0x0  }
0x54: {  	p1 =	por @!p2 $0x1, $0x1;
	[sflag:s3] =	ssyncadd.s32 @!p2 $0xFFFFC000;
	s3 =	sadd.s32 @!p2 $0x2, s10  }
0x55: {  	s3 =	simm.s32 @p2 $0x2  }
0x56: {  	s11 =	sadd.s32 s9, s3  }
0x57: {  	s11 =	sshll.u32 s11, $0x4  }
0x58: {  	s12 =	sand.u32 $0x2, s3;
	s11 =	sand.u32 $0x1FFFFFE0, s11  }
0x59: {  	s13 =	sor.u32 $0x1, s12;
	s12 =	sshll.u32 s12, $0x7;
	s25 =	sadd.s32 s5, s11  }
0x5a: {  	[tilespmem:s12], [sflag:s13] =	stream.linear.gather [hbm4b:s25+s4], $0x80, $0x38;
	[tilespmem:$0x1E680] =	vst v63  }
0x5b: {  	s15 =	sor.u32 $0x200, s12;
	s14 =	sadd.s32 s6, s11  }
0x5c: {  	[tilespmem:s15], [sflag:s13] =	stream.linear.gather [hbm4b:s14+s4], $0x80, $0x38;
	[tilespmem:$0x1E680] =	vst v63  }
0x5d: {  	p1 =	por $0x0, $0x0;
	s11 =	sadd.s32 s7, s11;
	s12 =	sor.u32 $0x400, s12  }
0x5e: {  	[tilespmem:s12], [sflag:s13] =	stream.linear.gather [hbm4b:s11+s4], $0x80, $0x38;
	[tilespmem:$0x1E680] =	vst v63  }
.LBB2_10:
0x5f: {  	s11 =	sand.u32 $0x2, s10  }
0x60: {  	s12 =	sadd.s32 $0x2, s11  }
0x61: {  	_ =	swait.ge [sflag:s12], $0x80  }
0x62: {  	[sflag:s12] =	ssyncset.done $0x0  }
0x63: {  	[sflag:s12] =	ssyncadd.s32 $0xFFFFFF80  }
0x64: {  	_ =	swait.ge [sflag:s12], $0x80  }
0x65: {  	s11 =	sshll.u32 s11, $0x9;
	[sflag:s12] =	ssyncset.done $0x0  }
0x66: {  	s13 =	sor.u32 $0x200, s11;
	s11 =	sshrl.u32 s11, $0x2;
	[sflag:s12] =	ssyncadd.s32 $0xFFFFFF80  }
0x67: {  	s15 =	sor.u32 $0x400, s11;
	_ =	swait.ge [sflag:s12], $0x80  }
0x68: {  	v17 =	vmov s15;
	[sflag:s12] =	ssyncset.done $0x0  }
0x69: {  	s25 =	sshrl.u32 s13, $0x2;
	[sflag:s12] =	ssyncadd.s32 $0xFFFFFF80;
	s12 =	simm.s32 $0x0  }
0x6a: {  	[tilespmem:s30], [sflag:$0x6] =	stream.indirect.gather [hbm4b:s1+s23], $0x80, s25, s23, $0xb8;
	[tilespmem:$0x1E680] =	vst v63  }
.LBB2_11:
0x6b: {  	s13 =	sshll.u32 s12, $0x4  }
0x6c: {  	s13 =	sand.u32 $0x3FFFFFF0, s13  }
0x6d: {  	s15 =	sshll.u32 s12, $0xB;
	v18 =	vld.idx.msk [tilespmem:v17+s13+$0x0 ss:$0x1], $0xffff  }
0x6e: {  	s13 =	sand.u32 $0x3FFFF800, s15  }
0x6f: {  	v19 =	vld [tilespmem:s13+$0x600]  }
0x70: {  	v20 =	vld [tilespmem:s13+$0x610]  }
0x71: {  	v21 =	vld [tilespmem:s13+$0x620]  }
0x72: {  	v23 =	vld [tilespmem:s13+$0x630];
	v22 =	vperm.xlane v18, v1  }
0x73: {  	v24 =	vld [tilespmem:s13+$0x640]  }
0x74: {  	v25 =	vld [tilespmem:s13+$0x650];
	v19 =	vmul.f32 v19, v22  }
0x75: {  	v26 =	vld [tilespmem:s13+$0x660];
	v20 =	vmul.f32 v20, v22  }
0x76: {  	v43 =	vld [tilespmem:s13+$0x670];
	[tilespmem:s13+$0x600] =	vst v19;
	v19 =	vmul.f32 v21, v22  }
0x77: {  	v45 =	vld [tilespmem:s13+$0x680];
	v44 =	vmul.f32 v23, v22;
	[tilespmem:s13+$0x610] =	vst v20  }
0x78: {  	v46 =	vld [tilespmem:s13+$0x690];
	[tilespmem:s13+$0x620] =	vst v19;
	v19 =	vmul.f32 v24, v22  }
0x79: {  	v48 =	vld [tilespmem:s13+$0x6A0];
	v47 =	vmul.f32 v25, v22;
	[tilespmem:s13+$0x630] =	vst v44  }
0x7a: {  	v27 =	vld [tilespmem:s13+$0x6B0];
	v49 =	vperm.xlane v18, v2;
	[tilespmem:s13+$0x640] =	vst v19;
	v19 =	vmul.f32 v26, v22  }
0x7b: {  	v51 =	vld [tilespmem:s13+$0x6C0];
	v50 =	vmul.f32 v43, v22;
	[tilespmem:s13+$0x650] =	vst v47  }
0x7c: {  	v52 =	vld [tilespmem:s13+$0x6D0];
	[tilespmem:s13+$0x660] =	vst v19;
	v19 =	vmul.f32 v45, v49  }
0x7d: {  	v54 =	vld [tilespmem:s13+$0x6E0];
	v53 =	vmul.f32 v46, v49;
	[tilespmem:s13+$0x670] =	vst v50  }
0x7e: {  	v55 =	vld [tilespmem:s13+$0x6F0];
	[tilespmem:s13+$0x680] =	vst v19;
	v19 =	vmul.f32 v48, v49  }
0x7f: {  	v57 =	vld [tilespmem:s13+$0x700];
	v56 =	vmul.f32 v27, v49;
	[tilespmem:s13+$0x690] =	vst v53  }
0x80: {  	v58 =	vld [tilespmem:s13+$0x710];
	[tilespmem:s13+$0x6A0] =	vst v19;
	v19 =	vmul.f32 v51, v49  }
0x81: {  	v60 =	vld [tilespmem:s13+$0x720];
	v59 =	vmul.f32 v52, v49;
	[tilespmem:s13+$0x6B0] =	vst v56  }
0x82: {  	v62 =	vld [tilespmem:s13+$0x730];
	v61 =	vperm.xlane v18, v3;
	[tilespmem:s13+$0x6C0] =	vst v19;
	v19 =	vmul.f32 v54, v49  }
0x83: {  	v28 =	vld [tilespmem:s13+$0x740];
	v63 =	vmul.f32 v55, v49;
	[tilespmem:s13+$0x6D0] =	vst v59  }
0x84: {  	v29 =	vld [tilespmem:s13+$0x750];
	[tilespmem:s13+$0x6E0] =	vst v19;
	v19 =	vmul.f32 v57, v61  }
0x85: {  	v31 =	vld [tilespmem:s13+$0x760];
	v30 =	vmul.f32 v58, v61;
	[tilespmem:s13+$0x6F0] =	vst v63  }
0x86: {  	v32 =	vld [tilespmem:s13+$0x770];
	[tilespmem:s13+$0x700] =	vst v19;
	v19 =	vmul.f32 v60, v61  }
0x87: {  	v34 =	vld [tilespmem:s13+$0x780];
	v33 =	vmul.f32 v62, v61;
	[tilespmem:s13+$0x710] =	vst v30  }
0x88: {  	v35 =	vld [tilespmem:s13+$0x790];
	[tilespmem:s13+$0x720] =	vst v19;
	v19 =	vmul.f32 v28, v61  }
0x89: {  	v37 =	vld [tilespmem:s13+$0x7A0];
	v36 =	vmul.f32 v29, v61;
	[tilespmem:s13+$0x730] =	vst v33  }
0x8a: {  	v39 =	vld [tilespmem:s13+$0x7B0];
	v38 =	vperm.xlane v18, v4;
	[tilespmem:s13+$0x740] =	vst v19;
	v19 =	vmul.f32 v31, v61  }
0x8b: {  	v41 =	vld [tilespmem:s13+$0x7C0];
	v40 =	vmul.f32 v32, v61;
	[tilespmem:s13+$0x750] =	vst v36  }
0x8c: {  	v45 =	vld [tilespmem:s13+$0x7F0];
	[tilespmem:s13+$0x760] =	vst v19;
	v19 =	vmul.f32 v34, v38  }
0x8d: {  	v43 =	vmul.f32 v35, v38;
	[tilespmem:s13+$0x770] =	vst v40;
	v44 =	vld [tilespmem:s13+$0x7E0]  }
0x8e: {  	v42 =	vld [tilespmem:s13+$0x7D0];
	[tilespmem:s13+$0x780] =	vst v19;
	v19 =	vmul.f32 v37, v38  }
0x8f: {  	v46 =	vmul.f32 v39, v38;
	[tilespmem:s13+$0x790] =	vst v43;
	v47 =	vld [tilespmem:s13+$0x800]  }
0x90: {  	v52 =	vld [tilespmem:s13+$0x830];
	[tilespmem:s13+$0x7A0] =	vst v19;
	v19 =	vmul.f32 v41, v38  }
0x91: {  	[tilespmem:s13+$0x7B0] =	vst v46;
	v50 =	vld [tilespmem:s13+$0x820];
	v53 =	vmul.f32 v45, v38  }
0x92: {  	v55 =	vld [tilespmem:s13+$0x850];
	v51 =	vperm.xlane v18, v5;
	[tilespmem:s13+$0x7C0] =	vst v19;
	v19 =	vmul.f32 v44, v38  }
0x93: {  	v49 =	vmul.f32 v42, v38;
	v54 =	vld [tilespmem:s13+$0x840];
	[tilespmem:s13+$0x7F0] =	vst v53  }
0x94: {  	v58 =	vld [tilespmem:s13+$0x870];
	[tilespmem:s13+$0x7E0] =	vst v19;
	v19 =	vmul.f32 v47, v51  }
0x95: {  	v59 =	vmul.f32 v52, v51;
	[tilespmem:s13+$0x7D0] =	vst v49;
	v57 =	vld [tilespmem:s13+$0x860]  }
0x96: {  	v48 =	vld [tilespmem:s13+$0x810];
	[tilespmem:s13+$0x800] =	vst v19;
	v19 =	vmul.f32 v50, v51  }
0x97: {  	v62 =	vmul.f32 v55, v51;
	[tilespmem:s13+$0x830] =	vst v59;
	v60 =	vld [tilespmem:s13+$0x880]  }
0x98: {  	v40 =	vld [tilespmem:s13+$0x910];
	[tilespmem:s13+$0x820] =	vst v19;
	v19 =	vmul.f32 v54, v51  }
0x99: {  	v63 =	vld [tilespmem:s13+$0x8A0];
	v32 =	vmul.f32 v58, v51;
	[tilespmem:s13+$0x850] =	vst v62  }
0x9a: {  	v30 =	vperm.xlane v18, v6;
	v61 =	vld [tilespmem:s13+$0x890];
	[tilespmem:s13+$0x840] =	vst v19;
	v19 =	vmul.f32 v57, v51  }
0x9b: {  	v33 =	vld [tilespmem:s13+$0x8C0];
	v43 =	vperm.xlane v18, v7;
	v56 =	vmul.f32 v48, v51;
	[tilespmem:s13+$0x870] =	vst v32  }
0x9c: {  	v53 =	vld [tilespmem:s13+$0x990];
	[tilespmem:s13+$0x860] =	vst v19;
	v19 =	vmul.f32 v60, v30  }
0x9d: {  	v36 =	vld [tilespmem:s13+$0x8E0];
	v48 =	vmul.f32 v40, v43;
	[tilespmem:s13+$0x810] =	vst v56  }
0x9e: {  	v31 =	vld [tilespmem:s13+$0x8B0];
	[tilespmem:s13+$0x880] =	vst v19;
	v19 =	vmul.f32 v63, v30  }
0x9f: {  	v39 =	vld [tilespmem:s13+$0x900];
	[tilespmem:s13+$0x910] =	vst v48;
	v56 =	vperm.xlane v18, v8;
	v35 =	vmul.f32 v61, v30  }
0xa0: {  	v34 =	vld [tilespmem:s13+$0x8D0];
	[tilespmem:s13+$0x8A0] =	vst v19;
	v19 =	vmul.f32 v33, v30  }
0xa1: {  	v42 =	vld [tilespmem:s13+$0x920];
	v61 =	vmul.f32 v53, v56;
	[tilespmem:s13+$0x890] =	vst v35  }
0xa2: {  	v37 =	vld [tilespmem:s13+$0x8F0];
	[tilespmem:s13+$0x8C0] =	vst v19;
	v19 =	vmul.f32 v36, v30  }
0xa3: {  	v46 =	vld [tilespmem:s13+$0x940];
	[tilespmem:s13+$0x990] =	vst v61;
	v38 =	vmul.f32 v31, v30  }
0xa4: {  	v47 =	vld [tilespmem:s13+$0x950];
	[tilespmem:s13+$0x8E0] =	vst v19;
	v19 =	vmul.f32 v39, v43  }
0xa5: {  	v49 =	vld [tilespmem:s13+$0x960];
	v41 =	vmul.f32 v34, v30;
	[tilespmem:s13+$0x8B0] =	vst v38  }
0xa6: {  	v38 =	vld [tilespmem:s13+$0xA50];
	[tilespmem:s13+$0x900] =	vst v19;
	v19 =	vmul.f32 v42, v43  }
0xa7: {  	v52 =	vld [tilespmem:s13+$0x980];
	[tilespmem:s13+$0x8D0] =	vst v41;
	v45 =	vmul.f32 v37, v30  }
0xa8: {  	v44 =	vld [tilespmem:s13+$0x930];
	[tilespmem:s13+$0x920] =	vst v19;
	v19 =	vmul.f32 v46, v43  }
0xa9: {  	v55 =	vld [tilespmem:s13+$0x9A0];
	v34 =	vperm.xlane v18, v9;
	[tilespmem:s13+$0x8F0] =	vst v45;
	v54 =	vmul.f32 v47, v43  }
0xaa: {  	v50 =	vld [tilespmem:s13+$0x970];
	[tilespmem:s13+$0x940] =	vst v19;
	v19 =	vmul.f32 v49, v43  }
0xab: {  	v59 =	vld [tilespmem:s13+$0x9C0];
	v45 =	vmul.f32 v38, v34;
	[tilespmem:s13+$0x950] =	vst v54  }
0xac: {  	v57 =	vld [tilespmem:s13+$0x9B0];
	[tilespmem:s13+$0x960] =	vst v19;
	v19 =	vmul.f32 v52, v56  }
0xad: {  	v62 =	vld [tilespmem:s13+$0x9E0];
	v51 =	vmul.f32 v44, v43;
	[tilespmem:s13+$0xA50] =	vst v45  }
0xae: {  	v60 =	vld [tilespmem:s13+$0x9D0];
	[tilespmem:s13+$0x980] =	vst v19;
	v19 =	vmul.f32 v55, v56  }
0xaf: {  	v58 =	vmul.f32 v50, v43;
	[tilespmem:s13+$0x930] =	vst v51;
	v30 =	vld [tilespmem:s13+$0xA00]  }
0xb0: {  	v51 =	vld [tilespmem:s13+$0xAD0];
	[tilespmem:s13+$0x9A0] =	vst v19;
	v19 =	vmul.f32 v59, v56  }
0xb1: {  	[tilespmem:s13+$0x970] =	vst v58;
	v29 =	vmul.f32 v57, v56;
	v33 =	vld [tilespmem:s13+$0xA20]  }
0xb2: {  	v63 =	vld [tilespmem:s13+$0x9F0];
	[tilespmem:s13+$0x9C0] =	vst v19;
	v19 =	vmul.f32 v62, v56  }
0xb3: {  	v37 =	vld [tilespmem:s13+$0xA40];
	v47 =	vperm.xlane v18, v10;
	[tilespmem:s13+$0x9B0] =	vst v29;
	v32 =	vmul.f32 v60, v56  }
0xb4: {  	v61 =	vld [tilespmem:s13+$0xB30];
	[tilespmem:s13+$0x9E0] =	vst v19;
	v19 =	vmul.f32 v30, v34  }
0xb5: {  	v40 =	vld [tilespmem:s13+$0xA60];
	v58 =	vmul.f32 v51, v47;
	[tilespmem:s13+$0x9D0] =	vst v32  }
0xb6: {  	v31 =	vld [tilespmem:s13+$0xA10];
	[tilespmem:s13+$0xA00] =	vst v19;
	v19 =	vmul.f32 v33, v34  }
0xb7: {  	v60 =	vperm.xlane v18, v11;
	v36 =	vmul.f32 v63, v56;
	[tilespmem:s13+$0xAD0] =	vst v58;
	v43 =	vld [tilespmem:s13+$0xA80]  }
0xb8: {  	v57 =	vld [tilespmem:s13+$0xB10];
	[tilespmem:s13+$0xA20] =	vst v19;
	v19 =	vmul.f32 v37, v34  }
0xb9: {  	v32 =	vmul.f32 v61, v60;
	[tilespmem:s13+$0x9F0] =	vst v36;
	v46 =	vld [tilespmem:s13+$0xAA0]  }
0xba: {  	v35 =	vld [tilespmem:s13+$0xA30];
	[tilespmem:s13+$0xA40] =	vst v19;
	v19 =	vmul.f32 v40, v34  }
0xbb: {  	v50 =	vld [tilespmem:s13+$0xAC0];
	v39 =	vmul.f32 v31, v34;
	[tilespmem:s13+$0xB30] =	vst v32  }
0xbc: {  	v28 =	vld [tilespmem:s13+$0xB50];
	[tilespmem:s13+$0xA60] =	vst v19;
	v19 =	vmul.f32 v43, v47  }
0xbd: {  	v53 =	vld [tilespmem:s13+$0xAE0];
	v29 =	vmul.f32 v57, v60;
	[tilespmem:s13+$0xA10] =	vst v39  }
0xbe: {  	v31 =	vld [tilespmem:s13+$0xB70];
	[tilespmem:s13+$0xA80] =	vst v19;
	v19 =	vmul.f32 v46, v47  }
0xbf: {  	v42 =	vmul.f32 v35, v34;
	[tilespmem:s13+$0xB10] =	vst v29;
	v56 =	vld [tilespmem:s13+$0xB00]  }
0xc0: {  	v41 =	vld [tilespmem:s13+$0xA70];
	[tilespmem:s13+$0xAA0] =	vst v19;
	v19 =	vmul.f32 v50, v47  }
0xc1: {  	v35 =	vmul.f32 v28, v60;
	[tilespmem:s13+$0xA30] =	vst v42;
	v59 =	vld [tilespmem:s13+$0xB20]  }
0xc2: {  	v44 =	vld [tilespmem:s13+$0xA90];
	[tilespmem:s13+$0xAC0] =	vst v19;
	v19 =	vmul.f32 v53, v47  }
0xc3: {  	v63 =	vld [tilespmem:s13+$0xB40];
	[tilespmem:s13+$0xB50] =	vst v35;
	v39 =	vmul.f32 v31, v60  }
0xc4: {  	v48 =	vld [tilespmem:s13+$0xAB0];
	[tilespmem:s13+$0xAE0] =	vst v19;
	v19 =	vmul.f32 v56, v60  }
0xc5: {  	v49 =	vmul.f32 v41, v34;
	[tilespmem:s13+$0xB70] =	vst v39;
	v30 =	vld [tilespmem:s13+$0xB60]  }
0xc6: {  	v54 =	vld [tilespmem:s13+$0xAF0];
	[tilespmem:s13+$0xB00] =	vst v19;
	v19 =	vmul.f32 v59, v60  }
0xc7: {  	[tilespmem:s13+$0xA70] =	vst v49;
	v52 =	vmul.f32 v44, v47;
	v33 =	vld [tilespmem:s13+$0xB80]  }
0xc8: {  	v38 =	vld [tilespmem:s13+$0xBB0];
	[tilespmem:s13+$0xB20] =	vst v19;
	v19 =	vmul.f32 v63, v60  }
0xc9: {  	v36 =	vld [tilespmem:s13+$0xBA0];
	[tilespmem:s13+$0xA90] =	vst v52;
	v55 =	vmul.f32 v48, v47  }
0xca: {  	v41 =	vld [tilespmem:s13+$0xBD0];
	v37 =	vperm.xlane v18, v12;
	[tilespmem:s13+$0xB40] =	vst v19;
	v19 =	vmul.f32 v30, v60  }
0xcb: {  	[tilespmem:s13+$0xAB0] =	vst v55;
	v62 =	vmul.f32 v54, v47;
	v40 =	vld [tilespmem:s13+$0xBC0]  }
0xcc: {  	v44 =	vld [tilespmem:s13+$0xBF0];
	[tilespmem:s13+$0xB60] =	vst v19;
	v19 =	vmul.f32 v33, v37  }
0xcd: {  	[tilespmem:s13+$0xAF0] =	vst v62;
	v45 =	vmul.f32 v38, v37;
	v43 =	vld [tilespmem:s13+$0xBE0]  }
0xce: {  	v34 =	vld [tilespmem:s13+$0xB90];
	[tilespmem:s13+$0xB80] =	vst v19;
	v19 =	vmul.f32 v36, v37  }
0xcf: {  	v48 =	vmul.f32 v41, v37;
	[tilespmem:s13+$0xBB0] =	vst v45;
	v46 =	vld [tilespmem:s13+$0xC00]  }
0xd0: {  	v51 =	vld [tilespmem:s13+$0xC30];
	[tilespmem:s13+$0xBA0] =	vst v19;
	v19 =	vmul.f32 v40, v37  }
0xd1: {  	v49 =	vld [tilespmem:s13+$0xC20];
	v52 =	vmul.f32 v44, v37;
	[tilespmem:s13+$0xBD0] =	vst v48  }
0xd2: {  	v54 =	vld [tilespmem:s13+$0xC50];
	v50 =	vperm.xlane v18, v13;
	[tilespmem:s13+$0xBC0] =	vst v19;
	v19 =	vmul.f32 v43, v37  }
0xd3: {  	[tilespmem:s13+$0xBF0] =	vst v52;
	v42 =	vmul.f32 v34, v37;
	v53 =	vld [tilespmem:s13+$0xC40]  }
0xd4: {  	v57 =	vld [tilespmem:s13+$0xC70];
	[tilespmem:s13+$0xBE0] =	vst v19;
	v19 =	vmul.f32 v46, v50  }
0xd5: {  	[tilespmem:s13+$0xB90] =	vst v42;
	v58 =	vmul.f32 v51, v50;
	v56 =	vld [tilespmem:s13+$0xC60]  }
0xd6: {  	v47 =	vld [tilespmem:s13+$0xC10];
	[tilespmem:s13+$0xC00] =	vst v19;
	v19 =	vmul.f32 v49, v50  }
0xd7: {  	v61 =	vmul.f32 v54, v50;
	[tilespmem:s13+$0xC30] =	vst v58;
	v59 =	vld [tilespmem:s13+$0xC80]  }
0xd8: {  	v39 =	vld [tilespmem:s13+$0xD10];
	[tilespmem:s13+$0xC20] =	vst v19;
	v19 =	vmul.f32 v53, v50  }
0xd9: {  	v62 =	vld [tilespmem:s13+$0xCA0];
	v31 =	vmul.f32 v57, v50;
	[tilespmem:s13+$0xC50] =	vst v61  }
0xda: {  	v63 =	vperm.xlane v18, v14;
	v60 =	vld [tilespmem:s13+$0xC90];
	[tilespmem:s13+$0xC40] =	vst v19;
	v19 =	vmul.f32 v56, v50  }
0xdb: {  	v32 =	vld [tilespmem:s13+$0xCC0];
	v42 =	vperm.xlane v18, v15;
	[tilespmem:s13+$0xC70] =	vst v31;
	v55 =	vmul.f32 v47, v50  }
0xdc: {  	v33 =	vld [tilespmem:s13+$0xCD0];
	[tilespmem:s13+$0xC60] =	vst v19;
	v19 =	vmul.f32 v59, v63  }
0xdd: {  	v35 =	vld [tilespmem:s13+$0xCE0];
	v47 =	vmul.f32 v39, v42;
	[tilespmem:s13+$0xC10] =	vst v55  }
0xde: {  	v30 =	vld [tilespmem:s13+$0xCB0];
	[tilespmem:s13+$0xC80] =	vst v19;
	v19 =	vmul.f32 v62, v63  }
0xdf: {  	v38 =	vld [tilespmem:s13+$0xD00];
	[tilespmem:s13+$0xD10] =	vst v47;
	v34 =	vmul.f32 v60, v63  }
0xe0: {  	v36 =	vld [tilespmem:s13+$0xCF0];
	[tilespmem:s13+$0xCA0] =	vst v19;
	v19 =	vmul.f32 v32, v63  }
0xe1: {  	v41 =	vld [tilespmem:s13+$0xD20];
	[tilespmem:s13+$0xC90] =	vst v34;
	v40 =	vmul.f32 v33, v63  }
0xe2: {  	v46 =	vld [tilespmem:s13+$0xD50];
	[tilespmem:s13+$0xCC0] =	vst v19;
	v19 =	vmul.f32 v35, v63  }
0xe3: {  	v45 =	vld [tilespmem:s13+$0xD40];
	v37 =	vmul.f32 v30, v63;
	[tilespmem:s13+$0xCD0] =	vst v40  }
0xe4: {  	v43 =	vld [tilespmem:s13+$0xD30];
	[tilespmem:s13+$0xCE0] =	vst v19;
	v19 =	vmul.f32 v38, v42  }
0xe5: {  	v48 =	vld [tilespmem:s13+$0xD60];
	v44 =	vmul.f32 v36, v63;
	[tilespmem:s13+$0xCB0] =	vst v37  }
0xe6: {  	v49 =	vld [tilespmem:s13+$0xD70];
	[tilespmem:s13+$0xD00] =	vst v19;
	v19 =	vmul.f32 v41, v42  }
0xe7: {  	v51 =	vld [tilespmem:s13+$0xD80];
	[tilespmem:s13+$0xCF0] =	vst v44;
	v53 =	vmul.f32 v46, v42  }
0xe8: {  	v52 =	vld [tilespmem:s13+$0xD90];
	[tilespmem:s13+$0xD20] =	vst v19;
	v19 =	vmul.f32 v45, v42  }
0xe9: {  	v54 =	vld [tilespmem:s13+$0xDA0];
	v50 =	vmul.f32 v43, v42;
	[tilespmem:s13+$0xD50] =	vst v53  }
0xea: {  	v18 =	vperm.xlane v18, v16;
	v55 =	vld [tilespmem:s13+$0xDB0];
	[tilespmem:s13+$0xD40] =	vst v19;
	v19 =	vmul.f32 v48, v42  }
0xeb: {  	v57 =	vld [tilespmem:s13+$0xDC0];
	v56 =	vmul.f32 v49, v42;
	[tilespmem:s13+$0xD30] =	vst v50  }
0xec: {  	v58 =	vld [tilespmem:s13+$0xDD0];
	[tilespmem:s13+$0xD60] =	vst v19;
	v19 =	vmul.f32 v51, v18  }
0xed: {  	v60 =	vld [tilespmem:s13+$0xDE0];
	v59 =	vmul.f32 v52, v18;
	[tilespmem:s13+$0xD70] =	vst v56  }
0xee: {  	v61 =	vld [tilespmem:s13+$0xDF0];
	[tilespmem:s13+$0xD80] =	vst v19;
	v19 =	vmul.f32 v54, v18  }
0xef: {  	[tilespmem:s13+$0xD90] =	vst v59;
	v62 =	vmul.f32 v55, v18  }
0xf0: {  	p2 =	sne.s32 s12, $0x7;
	[tilespmem:s13+$0xDA0] =	vst v19;
	v19 =	vmul.f32 v57, v18  }
.Ltmp6:
0xf1: {  	[tilespmem:s13+$0xDB0] =	vst v62;
	v63 =	vmul.f32 v58, v18;
	(pc) =	sbr.rel @p2 .LBB2_11-.Ltmp6, $4  }
0xf2: {  	[tilespmem:s13+$0xDC0] =	vst v19;
	v19 =	vmul.f32 v60, v18  }
0xf3: {  	[tilespmem:s13+$0xDD0] =	vst v63;
	v18 =	vmul.f32 v61, v18  }
0xf4: {  	[tilespmem:s13+$0xDE0] =	vst v19  }
0xf5: {  	s12 =	sadd.s32 $0x1, s12;
	[tilespmem:s13+$0xDF0] =	vst v18  }
0xf6: {  	s11 =	sor.u32 $0x200, s11  }
0xf7: {  	[spmem:s2] =	stream.indirect.scatter.add.f32 [tilespmem:s28], [sflag:$0x7], $0x80, s11, s23, $0xb8;
	[tilespmem:$0x1E680] =	vst v63  }
0xf8: {  	_ =	swait.ge [sflag:s31], $0x4000  }
0xf9: {  	s10 =	sadd.s32 @!p1 $0x3, s10;
	[sflag:s31] =	ssyncset.done $0x0  }
0xfa: {  	s14 =	simm.s32 @!p1 $0x0;
	s11 =	sadd.s32 @!p1 s9, s10;
	[sflag:s31] =	ssyncadd.s32 $0xFFFFC000  }
0xfb: {  	s10 =	sand.u32 @!p1 $0x3, s10;
	s11 =	sshll.u32 @!p1 s11, $0x4;
	_ =	swait.ge [sflag:s0], $0x4000  }
0xfc: {  	s12 =	sadd.s32 @!p1 $0x1, s10;
	s11 =	sand.u32 @!p1 $0x1FFFFFF0, s11;
	[sflag:s0] =	ssyncset.done $0x0  }
0xfd: {  	s10 =	sshll.u32 @!p1 s10, $0x7;
	s13 =	sadd.s32 @!p1 s5, s11;
	[sflag:s0] =	ssyncadd.s32 $0xFFFFC000  }
0xfe: {  	[tilespmem:s10], [sflag:s12] =	stream.linear.gather @!p1 [hbm4b:s13+s14], $0x80, $0x38;
	[tilespmem:$0x1E680] =	vst v63  }
0xff: {  	s15 =	sadd.s32 @!p1 s6, s11;
	s13 =	sor.u32 @!p1 $0x200, s10  }
0x100: {  	[tilespmem:s13], [sflag:s12] =	stream.linear.gather @!p1 [hbm4b:s15+s14], $0x80, $0x38;
	[tilespmem:$0x1E680] =	vst v63  }
0x101: {  	s3 =	sand.u32 @!p1 $0x2, s3;
	s11 =	sadd.s32 @!p1 s7, s11;
	s10 =	sor.u32 @!p1 $0x400, s10  }
0x102: {  	[tilespmem:s10], [sflag:s12] =	stream.linear.gather @!p1 [hbm4b:s11+s14], $0x80, $0x38;
	[tilespmem:$0x1E680] =	vst v63  }
0x103: {  	s10 =	sor.u32 @!p1 $0x1, s3  }
0x104: {  	_ =	swait.ge @!p1 [sflag:s10], $0x80  }
0x105: {  	[sflag:s10] =	ssyncset.done @!p1 $0x0  }
0x106: {  	[sflag:s10] =	ssyncadd.s32 @!p1 $0xFFFFFF80  }
0x107: {  	_ =	swait.ge @!p1 [sflag:s10], $0x80  }
0x108: {  	[sflag:s10] =	ssyncset.done @!p1 $0x0  }
0x109: {  	[sflag:s10] =	ssyncadd.s32 @!p1 $0xFFFFFF80  }
0x10a: {  	_ =	swait.ge @!p1 [sflag:s10], $0x80  }
0x10b: {  	s15 =	sor.u32 $0x400, s25;
	s3 =	sshll.u32 @!p1 s3, $0x7;
	[sflag:s10] =	ssyncset.done @!p1 $0x0  }
0x10c: {  	v17 =	vmov s15;
	s11 =	simm.s32 @!p1 $0x600;
	[sflag:s10] =	ssyncadd.s32 @!p1 $0xFFFFFF80;
	s10 =	simm.s32 @!p1 $0x80  }
0x10d: {  	[tilespmem:s11], [sflag:$0x5] =	stream.indirect.gather @!p1 [hbm4b:s1+s10], $0x80, s3, s10, $0xb8;
	[tilespmem:$0x1E680] =	vst v63  }
0x10e: {  	s3 =	simm.s32 $0x0  }
.LBB2_13:
0x10f: {  	s10 =	sshll.u32 s3, $0x4  }
0x110: {  	s10 =	sand.u32 $0x3FFFFFF0, s10  }
0x111: {  	s15 =	sshll.u32 s3, $0xB;
	v18 =	vld.idx.msk [tilespmem:v17+s10+$0x0 ss:$0x1], $0xffff  }
0x112: {  	s10 =	sand.u32 $0x3FFFF800, s15  }
0x113: {  	v19 =	vld [tilespmem:s10+$0x4600]  }
0x114: {  	v20 =	vld [tilespmem:s10+$0x4610]  }
0x115: {  	v21 =	vld [tilespmem:s10+$0x4620]  }
0x116: {  	v23 =	vld [tilespmem:s10+$0x4630];
	v22 =	vperm.xlane v18, v1  }
0x117: {  	v24 =	vld [tilespmem:s10+$0x4640]  }
0x118: {  	v25 =	vld [tilespmem:s10+$0x4650];
	v19 =	vmul.f32 v19, v22  }
0x119: {  	v26 =	vld [tilespmem:s10+$0x4660];
	v20 =	vmul.f32 v20, v22  }
0x11a: {  	v43 =	vld [tilespmem:s10+$0x4670];
	[tilespmem:s10+$0x4600] =	vst v19;
	v19 =	vmul.f32 v21, v22  }
0x11b: {  	v45 =	vld [tilespmem:s10+$0x4680];
	v44 =	vmul.f32 v23, v22;
	[tilespmem:s10+$0x4610] =	vst v20  }
0x11c: {  	v46 =	vld [tilespmem:s10+$0x4690];
	[tilespmem:s10+$0x4620] =	vst v19;
	v19 =	vmul.f32 v24, v22  }
0x11d: {  	v48 =	vld [tilespmem:s10+$0x46A0];
	v47 =	vmul.f32 v25, v22;
	[tilespmem:s10+$0x4630] =	vst v44  }
0x11e: {  	v27 =	vld [tilespmem:s10+$0x46B0];
	v49 =	vperm.xlane v18, v2;
	[tilespmem:s10+$0x4640] =	vst v19;
	v19 =	vmul.f32 v26, v22  }
0x11f: {  	v51 =	vld [tilespmem:s10+$0x46C0];
	v50 =	vmul.f32 v43, v22;
	[tilespmem:s10+$0x4650] =	vst v47  }
0x120: {  	v52 =	vld [tilespmem:s10+$0x46D0];
	[tilespmem:s10+$0x4660] =	vst v19;
	v19 =	vmul.f32 v45, v49  }
0x121: {  	v54 =	vld [tilespmem:s10+$0x46E0];
	v53 =	vmul.f32 v46, v49;
	[tilespmem:s10+$0x4670] =	vst v50  }
0x122: {  	v55 =	vld [tilespmem:s10+$0x46F0];
	[tilespmem:s10+$0x4680] =	vst v19;
	v19 =	vmul.f32 v48, v49  }
0x123: {  	v57 =	vld [tilespmem:s10+$0x4700];
	v56 =	vmul.f32 v27, v49;
	[tilespmem:s10+$0x4690] =	vst v53  }
0x124: {  	v58 =	vld [tilespmem:s10+$0x4710];
	[tilespmem:s10+$0x46A0] =	vst v19;
	v19 =	vmul.f32 v51, v49  }
0x125: {  	v60 =	vld [tilespmem:s10+$0x4720];
	v59 =	vmul.f32 v52, v49;
	[tilespmem:s10+$0x46B0] =	vst v56  }
0x126: {  	v62 =	vld [tilespmem:s10+$0x4730];
	v61 =	vperm.xlane v18, v3;
	[tilespmem:s10+$0x46C0] =	vst v19;
	v19 =	vmul.f32 v54, v49  }
0x127: {  	v28 =	vld [tilespmem:s10+$0x4740];
	v63 =	vmul.f32 v55, v49;
	[tilespmem:s10+$0x46D0] =	vst v59  }
0x128: {  	v29 =	vld [tilespmem:s10+$0x4750];
	[tilespmem:s10+$0x46E0] =	vst v19;
	v19 =	vmul.f32 v57, v61  }
0x129: {  	v31 =	vld [tilespmem:s10+$0x4760];
	v30 =	vmul.f32 v58, v61;
	[tilespmem:s10+$0x46F0] =	vst v63  }
0x12a: {  	v32 =	vld [tilespmem:s10+$0x4770];
	[tilespmem:s10+$0x4700] =	vst v19;
	v19 =	vmul.f32 v60, v61  }
0x12b: {  	v34 =	vld [tilespmem:s10+$0x4780];
	v33 =	vmul.f32 v62, v61;
	[tilespmem:s10+$0x4710] =	vst v30  }
0x12c: {  	v35 =	vld [tilespmem:s10+$0x4790];
	[tilespmem:s10+$0x4720] =	vst v19;
	v19 =	vmul.f32 v28, v61  }
0x12d: {  	v37 =	vld [tilespmem:s10+$0x47A0];
	v36 =	vmul.f32 v29, v61;
	[tilespmem:s10+$0x4730] =	vst v33  }
0x12e: {  	v39 =	vld [tilespmem:s10+$0x47B0];
	v38 =	vperm.xlane v18, v4;
	[tilespmem:s10+$0x4740] =	vst v19;
	v19 =	vmul.f32 v31, v61  }
0x12f: {  	v41 =	vld [tilespmem:s10+$0x47C0];
	v40 =	vmul.f32 v32, v61;
	[tilespmem:s10+$0x4750] =	vst v36  }
0x130: {  	v45 =	vld [tilespmem:s10+$0x47F0];
	[tilespmem:s10+$0x4760] =	vst v19;
	v19 =	vmul.f32 v34, v38  }
0x131: {  	v43 =	vmul.f32 v35, v38;
	[tilespmem:s10+$0x4770] =	vst v40;
	v44 =	vld [tilespmem:s10+$0x47E0]  }
0x132: {  	v42 =	vld [tilespmem:s10+$0x47D0];
	[tilespmem:s10+$0x4780] =	vst v19;
	v19 =	vmul.f32 v37, v38  }
0x133: {  	v46 =	vmul.f32 v39, v38;
	[tilespmem:s10+$0x4790] =	vst v43;
	v47 =	vld [tilespmem:s10+$0x4800]  }
0x134: {  	v52 =	vld [tilespmem:s10+$0x4830];
	[tilespmem:s10+$0x47A0] =	vst v19;
	v19 =	vmul.f32 v41, v38  }
0x135: {  	[tilespmem:s10+$0x47B0] =	vst v46;
	v50 =	vld [tilespmem:s10+$0x4820];
	v53 =	vmul.f32 v45, v38  }
0x136: {  	v55 =	vld [tilespmem:s10+$0x4850];
	v51 =	vperm.xlane v18, v5;
	[tilespmem:s10+$0x47C0] =	vst v19;
	v19 =	vmul.f32 v44, v38  }
0x137: {  	v49 =	vmul.f32 v42, v38;
	v54 =	vld [tilespmem:s10+$0x4840];
	[tilespmem:s10+$0x47F0] =	vst v53  }
0x138: {  	v58 =	vld [tilespmem:s10+$0x4870];
	[tilespmem:s10+$0x47E0] =	vst v19;
	v19 =	vmul.f32 v47, v51  }
0x139: {  	v59 =	vmul.f32 v52, v51;
	[tilespmem:s10+$0x47D0] =	vst v49;
	v57 =	vld [tilespmem:s10+$0x4860]  }
0x13a: {  	v48 =	vld [tilespmem:s10+$0x4810];
	[tilespmem:s10+$0x4800] =	vst v19;
	v19 =	vmul.f32 v50, v51  }
0x13b: {  	v62 =	vmul.f32 v55, v51;
	[tilespmem:s10+$0x4830] =	vst v59;
	v60 =	vld [tilespmem:s10+$0x4880]  }
0x13c: {  	v40 =	vld [tilespmem:s10+$0x4910];
	[tilespmem:s10+$0x4820] =	vst v19;
	v19 =	vmul.f32 v54, v51  }
0x13d: {  	v63 =	vld [tilespmem:s10+$0x48A0];
	v32 =	vmul.f32 v58, v51;
	[tilespmem:s10+$0x4850] =	vst v62  }
0x13e: {  	v30 =	vperm.xlane v18, v6;
	v61 =	vld [tilespmem:s10+$0x4890];
	[tilespmem:s10+$0x4840] =	vst v19;
	v19 =	vmul.f32 v57, v51  }
0x13f: {  	v33 =	vld [tilespmem:s10+$0x48C0];
	v43 =	vperm.xlane v18, v7;
	v56 =	vmul.f32 v48, v51;
	[tilespmem:s10+$0x4870] =	vst v32  }
0x140: {  	v53 =	vld [tilespmem:s10+$0x4990];
	[tilespmem:s10+$0x4860] =	vst v19;
	v19 =	vmul.f32 v60, v30  }
0x141: {  	v36 =	vld [tilespmem:s10+$0x48E0];
	v48 =	vmul.f32 v40, v43;
	[tilespmem:s10+$0x4810] =	vst v56  }
0x142: {  	v31 =	vld [tilespmem:s10+$0x48B0];
	[tilespmem:s10+$0x4880] =	vst v19;
	v19 =	vmul.f32 v63, v30  }
0x143: {  	v39 =	vld [tilespmem:s10+$0x4900];
	[tilespmem:s10+$0x4910] =	vst v48;
	v56 =	vperm.xlane v18, v8;
	v35 =	vmul.f32 v61, v30  }
0x144: {  	v34 =	vld [tilespmem:s10+$0x48D0];
	[tilespmem:s10+$0x48A0] =	vst v19;
	v19 =	vmul.f32 v33, v30  }
0x145: {  	v42 =	vld [tilespmem:s10+$0x4920];
	v61 =	vmul.f32 v53, v56;
	[tilespmem:s10+$0x4890] =	vst v35  }
0x146: {  	v37 =	vld [tilespmem:s10+$0x48F0];
	[tilespmem:s10+$0x48C0] =	vst v19;
	v19 =	vmul.f32 v36, v30  }
0x147: {  	v46 =	vld [tilespmem:s10+$0x4940];
	[tilespmem:s10+$0x4990] =	vst v61;
	v38 =	vmul.f32 v31, v30  }
0x148: {  	v47 =	vld [tilespmem:s10+$0x4950];
	[tilespmem:s10+$0x48E0] =	vst v19;
	v19 =	vmul.f32 v39, v43  }
0x149: {  	v49 =	vld [tilespmem:s10+$0x4960];
	v41 =	vmul.f32 v34, v30;
	[tilespmem:s10+$0x48B0] =	vst v38  }
0x14a: {  	v38 =	vld [tilespmem:s10+$0x4A50];
	[tilespmem:s10+$0x4900] =	vst v19;
	v19 =	vmul.f32 v42, v43  }
0x14b: {  	v52 =	vld [tilespmem:s10+$0x4980];
	[tilespmem:s10+$0x48D0] =	vst v41;
	v45 =	vmul.f32 v37, v30  }
0x14c: {  	v44 =	vld [tilespmem:s10+$0x4930];
	[tilespmem:s10+$0x4920] =	vst v19;
	v19 =	vmul.f32 v46, v43  }
0x14d: {  	v55 =	vld [tilespmem:s10+$0x49A0];
	v34 =	vperm.xlane v18, v9;
	[tilespmem:s10+$0x48F0] =	vst v45;
	v54 =	vmul.f32 v47, v43  }
0x14e: {  	v50 =	vld [tilespmem:s10+$0x4970];
	[tilespmem:s10+$0x4940] =	vst v19;
	v19 =	vmul.f32 v49, v43  }
0x14f: {  	v59 =	vld [tilespmem:s10+$0x49C0];
	v45 =	vmul.f32 v38, v34;
	[tilespmem:s10+$0x4950] =	vst v54  }
0x150: {  	v57 =	vld [tilespmem:s10+$0x49B0];
	[tilespmem:s10+$0x4960] =	vst v19;
	v19 =	vmul.f32 v52, v56  }
0x151: {  	v62 =	vld [tilespmem:s10+$0x49E0];
	v51 =	vmul.f32 v44, v43;
	[tilespmem:s10+$0x4A50] =	vst v45  }
0x152: {  	v60 =	vld [tilespmem:s10+$0x49D0];
	[tilespmem:s10+$0x4980] =	vst v19;
	v19 =	vmul.f32 v55, v56  }
0x153: {  	v58 =	vmul.f32 v50, v43;
	[tilespmem:s10+$0x4930] =	vst v51;
	v30 =	vld [tilespmem:s10+$0x4A00]  }
0x154: {  	v51 =	vld [tilespmem:s10+$0x4AD0];
	[tilespmem:s10+$0x49A0] =	vst v19;
	v19 =	vmul.f32 v59, v56  }
0x155: {  	[tilespmem:s10+$0x4970] =	vst v58;
	v29 =	vmul.f32 v57, v56;
	v33 =	vld [tilespmem:s10+$0x4A20]  }
0x156: {  	v63 =	vld [tilespmem:s10+$0x49F0];
	[tilespmem:s10+$0x49C0] =	vst v19;
	v19 =	vmul.f32 v62, v56  }
0x157: {  	v37 =	vld [tilespmem:s10+$0x4A40];
	v47 =	vperm.xlane v18, v10;
	[tilespmem:s10+$0x49B0] =	vst v29;
	v32 =	vmul.f32 v60, v56  }
0x158: {  	v61 =	vld [tilespmem:s10+$0x4B30];
	[tilespmem:s10+$0x49E0] =	vst v19;
	v19 =	vmul.f32 v30, v34  }
0x159: {  	v40 =	vld [tilespmem:s10+$0x4A60];
	v58 =	vmul.f32 v51, v47;
	[tilespmem:s10+$0x49D0] =	vst v32  }
0x15a: {  	v31 =	vld [tilespmem:s10+$0x4A10];
	[tilespmem:s10+$0x4A00] =	vst v19;
	v19 =	vmul.f32 v33, v34  }
0x15b: {  	v60 =	vperm.xlane v18, v11;
	v36 =	vmul.f32 v63, v56;
	[tilespmem:s10+$0x4AD0] =	vst v58;
	v43 =	vld [tilespmem:s10+$0x4A80]  }
0x15c: {  	v57 =	vld [tilespmem:s10+$0x4B10];
	[tilespmem:s10+$0x4A20] =	vst v19;
	v19 =	vmul.f32 v37, v34  }
0x15d: {  	v32 =	vmul.f32 v61, v60;
	[tilespmem:s10+$0x49F0] =	vst v36;
	v46 =	vld [tilespmem:s10+$0x4AA0]  }
0x15e: {  	v35 =	vld [tilespmem:s10+$0x4A30];
	[tilespmem:s10+$0x4A40] =	vst v19;
	v19 =	vmul.f32 v40, v34  }
0x15f: {  	v50 =	vld [tilespmem:s10+$0x4AC0];
	v39 =	vmul.f32 v31, v34;
	[tilespmem:s10+$0x4B30] =	vst v32  }
0x160: {  	v28 =	vld [tilespmem:s10+$0x4B50];
	[tilespmem:s10+$0x4A60] =	vst v19;
	v19 =	vmul.f32 v43, v47  }
0x161: {  	v53 =	vld [tilespmem:s10+$0x4AE0];
	v29 =	vmul.f32 v57, v60;
	[tilespmem:s10+$0x4A10] =	vst v39  }
0x162: {  	v31 =	vld [tilespmem:s10+$0x4B70];
	[tilespmem:s10+$0x4A80] =	vst v19;
	v19 =	vmul.f32 v46, v47  }
0x163: {  	v42 =	vmul.f32 v35, v34;
	[tilespmem:s10+$0x4B10] =	vst v29;
	v56 =	vld [tilespmem:s10+$0x4B00]  }
0x164: {  	v41 =	vld [tilespmem:s10+$0x4A70];
	[tilespmem:s10+$0x4AA0] =	vst v19;
	v19 =	vmul.f32 v50, v47  }
0x165: {  	v35 =	vmul.f32 v28, v60;
	[tilespmem:s10+$0x4A30] =	vst v42;
	v59 =	vld [tilespmem:s10+$0x4B20]  }
0x166: {  	v44 =	vld [tilespmem:s10+$0x4A90];
	[tilespmem:s10+$0x4AC0] =	vst v19;
	v19 =	vmul.f32 v53, v47  }
0x167: {  	v63 =	vld [tilespmem:s10+$0x4B40];
	[tilespmem:s10+$0x4B50] =	vst v35;
	v39 =	vmul.f32 v31, v60  }
0x168: {  	v48 =	vld [tilespmem:s10+$0x4AB0];
	[tilespmem:s10+$0x4AE0] =	vst v19;
	v19 =	vmul.f32 v56, v60  }
0x169: {  	v49 =	vmul.f32 v41, v34;
	[tilespmem:s10+$0x4B70] =	vst v39;
	v30 =	vld [tilespmem:s10+$0x4B60]  }
0x16a: {  	v54 =	vld [tilespmem:s10+$0x4AF0];
	[tilespmem:s10+$0x4B00] =	vst v19;
	v19 =	vmul.f32 v59, v60  }
0x16b: {  	[tilespmem:s10+$0x4A70] =	vst v49;
	v52 =	vmul.f32 v44, v47;
	v33 =	vld [tilespmem:s10+$0x4B80]  }
0x16c: {  	v38 =	vld [tilespmem:s10+$0x4BB0];
	[tilespmem:s10+$0x4B20] =	vst v19;
	v19 =	vmul.f32 v63, v60  }
0x16d: {  	v36 =	vld [tilespmem:s10+$0x4BA0];
	[tilespmem:s10+$0x4A90] =	vst v52;
	v55 =	vmul.f32 v48, v47  }
0x16e: {  	v41 =	vld [tilespmem:s10+$0x4BD0];
	v37 =	vperm.xlane v18, v12;
	[tilespmem:s10+$0x4B40] =	vst v19;
	v19 =	vmul.f32 v30, v60  }
0x16f: {  	[tilespmem:s10+$0x4AB0] =	vst v55;
	v62 =	vmul.f32 v54, v47;
	v40 =	vld [tilespmem:s10+$0x4BC0]  }
0x170: {  	v44 =	vld [tilespmem:s10+$0x4BF0];
	[tilespmem:s10+$0x4B60] =	vst v19;
	v19 =	vmul.f32 v33, v37  }
0x171: {  	[tilespmem:s10+$0x4AF0] =	vst v62;
	v45 =	vmul.f32 v38, v37;
	v43 =	vld [tilespmem:s10+$0x4BE0]  }
0x172: {  	v34 =	vld [tilespmem:s10+$0x4B90];
	[tilespmem:s10+$0x4B80] =	vst v19;
	v19 =	vmul.f32 v36, v37  }
0x173: {  	v48 =	vmul.f32 v41, v37;
	[tilespmem:s10+$0x4BB0] =	vst v45;
	v46 =	vld [tilespmem:s10+$0x4C00]  }
0x174: {  	v51 =	vld [tilespmem:s10+$0x4C30];
	[tilespmem:s10+$0x4BA0] =	vst v19;
	v19 =	vmul.f32 v40, v37  }
0x175: {  	v49 =	vld [tilespmem:s10+$0x4C20];
	v52 =	vmul.f32 v44, v37;
	[tilespmem:s10+$0x4BD0] =	vst v48  }
0x176: {  	v54 =	vld [tilespmem:s10+$0x4C50];
	v50 =	vperm.xlane v18, v13;
	[tilespmem:s10+$0x4BC0] =	vst v19;
	v19 =	vmul.f32 v43, v37  }
0x177: {  	[tilespmem:s10+$0x4BF0] =	vst v52;
	v42 =	vmul.f32 v34, v37;
	v53 =	vld [tilespmem:s10+$0x4C40]  }
0x178: {  	v57 =	vld [tilespmem:s10+$0x4C70];
	[tilespmem:s10+$0x4BE0] =	vst v19;
	v19 =	vmul.f32 v46, v50  }
0x179: {  	[tilespmem:s10+$0x4B90] =	vst v42;
	v58 =	vmul.f32 v51, v50;
	v56 =	vld [tilespmem:s10+$0x4C60]  }
0x17a: {  	v47 =	vld [tilespmem:s10+$0x4C10];
	[tilespmem:s10+$0x4C00] =	vst v19;
	v19 =	vmul.f32 v49, v50  }
0x17b: {  	v61 =	vmul.f32 v54, v50;
	[tilespmem:s10+$0x4C30] =	vst v58;
	v59 =	vld [tilespmem:s10+$0x4C80]  }
0x17c: {  	v39 =	vld [tilespmem:s10+$0x4D10];
	[tilespmem:s10+$0x4C20] =	vst v19;
	v19 =	vmul.f32 v53, v50  }
0x17d: {  	v62 =	vld [tilespmem:s10+$0x4CA0];
	v31 =	vmul.f32 v57, v50;
	[tilespmem:s10+$0x4C50] =	vst v61  }
0x17e: {  	v63 =	vperm.xlane v18, v14;
	v60 =	vld [tilespmem:s10+$0x4C90];
	[tilespmem:s10+$0x4C40] =	vst v19;
	v19 =	vmul.f32 v56, v50  }
0x17f: {  	v32 =	vld [tilespmem:s10+$0x4CC0];
	v42 =	vperm.xlane v18, v15;
	[tilespmem:s10+$0x4C70] =	vst v31;
	v55 =	vmul.f32 v47, v50  }
0x180: {  	v33 =	vld [tilespmem:s10+$0x4CD0];
	[tilespmem:s10+$0x4C60] =	vst v19;
	v19 =	vmul.f32 v59, v63  }
0x181: {  	v35 =	vld [tilespmem:s10+$0x4CE0];
	v47 =	vmul.f32 v39, v42;
	[tilespmem:s10+$0x4C10] =	vst v55  }
0x182: {  	v30 =	vld [tilespmem:s10+$0x4CB0];
	[tilespmem:s10+$0x4C80] =	vst v19;
	v19 =	vmul.f32 v62, v63  }
0x183: {  	v38 =	vld [tilespmem:s10+$0x4D00];
	[tilespmem:s10+$0x4D10] =	vst v47;
	v34 =	vmul.f32 v60, v63  }
0x184: {  	v36 =	vld [tilespmem:s10+$0x4CF0];
	[tilespmem:s10+$0x4CA0] =	vst v19;
	v19 =	vmul.f32 v32, v63  }
0x185: {  	v41 =	vld [tilespmem:s10+$0x4D20];
	[tilespmem:s10+$0x4C90] =	vst v34;
	v40 =	vmul.f32 v33, v63  }
0x186: {  	v46 =	vld [tilespmem:s10+$0x4D50];
	[tilespmem:s10+$0x4CC0] =	vst v19;
	v19 =	vmul.f32 v35, v63  }
0x187: {  	v45 =	vld [tilespmem:s10+$0x4D40];
	v37 =	vmul.f32 v30, v63;
	[tilespmem:s10+$0x4CD0] =	vst v40  }
0x188: {  	v43 =	vld [tilespmem:s10+$0x4D30];
	[tilespmem:s10+$0x4CE0] =	vst v19;
	v19 =	vmul.f32 v38, v42  }
0x189: {  	v48 =	vld [tilespmem:s10+$0x4D60];
	v44 =	vmul.f32 v36, v63;
	[tilespmem:s10+$0x4CB0] =	vst v37  }
0x18a: {  	v49 =	vld [tilespmem:s10+$0x4D70];
	[tilespmem:s10+$0x4D00] =	vst v19;
	v19 =	vmul.f32 v41, v42  }
0x18b: {  	v51 =	vld [tilespmem:s10+$0x4D80];
	[tilespmem:s10+$0x4CF0] =	vst v44;
	v53 =	vmul.f32 v46, v42  }
0x18c: {  	v52 =	vld [tilespmem:s10+$0x4D90];
	[tilespmem:s10+$0x4D20] =	vst v19;
	v19 =	vmul.f32 v45, v42  }
0x18d: {  	v54 =	vld [tilespmem:s10+$0x4DA0];
	v50 =	vmul.f32 v43, v42;
	[tilespmem:s10+$0x4D50] =	vst v53  }
0x18e: {  	v18 =	vperm.xlane v18, v16;
	v55 =	vld [tilespmem:s10+$0x4DB0];
	[tilespmem:s10+$0x4D40] =	vst v19;
	v19 =	vmul.f32 v48, v42  }
0x18f: {  	v57 =	vld [tilespmem:s10+$0x4DC0];
	v56 =	vmul.f32 v49, v42;
	[tilespmem:s10+$0x4D30] =	vst v50  }
0x190: {  	v58 =	vld [tilespmem:s10+$0x4DD0];
	[tilespmem:s10+$0x4D60] =	vst v19;
	v19 =	vmul.f32 v51, v18  }
0x191: {  	v60 =	vld [tilespmem:s10+$0x4DE0];
	v59 =	vmul.f32 v52, v18;
	[tilespmem:s10+$0x4D70] =	vst v56  }
0x192: {  	v61 =	vld [tilespmem:s10+$0x4DF0];
	[tilespmem:s10+$0x4D80] =	vst v19;
	v19 =	vmul.f32 v54, v18  }
0x193: {  	[tilespmem:s10+$0x4D90] =	vst v59;
	v62 =	vmul.f32 v55, v18  }
0x194: {  	p1 =	sne.s32 s3, $0x7;
	[tilespmem:s10+$0x4DA0] =	vst v19;
	v19 =	vmul.f32 v57, v18  }
.Ltmp7:
0x195: {  	[tilespmem:s10+$0x4DB0] =	vst v62;
	v63 =	vmul.f32 v58, v18;
	(pc) =	sbr.rel @p1 .LBB2_13-.Ltmp7, $4  }
0x196: {  	[tilespmem:s10+$0x4DC0] =	vst v19;
	v19 =	vmul.f32 v60, v18  }
0x197: {  	[tilespmem:s10+$0x4DD0] =	vst v63;
	v18 =	vmul.f32 v61, v18  }
0x198: {  	[tilespmem:s10+$0x4DE0] =	vst v19  }
0x199: {  	s3 =	sadd.s32 $0x1, s3;
	[tilespmem:s10+$0x4DF0] =	vst v18  }
0x19a: {  	s24 =	sadd.s32 $0x1, s24  }
0x19b: {  	p1 =	sne.s32 s24, $0x28  }
.Ltmp8:
0x19c: {  	_ = 	snop;
	(pc) =	sbr.rel @p1 .LBB2_8-.Ltmp8, $3  }
0x19d: {  	_ =	sdelay $0x1  }
0x19e: {  	s3 =	sor.u32 $0x200, s25  }
0x19f: {  	[spmem:s2] =	stream.indirect.scatter.add.f32 [tilespmem:s30], [sflag:$0x8], $0x80, s3, s23, $0xb8;
	[tilespmem:$0x1E680] =	vst v63  }
0x1a0: {  	_ =	swait.ge [sflag:s21], $0x4000  }
.Ltmp9:
0x1a1: {  	s3 =	stileid.u32;
	[sflag:s21] =	ssyncset.done $0x0;
	(pc) =	sbr.rel @!p0 .LBB2_17-.Ltmp9, $4  }
0x1a2: {  	s3 =	sshll.u32 s3, $0x6;
	[sflag:s21] =	ssyncadd.s32 $0xFFFFC000  }
0x1a3: {  	s10 =	sshrl.u32 s17, $0x3;
	s3 =	sor.u32 $0x1C09, s3;
	[bflag:$0x0] =	sbarrier.arrive $0xFFFF  }
0x1a4: {  	[hbm:s18], [sflag:s3] =	dma.local [spmem:s10], $0x500  }
0x1a5: {  	s11 =	sadd.s32 $0x28000, s17;
	s12 =	smov.u32 s18;
	s10 =	sadd.s32 $0xFFFFFFFF, s8  }
.LBB2_16:
0x1a6: {  	p1 =	sne.s32 s10, $0x1;
	s10 =	sadd.s32 $0xFFFFFFFF, s10  }
.Ltmp10:
0x1a7: {  	s13 =	sshrl.u32 s11, $0x3;
	s12 =	sadd.s32 $0x5000, s12;
	(pc) =	sbr.rel @p1 .LBB2_16-.Ltmp10, $3  }
0x1a8: {  	[hbm:s12], [sflag:s3] =	dma.local [spmem:s13], $0x500  }
0x1a9: {  	_ =	sdelay $0x1  }
0x1aa: {  	s11 =	sadd.s32 $0x28000, s11  }
.LBB2_17:
.Ltmp11:
0x1ab: {  	(pc) =	sbr.rel @!p0 .LBB2_19-.Ltmp11, $3  }
0x1ac: {  	_ =	sdelay $0x1  }
0x1ad: {  	_ =	swait.ge [sflag:s20], $0x500  }
0x1ae: {  	s3 =	sadd.s32 $0xFFFFFFFF, s8;
	[sflag:s20] =	ssyncset.done $0x0  }
.LBB2_18:
0x1af: {  	p0 =	sne.s32 s3, $0x1;
	s3 =	sadd.s32 $0xFFFFFFFF, s3;
	[sflag:s20] =	ssyncadd.s32 $0xFFFFFB00  }
.Ltmp12:
0x1b0: {  	(pc) =	sbr.rel @p0 .LBB2_18-.Ltmp12, $3  }
0x1b1: {  	_ =	sdelay $0x1  }
0x1b2: {  	_ =	swait.ge [sflag:s20], $0x500  }
0x1b3: {  	[sflag:s20] =	ssyncset.done $0x0  }
.LBB2_19:
0x1b4: {  	s22 =	sadd.s32 $0x1, s22  }
0x1b5: {  	p0 =	sne.s32 s22, s16  }
.Ltmp13:
0x1b6: {  	_ = 	snop;
	(pc) =	sbr.rel @p0 .LBB2_1-.Ltmp13, $2  }
0x1b7: {  	_ =	sdelay $0x2  }
0x1b8: {  	[sflag:s20] =	ssyncadd.s32 $0xFFFFFB00  }
0x1b9: {  	_ =	sfence.sel $0x180000  }
0x1ba: {  	[bflag:$0x0] =	sbarrier.arrive $0xFFFF  }
0x1bb: {  	_ =	strace $0x9000004A  }
0x1bc: {  	s0 =	stileid.u32;
	[bflag:$0x2] =	sbarrier.arrive $0xFFFF  }
0x1bd: {  	p0 =	sne.s32 s0, $0x0;
	s0 =	rddreg [dreg:$0x3]  }
0x1be: {  	s0 =	sadd.s32 @!p0 $0x100000, s0  }
0x1bf: {  	[sflag:s0] =	ssyncadd.tile.s32 @!p0 $0x1;
	_ =	shalt  }
.Lfunc_end2:
_tile_overlayer_lowered:
.L_overlay_start_2:
0x1c0: {  	(tag) =	ssettag $0x2  }
0x1c1: {  	s0 =	rddreg [dreg:$0x0];
	s2 =	stileid.u32  }
0x1c2: {  	s1 =	rddreg [dreg:$0x1];
	p0 =	sne.s32 s2, $0x0  }
0x1c3: {  	s3 =	rddreg [dreg:$0x2];
	[bflag:$0x3] =	sbarrier.arrive $0xFFFF;
	s2 =	simm.s32 @!p0 $0x1C0A  }
0x1c4: {  	[timem:s3], [sflag:s2] =	dma.local @!p0 [hbm:s0], s1  }
0x1c5: {  	s0 =	simm.s32 @!p0 $0xA  }
0x1c6: {  	_ =	swait.ge @!p0 [sflag:s0], s1  }
0x1c7: {  	s1 =	ssub.s32 @!p0 $0x0, s1;
	[sflag:s0] =	ssyncset.done @!p0 $0x0  }
0x1c8: {  	[sflag:s0] =	ssyncadd.s32 @!p0 s1  }
0x1c9: {  	[bflag:$0x3] =	sbarrier.arrive $0xFFFF  }
0x1ca: {  	_ =	shalt  }

// kernel: kernel.7.cloned.1.call-start
scs
__scs_entry_jumppad:
0x0: {  	(pc) =	sbr.rel $0x88, $3  }
0x1: {  	(tag) =	ssettag $0x0;
	lr =	simm.s32 $0x1  }
0x2: {  	[smem:$0x3F9C] =	sst lr;
	_ =	strace $0xD0000000  }
0x3: {  	_ = 	snop  }
0x4: {  	_ = 	snop  }
0x5: {  	_ = 	snop  }
0x6: {  	_ = 	snop  }
0x7: {  	_ = 	snop  }
__scs_overlays_trampoline_lowered:
0x8: {  	[smem:$0x3FAB] =	sst s0  }
0x9: {  	[smem:$0x3FAC] =	sst s1  }
0xa: {  	[smem:$0x3FAD] =	sst s2  }
0xb: {  	[smem:$0x3FAE] =	sst s3  }
0xc: {  	[smem:$0x3FAF] =	sst s4  }
0xd: {  	[smem:$0x3FB0] =	sst s5  }
0xe: {  	[smem:$0x3FB1] =	sst s6  }
0xf: {  	[smem:$0x3FB2] =	sst s7  }
0x10: {  	[smem:$0x3FB3] =	sst s8  }
0x11: {  	[smem:$0x3FB4] =	sst s9;
	s0 =	simm.s32 @!p0 $0x0  }
0x12: {  	s1 =	sld [smem:$0x3F9A];
	s0 =	simm.s32 @p0 $0x1  }
0x13: {  	[smem:$0x3FB5] =	sst s0;
	s0 =	simm.s32 @!p1 $0x0  }
0x14: {  	s2 =	sld [smem:$0x3F99];
	s0 =	simm.s32 @p1 $0x1  }
0x15: {  	[smem:$0x3FB6] =	sst s0;
	s0 =	simm.s32 @!p2 $0x0  }
0x16: {  	s3 =	sld [smem:$0x3FDB];
	s0 =	simm.s32 @p2 $0x1  }
0x17: {  	s4 =	simm.s32 $0x1BF5;
	[smem:$0x3FB8] =	sst s0  }
0x18: {  	s0 =	sld [smem:$0x3F9B];
	_ =	swait.ge [sflag:s4], $0x0  }
0x19: {  	s7 =	sld [smem:$0x3F9C]  }
0x1a: {  	s8 =	sadd.s32 $0xFFFFE003, lr  }
0x1b: {  	s9 =	sadd.s32 $0xFFFFFEF7, lr;
	s5 =	simm.s32 $0xFFFFFFFF;
	p2 =	slt.u32 s8, $0xFFFFF086  }
0x1c: {  	p1 =	slt.u32 s9, $0xF7A;
	s5 =	simm.s32 @!p2 $0x0  }
0x1d: {  	s5 =	simm.s32 @p1 $0x1;
	p0 =	seq.s32 s7, s2  }
0x1e: {  	s7 =	smul.u32 @!p0 $0xF7A, s2;
	p2 =	seq.s32 @!p0 s5, $0x0  }
0x1f: {  	s9 =	smul.u32 $0xF7A, s1;
	s8 =	simm.s32 @!p0 $0x1BF5;
	p2 =	por !p2, p0  }
0x20: {  	[sflag:s8] =	ssyncset.s32 @!p0 $0xFFFFF086;
	s6 =	sadd.s32 @!p0 s3, s7;
	s7 =	simm.s32 @!p0 $0x108  }
0x21: {  	s3 =	sadd.s32 s3, s9;
	s6 =	sadd.s32 @!p0 $0x88, s6;
	s7 =	simm.s32 @p2 $0x1082  }
0x22: {  	[simem:s7], [sflag:s8] =	dma.local @!p0 [hbm:s6], $0xF7A  }
0x23: {  	s9 =	sor.u32 $0xD0000000, s2;
	s6 =	simm.s32 $0x108;
	_ =	swait.ge @!p0 [sflag:s8], $0x0  }
0x24: {  	s3 =	sadd.s32 $0x88, s3;
	s6 =	simm.s32 @!p1 $0x1082;
	[sflag:s4] =	ssyncset.s32 $0xFFFFF086  }
0x25: {  	[simem:s6], [sflag:s4] =	dma.local [hbm:s3], $0xF7A  }
0x26: {  	[smem:$0x3F9C] =	sst s1;
	(tag) =	ssettag s2;
	_ =	strace s9  }
0x27: {  	s1 =	sld [smem:$0x3FAC]  }
0x28: {  	s2 =	sld [smem:$0x3FAD]  }
0x29: {  	s4 =	sld [smem:$0x3FAF]  }
0x2a: {  	p0 =	seq.s32 s5, $0x0;
	s5 =	sld [smem:$0x3FB0]  }
0x2b: {  	s6 =	sld [smem:$0x3FB1]  }
0x2c: {  	s7 =	sld [smem:$0x3FB2]  }
0x2d: {  	s3 =	simm.s32 $0x108;
	s8 =	sld [smem:$0x3FB3]  }
0x2e: {  	s3 =	simm.s32 @!p0 $0x1082;
	s9 =	sld [smem:$0x3FB4]  }
0x2f: {  	lr =	sadd.s32 s0, s3;
	s0 =	sld [smem:$0x3FAB]  }
0x30: {  	s3 =	sld [smem:$0x3FAE]  }
0x31: {  	[smem:$0x3FB7] =	sst s10  }
0x32: {  	s10 =	sld [smem:$0x3FB5];
	_ =	sdelay $0x3  }
0x33: {  	p0 =	seq.s32 s10, $0x1;
	s10 =	sld [smem:$0x3FB7];
	_ =	sdelay $0x3  }
0x34: {  	[smem:$0x3FB7] =	sst s10  }
0x35: {  	s10 =	sld [smem:$0x3FB6];
	_ =	sdelay $0x3  }
0x36: {  	p1 =	seq.s32 s10, $0x1;
	s10 =	sld [smem:$0x3FB7];
	_ =	sdelay $0x3  }
0x37: {  	[smem:$0x3FB7] =	sst s10  }
0x38: {  	s10 =	sld [smem:$0x3FB8]  }
0x39: {  	_ = 	snop;
	(pc) =	sbr.ind lr, $3  }
0x3a: {  	_ = 	snop  }
0x3b: {  	_ = 	snop  }
0x3c: {  	p2 =	seq.s32 s10, $0x1;
	s10 =	sld [smem:$0x3FB7]  }
0x3d: {  	_ =	shalt  }
0x3e: {  	_ =	shalt  }
0x3f: {  	_ =	shalt  }
0x40: {  	_ =	shalt  }
0x41: {  	_ =	shalt  }
0x42: {  	_ =	shalt  }
0x43: {  	_ =	shalt  }
0x44: {  	_ =	shalt  }
0x45: {  	_ =	shalt  }
0x46: {  	_ =	shalt  }
0x47: {  	_ =	shalt  }
0x48: {  	_ =	shalt  }
0x49: {  	_ =	shalt  }
0x4a: {  	_ =	shalt  }
0x4b: {  	_ =	shalt  }
0x4c: {  	_ =	shalt  }
0x4d: {  	_ =	shalt  }
0x4e: {  	_ =	shalt  }
0x4f: {  	_ =	shalt  }
0x50: {  	_ =	shalt  }
0x51: {  	_ =	shalt  }
0x52: {  	_ =	shalt  }
0x53: {  	_ =	shalt  }
0x54: {  	_ =	shalt  }
0x55: {  	_ =	shalt  }
0x56: {  	_ =	shalt  }
0x57: {  	_ =	shalt  }
0x58: {  	_ =	shalt  }
0x59: {  	_ =	shalt  }
0x5a: {  	_ =	shalt  }
0x5b: {  	_ =	shalt  }
0x5c: {  	_ =	shalt  }
0x5d: {  	_ =	shalt  }
0x5e: {  	_ =	shalt  }
0x5f: {  	_ =	shalt  }
0x60: {  	_ =	shalt  }
0x61: {  	_ =	shalt  }
0x62: {  	_ =	shalt  }
0x63: {  	_ =	shalt  }
0x64: {  	_ =	shalt  }
0x65: {  	_ =	shalt  }
0x66: {  	_ =	shalt  }
0x67: {  	_ =	shalt  }
0x68: {  	_ =	shalt  }
0x69: {  	_ =	shalt  }
0x6a: {  	_ =	shalt  }
0x6b: {  	_ =	shalt  }
0x6c: {  	_ =	shalt  }
0x6d: {  	_ =	shalt  }
0x6e: {  	_ =	shalt  }
0x6f: {  	_ =	shalt  }
0x70: {  	_ =	shalt  }
0x71: {  	_ =	shalt  }
0x72: {  	_ =	shalt  }
0x73: {  	_ =	shalt  }
0x74: {  	_ =	shalt  }
0x75: {  	_ =	shalt  }
0x76: {  	_ =	shalt  }
0x77: {  	_ =	shalt  }
0x78: {  	_ =	shalt  }
0x79: {  	_ =	shalt  }
0x7a: {  	_ =	shalt  }
0x7b: {  	_ =	shalt  }
0x7c: {  	_ =	shalt  }
0x7d: {  	_ =	shalt  }
0x7e: {  	_ =	shalt  }
0x7f: {  	_ =	shalt  }
0x80: {  	_ =	shalt  }
0x81: {  	_ =	shalt  }
0x82: {  	_ =	shalt  }
0x83: {  	_ =	shalt  }
0x84: {  	_ =	shalt  }
0x85: {  	_ =	shalt  }
0x86: {  	_ =	shalt  }
0x87: {  	_ =	shalt  }
.Lfunc_end0:
.L_simem_size_0:
called_computation_lowered:
.L_overlay_start_0:
0x88: {  	s2 =	sld [smem:$0x3FD9]  }
0x89: {  	s3 =	sld [smem:$0x3FFE];
	_ =	sdelay $0x1  }
0x8a: {  	s1 =	srdreg.scid  }
0x8b: {  	s0 =	sand.u32 $0x1, s1  }
0x8c: {  	s17 =	sshll.u32 s0, $0xA;
	s2 =	sadd.s32 s3, s2  }
0x8d: {  	s2 =	sadd.s32 s2, s17  }
0x8e: {  	[smem:$0x3FC3] =	sst s2  }
0x8f: {  	_ = 	snop  }
0x90: {  	s2 =	sld [smem:$0x3FC7]  }
0x91: {  	s18 =	sld [smem:$0x3FD0];
	(tm) =	ssettm $0x1  }
0x92: {  	s4 =	sld [smem:$0x3FFB];
	_ =	sdelay $0x3  }
0x93: {  	_ =	strace s4  }
0x94: {  	s4 =	sld [smem:$0x3FFC];
	_ =	sdelay $0x3  }
0x95: {  	_ =	strace s4  }
0x96: {  	s4 =	sld [smem:$0x3FFD];
	_ =	sdelay $0x3  }
0x97: {  	_ =	strace s4  }
0x98: {  	_ =	strace $0x8FFFFFFF  }
0x99: {  	s19 =	sld [smem:$0x3FDB];
	_ =	sdelay $0x1  }
0x9a: {  	s5 =	simm.s32 $_scs_section_size  }
0x9b: {  	s6 =	simm.s32 $_size__tile_overlayer_lowered;
	s7 =	simm.s32 $_tile_overlayer_lowered  }
0x9c: {  	s22 =	simm.s32 $0x1BFF;
	s21 =	sshll.u32 s7, $0x1;
	s4 =	sadd.s32 s5, s19  }
0x9d: {  	s8 =	simm.s32 $0x0;
	s20 =	sshll.u32 s6, $0x1;
	s6 =	sadd.s32 s21, s4  }
0x9e: {  	[timem:s8], [sflag:s22] =	dma.local [hbm:s6], s20  }
0x9f: {  	_ =	swait.ge [sflag:s22], s20  }
0xa0: {  	s5 =	ssub.s32 $0x0, s20;
	[sflag:s22] =	ssyncset.done $0x0  }
0xa1: {  	[sflag:s22] =	ssyncadd.s32 s5;
	_ =	sdelay $0x1  }
0xa2: {  	s23 =	simm.s32 $0x1B8B  }
0xa3: {  	_ =	swait.ge [sflag:s23], $0x1  }
0xa4: {  	[sflag:s23] =	ssyncset.done $0x0  }
0xa5: {  	s25 =	simm.s32 $0x1B8E;
	s24 =	sld [smem:$0x3FFE];
	[sflag:s23] =	ssyncadd.s32 $0xFFFFFFFF  }
0xa6: {  	s26 =	simm.s32 $execute0_lowered;
	[smem:$0x3FD2] =	sst s25  }
0xa7: {  	s6 =	sshll.u32 s26, $0x1;
	_ =	strace $0x80000046;
	[dreg:$0x1] =	wrdreg $0xFFFFFFFF  }
0xa8: {  	s28 =	simm.s32 $_size_execute0_lowered;
	s4 =	sadd.s32 s4, s6;
	[dreg:$0x0] =	wrdreg $0x0  }
0xa9: {  	s6 =	sshll.u32 s28, $0x1;
	[dreg:$0x2] =	wrdreg s4  }
0xaa: {  	[dreg:$0x3] =	wrdreg s6  }
0xab: {  	[dreg:$0x4] =	wrdreg $0xC0  }
0xac: {  	_ =	task [dreg:s8], $0x5FFFF  }
0xad: {  	[dreg:$0x1] =	wrdreg $0xFFFFFFFF  }
0xae: {  	[dreg:$0x0] =	wrdreg $0x60  }
0xaf: {  	[dreg:$0x2] =	wrdreg s18  }
0xb0: {  	[dreg:$0x3] =	wrdreg s2  }
0xb1: {  	[dreg:$0x4] =	wrdreg s24  }
0xb2: {  	[dreg:$0x5] =	wrdreg $0x62800  }
0xb3: {  	[dreg:$0x6] =	wrdreg $0x9  }
0xb4: {  	_ =	task.clear_ibuf [dreg:s8], $0x7FFFF;
	_ =	strace $0x90000046  }
0xb5: {  	s29 =	simm.s32 $0x9;
	_ =	strace $0x80000048  }
0xb6: {  	_ =	swait.ge [sflag:s29], $0x1  }
0xb7: {  	[sflag:s29] =	ssyncadd.s32 $0xFFFFFFFF  }
0xb8: {  	_ =	strace $0x90000048  }
0xb9: {  	_ =	sfence  }
0xba: {  	s30 =	sld [smem:$0x0];
	_ =	sdelay $0x2  }
0xbb: {  	s31 =	sshll.u32 s1, $0xD;
	s1 =	sshrl.u32 s1, $0x2  }
0xbc: {  	s3 =	sand.u32 $0x4000, s31;
	s1 =	sadd.s32 s1, s30  }
0xbd: {  	s0 =	sor.u32 s3, s0;
	s1 =	sshll.u32 s1, $0x11  }
0xbe: {  	s0 =	sor.u32 s1, s0  }
0xbf: {  	s0 =	sadd.s32 $0x8F2B, s0  }
0xc0: {  	[sflag:s0] =	ssyncadd.remote.s32 $0x1  }
0xc1: {  	_ =	sfence.sel $0xFFFF  }
0xc2: {  	[dreg:$0x0] =	wrdreg $0xFFFFFFFF;
	(pc) =	sbr.abs _section_cstart, $3  }
0xc3: {  	[dreg:$0x1] =	wrdreg $0xFFFFFFFF  }
0xc4: {  	_ =	task.clear_ibuf [dreg:s8], $0x2FFFF;
	_ =	strace $0x9FFFFFFF  }
0xc5: {  	(tm) =	ssettm $0x7FFFFFFF  }
tec
execute0_lowered:
.L_overlay_start_1:
0x0: {  	(tag) =	ssettag $0x1  }
0x1: {  	s1 =	rddreg [dreg:$0x0]  }
0x2: {  	s2 =	rddreg [dreg:$0x1]  }
0x3: {  	s10 =	rddreg [dreg:$0x2]  }
0x4: {  	s8 =	rddreg [dreg:$0x3]  }
0x5: {  	s3 =	srdreg.scid;
	s0 =	rddreg [dreg:$0x4];
	s5 =	simm.s32 $0x0  }
0x6: {  	s14 =	simm.s32 $0x80;
	s15 =	simm.s32 $0x400;
	s16 =	simm.s32 $0x1  }
0x7: {  	s17 =	simm.s32 $0x6000;
	s4 =	sand.u32 $0x1, s3;
	s3 =	stileid.u32  }
0x8: {  	s18 =	simm.s32 $0x0;
	[smem:$0x7FF] =	sst s5;
	s7 =	sshrl.u32 s3, $0x3  }
0x9: {  	s6 =	ssub.s32 $0x2, s4;
	_ =	strace $0x80000047;
	s7 =	smul.u32 $0x50000, s7  }
0xa: {  	s11 =	sshll.u32 s3, $0x7;
	s12 =	smul.u32 $0x5000, s3;
	p0 =	seq.s32 s4, $0x1  }
0xb: {  	s13 =	smul.u32 $0x50, s3;
	s9 =	sshrl.u32 s6, $0x1;
	s7 =	sshrl.u32 s7, $0x2  }
0xc: {  	s11 =	sand.u32 $0x380, s11;
	s9 =	ssub.s32 s6, s9;
	s7 =	sadd.s32 s7, s8  }
0xd: {  	s6 =	sshll.u32 s3, $0x1;
	s7 =	sadd.s32 s11, s7;
	s11 =	simm.s32 $0x2C00  }
0xe: {  	s12 =	sshrl.u32 s12, $0x2;
	s9 =	smax.u32 s9, $0x1;
	s11 =	simm.s32 @!p0 $0x2600  }
0xf: {  	s8 =	sadd.s32 s12, s8;
	s12 =	simm.s32 $0x800;
	s10 =	sadd.s32 s11, s10  }
0x10: {  	v0 =	vimm.f32 $0.0e+00;
	s11 =	simm.s32 $0x2;
	s10 =	sadd.s32 s10, s13;
	s13 =	simm.s32 $0x1000  }
.LBB2_1:
0x11: {  	s19 =	simm.s32 $0x40;
	s20 =	simm.s32 $0x0  }
.LBB2_2:
0x12: {  	p0 =	sne.s32 s19, $0x9FC0;
	[tilespmem:s20+$0x1000] =	vst v0;
	s20 =	smov.u32 s19;
	s19 =	sadd.s32 $0x40, s19  }
.Ltmp0:
0x13: {  	(pc) =	sbr.rel @p0 .LBB2_2-.Ltmp0, $2  }
0x14: {  	_ =	sdelay $0x2  }
0x15: {  	s20 =	sshra.s32 s20, $0x2  }
0x16: {  	[tilespmem:s20+$0x1000] =	vst v0;
	s19 =	simm.s32 $0x0;
	s20 =	simm.s32 $0x0  }
.LBB2_4:
0x17: {  	s21 =	sshll.u32 s20, $0x5  }
0x18: {  	s21 =	sor.u32 s21, s6  }
0x19: {  	s21 =	sor.u32 s4, s21  }
0x1a: {  	s21 =	smul.u32 $0xFA, s21;
	_ =	sdelay $0x1  }
0x1b: {  	s22 =	sadd.s32 s1, s21  }
0x1c: {  	[tilespmem:s19], [sflag:$0x2] =	stream.linear.gather [hbm4b:s22+s19], $0x7D0, $0x38;
	[tilespmem:$0x8A80] =	vst v63  }
0x1d: {  	_ =	swait.ge [sflag:s11], $0x7D0  }
0x1e: {  	[sflag:s11] =	ssyncset.done $0x0  }
0x1f: {  	s21 =	sadd.s32 s2, s21;
	[sflag:s11] =	ssyncadd.s32 $0xFFFFF830  }
0x20: {  	[tilespmem:s12], [sflag:$0x2] =	stream.linear.gather [hbm4b:s21+s19], $0x7D0, $0x38;
	[tilespmem:$0x8A80] =	vst v63  }
0x21: {  	_ =	swait.ge [sflag:s11], $0x7D0  }
0x22: {  	[sflag:s11] =	ssyncset.done $0x0  }
0x23: {  	s22 =	simm.s32 $0x0;
	s21 =	simm.s32 $0x40;
	[sflag:s11] =	ssyncadd.s32 $0xFFFFF830  }
.LBB2_5:
0x24: {  	p0 =	sne.s32 s21, $0x1F00;
	v1 =	vld [tilespmem:s22+$0x0];
	_ =	sdelay $0x2  }
0x25: {  	v2 =	vld [tilespmem:s22+$0x800]  }
.Ltmp1:
0x26: {  	(pc) =	sbr.rel @p0 .LBB2_5-.Ltmp1, $2  }
0x27: {  	_ =	sdelay $0x2  }
0x28: {  	s22 =	sshra.s32 s21, $0x2;
	s21 =	sadd.s32 $0x40, s21;
	[tilespmem:v1+s13+$0x0] =	vst.idx.add.f32.msk $0xffff, v2  }
0x29: {  	v1 =	vld [tilespmem:s22+$0x0];
	_ =	sdelay $0x1  }
0x2a: {  	s20 =	sadd.s32 $0x1, s20  }
0x2b: {  	v2 =	vld [tilespmem:s22+$0x800];
	p0 =	sne.s32 s20, $0x5  }
.Ltmp2:
0x2c: {  	_ = 	snop;
	(pc) =	sbr.rel @p0 .LBB2_4-.Ltmp2, $2  }
0x2d: {  	_ =	sdelay $0x2  }
0x2e: {  	[tilespmem:v1+s13+$0x0] =	vst.idx.add.f32.msk $0xffff, v2  }
0x2f: {  	[spmem:s7] =	stream.strided.scatter [tilespmem:s13], [sflag:$0x2], $0x2800, s15, s14, $0x38;
	[tilespmem:$0x8A80] =	vst v63  }
0x30: {  	s19 =	simm.s32 $0x0  }
0x31: {  	_ =	swait.ge [sflag:s11], $0x2800;
	s22 =	smul.u32 $0x5000, s19  }
0x32: {  	s20 =	simm.s32 $0x0;
	s19 =	smul.u32 $0x50000, s19;
	[sflag:s11] =	ssyncset.done $0x0  }
0x33: {  	s21 =	sand.u32 $0x380, s20;
	[sflag:s11] =	ssyncadd.s32 $0xFFFFD800  }
0x34: {  	s22 =	sshra.s32 s22, $0x2;
	s23 =	sshra.s32 s19, $0x2;
	[bflag:$0x0] =	sbarrier.arrive $0xFFFF  }
0x35: {  	s19 =	sor.u32 s21, s22;
	s23 =	sadd.s32 s23, s8;
	s22 =	simm.s32 $0x1  }
.LBB2_8:
0x36: {  	p0 =	sne.s32 s22, $0xF;
	s24 =	sadd.s32 $0x3800, s19;
	s23 =	sadd.s32 s21, s23  }
0x37: {  	[tilespmem:s24], [sflag:$0x1] =	stream.linear.gather [spmem:s23], $0x80, $0x38;
	[tilespmem:$0x8A80] =	vst v63  }
0x38: {  	s20 =	sadd.s32 $0x80, s20;
	s24 =	sshrl.u32 s22, $0x3  }
0x39: {  	s21 =	sand.u32 $0x380, s20;
	s25 =	smul.u32 $0x5000, s24  }
0x3a: {  	s28 =	sadd.s32 $0x3C00, s19;
	s26 =	sadd.s32 $0x400, s23;
	s24 =	smul.u32 $0x50000, s24  }
0x3b: {  	[tilespmem:s28], [sflag:$0x1] =	stream.linear.gather [spmem:s26], $0x80, $0x38;
	[tilespmem:$0x8A80] =	vst v63  }
0x3c: {  	s25 =	sshra.s32 s25, $0x2;
	s26 =	sadd.s32 $0x800, s23;
	s28 =	sadd.s32 $0x4000, s19  }
0x3d: {  	[tilespmem:s28], [sflag:$0x1] =	stream.linear.gather [spmem:s26], $0x80, $0x38;
	[tilespmem:$0x8A80] =	vst v63  }
.Ltmp3:
0x3e: {  	s26 =	sadd.s32 $0xC00, s23;
	s28 =	sadd.s32 $0x4400, s19;
	(pc) =	sbr.rel @p0 .LBB2_8-.Ltmp3, $4  }
0x3f: {  	[tilespmem:s28], [sflag:$0x1] =	stream.linear.gather [spmem:s26], $0x80, $0x38;
	[tilespmem:$0x8A80] =	vst v63  }
0x40: {  	s24 =	sshra.s32 s24, $0x2;
	s23 =	sadd.s32 $0x1000, s23;
	s19 =	sadd.s32 $0x4800, s19  }
0x41: {  	[tilespmem:s19], [sflag:$0x1] =	stream.linear.gather [spmem:s23], $0x80, $0x38;
	[tilespmem:$0x8A80] =	vst v63  }
0x42: {  	s22 =	sadd.s32 $0x1, s22;
	s19 =	sor.u32 s21, s25;
	s23 =	sadd.s32 s24, s8  }
0x43: {  	s20 =	sadd.s32 $0x3800, s19;
	s21 =	sadd.s32 s21, s23  }
0x44: {  	[tilespmem:s20], [sflag:$0x1] =	stream.linear.gather [spmem:s21], $0x80, $0x38;
	[tilespmem:$0x8A80] =	vst v63  }
0x45: {  	s22 =	sadd.s32 $0x3C00, s19;
	s29 =	sadd.s32 $0x400, s21  }
0x46: {  	[tilespmem:s22], [sflag:$0x1] =	stream.linear.gather [spmem:s29], $0x80, $0x38;
	[tilespmem:$0x8A80] =	vst v63  }
0x47: {  	s31 =	sadd.s32 $0x4000, s19;
	s30 =	sadd.s32 $0x800, s21  }
0x48: {  	[tilespmem:s31], [sflag:$0x1] =	stream.linear.gather [spmem:s30], $0x80, $0x38;
	[tilespmem:$0x8A80] =	vst v63  }
0x49: {  	s24 =	sadd.s32 $0x4400, s19;
	s23 =	sadd.s32 $0xC00, s21  }
0x4a: {  	[tilespmem:s24], [sflag:$0x1] =	stream.linear.gather [spmem:s23], $0x80, $0x38;
	[tilespmem:$0x8A80] =	vst v63  }
0x4b: {  	s26 =	sadd.s32 $0x4800, s19;
	s25 =	sadd.s32 $0x1000, s21  }
0x4c: {  	[tilespmem:s26], [sflag:$0x1] =	stream.linear.gather [spmem:s25], $0x80, $0x38;
	[tilespmem:$0x8A80] =	vst v63  }
0x4d: {  	_ =	swait.ge [sflag:s16], $0x280  }
0x4e: {  	[sflag:s16] =	ssyncset.done $0x0  }
0x4f: {  	[sflag:s16] =	ssyncadd.s32 $0xFFFFFD80  }
0x50: {  	_ =	swait.ge [sflag:s16], $0x280  }
0x51: {  	[sflag:s16] =	ssyncset.done $0x0  }
0x52: {  	[sflag:s16] =	ssyncadd.s32 $0xFFFFFD80  }
0x53: {  	_ =	swait.ge [sflag:s16], $0x280  }
0x54: {  	[sflag:s16] =	ssyncset.done $0x0  }
0x55: {  	[sflag:s16] =	ssyncadd.s32 $0xFFFFFD80  }
0x56: {  	_ =	swait.ge [sflag:s16], $0x280  }
0x57: {  	[sflag:s16] =	ssyncset.done $0x0  }
0x58: {  	[sflag:s16] =	ssyncadd.s32 $0xFFFFFD80  }
0x59: {  	_ =	swait.ge [sflag:s16], $0x280  }
0x5a: {  	[sflag:s16] =	ssyncset.done $0x0  }
0x5b: {  	[sflag:s16] =	ssyncadd.s32 $0xFFFFFD80  }
0x5c: {  	_ =	swait.ge [sflag:s16], $0x280  }
0x5d: {  	[sflag:s16] =	ssyncset.done $0x0  }
0x5e: {  	[sflag:s16] =	ssyncadd.s32 $0xFFFFFD80  }
0x5f: {  	_ =	swait.ge [sflag:s16], $0x280  }
0x60: {  	[sflag:s16] =	ssyncset.done $0x0  }
0x61: {  	[sflag:s16] =	ssyncadd.s32 $0xFFFFFD80  }
0x62: {  	_ =	swait.ge [sflag:s16], $0x280  }
0x63: {  	[sflag:s16] =	ssyncset.done $0x0  }
0x64: {  	[sflag:s16] =	ssyncadd.s32 $0xFFFFFD80  }
0x65: {  	_ =	swait.ge [sflag:s16], $0x280  }
0x66: {  	[sflag:s16] =	ssyncset.done $0x0  }
0x67: {  	[sflag:s16] =	ssyncadd.s32 $0xFFFFFD80  }
0x68: {  	_ =	swait.ge [sflag:s16], $0x280  }
0x69: {  	[sflag:s16] =	ssyncset.done $0x0  }
0x6a: {  	[sflag:s16] =	ssyncadd.s32 $0xFFFFFD80  }
0x6b: {  	_ =	swait.ge [sflag:s16], $0x280  }
0x6c: {  	[sflag:s16] =	ssyncset.done $0x0  }
0x6d: {  	[sflag:s16] =	ssyncadd.s32 $0xFFFFFD80  }
0x6e: {  	_ =	swait.ge [sflag:s16], $0x280  }
0x6f: {  	[sflag:s16] =	ssyncset.done $0x0  }
0x70: {  	[sflag:s16] =	ssyncadd.s32 $0xFFFFFD80  }
0x71: {  	_ =	swait.ge [sflag:s16], $0x280  }
0x72: {  	[sflag:s16] =	ssyncset.done $0x0  }
0x73: {  	[sflag:s16] =	ssyncadd.s32 $0xFFFFFD80  }
0x74: {  	_ =	swait.ge [sflag:s16], $0x280  }
0x75: {  	[sflag:s16] =	ssyncset.done $0x0  }
0x76: {  	[sflag:s16] =	ssyncadd.s32 $0xFFFFFD80  }
0x77: {  	_ =	swait.ge [sflag:s16], $0x280  }
0x78: {  	[sflag:s16] =	ssyncset.done $0x0  }
0x79: {  	[sflag:s16] =	ssyncadd.s32 $0xFFFFFD80  }
0x7a: {  	s28 =	simm.s32 $0x0;
	_ =	swait.ge [sflag:s16], $0x280  }
0x7b: {  	s19 =	sand.u32 $0x1C00, s28;
	s29 =	sand.u32 $0x70, s28;
	[sflag:s16] =	ssyncset.done $0x0  }
0x7c: {  	s19 =	sor.u32 s29, s19;
	[sflag:s16] =	ssyncadd.s32 $0xFFFFFD80  }
0x7d: {  	v1 =	vld [tilespmem:s19+$0x3880]  }
0x7e: {  	v2 =	vld [tilespmem:s19+$0x3800];
	_ =	sdelay $0x1  }
0x7f: {  	v3 =	vld [tilespmem:s19+$0x3900];
	_ =	sdelay $0x1  }
0x80: {  	v4 =	vld [tilespmem:s19+$0x3980]  }
0x81: {  	v1 =	vadd.f32 v1, v2  }
0x82: {  	v2 =	vld [tilespmem:s19+$0x3A00]  }
0x83: {  	v1 =	vadd.f32 v3, v1  }
0x84: {  	v3 =	vld [tilespmem:s19+$0x3A80]  }
0x85: {  	v1 =	vadd.f32 v4, v1  }
0x86: {  	v60 =	vld [tilespmem:s19+$0x3B00]  }
0x87: {  	v1 =	vadd.f32 v2, v1  }
0x88: {  	v2 =	vld [tilespmem:s19+$0x3B80]  }
0x89: {  	v1 =	vadd.f32 v3, v1  }
0x8a: {  	v3 =	vld [tilespmem:s19+$0x4C00]  }
0x8b: {  	v1 =	vadd.f32 v60, v1  }
0x8c: {  	v61 =	vld [tilespmem:s19+$0x4C80]  }
0x8d: {  	v1 =	vadd.f32 v2, v1  }
0x8e: {  	v2 =	vld [tilespmem:s19+$0x4D00]  }
0x8f: {  	v1 =	vadd.f32 v3, v1  }
0x90: {  	v3 =	vld [tilespmem:s19+$0x4D80]  }
0x91: {  	v1 =	vadd.f32 v61, v1  }
0x92: {  	v62 =	vld [tilespmem:s19+$0x4E00]  }
0x93: {  	v1 =	vadd.f32 v2, v1  }
0x94: {  	v2 =	vld [tilespmem:s19+$0x4E80]  }
0x95: {  	v1 =	vadd.f32 v3, v1  }
0x96: {  	v3 =	vld [tilespmem:s19+$0x4F00]  }
0x97: {  	v1 =	vadd.f32 v62, v1  }
0x98: {  	v63 =	vld [tilespmem:s19+$0x4F80]  }
0x99: {  	v1 =	vadd.f32 v2, v1;
	_ =	sdelay $0x1  }
0x9a: {  	v1 =	vadd.f32 v3, v1;
	_ =	sdelay $0x1  }
0x9b: {  	s21 =	simm.s32 $0x80;
	s30 =	simm.s32 $0x10;
	v1 =	vadd.f32 v63, v1  }
0x9c: {  	s31 =	sand.u32 $0x1C00, s21;
	s20 =	sand.u32 $0x70, s30;
	s19 =	simm.s32 $0x6000  }
0x9d: {  	s22 =	simm.s32 $0x20;
	s20 =	sor.u32 s20, s31;
	[tilespmem:s19+$0x0] =	vst v1  }
.LBB2_10:
0x9e: {  	p0 =	sne.s32 s22, $0x270;
	v1 =	vld [tilespmem:s20+$0x3880]  }
0x9f: {  	v2 =	vld [tilespmem:s20+$0x3800];
	_ =	sdelay $0x1  }
0xa0: {  	v3 =	vld [tilespmem:s20+$0x3900];
	_ =	sdelay $0x1  }
0xa1: {  	v4 =	vld [tilespmem:s20+$0x3980]  }
0xa2: {  	v1 =	vadd.f32 v1, v2  }
0xa3: {  	v2 =	vld [tilespmem:s20+$0x3A00]  }
0xa4: {  	v1 =	vadd.f32 v3, v1  }
0xa5: {  	v3 =	vld [tilespmem:s20+$0x3A80]  }
0xa6: {  	v1 =	vadd.f32 v4, v1  }
0xa7: {  	v4 =	vld [tilespmem:s20+$0x3B00]  }
0xa8: {  	v1 =	vadd.f32 v2, v1  }
0xa9: {  	v2 =	vld [tilespmem:s20+$0x3B80]  }
0xaa: {  	v1 =	vadd.f32 v3, v1  }
0xab: {  	v3 =	vld [tilespmem:s20+$0x4C00]  }
0xac: {  	v1 =	vadd.f32 v4, v1  }
0xad: {  	v4 =	vld [tilespmem:s20+$0x4C80]  }
0xae: {  	v1 =	vadd.f32 v2, v1  }
0xaf: {  	v2 =	vld [tilespmem:s20+$0x4D00]  }
0xb0: {  	v1 =	vadd.f32 v3, v1  }
0xb1: {  	v3 =	vld [tilespmem:s20+$0x4D80]  }
0xb2: {  	v1 =	vadd.f32 v4, v1  }
0xb3: {  	v4 =	vld [tilespmem:s20+$0x4E00]  }
0xb4: {  	v1 =	vadd.f32 v2, v1  }
0xb5: {  	v2 =	vld [tilespmem:s20+$0x4E80]  }
0xb6: {  	v1 =	vadd.f32 v3, v1  }
0xb7: {  	v3 =	vld [tilespmem:s20+$0x4F00]  }
0xb8: {  	v1 =	vadd.f32 v4, v1  }
0xb9: {  	v4 =	vld [tilespmem:s20+$0x4F80]  }
0xba: {  	v1 =	vadd.f32 v2, v1;
	_ =	sdelay $0x1  }
.Ltmp4:
0xbb: {  	v1 =	vadd.f32 v3, v1;
	(pc) =	sbr.rel @p0 .LBB2_10-.Ltmp4, $4  }
0xbc: {  	_ = 	snop  }
0xbd: {  	s21 =	sadd.s32 $0x80, s21;
	v1 =	vadd.f32 v4, v1  }
0xbe: {  	s19 =	sadd.s32 $0x10, s19;
	s23 =	sand.u32 $0x1C00, s21;
	s20 =	sand.u32 $0x70, s22  }
0xbf: {  	s22 =	sadd.s32 $0x10, s22;
	s20 =	sor.u32 s20, s23;
	[tilespmem:s19+$0x0] =	vst v1  }
0xc0: {  	v1 =	vld [tilespmem:s20+$0x3880]  }
0xc1: {  	v2 =	vld [tilespmem:s20+$0x3800];
	_ =	sdelay $0x1  }
0xc2: {  	v3 =	vld [tilespmem:s20+$0x3900];
	_ =	sdelay $0x1  }
0xc3: {  	v4 =	vld [tilespmem:s20+$0x3980]  }
0xc4: {  	v1 =	vadd.f32 v1, v2  }
0xc5: {  	v2 =	vld [tilespmem:s20+$0x3A00]  }
0xc6: {  	v1 =	vadd.f32 v3, v1  }
0xc7: {  	v3 =	vld [tilespmem:s20+$0x3A80]  }
0xc8: {  	v1 =	vadd.f32 v4, v1  }
0xc9: {  	v60 =	vld [tilespmem:s20+$0x3B00]  }
0xca: {  	v1 =	vadd.f32 v2, v1  }
0xcb: {  	v2 =	vld [tilespmem:s20+$0x3B80]  }
0xcc: {  	v1 =	vadd.f32 v3, v1  }
0xcd: {  	v3 =	vld [tilespmem:s20+$0x4C00]  }
0xce: {  	v1 =	vadd.f32 v60, v1  }
0xcf: {  	v61 =	vld [tilespmem:s20+$0x4C80]  }
0xd0: {  	v1 =	vadd.f32 v2, v1  }
0xd1: {  	v2 =	vld [tilespmem:s20+$0x4D00]  }
0xd2: {  	v1 =	vadd.f32 v3, v1  }
0xd3: {  	v3 =	vld [tilespmem:s20+$0x4D80]  }
0xd4: {  	v1 =	vadd.f32 v61, v1  }
0xd5: {  	v62 =	vld [tilespmem:s20+$0x4E00]  }
0xd6: {  	v1 =	vadd.f32 v2, v1  }
0xd7: {  	v2 =	vld [tilespmem:s20+$0x4E80]  }
0xd8: {  	v1 =	vadd.f32 v3, v1  }
0xd9: {  	v3 =	vld [tilespmem:s20+$0x4F00]  }
0xda: {  	v1 =	vadd.f32 v62, v1  }
0xdb: {  	v63 =	vld [tilespmem:s20+$0x4F80]  }
0xdc: {  	v1 =	vadd.f32 v2, v1;
	_ =	sdelay $0x1  }
0xdd: {  	v1 =	vadd.f32 v3, v1;
	_ =	sdelay $0x1  }
0xde: {  	s18 =	sadd.s32 $0x1, s18;
	v1 =	vadd.f32 v63, v1  }
0xdf: {  	s19 =	sadd.s32 $0x10, s19;
	p0 =	sne.s32 s18, s9  }
.Ltmp5:
0xe0: {  	[tilespmem:s19+$0x0] =	vst v1;
	(pc) =	sbr.rel @p0 .LBB2_1-.Ltmp5, $4  }
0xe1: {  	[hbm4b:s10+s5] =	stream.linear.scatter [tilespmem:s17], [sflag:$0x2], $0x280, $0x38;
	[tilespmem:$0x8A80] =	vst v63  }
0xe2: {  	_ =	swait.ge [sflag:s11], $0x280  }
0xe3: {  	[sflag:s11] =	ssyncset.done $0x0  }
0xe4: {  	[sflag:s11] =	ssyncadd.s32 $0xFFFFFD80  }
0xe5: {  	_ =	sfence.sel $0x180000  }
0xe6: {  	[bflag:$0x0] =	sbarrier.arrive $0xFFFF  }
0xe7: {  	p0 =	sne.s32 s3, $0x0;
	_ =	strace $0x90000047  }
0xe8: {  	s0 =	sadd.s32 @!p0 $0x100000, s0;
	[bflag:$0x2] =	sbarrier.arrive $0xFFFF  }
0xe9: {  	[sflag:s0] =	ssyncadd.tile.s32 @!p0 $0x1;
	_ =	shalt  }
.Lfunc_end2:
_tile_overlayer_lowered:
.L_overlay_start_2:
0xea: {  	(tag) =	ssettag $0x2  }
0xeb: {  	s0 =	rddreg [dreg:$0x0];
	s2 =	stileid.u32  }
0xec: {  	s1 =	rddreg [dreg:$0x1];
	p0 =	sne.s32 s2, $0x0  }
0xed: {  	s3 =	rddreg [dreg:$0x2];
	[bflag:$0x3] =	sbarrier.arrive $0xFFFF;
	s2 =	simm.s32 @!p0 $0x1C02  }
0xee: {  	[timem:s3], [sflag:s2] =	dma.local @!p0 [hbm:s0], s1  }
0xef: {  	s0 =	simm.s32 @!p0 $0x2  }
0xf0: {  	_ =	swait.ge @!p0 [sflag:s0], s1  }
0xf1: {  	s1 =	ssub.s32 @!p0 $0x0, s1;
	[sflag:s0] =	ssyncset.done @!p0 $0x0  }
0xf2: {  	[sflag:s0] =	ssyncadd.s32 @!p0 s1  }
0xf3: {  	[bflag:$0x3] =	sbarrier.arrive $0xFFFF  }
0xf4: {  	_ =	shalt  }

</sc_bundles>
